<compile_context>
chip_gen: v7x
topology: tpu7x:2x2x1
jax: 0.10.2.dev20260603
libtpu: 0.0.44.dev20260713+nightly
codegen_flags: <defaults>
</compile_context>

<pallas_src>
import functools

import jax
import jax.numpy as jnp
from jax import lax
from jax.experimental import pallas as pl
from jax.experimental.pallas import tpu as pltpu
from jax.experimental.pallas import tpu_sc as plsc

_K = 20
_NC = 2
_NS = 16
_NW = _NC * _NS


def _knn_topk(h):
    B, N, din = h.shape
    R = min(N, 512)
    nR = N // R

    def body(hb_ref, ha_ref, idx_ref):
        hb = hb_ref[0]
        ha = ha_ref[0]
        d2b = jnp.sum(hb * hb, axis=1, keepdims=True)
        d2a = jnp.sum(ha * ha, axis=1)[None, :]
        G = lax.dot_general(hb, ha, (((1,), (1,)), ((), ())),
                            preferred_element_type=jnp.float32)
        D = d2b + d2a - 2.0 * G
        iota = lax.broadcasted_iota(jnp.int32, (R, N), 1)
        kiota = lax.broadcasted_iota(jnp.int32, (R, _K), 1)
        inf = jnp.float32(jnp.inf)

        def step(t, carry):
            D, idxa = carry
            m = jnp.min(D, axis=1, keepdims=True)
            cand = jnp.where(D <= m, iota, N)
            idx = jnp.min(cand, axis=1, keepdims=True)
            D = jnp.where(iota == idx, inf, D)
            idxa = idxa + idx * (kiota == t).astype(jnp.int32)
            return D, idxa

        _, idxa = lax.fori_loop(0, _K, step,
                                (D, jnp.zeros((R, _K), jnp.int32)))
        idx_ref[0] = idxa + pl.program_id(0) * N

    blk = lambda shp, im: pl.BlockSpec(shp, im)
    return pl.pallas_call(
        body,
        grid=(B, nR),
        in_specs=[
            blk((1, R, din), lambda b, r: (b, r, 0)),
            blk((1, N, din), lambda b, r: (b, 0, 0)),
        ],
        out_specs=blk((1, R, _K), lambda b, r: (b, r, 0)),
        out_shape=jax.ShapeDtypeStruct((B, N, _K), jnp.int32),
    )(h, h)


def _gather_rows(tab, idxf):
    T, dpad = tab.shape
    TR = idxf.shape[0]
    rpw = TR // _NW
    GL = 80
    Q = 2 if dpad > 256 else 4
    ngroups = rpw // (GL * Q)
    mesh = plsc.VectorSubcoreMesh(core_axis_name="c", subcore_axis_name="s",
                                  num_cores=_NC, num_subcores=_NS)

    @functools.partial(
        pl.kernel,
        out_type=jax.ShapeDtypeStruct((TR, dpad), jnp.float32),
        mesh=mesh,
        scratch_types=[
            pltpu.VMEM((rpw,), jnp.int32),
            pltpu.VMEM((Q * GL, dpad), jnp.float32),
            pltpu.SemaphoreType.DMA,
        ],
    )
    def sck(tab_hbm, idx_hbm, out_hbm, idx_v, rows_v, sem):
        wid = lax.axis_index("s") * _NC + lax.axis_index("c")
        base = wid * rpw
        pltpu.sync_copy(idx_hbm.at[pl.ds(base, rpw)], idx_v)

        def group(gi, carry):
            cps = []
            for q in range(Q):
                cps.append(pltpu.async_copy(
                    tab_hbm.at[idx_v.at[pl.ds((gi * Q + q) * GL, GL)]],
                    rows_v.at[pl.ds(q * GL, GL)],
                    sem))
            for cp in cps:
                cp.wait()
            for q in range(Q):
                pltpu.sync_copy(
                    rows_v.at[pl.ds(q * GL, GL)],
                    out_hbm.at[pl.ds(base + (gi * Q + q) * GL, GL)])
            return carry

        lax.fori_loop(0, ngroups, group, 0)

    return sck(tab, idxf)


def _edge_e(h, xjg, Wt, bt, Wp, bp):
    B, N, din = h.shape
    dout = Wt.shape[0]
    R = 128 if N >= 128 else N
    nR = N // R
    wt_t = jnp.transpose(Wt)
    wp_t = jnp.transpose(Wp)
    bt2 = bt.reshape(1, dout)
    bp2 = bp.reshape(1, dout)
    dpad = xjg.shape[1]

    def body(hb_ref, xj_ref, wt_ref, wp_ref, bt_ref, bp_ref, e_ref):
        hb = hb_ref[0]
        xj = xj_ref[...][:, :din]
        hi = jnp.broadcast_to(hb[:, None, :], (R, _K, din))
        hi = hi.reshape(R * _K, din)
        diff = hi - xj
        e = jnp.dot(diff, wt_ref[...], preferred_element_type=jnp.float32)
        e = e + bt_ref[...]
        e = e + jnp.dot(xj, wp_ref[...], preferred_element_type=jnp.float32)
        e = e + bp_ref[...]
        e_ref[...] = e

    blk = lambda shp, im: pl.BlockSpec(shp, im)
    return pl.pallas_call(
        body,
        grid=(B, nR),
        in_specs=[
            blk((1, R, din), lambda b, r: (b, r, 0)),
            blk((R * _K, dpad), lambda b, r: (b * nR + r, 0)),
            blk((din, dout), lambda b, r: (0, 0)),
            blk((din, dout), lambda b, r: (0, 0)),
            blk((1, dout), lambda b, r: (0, 0)),
            blk((1, dout), lambda b, r: (0, 0)),
        ],
        out_specs=blk((R * _K, dout), lambda b, r: (b * nR + r, 0)),
        out_shape=jax.ShapeDtypeStruct((B * N * _K, dout), jnp.float32),
    )(h, xjg, wt_t, wp_t, bt2, bp2)


def _head(h, fc_W, fc_b):
    B, N, d = h.shape
    w_t = jnp.transpose(fc_W)
    b2 = fc_b.reshape(1, -1)

    def body(h_ref, w_ref, b_ref, o_ref):
        for b in range(B):
            z = jnp.dot(h_ref[b], w_ref[...],
                        preferred_element_type=jnp.float32) + b_ref[...]
            o_ref[b] = 1.0 / (1.0 + jnp.exp(-z))

    blk = lambda shp, im: pl.BlockSpec(shp, im)
    return pl.pallas_call(
        body,
        grid=(1,),
        in_specs=[
            blk((B, N, d), lambda i: (0, 0, 0)),
            blk((d, fc_W.shape[0]), lambda i: (0, 0)),
            blk((1, fc_W.shape[0]), lambda i: (0, 0)),
        ],
        out_specs=blk((B, N, fc_W.shape[0]), lambda i: (0, 0, 0)),
        out_shape=jax.ShapeDtypeStruct((B, N, fc_W.shape[0]), jnp.float32),
    )(h, w_t, b2)


def _pad128(h2d):
    T, d = h2d.shape
    dpad = max(128, d)
    if dpad == d:
        return h2d
    return jnp.pad(h2d, ((0, 0), (0, dpad - d)))


def kernel(x, indices, params, fc_W, fc_b):
    blocks = [2, 3, 3]
    h = x
    li = 0
    B = x.shape[0]
    for bi, nl in enumerate(blocks):
        for j in range(nl):
            Wt, bt, Wp, bp, gamma, beta = params[li]
            N = h.shape[1]
            din = h.shape[2]
            dout = Wt.shape[0]
            idxg = _knn_topk(h)
            hp = _pad128(h.reshape(B * N, din))
            xjg = _gather_rows(hp, idxg.reshape(B * N * _K))
            xj = xjg[:, :din].reshape(B, N, _K, din)
            e4 = h[:, :, None, :] - xj
            e4 = e4 @ Wt.T + bt + xj @ Wp.T + bp
            mu = jnp.mean(e4, axis=(0, 1, 2))
            var = jnp.var(e4, axis=(0, 1, 2))
            e4 = (e4 - mu) / jnp.sqrt(var + 1e-5) * gamma + beta
            h = jax.nn.leaky_relu(jnp.max(e4, axis=2), negative_slope=0.2)
            li += 1
        h = jax.vmap(lambda hb, ib: hb[ib])(h, indices[bi])
    return _head(h, fc_W, fc_b)

# --- scband reference (transcript-rebuilt; emitter-appended) ---
"""Pipeline reference for scband-edge-det-47871705481620 (READ-ONLY COPY).

The authoritative reference and input builder live on the scoring server;
editing this copy changes nothing except your own understanding.
"""

import jax, jax.numpy as jnp
import numpy as np

DIMS = [(3, 32), (32, 64), (64, 128), (128, 128), (128, 256), (256, 512), (512, 512), (512, 1024)]
BLOCKS = [2, 3, 3]
KNN = [20, 20, 20]


def _init_linear(key, out_d, in_d):
    k1, k2 = jax.random.split(key)
    bound = 1.0 / np.sqrt(in_d)
    W = jax.random.uniform(k1, (out_d, in_d), minval=-bound, maxval=bound, dtype=jnp.float32)
    b = jax.random.uniform(k2, (out_d,), minval=-bound, maxval=bound, dtype=jnp.float32)
    return W, b


def setup_inputs(seed: int = 0) -> dict:
    key = jax.random.key(seed)
    ks = jax.random.split(key, 32)
    x = jax.random.normal(ks[0], (4, 2048, 3), dtype=jnp.float32)
    indices = jax.random.randint(ks[1], (3, 4, 512), 0, 512, dtype=jnp.int32)
    params = []
    ki = 2
    for (din, dout) in DIMS:
        Wt, bt = _init_linear(ks[ki], dout, din); ki += 1
        Wp, bp = _init_linear(ks[ki], dout, din); ki += 1
        gamma = jnp.ones((dout,), jnp.float32)
        beta = jnp.zeros((dout,), jnp.float32)
        params.append((Wt, bt, Wp, bp, gamma, beta))
    fc_W, fc_b = _init_linear(ks[ki], 2, 1024)
    return {"x": x, "indices": indices, "params": params, "fc_W": fc_W, "fc_b": fc_b}


def _knn_idx(h, k):
    # h: [B, N, d]; per-batch kNN graph (self included, like dgl.knn_graph)
    d2 = jnp.sum(h * h, axis=-1)
    dist = d2[:, :, None] + d2[:, None, :] - 2.0 * jnp.einsum('bnd,bmd->bnm', h, h)
    _, idx = jax.lax.top_k(-dist, k)
    return idx  # [B, N, k]


def _edge_conv(h, idx, Wt, bt, Wp, bp, gamma, beta):
    # DGL EdgeConv with batch_norm=True: e = BN(theta(x_i - x_j) + phi(x_j)); h_i = max_j e
    xj = jax.vmap(lambda hb, ib: hb[ib])(h, idx)  # [B, N, k, d] gather
    diff = h[:, :, None, :] - xj
    e = diff @ Wt.T + bt + xj @ Wp.T + bp  # [B, N, k, out]
    mu = jnp.mean(e, axis=(0, 1, 2))
    var = jnp.var(e, axis=(0, 1, 2))
    e = (e - mu) / jnp.sqrt(var + 1e-5) * gamma + beta
    h_new = jnp.max(e, axis=2)  # max aggregation over neighbors
    return jax.nn.leaky_relu(h_new, negative_slope=0.2)


def reference(x, indices, params, fc_W, fc_b):
    h = x
    li = 0
    for bi, nlayers in enumerate(BLOCKS):
        for _ in range(nlayers):
            idx = _knn_idx(h, KNN[bi])
            h = _edge_conv(h, idx, *params[li])
            li += 1
        # gather_points: downsample via index gather per batch
        h = jax.vmap(lambda hb, ib: hb[ib])(h, indices[bi])
    out = h @ fc_W.T + fc_b  # 1x1 conv1d == linear over channels
    out = out.reshape(out.shape[0], out.shape[1], 2)
    return jax.nn.sigmoid(out)

if __name__ == "__main__":
    import jax
    _d = setup_inputs()
    print(jax.jit(kernel)(*tuple(_d.values())))

</pallas_src>

<mosaic_0001>
#map = affine_map<(d0, d1) -> (0, 0)>
#map1 = affine_map<(d0, d1) -> (0)>
module attributes {stable_mosaic.version = 14 : i64} {
  func.func @sck(%arg0: i32, %arg1: i32, %arg2: memref<2048x128xf32, #tpu.memory_space<hbm>>, %arg3: memref<40960xi32, #tpu.memory_space<hbm>>, %arg4: memref<40960x128xf32, #tpu.memory_space<hbm>>, %arg5: memref<1280xi32, #tpu.memory_space<vmem>>, %arg6: memref<320x128xf32, #tpu.memory_space<vmem>>, %arg7: memref<!tpu.dma_semaphore, #tpu.memory_space<semaphore_mem>>) attributes {dimension_semantics = [#tpu.dimension_semantics<core_parallel>, #tpu.dimension_semantics<subcore_parallel>], iteration_bounds = array<i64: 2, 16>, scalar_prefetch = 0 : i64, scratch_operands = 3 : i64, tpu.core_type = #tpu.core_type<sc_vector_subcore>, window_params = [{transform_indices = #map}, {transform_indices = #map1}, {transform_indices = #map}]} {
    %mul3A = arith.constant 2 : i32
    %mul3A_0 = arith.muli %arg1, %mul3A : i32
    %add3A = arith.addi %mul3A_0, %arg0 : i32
    %mul3A_1 = arith.constant 1280 : i32
    %mul3A_2 = arith.muli %add3A, %mul3A_1 : i32
    "tpu.region"() ({
      %run_scoped3A = tpu.sem_alloc : memref<!tpu.dma_semaphore, #tpu.memory_space<semaphore_mem>>
      %dma_start3A = tpu.memref_slice %arg3[%mul3A_2] : memref<40960xi32, #tpu.memory_space<hbm>> -> memref<1280xi32, #tpu.memory_space<hbm>>
      %dma_start3A_8 = tpu.memref_slice %arg3[%mul3A_2] : memref<40960xi32, #tpu.memory_space<hbm>> -> memref<1280xi32, #tpu.memory_space<hbm>>
      tpu.enqueue_dma source(%dma_start3A_8 : memref<1280xi32, #tpu.memory_space<hbm>>) target(%arg5 : memref<1280xi32, #tpu.memory_space<vmem>>) target_semaphore(%run_scoped3A : memref<!tpu.dma_semaphore, #tpu.memory_space<semaphore_mem>>)
      %dma_wait3A = tpu.memref_slice %arg3[%mul3A_2] : memref<40960xi32, #tpu.memory_space<hbm>> -> memref<1280xi32, #tpu.memory_space<hbm>>
      %dma_wait3A_9 = tpu.memref_slice %arg3[%mul3A_2] : memref<40960xi32, #tpu.memory_space<hbm>> -> memref<1280xi32, #tpu.memory_space<hbm>>
      tpu.wait_dma2 semaphore(%run_scoped3A : memref<!tpu.dma_semaphore, #tpu.memory_space<semaphore_mem>>) src(%dma_wait3A_9 : memref<1280xi32, #tpu.memory_space<hbm>>) dst(%arg5 : memref<1280xi32, #tpu.memory_space<vmem>>)
      tpu.yield
    }) : () -> ()
    %scan3A = arith.constant 0 : i32
    %scan3A_3 = arith.constant 0 : i32
    %scan3A_4 = arith.constant 4 : i32
    %scan3A_5 = arith.addi %scan3A_3, %scan3A_4 : i32
    %scan3A_6 = arith.constant 1 : i32
    scf.for %scan3A_8 = %scan3A_3 to %scan3A_5 step %scan3A_6  : i32 {
      %mul3A_9 = arith.constant 4 : i32
      %mul3A_10 = arith.muli %scan3A_8, %mul3A_9 : i32
      %add3A_11 = arith.constant 0 : i32
      %add3A_12 = arith.addi %mul3A_10, %add3A_11 : i32
      %mul3A_13 = arith.constant 80 : i32
      %mul3A_14 = arith.muli %add3A_12, %mul3A_13 : i32
      %dma_start3A = arith.constant 0 : i32
      %dma_start3A_15 = arith.constant 0 : i32
      %dma_start3A_16 = tpu.memref_slice %arg6[%dma_start3A, %dma_start3A_15] : memref<320x128xf32, #tpu.memory_space<vmem>> -> memref<80x128xf32, #tpu.memory_space<vmem>>
      %dma_start3A_17 = tpu.memref_slice %arg5[%mul3A_14] : memref<1280xi32, #tpu.memory_space<vmem>> -> memref<80xi32, #tpu.memory_space<vmem>>
      %dma_start3A_18 = arith.constant 0 : i32
      %dma_start3A_19 = arith.constant 0 : i32
      %dma_start3A_20 = tpu.memref_slice %arg2[%dma_start3A_18, %dma_start3A_19] : memref<2048x128xf32, #tpu.memory_space<hbm>> -> memref<2048x128xf32, #tpu.memory_space<hbm>>
      tpu.enqueue_indirect_dma source(%dma_start3A_20 : memref<2048x128xf32, #tpu.memory_space<hbm>>) target(%dma_start3A_16 : memref<80x128xf32, #tpu.memory_space<vmem>>) offsets(%dma_start3A_17 : memref<80xi32, #tpu.memory_space<vmem>>) semaphore(%arg7 : memref<!tpu.dma_semaphore, #tpu.memory_space<semaphore_mem>>)
      %mul3A_21 = arith.constant 4 : i32
      %mul3A_22 = arith.muli %scan3A_8, %mul3A_21 : i32
      %add3A_23 = arith.constant 1 : i32
      %add3A_24 = arith.addi %mul3A_22, %add3A_23 : i32
      %mul3A_25 = arith.constant 80 : i32
      %mul3A_26 = arith.muli %add3A_24, %mul3A_25 : i32
      %dma_start3A_27 = arith.constant 80 : i32
      %dma_start3A_28 = arith.constant 0 : i32
      %dma_start3A_29 = tpu.memref_slice %arg6[%dma_start3A_27, %dma_start3A_28] : memref<320x128xf32, #tpu.memory_space<vmem>> -> memref<80x128xf32, #tpu.memory_space<vmem>>
      %dma_start3A_30 = tpu.memref_slice %arg5[%mul3A_26] : memref<1280xi32, #tpu.memory_space<vmem>> -> memref<80xi32, #tpu.memory_space<vmem>>
      %dma_start3A_31 = arith.constant 0 : i32
      %dma_start3A_32 = arith.constant 0 : i32
      %dma_start3A_33 = tpu.memref_slice %arg2[%dma_start3A_31, %dma_start3A_32] : memref<2048x128xf32, #tpu.memory_space<hbm>> -> memref<2048x128xf32, #tpu.memory_space<hbm>>
      tpu.enqueue_indirect_dma source(%dma_start3A_33 : memref<2048x128xf32, #tpu.memory_space<hbm>>) target(%dma_start3A_29 : memref<80x128xf32, #tpu.memory_space<vmem>>) offsets(%dma_start3A_30 : memref<80xi32, #tpu.memory_space<vmem>>) semaphore(%arg7 : memref<!tpu.dma_semaphore, #tpu.memory_space<semaphore_mem>>)
      %mul3A_34 = arith.constant 4 : i32
      %mul3A_35 = arith.muli %scan3A_8, %mul3A_34 : i32
      %add3A_36 = arith.constant 2 : i32
      %add3A_37 = arith.addi %mul3A_35, %add3A_36 : i32
      %mul3A_38 = arith.constant 80 : i32
      %mul3A_39 = arith.muli %add3A_37, %mul3A_38 : i32
      %dma_start3A_40 = arith.constant 160 : i32
      %dma_start3A_41 = arith.constant 0 : i32
      %dma_start3A_42 = tpu.memref_slice %arg6[%dma_start3A_40, %dma_start3A_41] : memref<320x128xf32, #tpu.memory_space<vmem>> -> memref<80x128xf32, #tpu.memory_space<vmem>>
      %dma_start3A_43 = tpu.memref_slice %arg5[%mul3A_39] : memref<1280xi32, #tpu.memory_space<vmem>> -> memref<80xi32, #tpu.memory_space<vmem>>
      %dma_start3A_44 = arith.constant 0 : i32
      %dma_start3A_45 = arith.constant 0 : i32
      %dma_start3A_46 = tpu.memref_slice %arg2[%dma_start3A_44, %dma_start3A_45] : memref<2048x128xf32, #tpu.memory_space<hbm>> -> memref<2048x128xf32, #tpu.memory_space<hbm>>
      tpu.enqueue_indirect_dma source(%dma_start3A_46 : memref<2048x128xf32, #tpu.memory_space<hbm>>) target(%dma_start3A_42 : memref<80x128xf32, #tpu.memory_space<vmem>>) offsets(%dma_start3A_43 : memref<80xi32, #tpu.memory_space<vmem>>) semaphore(%arg7 : memref<!tpu.dma_semaphore, #tpu.memory_space<semaphore_mem>>)
      %mul3A_47 = arith.constant 4 : i32
      %mul3A_48 = arith.muli %scan3A_8, %mul3A_47 : i32
      %add3A_49 = arith.constant 3 : i32
      %add3A_50 = arith.addi %mul3A_48, %add3A_49 : i32
      %mul3A_51 = arith.constant 80 : i32
      %mul3A_52 = arith.muli %add3A_50, %mul3A_51 : i32
      %dma_start3A_53 = arith.constant 240 : i32
      %dma_start3A_54 = arith.constant 0 : i32
      %dma_start3A_55 = tpu.memref_slice %arg6[%dma_start3A_53, %dma_start3A_54] : memref<320x128xf32, #tpu.memory_space<vmem>> -> memref<80x128xf32, #tpu.memory_space<vmem>>
      %dma_start3A_56 = tpu.memref_slice %arg5[%mul3A_52] : memref<1280xi32, #tpu.memory_space<vmem>> -> memref<80xi32, #tpu.memory_space<vmem>>
      %dma_start3A_57 = arith.constant 0 : i32
      %dma_start3A_58 = arith.constant 0 : i32
      %dma_start3A_59 = tpu.memref_slice %arg2[%dma_start3A_57, %dma_start3A_58] : memref<2048x128xf32, #tpu.memory_space<hbm>> -> memref<2048x128xf32, #tpu.memory_space<hbm>>
      tpu.enqueue_indirect_dma source(%dma_start3A_59 : memref<2048x128xf32, #tpu.memory_space<hbm>>) target(%dma_start3A_55 : memref<80x128xf32, #tpu.memory_space<vmem>>) offsets(%dma_start3A_56 : memref<80xi32, #tpu.memory_space<vmem>>) semaphore(%arg7 : memref<!tpu.dma_semaphore, #tpu.memory_space<semaphore_mem>>)
      %dma_wait3A = arith.constant 0 : i32
      %dma_wait3A_60 = arith.constant 0 : i32
      %dma_wait3A_61 = tpu.memref_slice %arg6[%dma_wait3A, %dma_wait3A_60] : memref<320x128xf32, #tpu.memory_space<vmem>> -> memref<80x128xf32, #tpu.memory_space<vmem>>
      %dma_wait3A_62 = tpu.memref_slice %arg5[%mul3A_14] : memref<1280xi32, #tpu.memory_space<vmem>> -> memref<80xi32, #tpu.memory_space<vmem>>
      %dma_wait3A_63 = arith.constant 0 : i32
      %dma_wait3A_64 = arith.constant 0 : i32
      %dma_wait3A_65 = tpu.memref_slice %arg2[%dma_wait3A_63, %dma_wait3A_64] : memref<2048x128xf32, #tpu.memory_space<hbm>> -> memref<2048x128xf32, #tpu.memory_space<hbm>>
      tpu.wait_indirect_dma semaphore(%arg7 : memref<!tpu.dma_semaphore, #tpu.memory_space<semaphore_mem>>) src(%dma_wait3A_65 : memref<2048x128xf32, #tpu.memory_space<hbm>>) dst(%dma_wait3A_61 : memref<80x128xf32, #tpu.memory_space<vmem>>)
      %dma_wait3A_66 = arith.constant 80 : i32
      %dma_wait3A_67 = arith.constant 0 : i32
      %dma_wait3A_68 = tpu.memref_slice %arg6[%dma_wait3A_66, %dma_wait3A_67] : memref<320x128xf32, #tpu.memory_space<vmem>> -> memref<80x128xf32, #tpu.memory_space<vmem>>
      %dma_wait3A_69 = tpu.memref_slice %arg5[%mul3A_26] : memref<1280xi32, #tpu.memory_space<vmem>> -> memref<80xi32, #tpu.memory_space<vmem>>
      %dma_wait3A_70 = arith.constant 0 : i32
      %dma_wait3A_71 = arith.constant 0 : i32
      %dma_wait3A_72 = tpu.memref_slice %arg2[%dma_wait3A_70, %dma_wait3A_71] : memref<2048x128xf32, #tpu.memory_space<hbm>> -> memref<2048x128xf32, #tpu.memory_space<hbm>>
      tpu.wait_indirect_dma semaphore(%arg7 : memref<!tpu.dma_semaphore, #tpu.memory_space<semaphore_mem>>) src(%dma_wait3A_72 : memref<2048x128xf32, #tpu.memory_space<hbm>>) dst(%dma_wait3A_68 : memref<80x128xf32, #tpu.memory_space<vmem>>)
      %dma_wait3A_73 = arith.constant 160 : i32
      %dma_wait3A_74 = arith.constant 0 : i32
      %dma_wait3A_75 = tpu.memref_slice %arg6[%dma_wait3A_73, %dma_wait3A_74] : memref<320x128xf32, #tpu.memory_space<vmem>> -> memref<80x128xf32, #tpu.memory_space<vmem>>
      %dma_wait3A_76 = tpu.memref_slice %arg5[%mul3A_39] : memref<1280xi32, #tpu.memory_space<vmem>> -> memref<80xi32, #tpu.memory_space<vmem>>
      %dma_wait3A_77 = arith.constant 0 : i32
      %dma_wait3A_78 = arith.constant 0 : i32
      %dma_wait3A_79 = tpu.memref_slice %arg2[%dma_wait3A_77, %dma_wait3A_78] : memref<2048x128xf32, #tpu.memory_space<hbm>> -> memref<2048x128xf32, #tpu.memory_space<hbm>>
      tpu.wait_indirect_dma semaphore(%arg7 : memref<!tpu.dma_semaphore, #tpu.memory_space<semaphore_mem>>) src(%dma_wait3A_79 : memref<2048x128xf32, #tpu.memory_space<hbm>>) dst(%dma_wait3A_75 : memref<80x128xf32, #tpu.memory_space<vmem>>)
      %dma_wait3A_80 = arith.constant 240 : i32
      %dma_wait3A_81 = arith.constant 0 : i32
      %dma_wait3A_82 = tpu.memref_slice %arg6[%dma_wait3A_80, %dma_wait3A_81] : memref<320x128xf32, #tpu.memory_space<vmem>> -> memref<80x128xf32, #tpu.memory_space<vmem>>
      %dma_wait3A_83 = tpu.memref_slice %arg5[%mul3A_52] : memref<1280xi32, #tpu.memory_space<vmem>> -> memref<80xi32, #tpu.memory_space<vmem>>
      %dma_wait3A_84 = arith.constant 0 : i32
      %dma_wait3A_85 = arith.constant 0 : i32
      %dma_wait3A_86 = tpu.memref_slice %arg2[%dma_wait3A_84, %dma_wait3A_85] : memref<2048x128xf32, #tpu.memory_space<hbm>> -> memref<2048x128xf32, #tpu.memory_space<hbm>>
      tpu.wait_indirect_dma semaphore(%arg7 : memref<!tpu.dma_semaphore, #tpu.memory_space<semaphore_mem>>) src(%dma_wait3A_86 : memref<2048x128xf32, #tpu.memory_space<hbm>>) dst(%dma_wait3A_82 : memref<80x128xf32, #tpu.memory_space<vmem>>)
      %mul3A_87 = arith.constant 4 : i32
      %mul3A_88 = arith.muli %scan3A_8, %mul3A_87 : i32
      %add3A_89 = arith.constant 0 : i32
      %add3A_90 = arith.addi %mul3A_88, %add3A_89 : i32
      %mul3A_91 = arith.constant 80 : i32
      %mul3A_92 = arith.muli %add3A_90, %mul3A_91 : i32
      %add3A_93 = arith.addi %mul3A_2, %mul3A_92 : i32
      "tpu.region"() ({
        %run_scoped3A = tpu.sem_alloc : memref<!tpu.dma_semaphore, #tpu.memory_space<semaphore_mem>>
        %dma_start3A_115 = arith.constant 0 : i32
        %dma_start3A_116 = arith.constant 0 : i32
        %dma_start3A_117 = tpu.memref_slice %arg6[%dma_start3A_115, %dma_start3A_116] : memref<320x128xf32, #tpu.memory_space<vmem>> -> memref<80x128xf32, #tpu.memory_space<vmem>>
        %dma_start3A_118 = arith.constant 0 : i32
        %dma_start3A_119 = tpu.memref_slice %arg4[%add3A_93, %dma_start3A_118] : memref<40960x128xf32, #tpu.memory_space<hbm>> -> memref<80x128xf32, #tpu.memory_space<hbm>>
        %dma_start3A_120 = arith.constant 0 : i32
        %dma_start3A_121 = tpu.memref_slice %arg4[%add3A_93, %dma_start3A_120] : memref<40960x128xf32, #tpu.memory_space<hbm>> -> memref<80x128xf32, #tpu.memory_space<hbm>>
        %dma_start3A_122 = arith.constant 0 : i32
        %dma_start3A_123 = arith.constant 0 : i32
        %dma_start3A_124 = tpu.memref_slice %arg6[%dma_start3A_122, %dma_start3A_123] : memref<320x128xf32, #tpu.memory_space<vmem>> -> memref<80x128xf32, #tpu.memory_space<vmem>>
        tpu.enqueue_dma source(%dma_start3A_124 : memref<80x128xf32, #tpu.memory_space<vmem>>) target(%dma_start3A_121 : memref<80x128xf32, #tpu.memory_space<hbm>>) target_semaphore(%run_scoped3A : memref<!tpu.dma_semaphore, #tpu.memory_space<semaphore_mem>>)
        %dma_wait3A_125 = arith.constant 0 : i32
        %dma_wait3A_126 = arith.constant 0 : i32
        %dma_wait3A_127 = tpu.memref_slice %arg6[%dma_wait3A_125, %dma_wait3A_126] : memref<320x128xf32, #tpu.memory_space<vmem>> -> memref<80x128xf32, #tpu.memory_space<vmem>>
        %dma_wait3A_128 = arith.constant 0 : i32
        %dma_wait3A_129 = tpu.memref_slice %arg4[%add3A_93, %dma_wait3A_128] : memref<40960x128xf32, #tpu.memory_space<hbm>> -> memref<80x128xf32, #tpu.memory_space<hbm>>
        %dma_wait3A_130 = arith.constant 0 : i32
        %dma_wait3A_131 = tpu.memref_slice %arg4[%add3A_93, %dma_wait3A_130] : memref<40960x128xf32, #tpu.memory_space<hbm>> -> memref<80x128xf32, #tpu.memory_space<hbm>>
        %dma_wait3A_132 = arith.constant 0 : i32
        %dma_wait3A_133 = arith.constant 0 : i32
        %dma_wait3A_134 = tpu.memref_slice %arg6[%dma_wait3A_132, %dma_wait3A_133] : memref<320x128xf32, #tpu.memory_space<vmem>> -> memref<80x128xf32, #tpu.memory_space<vmem>>
        tpu.wait_dma2 semaphore(%run_scoped3A : memref<!tpu.dma_semaphore, #tpu.memory_space<semaphore_mem>>) src(%dma_wait3A_134 : memref<80x128xf32, #tpu.memory_space<vmem>>) dst(%dma_wait3A_131 : memref<80x128xf32, #tpu.memory_space<hbm>>)
        tpu.yield
      }) : () -> ()
      %mul3A_94 = arith.constant 4 : i32
      %mul3A_95 = arith.muli %scan3A_8, %mul3A_94 : i32
      %add3A_96 = arith.constant 1 : i32
      %add3A_97 = arith.addi %mul3A_95, %add3A_96 : i32
      %mul3A_98 = arith.constant 80 : i32
      %mul3A_99 = arith.muli %add3A_97, %mul3A_98 : i32
      %add3A_100 = arith.addi %mul3A_2, %mul3A_99 : i32
      "tpu.region"() ({
        %run_scoped3A = tpu.sem_alloc : memref<!tpu.dma_semaphore, #tpu.memory_space<semaphore_mem>>
        %dma_start3A_115 = arith.constant 80 : i32
        %dma_start3A_116 = arith.constant 0 : i32
        %dma_start3A_117 = tpu.memref_slice %arg6[%dma_start3A_115, %dma_start3A_116] : memref<320x128xf32, #tpu.memory_space<vmem>> -> memref<80x128xf32, #tpu.memory_space<vmem>>
        %dma_start3A_118 = arith.constant 0 : i32
        %dma_start3A_119 = tpu.memref_slice %arg4[%add3A_100, %dma_start3A_118] : memref<40960x128xf32, #tpu.memory_space<hbm>> -> memref<80x128xf32, #tpu.memory_space<hbm>>
        %dma_start3A_120 = arith.constant 0 : i32
        %dma_start3A_121 = tpu.memref_slice %arg4[%add3A_100, %dma_start3A_120] : memref<40960x128xf32, #tpu.memory_space<hbm>> -> memref<80x128xf32, #tpu.memory_space<hbm>>
        %dma_start3A_122 = arith.constant 80 : i32
        %dma_start3A_123 = arith.constant 0 : i32
        %dma_start3A_124 = tpu.memref_slice %arg6[%dma_start3A_122, %dma_start3A_123] : memref<320x128xf32, #tpu.memory_space<vmem>> -> memref<80x128xf32, #tpu.memory_space<vmem>>
        tpu.enqueue_dma source(%dma_start3A_124 : memref<80x128xf32, #tpu.memory_space<vmem>>) target(%dma_start3A_121 : memref<80x128xf32, #tpu.memory_space<hbm>>) target_semaphore(%run_scoped3A : memref<!tpu.dma_semaphore, #tpu.memory_space<semaphore_mem>>)
        %dma_wait3A_125 = arith.constant 80 : i32
        %dma_wait3A_126 = arith.constant 0 : i32
        %dma_wait3A_127 = tpu.memref_slice %arg6[%dma_wait3A_125, %dma_wait3A_126] : memref<320x128xf32, #tpu.memory_space<vmem>> -> memref<80x128xf32, #tpu.memory_space<vmem>>
        %dma_wait3A_128 = arith.constant 0 : i32
        %dma_wait3A_129 = tpu.memref_slice %arg4[%add3A_100, %dma_wait3A_128] : memref<40960x128xf32, #tpu.memory_space<hbm>> -> memref<80x128xf32, #tpu.memory_space<hbm>>
        %dma_wait3A_130 = arith.constant 0 : i32
        %dma_wait3A_131 = tpu.memref_slice %arg4[%add3A_100, %dma_wait3A_130] : memref<40960x128xf32, #tpu.memory_space<hbm>> -> memref<80x128xf32, #tpu.memory_space<hbm>>
        %dma_wait3A_132 = arith.constant 80 : i32
        %dma_wait3A_133 = arith.constant 0 : i32
        %dma_wait3A_134 = tpu.memref_slice %arg6[%dma_wait3A_132, %dma_wait3A_133] : memref<320x128xf32, #tpu.memory_space<vmem>> -> memref<80x128xf32, #tpu.memory_space<vmem>>
        tpu.wait_dma2 semaphore(%run_scoped3A : memref<!tpu.dma_semaphore, #tpu.memory_space<semaphore_mem>>) src(%dma_wait3A_134 : memref<80x128xf32, #tpu.memory_space<vmem>>) dst(%dma_wait3A_131 : memref<80x128xf32, #tpu.memory_space<hbm>>)
        tpu.yield
      }) : () -> ()
      %mul3A_101 = arith.constant 4 : i32
      %mul3A_102 = arith.muli %scan3A_8, %mul3A_101 : i32
      %add3A_103 = arith.constant 2 : i32
      %add3A_104 = arith.addi %mul3A_102, %add3A_103 : i32
      %mul3A_105 = arith.constant 80 : i32
      %mul3A_106 = arith.muli %add3A_104, %mul3A_105 : i32
      %add3A_107 = arith.addi %mul3A_2, %mul3A_106 : i32
      "tpu.region"() ({
        %run_scoped3A = tpu.sem_alloc : memref<!tpu.dma_semaphore, #tpu.memory_space<semaphore_mem>>
        %dma_start3A_115 = arith.constant 160 : i32
        %dma_start3A_116 = arith.constant 0 : i32
        %dma_start3A_117 = tpu.memref_slice %arg6[%dma_start3A_115, %dma_start3A_116] : memref<320x128xf32, #tpu.memory_space<vmem>> -> memref<80x128xf32, #tpu.memory_space<vmem>>
        %dma_start3A_118 = arith.constant 0 : i32
        %dma_start3A_119 = tpu.memref_slice %arg4[%add3A_107, %dma_start3A_118] : memref<40960x128xf32, #tpu.memory_space<hbm>> -> memref<80x128xf32, #tpu.memory_space<hbm>>
        %dma_start3A_120 = arith.constant 0 : i32
        %dma_start3A_121 = tpu.memref_slice %arg4[%add3A_107, %dma_start3A_120] : memref<40960x128xf32, #tpu.memory_space<hbm>> -> memref<80x128xf32, #tpu.memory_space<hbm>>
        %dma_start3A_122 = arith.constant 160 : i32
        %dma_start3A_123 = arith.constant 0 : i32
        %dma_start3A_124 = tpu.memref_slice %arg6[%dma_start3A_122, %dma_start3A_123] : memref<320x128xf32, #tpu.memory_space<vmem>> -> memref<80x128xf32, #tpu.memory_space<vmem>>
        tpu.enqueue_dma source(%dma_start3A_124 : memref<80x128xf32, #tpu.memory_space<vmem>>) target(%dma_start3A_121 : memref<80x128xf32, #tpu.memory_space<hbm>>) target_semaphore(%run_scoped3A : memref<!tpu.dma_semaphore, #tpu.memory_space<semaphore_mem>>)
        %dma_wait3A_125 = arith.constant 160 : i32
        %dma_wait3A_126 = arith.constant 0 : i32
        %dma_wait3A_127 = tpu.memref_slice %arg6[%dma_wait3A_125, %dma_wait3A_126] : memref<320x128xf32, #tpu.memory_space<vmem>> -> memref<80x128xf32, #tpu.memory_space<vmem>>
        %dma_wait3A_128 = arith.constant 0 : i32
        %dma_wait3A_129 = tpu.memref_slice %arg4[%add3A_107, %dma_wait3A_128] : memref<40960x128xf32, #tpu.memory_space<hbm>> -> memref<80x128xf32, #tpu.memory_space<hbm>>
        %dma_wait3A_130 = arith.constant 0 : i32
        %dma_wait3A_131 = tpu.memref_slice %arg4[%add3A_107, %dma_wait3A_130] : memref<40960x128xf32, #tpu.memory_space<hbm>> -> memref<80x128xf32, #tpu.memory_space<hbm>>
        %dma_wait3A_132 = arith.constant 160 : i32
        %dma_wait3A_133 = arith.constant 0 : i32
        %dma_wait3A_134 = tpu.memref_slice %arg6[%dma_wait3A_132, %dma_wait3A_133] : memref<320x128xf32, #tpu.memory_space<vmem>> -> memref<80x128xf32, #tpu.memory_space<vmem>>
        tpu.wait_dma2 semaphore(%run_scoped3A : memref<!tpu.dma_semaphore, #tpu.memory_space<semaphore_mem>>) src(%dma_wait3A_134 : memref<80x128xf32, #tpu.memory_space<vmem>>) dst(%dma_wait3A_131 : memref<80x128xf32, #tpu.memory_space<hbm>>)
        tpu.yield
      }) : () -> ()
      %mul3A_108 = arith.constant 4 : i32
      %mul3A_109 = arith.muli %scan3A_8, %mul3A_108 : i32
      %add3A_110 = arith.constant 3 : i32
      %add3A_111 = arith.addi %mul3A_109, %add3A_110 : i32
      %mul3A_112 = arith.constant 80 : i32
      %mul3A_113 = arith.muli %add3A_111, %mul3A_112 : i32
      %add3A_114 = arith.addi %mul3A_2, %mul3A_113 : i32
      "tpu.region"() ({
        %run_scoped3A = tpu.sem_alloc : memref<!tpu.dma_semaphore, #tpu.memory_space<semaphore_mem>>
        %dma_start3A_115 = arith.constant 240 : i32
        %dma_start3A_116 = arith.constant 0 : i32
        %dma_start3A_117 = tpu.memref_slice %arg6[%dma_start3A_115, %dma_start3A_116] : memref<320x128xf32, #tpu.memory_space<vmem>> -> memref<80x128xf32, #tpu.memory_space<vmem>>
        %dma_start3A_118 = arith.constant 0 : i32
        %dma_start3A_119 = tpu.memref_slice %arg4[%add3A_114, %dma_start3A_118] : memref<40960x128xf32, #tpu.memory_space<hbm>> -> memref<80x128xf32, #tpu.memory_space<hbm>>
        %dma_start3A_120 = arith.constant 0 : i32
        %dma_start3A_121 = tpu.memref_slice %arg4[%add3A_114, %dma_start3A_120] : memref<40960x128xf32, #tpu.memory_space<hbm>> -> memref<80x128xf32, #tpu.memory_space<hbm>>
        %dma_start3A_122 = arith.constant 240 : i32
        %dma_start3A_123 = arith.constant 0 : i32
        %dma_start3A_124 = tpu.memref_slice %arg6[%dma_start3A_122, %dma_start3A_123] : memref<320x128xf32, #tpu.memory_space<vmem>> -> memref<80x128xf32, #tpu.memory_space<vmem>>
        tpu.enqueue_dma source(%dma_start3A_124 : memref<80x128xf32, #tpu.memory_space<vmem>>) target(%dma_start3A_121 : memref<80x128xf32, #tpu.memory_space<hbm>>) target_semaphore(%run_scoped3A : memref<!tpu.dma_semaphore, #tpu.memory_space<semaphore_mem>>)
        %dma_wait3A_125 = arith.constant 240 : i32
        %dma_wait3A_126 = arith.constant 0 : i32
        %dma_wait3A_127 = tpu.memref_slice %arg6[%dma_wait3A_125, %dma_wait3A_126] : memref<320x128xf32, #tpu.memory_space<vmem>> -> memref<80x128xf32, #tpu.memory_space<vmem>>
        %dma_wait3A_128 = arith.constant 0 : i32
        %dma_wait3A_129 = tpu.memref_slice %arg4[%add3A_114, %dma_wait3A_128] : memref<40960x128xf32, #tpu.memory_space<hbm>> -> memref<80x128xf32, #tpu.memory_space<hbm>>
        %dma_wait3A_130 = arith.constant 0 : i32
        %dma_wait3A_131 = tpu.memref_slice %arg4[%add3A_114, %dma_wait3A_130] : memref<40960x128xf32, #tpu.memory_space<hbm>> -> memref<80x128xf32, #tpu.memory_space<hbm>>
        %dma_wait3A_132 = arith.constant 240 : i32
        %dma_wait3A_133 = arith.constant 0 : i32
        %dma_wait3A_134 = tpu.memref_slice %arg6[%dma_wait3A_132, %dma_wait3A_133] : memref<320x128xf32, #tpu.memory_space<vmem>> -> memref<80x128xf32, #tpu.memory_space<vmem>>
        tpu.wait_dma2 semaphore(%run_scoped3A : memref<!tpu.dma_semaphore, #tpu.memory_space<semaphore_mem>>) src(%dma_wait3A_134 : memref<80x128xf32, #tpu.memory_space<vmem>>) dst(%dma_wait3A_131 : memref<80x128xf32, #tpu.memory_space<hbm>>)
        tpu.yield
      }) : () -> ()
    }
    %scan3A_7 = arith.constant 4 : i32
    return
  }
}

#map = affine_map<(d0, d1) -> (0, 0)>
#map1 = affine_map<(d0, d1) -> (0)>
module attributes {stable_mosaic.version = 14 : i64} {
  func.func @sck(%arg0: i32, %arg1: i32, %arg2: memref<8192x128xf32, #tpu.memory_space<hbm>>, %arg3: memref<163840xi32, #tpu.memory_space<hbm>>, %arg4: memref<163840x128xf32, #tpu.memory_space<hbm>>, %arg5: memref<5120xi32, #tpu.memory_space<vmem>>, %arg6: memref<320x128xf32, #tpu.memory_space<vmem>>, %arg7: memref<!tpu.dma_semaphore, #tpu.memory_space<semaphore_mem>>) attributes {dimension_semantics = [#tpu.dimension_semantics<core_parallel>, #tpu.dimension_semantics<subcore_parallel>], iteration_bounds = array<i64: 2, 16>, scalar_prefetch = 0 : i64, scratch_operands = 3 : i64, tpu.core_type = #tpu.core_type<sc_vector_subcore>, window_params = [{transform_indices = #map}, {transform_indices = #map1}, {transform_indices = #map}]} {
    %mul3A = arith.constant 2 : i32
    %mul3A_0 = arith.muli %arg1, %mul3A : i32
    %add3A = arith.addi %mul3A_0, %arg0 : i32
    %mul3A_1 = arith.constant 5120 : i32
    %mul3A_2 = arith.muli %add3A, %mul3A_1 : i32
    "tpu.region"() ({
      %run_scoped3A = tpu.sem_alloc : memref<!tpu.dma_semaphore, #tpu.memory_space<semaphore_mem>>
      %dma_start3A = tpu.memref_slice %arg3[%mul3A_2] : memref<163840xi32, #tpu.memory_space<hbm>> -> memref<5120xi32, #tpu.memory_space<hbm>>
      %dma_start3A_8 = tpu.memref_slice %arg3[%mul3A_2] : memref<163840xi32, #tpu.memory_space<hbm>> -> memref<5120xi32, #tpu.memory_space<hbm>>
      tpu.enqueue_dma source(%dma_start3A_8 : memref<5120xi32, #tpu.memory_space<hbm>>) target(%arg5 : memref<5120xi32, #tpu.memory_space<vmem>>) target_semaphore(%run_scoped3A : memref<!tpu.dma_semaphore, #tpu.memory_space<semaphore_mem>>)
      %dma_wait3A = tpu.memref_slice %arg3[%mul3A_2] : memref<163840xi32, #tpu.memory_space<hbm>> -> memref<5120xi32, #tpu.memory_space<hbm>>
      %dma_wait3A_9 = tpu.memref_slice %arg3[%mul3A_2] : memref<163840xi32, #tpu.memory_space<hbm>> -> memref<5120xi32, #tpu.memory_space<hbm>>
      tpu.wait_dma2 semaphore(%run_scoped3A : memref<!tpu.dma_semaphore, #tpu.memory_space<semaphore_mem>>) src(%dma_wait3A_9 : memref<5120xi32, #tpu.memory_space<hbm>>) dst(%arg5 : memref<5120xi32, #tpu.memory_space<vmem>>)
      tpu.yield
    }) : () -> ()
    %scan3A = arith.constant 0 : i32
    %scan3A_3 = arith.constant 0 : i32
    %scan3A_4 = arith.constant 16 : i32
    %scan3A_5 = arith.addi %scan3A_3, %scan3A_4 : i32
    %scan3A_6 = arith.constant 1 : i32
    scf.for %scan3A_8 = %scan3A_3 to %scan3A_5 step %scan3A_6  : i32 {
      %mul3A_9 = arith.constant 4 : i32
      %mul3A_10 = arith.muli %scan3A_8, %mul3A_9 : i32
      %add3A_11 = arith.constant 0 : i32
      %add3A_12 = arith.addi %mul3A_10, %add3A_11 : i32
      %mul3A_13 = arith.constant 80 : i32
      %mul3A_14 = arith.muli %add3A_12, %mul3A_13 : i32
      %dma_start3A = arith.constant 0 : i32
      %dma_start3A_15 = arith.constant 0 : i32
      %dma_start3A_16 = tpu.memref_slice %arg6[%dma_start3A, %dma_start3A_15] : memref<320x128xf32, #tpu.memory_space<vmem>> -> memref<80x128xf32, #tpu.memory_space<vmem>>
      %dma_start3A_17 = tpu.memref_slice %arg5[%mul3A_14] : memref<5120xi32, #tpu.memory_space<vmem>> -> memref<80xi32, #tpu.memory_space<vmem>>
      %dma_start3A_18 = arith.constant 0 : i32
      %dma_start3A_19 = arith.constant 0 : i32
      %dma_start3A_20 = tpu.memref_slice %arg2[%dma_start3A_18, %dma_start3A_19] : memref<8192x128xf32, #tpu.memory_space<hbm>> -> memref<8192x128xf32, #tpu.memory_space<hbm>>
      tpu.enqueue_indirect_dma source(%dma_start3A_20 : memref<8192x128xf32, #tpu.memory_space<hbm>>) target(%dma_start3A_16 : memref<80x128xf32, #tpu.memory_space<vmem>>) offsets(%dma_start3A_17 : memref<80xi32, #tpu.memory_space<vmem>>) semaphore(%arg7 : memref<!tpu.dma_semaphore, #tpu.memory_space<semaphore_mem>>)
      %mul3A_21 = arith.constant 4 : i32
      %mul3A_22 = arith.muli %scan3A_8, %mul3A_21 : i32
      %add3A_23 = arith.constant 1 : i32
      %add3A_24 = arith.addi %mul3A_22, %add3A_23 : i32
      %mul3A_25 = arith.constant 80 : i32
      %mul3A_26 = arith.muli %add3A_24, %mul3A_25 : i32
      %dma_start3A_27 = arith.constant 80 : i32
      %dma_start3A_28 = arith.constant 0 : i32
      %dma_start3A_29 = tpu.memref_slice %arg6[%dma_start3A_27, %dma_start3A_28] : memref<320x128xf32, #tpu.memory_space<vmem>> -> memref<80x128xf32, #tpu.memory_space<vmem>>
      %dma_start3A_30 = tpu.memref_slice %arg5[%mul3A_26] : memref<5120xi32, #tpu.memory_space<vmem>> -> memref<80xi32, #tpu.memory_space<vmem>>
      %dma_start3A_31 = arith.constant 0 : i32
      %dma_start3A_32 = arith.constant 0 : i32
      %dma_start3A_33 = tpu.memref_slice %arg2[%dma_start3A_31, %dma_start3A_32] : memref<8192x128xf32, #tpu.memory_space<hbm>> -> memref<8192x128xf32, #tpu.memory_space<hbm>>
      tpu.enqueue_indirect_dma source(%dma_start3A_33 : memref<8192x128xf32, #tpu.memory_space<hbm>>) target(%dma_start3A_29 : memref<80x128xf32, #tpu.memory_space<vmem>>) offsets(%dma_start3A_30 : memref<80xi32, #tpu.memory_space<vmem>>) semaphore(%arg7 : memref<!tpu.dma_semaphore, #tpu.memory_space<semaphore_mem>>)
      %mul3A_34 = arith.constant 4 : i32
      %mul3A_35 = arith.muli %scan3A_8, %mul3A_34 : i32
      %add3A_36 = arith.constant 2 : i32
      %add3A_37 = arith.addi %mul3A_35, %add3A_36 : i32
      %mul3A_38 = arith.constant 80 : i32
      %mul3A_39 = arith.muli %add3A_37, %mul3A_38 : i32
      %dma_start3A_40 = arith.constant 160 : i32
      %dma_start3A_41 = arith.constant 0 : i32
      %dma_start3A_42 = tpu.memref_slice %arg6[%dma_start3A_40, %dma_start3A_41] : memref<320x128xf32, #tpu.memory_space<vmem>> -> memref<80x128xf32, #tpu.memory_space<vmem>>
      %dma_start3A_43 = tpu.memref_slice %arg5[%mul3A_39] : memref<5120xi32, #tpu.memory_space<vmem>> -> memref<80xi32, #tpu.memory_space<vmem>>
      %dma_start3A_44 = arith.constant 0 : i32
      %dma_start3A_45 = arith.constant 0 : i32
      %dma_start3A_46 = tpu.memref_slice %arg2[%dma_start3A_44, %dma_start3A_45] : memref<8192x128xf32, #tpu.memory_space<hbm>> -> memref<8192x128xf32, #tpu.memory_space<hbm>>
      tpu.enqueue_indirect_dma source(%dma_start3A_46 : memref<8192x128xf32, #tpu.memory_space<hbm>>) target(%dma_start3A_42 : memref<80x128xf32, #tpu.memory_space<vmem>>) offsets(%dma_start3A_43 : memref<80xi32, #tpu.memory_space<vmem>>) semaphore(%arg7 : memref<!tpu.dma_semaphore, #tpu.memory_space<semaphore_mem>>)
      %mul3A_47 = arith.constant 4 : i32
      %mul3A_48 = arith.muli %scan3A_8, %mul3A_47 : i32
      %add3A_49 = arith.constant 3 : i32
      %add3A_50 = arith.addi %mul3A_48, %add3A_49 : i32
      %mul3A_51 = arith.constant 80 : i32
      %mul3A_52 = arith.muli %add3A_50, %mul3A_51 : i32
      %dma_start3A_53 = arith.constant 240 : i32
      %dma_start3A_54 = arith.constant 0 : i32
      %dma_start3A_55 = tpu.memref_slice %arg6[%dma_start3A_53, %dma_start3A_54] : memref<320x128xf32, #tpu.memory_space<vmem>> -> memref<80x128xf32, #tpu.memory_space<vmem>>
      %dma_start3A_56 = tpu.memref_slice %arg5[%mul3A_52] : memref<5120xi32, #tpu.memory_space<vmem>> -> memref<80xi32, #tpu.memory_space<vmem>>
      %dma_start3A_57 = arith.constant 0 : i32
      %dma_start3A_58 = arith.constant 0 : i32
      %dma_start3A_59 = tpu.memref_slice %arg2[%dma_start3A_57, %dma_start3A_58] : memref<8192x128xf32, #tpu.memory_space<hbm>> -> memref<8192x128xf32, #tpu.memory_space<hbm>>
      tpu.enqueue_indirect_dma source(%dma_start3A_59 : memref<8192x128xf32, #tpu.memory_space<hbm>>) target(%dma_start3A_55 : memref<80x128xf32, #tpu.memory_space<vmem>>) offsets(%dma_start3A_56 : memref<80xi32, #tpu.memory_space<vmem>>) semaphore(%arg7 : memref<!tpu.dma_semaphore, #tpu.memory_space<semaphore_mem>>)
      %dma_wait3A = arith.constant 0 : i32
      %dma_wait3A_60 = arith.constant 0 : i32
      %dma_wait3A_61 = tpu.memref_slice %arg6[%dma_wait3A, %dma_wait3A_60] : memref<320x128xf32, #tpu.memory_space<vmem>> -> memref<80x128xf32, #tpu.memory_space<vmem>>
      %dma_wait3A_62 = tpu.memref_slice %arg5[%mul3A_14] : memref<5120xi32, #tpu.memory_space<vmem>> -> memref<80xi32, #tpu.memory_space<vmem>>
      %dma_wait3A_63 = arith.constant 0 : i32
      %dma_wait3A_64 = arith.constant 0 : i32
      %dma_wait3A_65 = tpu.memref_slice %arg2[%dma_wait3A_63, %dma_wait3A_64] : memref<8192x128xf32, #tpu.memory_space<hbm>> -> memref<8192x128xf32, #tpu.memory_space<hbm>>
      tpu.wait_indirect_dma semaphore(%arg7 : memref<!tpu.dma_semaphore, #tpu.memory_space<semaphore_mem>>) src(%dma_wait3A_65 : memref<8192x128xf32, #tpu.memory_space<hbm>>) dst(%dma_wait3A_61 : memref<80x128xf32, #tpu.memory_space<vmem>>)
      %dma_wait3A_66 = arith.constant 80 : i32
      %dma_wait3A_67 = arith.constant 0 : i32
      %dma_wait3A_68 = tpu.memref_slice %arg6[%dma_wait3A_66, %dma_wait3A_67] : memref<320x128xf32, #tpu.memory_space<vmem>> -> memref<80x128xf32, #tpu.memory_space<vmem>>
      %dma_wait3A_69 = tpu.memref_slice %arg5[%mul3A_26] : memref<5120xi32, #tpu.memory_space<vmem>> -> memref<80xi32, #tpu.memory_space<vmem>>
      %dma_wait3A_70 = arith.constant 0 : i32
      %dma_wait3A_71 = arith.constant 0 : i32
      %dma_wait3A_72 = tpu.memref_slice %arg2[%dma_wait3A_70, %dma_wait3A_71] : memref<8192x128xf32, #tpu.memory_space<hbm>> -> memref<8192x128xf32, #tpu.memory_space<hbm>>
      tpu.wait_indirect_dma semaphore(%arg7 : memref<!tpu.dma_semaphore, #tpu.memory_space<semaphore_mem>>) src(%dma_wait3A_72 : memref<8192x128xf32, #tpu.memory_space<hbm>>) dst(%dma_wait3A_68 : memref<80x128xf32, #tpu.memory_space<vmem>>)
      %dma_wait3A_73 = arith.constant 160 : i32
      %dma_wait3A_74 = arith.constant 0 : i32
      %dma_wait3A_75 = tpu.memref_slice %arg6[%dma_wait3A_73, %dma_wait3A_74] : memref<320x128xf32, #tpu.memory_space<vmem>> -> memref<80x128xf32, #tpu.memory_space<vmem>>
      %dma_wait3A_76 = tpu.memref_slice %arg5[%mul3A_39] : memref<5120xi32, #tpu.memory_space<vmem>> -> memref<80xi32, #tpu.memory_space<vmem>>
      %dma_wait3A_77 = arith.constant 0 : i32
      %dma_wait3A_78 = arith.constant 0 : i32
      %dma_wait3A_79 = tpu.memref_slice %arg2[%dma_wait3A_77, %dma_wait3A_78] : memref<8192x128xf32, #tpu.memory_space<hbm>> -> memref<8192x128xf32, #tpu.memory_space<hbm>>
      tpu.wait_indirect_dma semaphore(%arg7 : memref<!tpu.dma_semaphore, #tpu.memory_space<semaphore_mem>>) src(%dma_wait3A_79 : memref<8192x128xf32, #tpu.memory_space<hbm>>) dst(%dma_wait3A_75 : memref<80x128xf32, #tpu.memory_space<vmem>>)
      %dma_wait3A_80 = arith.constant 240 : i32
      %dma_wait3A_81 = arith.constant 0 : i32
      %dma_wait3A_82 = tpu.memref_slice %arg6[%dma_wait3A_80, %dma_wait3A_81] : memref<320x128xf32, #tpu.memory_space<vmem>> -> memref<80x128xf32, #tpu.memory_space<vmem>>
      %dma_wait3A_83 = tpu.memref_slice %arg5[%mul3A_52] : memref<5120xi32, #tpu.memory_space<vmem>> -> memref<80xi32, #tpu.memory_space<vmem>>
      %dma_wait3A_84 = arith.constant 0 : i32
      %dma_wait3A_85 = arith.constant 0 : i32
      %dma_wait3A_86 = tpu.memref_slice %arg2[%dma_wait3A_84, %dma_wait3A_85] : memref<8192x128xf32, #tpu.memory_space<hbm>> -> memref<8192x128xf32, #tpu.memory_space<hbm>>
      tpu.wait_indirect_dma semaphore(%arg7 : memref<!tpu.dma_semaphore, #tpu.memory_space<semaphore_mem>>) src(%dma_wait3A_86 : memref<8192x128xf32, #tpu.memory_space<hbm>>) dst(%dma_wait3A_82 : memref<80x128xf32, #tpu.memory_space<vmem>>)
      %mul3A_87 = arith.constant 4 : i32
      %mul3A_88 = arith.muli %scan3A_8, %mul3A_87 : i32
      %add3A_89 = arith.constant 0 : i32
      %add3A_90 = arith.addi %mul3A_88, %add3A_89 : i32
      %mul3A_91 = arith.constant 80 : i32
      %mul3A_92 = arith.muli %add3A_90, %mul3A_91 : i32
      %add3A_93 = arith.addi %mul3A_2, %mul3A_92 : i32
      "tpu.region"() ({
        %run_scoped3A = tpu.sem_alloc : memref<!tpu.dma_semaphore, #tpu.memory_space<semaphore_mem>>
        %dma_start3A_115 = arith.constant 0 : i32
        %dma_start3A_116 = arith.constant 0 : i32
        %dma_start3A_117 = tpu.memref_slice %arg6[%dma_start3A_115, %dma_start3A_116] : memref<320x128xf32, #tpu.memory_space<vmem>> -> memref<80x128xf32, #tpu.memory_space<vmem>>
        %dma_start3A_118 = arith.constant 0 : i32
        %dma_start3A_119 = tpu.memref_slice %arg4[%add3A_93, %dma_start3A_118] : memref<163840x128xf32, #tpu.memory_space<hbm>> -> memref<80x128xf32, #tpu.memory_space<hbm>>
        %dma_start3A_120 = arith.constant 0 : i32
        %dma_start3A_121 = tpu.memref_slice %arg4[%add3A_93, %dma_start3A_120] : memref<163840x128xf32, #tpu.memory_space<hbm>> -> memref<80x128xf32, #tpu.memory_space<hbm>>
        %dma_start3A_122 = arith.constant 0 : i32
        %dma_start3A_123 = arith.constant 0 : i32
        %dma_start3A_124 = tpu.memref_slice %arg6[%dma_start3A_122, %dma_start3A_123] : memref<320x128xf32, #tpu.memory_space<vmem>> -> memref<80x128xf32, #tpu.memory_space<vmem>>
        tpu.enqueue_dma source(%dma_start3A_124 : memref<80x128xf32, #tpu.memory_space<vmem>>) target(%dma_start3A_121 : memref<80x128xf32, #tpu.memory_space<hbm>>) target_semaphore(%run_scoped3A : memref<!tpu.dma_semaphore, #tpu.memory_space<semaphore_mem>>)
        %dma_wait3A_125 = arith.constant 0 : i32
        %dma_wait3A_126 = arith.constant 0 : i32
        %dma_wait3A_127 = tpu.memref_slice %arg6[%dma_wait3A_125, %dma_wait3A_126] : memref<320x128xf32, #tpu.memory_space<vmem>> -> memref<80x128xf32, #tpu.memory_space<vmem>>
        %dma_wait3A_128 = arith.constant 0 : i32
        %dma_wait3A_129 = tpu.memref_slice %arg4[%add3A_93, %dma_wait3A_128] : memref<163840x128xf32, #tpu.memory_space<hbm>> -> memref<80x128xf32, #tpu.memory_space<hbm>>
        %dma_wait3A_130 = arith.constant 0 : i32
        %dma_wait3A_131 = tpu.memref_slice %arg4[%add3A_93, %dma_wait3A_130] : memref<163840x128xf32, #tpu.memory_space<hbm>> -> memref<80x128xf32, #tpu.memory_space<hbm>>
        %dma_wait3A_132 = arith.constant 0 : i32
        %dma_wait3A_133 = arith.constant 0 : i32
        %dma_wait3A_134 = tpu.memref_slice %arg6[%dma_wait3A_132, %dma_wait3A_133] : memref<320x128xf32, #tpu.memory_space<vmem>> -> memref<80x128xf32, #tpu.memory_space<vmem>>
        tpu.wait_dma2 semaphore(%run_scoped3A : memref<!tpu.dma_semaphore, #tpu.memory_space<semaphore_mem>>) src(%dma_wait3A_134 : memref<80x128xf32, #tpu.memory_space<vmem>>) dst(%dma_wait3A_131 : memref<80x128xf32, #tpu.memory_space<hbm>>)
        tpu.yield
      }) : () -> ()
      %mul3A_94 = arith.constant 4 : i32
      %mul3A_95 = arith.muli %scan3A_8, %mul3A_94 : i32
      %add3A_96 = arith.constant 1 : i32
      %add3A_97 = arith.addi %mul3A_95, %add3A_96 : i32
      %mul3A_98 = arith.constant 80 : i32
      %mul3A_99 = arith.muli %add3A_97, %mul3A_98 : i32
      %add3A_100 = arith.addi %mul3A_2, %mul3A_99 : i32
      "tpu.region"() ({
        %run_scoped3A = tpu.sem_alloc : memref<!tpu.dma_semaphore, #tpu.memory_space<semaphore_mem>>
        %dma_start3A_115 = arith.constant 80 : i32
        %dma_start3A_116 = arith.constant 0 : i32
        %dma_start3A_117 = tpu.memref_slice %arg6[%dma_start3A_115, %dma_start3A_116] : memref<320x128xf32, #tpu.memory_space<vmem>> -> memref<80x128xf32, #tpu.memory_space<vmem>>
        %dma_start3A_118 = arith.constant 0 : i32
        %dma_start3A_119 = tpu.memref_slice %arg4[%add3A_100, %dma_start3A_118] : memref<163840x128xf32, #tpu.memory_space<hbm>> -> memref<80x128xf32, #tpu.memory_space<hbm>>
        %dma_start3A_120 = arith.constant 0 : i32
        %dma_start3A_121 = tpu.memref_slice %arg4[%add3A_100, %dma_start3A_120] : memref<163840x128xf32, #tpu.memory_space<hbm>> -> memref<80x128xf32, #tpu.memory_space<hbm>>
        %dma_start3A_122 = arith.constant 80 : i32
        %dma_start3A_123 = arith.constant 0 : i32
        %dma_start3A_124 = tpu.memref_slice %arg6[%dma_start3A_122, %dma_start3A_123] : memref<320x128xf32, #tpu.memory_space<vmem>> -> memref<80x128xf32, #tpu.memory_space<vmem>>
        tpu.enqueue_dma source(%dma_start3A_124 : memref<80x128xf32, #tpu.memory_space<vmem>>) target(%dma_start3A_121 : memref<80x128xf32, #tpu.memory_space<hbm>>) target_semaphore(%run_scoped3A : memref<!tpu.dma_semaphore, #tpu.memory_space<semaphore_mem>>)
        %dma_wait3A_125 = arith.constant 80 : i32
        %dma_wait3A_126 = arith.constant 0 : i32
        %dma_wait3A_127 = tpu.memref_slice %arg6[%dma_wait3A_125, %dma_wait3A_126] : memref<320x128xf32, #tpu.memory_space<vmem>> -> memref<80x128xf32, #tpu.memory_space<vmem>>
        %dma_wait3A_128 = arith.constant 0 : i32
        %dma_wait3A_129 = tpu.memref_slice %arg4[%add3A_100, %dma_wait3A_128] : memref<163840x128xf32, #tpu.memory_space<hbm>> -> memref<80x128xf32, #tpu.memory_space<hbm>>
        %dma_wait3A_130 = arith.constant 0 : i32
        %dma_wait3A_131 = tpu.memref_slice %arg4[%add3A_100, %dma_wait3A_130] : memref<163840x128xf32, #tpu.memory_space<hbm>> -> memref<80x128xf32, #tpu.memory_space<hbm>>
        %dma_wait3A_132 = arith.constant 80 : i32
        %dma_wait3A_133 = arith.constant 0 : i32
        %dma_wait3A_134 = tpu.memref_slice %arg6[%dma_wait3A_132, %dma_wait3A_133] : memref<320x128xf32, #tpu.memory_space<vmem>> -> memref<80x128xf32, #tpu.memory_space<vmem>>
        tpu.wait_dma2 semaphore(%run_scoped3A : memref<!tpu.dma_semaphore, #tpu.memory_space<semaphore_mem>>) src(%dma_wait3A_134 : memref<80x128xf32, #tpu.memory_space<vmem>>) dst(%dma_wait3A_131 : memref<80x128xf32, #tpu.memory_space<hbm>>)
        tpu.yield
      }) : () -> ()
      %mul3A_101 = arith.constant 4 : i32
      %mul3A_102 = arith.muli %scan3A_8, %mul3A_101 : i32
      %add3A_103 = arith.constant 2 : i32
      %add3A_104 = arith.addi %mul3A_102, %add3A_103 : i32
      %mul3A_105 = arith.constant 80 : i32
      %mul3A_106 = arith.muli %add3A_104, %mul3A_105 : i32
      %add3A_107 = arith.addi %mul3A_2, %mul3A_106 : i32
      "tpu.region"() ({
        %run_scoped3A = tpu.sem_alloc : memref<!tpu.dma_semaphore, #tpu.memory_space<semaphore_mem>>
        %dma_start3A_115 = arith.constant 160 : i32
        %dma_start3A_116 = arith.constant 0 : i32
        %dma_start3A_117 = tpu.memref_slice %arg6[%dma_start3A_115, %dma_start3A_116] : memref<320x128xf32, #tpu.memory_space<vmem>> -> memref<80x128xf32, #tpu.memory_space<vmem>>
        %dma_start3A_118 = arith.constant 0 : i32
        %dma_start3A_119 = tpu.memref_slice %arg4[%add3A_107, %dma_start3A_118] : memref<163840x128xf32, #tpu.memory_space<hbm>> -> memref<80x128xf32, #tpu.memory_space<hbm>>
        %dma_start3A_120 = arith.constant 0 : i32
        %dma_start3A_121 = tpu.memref_slice %arg4[%add3A_107, %dma_start3A_120] : memref<163840x128xf32, #tpu.memory_space<hbm>> -> memref<80x128xf32, #tpu.memory_space<hbm>>
        %dma_start3A_122 = arith.constant 160 : i32
        %dma_start3A_123 = arith.constant 0 : i32
        %dma_start3A_124 = tpu.memref_slice %arg6[%dma_start3A_122, %dma_start3A_123] : memref<320x128xf32, #tpu.memory_space<vmem>> -> memref<80x128xf32, #tpu.memory_space<vmem>>
        tpu.enqueue_dma source(%dma_start3A_124 : memref<80x128xf32, #tpu.memory_space<vmem>>) target(%dma_start3A_121 : memref<80x128xf32, #tpu.memory_space<hbm>>) target_semaphore(%run_scoped3A : memref<!tpu.dma_semaphore, #tpu.memory_space<semaphore_mem>>)
        %dma_wait3A_125 = arith.constant 160 : i32
        %dma_wait3A_126 = arith.constant 0 : i32
        %dma_wait3A_127 = tpu.memref_slice %arg6[%dma_wait3A_125, %dma_wait3A_126] : memref<320x128xf32, #tpu.memory_space<vmem>> -> memref<80x128xf32, #tpu.memory_space<vmem>>
        %dma_wait3A_128 = arith.constant 0 : i32
        %dma_wait3A_129 = tpu.memref_slice %arg4[%add3A_107, %dma_wait3A_128] : memref<163840x128xf32, #tpu.memory_space<hbm>> -> memref<80x128xf32, #tpu.memory_space<hbm>>
        %dma_wait3A_130 = arith.constant 0 : i32
        %dma_wait3A_131 = tpu.memref_slice %arg4[%add3A_107, %dma_wait3A_130] : memref<163840x128xf32, #tpu.memory_space<hbm>> -> memref<80x128xf32, #tpu.memory_space<hbm>>
        %dma_wait3A_132 = arith.constant 160 : i32
        %dma_wait3A_133 = arith.constant 0 : i32
        %dma_wait3A_134 = tpu.memref_slice %arg6[%dma_wait3A_132, %dma_wait3A_133] : memref<320x128xf32, #tpu.memory_space<vmem>> -> memref<80x128xf32, #tpu.memory_space<vmem>>
        tpu.wait_dma2 semaphore(%run_scoped3A : memref<!tpu.dma_semaphore, #tpu.memory_space<semaphore_mem>>) src(%dma_wait3A_134 : memref<80x128xf32, #tpu.memory_space<vmem>>) dst(%dma_wait3A_131 : memref<80x128xf32, #tpu.memory_space<hbm>>)
        tpu.yield
      }) : () -> ()
      %mul3A_108 = arith.constant 4 : i32
      %mul3A_109 = arith.muli %scan3A_8, %mul3A_108 : i32
      %add3A_110 = arith.constant 3 : i32
      %add3A_111 = arith.addi %mul3A_109, %add3A_110 : i32
      %mul3A_112 = arith.constant 80 : i32
      %mul3A_113 = arith.muli %add3A_111, %mul3A_112 : i32
      %add3A_114 = arith.addi %mul3A_2, %mul3A_113 : i32
      "tpu.region"() ({
        %run_scoped3A = tpu.sem_alloc : memref<!tpu.dma_semaphore, #tpu.memory_space<semaphore_mem>>
        %dma_start3A_115 = arith.constant 240 : i32
        %dma_start3A_116 = arith.constant 0 : i32
        %dma_start3A_117 = tpu.memref_slice %arg6[%dma_start3A_115, %dma_start3A_116] : memref<320x128xf32, #tpu.memory_space<vmem>> -> memref<80x128xf32, #tpu.memory_space<vmem>>
        %dma_start3A_118 = arith.constant 0 : i32
        %dma_start3A_119 = tpu.memref_slice %arg4[%add3A_114, %dma_start3A_118] : memref<163840x128xf32, #tpu.memory_space<hbm>> -> memref<80x128xf32, #tpu.memory_space<hbm>>
        %dma_start3A_120 = arith.constant 0 : i32
        %dma_start3A_121 = tpu.memref_slice %arg4[%add3A_114, %dma_start3A_120] : memref<163840x128xf32, #tpu.memory_space<hbm>> -> memref<80x128xf32, #tpu.memory_space<hbm>>
        %dma_start3A_122 = arith.constant 240 : i32
        %dma_start3A_123 = arith.constant 0 : i32
        %dma_start3A_124 = tpu.memref_slice %arg6[%dma_start3A_122, %dma_start3A_123] : memref<320x128xf32, #tpu.memory_space<vmem>> -> memref<80x128xf32, #tpu.memory_space<vmem>>
        tpu.enqueue_dma source(%dma_start3A_124 : memref<80x128xf32, #tpu.memory_space<vmem>>) target(%dma_start3A_121 : memref<80x128xf32, #tpu.memory_space<hbm>>) target_semaphore(%run_scoped3A : memref<!tpu.dma_semaphore, #tpu.memory_space<semaphore_mem>>)
        %dma_wait3A_125 = arith.constant 240 : i32
        %dma_wait3A_126 = arith.constant 0 : i32
        %dma_wait3A_127 = tpu.memref_slice %arg6[%dma_wait3A_125, %dma_wait3A_126] : memref<320x128xf32, #tpu.memory_space<vmem>> -> memref<80x128xf32, #tpu.memory_space<vmem>>
        %dma_wait3A_128 = arith.constant 0 : i32
        %dma_wait3A_129 = tpu.memref_slice %arg4[%add3A_114, %dma_wait3A_128] : memref<163840x128xf32, #tpu.memory_space<hbm>> -> memref<80x128xf32, #tpu.memory_space<hbm>>
        %dma_wait3A_130 = arith.constant 0 : i32
        %dma_wait3A_131 = tpu.memref_slice %arg4[%add3A_114, %dma_wait3A_130] : memref<163840x128xf32, #tpu.memory_space<hbm>> -> memref<80x128xf32, #tpu.memory_space<hbm>>
        %dma_wait3A_132 = arith.constant 240 : i32
        %dma_wait3A_133 = arith.constant 0 : i32
        %dma_wait3A_134 = tpu.memref_slice %arg6[%dma_wait3A_132, %dma_wait3A_133] : memref<320x128xf32, #tpu.memory_space<vmem>> -> memref<80x128xf32, #tpu.memory_space<vmem>>
        tpu.wait_dma2 semaphore(%run_scoped3A : memref<!tpu.dma_semaphore, #tpu.memory_space<semaphore_mem>>) src(%dma_wait3A_134 : memref<80x128xf32, #tpu.memory_space<vmem>>) dst(%dma_wait3A_131 : memref<80x128xf32, #tpu.memory_space<hbm>>)
        tpu.yield
      }) : () -> ()
    }
    %scan3A_7 = arith.constant 16 : i32
    return
  }
}

#map = affine_map<(d0, d1) -> (0, 0)>
#map1 = affine_map<(d0, d1) -> (0)>
module attributes {stable_mosaic.version = 14 : i64} {
  func.func @sck(%arg0: i32, %arg1: i32, %arg2: memref<8192x128xf32, #tpu.memory_space<hbm>>, %arg3: memref<163840xi32, #tpu.memory_space<hbm>>, %arg4: memref<163840x128xf32, #tpu.memory_space<hbm>>, %arg5: memref<5120xi32, #tpu.memory_space<vmem>>, %arg6: memref<320x128xf32, #tpu.memory_space<vmem>>, %arg7: memref<!tpu.dma_semaphore, #tpu.memory_space<semaphore_mem>>) attributes {dimension_semantics = [#tpu.dimension_semantics<core_parallel>, #tpu.dimension_semantics<subcore_parallel>], iteration_bounds = array<i64: 2, 16>, scalar_prefetch = 0 : i64, scratch_operands = 3 : i64, tpu.core_type = #tpu.core_type<sc_vector_subcore>, window_params = [{transform_indices = #map}, {transform_indices = #map1}, {transform_indices = #map}]} {
    %mul3A = arith.constant 2 : i32
    %mul3A_0 = arith.muli %arg1, %mul3A : i32
    %add3A = arith.addi %mul3A_0, %arg0 : i32
    %mul3A_1 = arith.constant 5120 : i32
    %mul3A_2 = arith.muli %add3A, %mul3A_1 : i32
    "tpu.region"() ({
      %run_scoped3A = tpu.sem_alloc : memref<!tpu.dma_semaphore, #tpu.memory_space<semaphore_mem>>
      %dma_start3A = tpu.memref_slice %arg3[%mul3A_2] : memref<163840xi32, #tpu.memory_space<hbm>> -> memref<5120xi32, #tpu.memory_space<hbm>>
      %dma_start3A_8 = tpu.memref_slice %arg3[%mul3A_2] : memref<163840xi32, #tpu.memory_space<hbm>> -> memref<5120xi32, #tpu.memory_space<hbm>>
      tpu.enqueue_dma source(%dma_start3A_8 : memref<5120xi32, #tpu.memory_space<hbm>>) target(%arg5 : memref<5120xi32, #tpu.memory_space<vmem>>) target_semaphore(%run_scoped3A : memref<!tpu.dma_semaphore, #tpu.memory_space<semaphore_mem>>)
      %dma_wait3A = tpu.memref_slice %arg3[%mul3A_2] : memref<163840xi32, #tpu.memory_space<hbm>> -> memref<5120xi32, #tpu.memory_space<hbm>>
      %dma_wait3A_9 = tpu.memref_slice %arg3[%mul3A_2] : memref<163840xi32, #tpu.memory_space<hbm>> -> memref<5120xi32, #tpu.memory_space<hbm>>
      tpu.wait_dma2 semaphore(%run_scoped3A : memref<!tpu.dma_semaphore, #tpu.memory_space<semaphore_mem>>) src(%dma_wait3A_9 : memref<5120xi32, #tpu.memory_space<hbm>>) dst(%arg5 : memref<5120xi32, #tpu.memory_space<vmem>>)
      tpu.yield
    }) : () -> ()
    %scan3A = arith.constant 0 : i32
    %scan3A_3 = arith.constant 0 : i32
    %scan3A_4 = arith.constant 16 : i32
    %scan3A_5 = arith.addi %scan3A_3, %scan3A_4 : i32
    %scan3A_6 = arith.constant 1 : i32
    scf.for %scan3A_8 = %scan3A_3 to %scan3A_5 step %scan3A_6  : i32 {
      %mul3A_9 = arith.constant 4 : i32
      %mul3A_10 = arith.muli %scan3A_8, %mul3A_9 : i32
      %add3A_11 = arith.constant 0 : i32
      %add3A_12 = arith.addi %mul3A_10, %add3A_11 : i32
      %mul3A_13 = arith.constant 80 : i32
      %mul3A_14 = arith.muli %add3A_12, %mul3A_13 : i32
      %dma_start3A = arith.constant 0 : i32
      %dma_start3A_15 = arith.constant 0 : i32
      %dma_start3A_16 = tpu.memref_slice %arg6[%dma_start3A, %dma_start3A_15] : memref<320x128xf32, #tpu.memory_space<vmem>> -> memref<80x128xf32, #tpu.memory_space<vmem>>
      %dma_start3A_17 = tpu.memref_slice %arg5[%mul3A_14] : memref<5120xi32, #tpu.memory_space<vmem>> -> memref<80xi32, #tpu.memory_space<vmem>>
      %dma_start3A_18 = arith.constant 0 : i32
      %dma_start3A_19 = arith.constant 0 : i32
      %dma_start3A_20 = tpu.memref_slice %arg2[%dma_start3A_18, %dma_start3A_19] : memref<8192x128xf32, #tpu.memory_space<hbm>> -> memref<8192x128xf32, #tpu.memory_space<hbm>>
      tpu.enqueue_indirect_dma source(%dma_start3A_20 : memref<8192x128xf32, #tpu.memory_space<hbm>>) target(%dma_start3A_16 : memref<80x128xf32, #tpu.memory_space<vmem>>) offsets(%dma_start3A_17 : memref<80xi32, #tpu.memory_space<vmem>>) semaphore(%arg7 : memref<!tpu.dma_semaphore, #tpu.memory_space<semaphore_mem>>)
      %mul3A_21 = arith.constant 4 : i32
      %mul3A_22 = arith.muli %scan3A_8, %mul3A_21 : i32
      %add3A_23 = arith.constant 1 : i32
      %add3A_24 = arith.addi %mul3A_22, %add3A_23 : i32
      %mul3A_25 = arith.constant 80 : i32
      %mul3A_26 = arith.muli %add3A_24, %mul3A_25 : i32
      %dma_start3A_27 = arith.constant 80 : i32
      %dma_start3A_28 = arith.constant 0 : i32
      %dma_start3A_29 = tpu.memref_slice %arg6[%dma_start3A_27, %dma_start3A_28] : memref<320x128xf32, #tpu.memory_space<vmem>> -> memref<80x128xf32, #tpu.memory_space<vmem>>
      %dma_start3A_30 = tpu.memref_slice %arg5[%mul3A_26] : memref<5120xi32, #tpu.memory_space<vmem>> -> memref<80xi32, #tpu.memory_space<vmem>>
      %dma_start3A_31 = arith.constant 0 : i32
      %dma_start3A_32 = arith.constant 0 : i32
      %dma_start3A_33 = tpu.memref_slice %arg2[%dma_start3A_31, %dma_start3A_32] : memref<8192x128xf32, #tpu.memory_space<hbm>> -> memref<8192x128xf32, #tpu.memory_space<hbm>>
      tpu.enqueue_indirect_dma source(%dma_start3A_33 : memref<8192x128xf32, #tpu.memory_space<hbm>>) target(%dma_start3A_29 : memref<80x128xf32, #tpu.memory_space<vmem>>) offsets(%dma_start3A_30 : memref<80xi32, #tpu.memory_space<vmem>>) semaphore(%arg7 : memref<!tpu.dma_semaphore, #tpu.memory_space<semaphore_mem>>)
      %mul3A_34 = arith.constant 4 : i32
      %mul3A_35 = arith.muli %scan3A_8, %mul3A_34 : i32
      %add3A_36 = arith.constant 2 : i32
      %add3A_37 = arith.addi %mul3A_35, %add3A_36 : i32
      %mul3A_38 = arith.constant 80 : i32
      %mul3A_39 = arith.muli %add3A_37, %mul3A_38 : i32
      %dma_start3A_40 = arith.constant 160 : i32
      %dma_start3A_41 = arith.constant 0 : i32
      %dma_start3A_42 = tpu.memref_slice %arg6[%dma_start3A_40, %dma_start3A_41] : memref<320x128xf32, #tpu.memory_space<vmem>> -> memref<80x128xf32, #tpu.memory_space<vmem>>
      %dma_start3A_43 = tpu.memref_slice %arg5[%mul3A_39] : memref<5120xi32, #tpu.memory_space<vmem>> -> memref<80xi32, #tpu.memory_space<vmem>>
      %dma_start3A_44 = arith.constant 0 : i32
      %dma_start3A_45 = arith.constant 0 : i32
      %dma_start3A_46 = tpu.memref_slice %arg2[%dma_start3A_44, %dma_start3A_45] : memref<8192x128xf32, #tpu.memory_space<hbm>> -> memref<8192x128xf32, #tpu.memory_space<hbm>>
      tpu.enqueue_indirect_dma source(%dma_start3A_46 : memref<8192x128xf32, #tpu.memory_space<hbm>>) target(%dma_start3A_42 : memref<80x128xf32, #tpu.memory_space<vmem>>) offsets(%dma_start3A_43 : memref<80xi32, #tpu.memory_space<vmem>>) semaphore(%arg7 : memref<!tpu.dma_semaphore, #tpu.memory_space<semaphore_mem>>)
      %mul3A_47 = arith.constant 4 : i32
      %mul3A_48 = arith.muli %scan3A_8, %mul3A_47 : i32
      %add3A_49 = arith.constant 3 : i32
      %add3A_50 = arith.addi %mul3A_48, %add3A_49 : i32
      %mul3A_51 = arith.constant 80 : i32
      %mul3A_52 = arith.muli %add3A_50, %mul3A_51 : i32
      %dma_start3A_53 = arith.constant 240 : i32
      %dma_start3A_54 = arith.constant 0 : i32
      %dma_start3A_55 = tpu.memref_slice %arg6[%dma_start3A_53, %dma_start3A_54] : memref<320x128xf32, #tpu.memory_space<vmem>> -> memref<80x128xf32, #tpu.memory_space<vmem>>
      %dma_start3A_56 = tpu.memref_slice %arg5[%mul3A_52] : memref<5120xi32, #tpu.memory_space<vmem>> -> memref<80xi32, #tpu.memory_space<vmem>>
      %dma_start3A_57 = arith.constant 0 : i32
      %dma_start3A_58 = arith.constant 0 : i32
      %dma_start3A_59 = tpu.memref_slice %arg2[%dma_start3A_57, %dma_start3A_58] : memref<8192x128xf32, #tpu.memory_space<hbm>> -> memref<8192x128xf32, #tpu.memory_space<hbm>>
      tpu.enqueue_indirect_dma source(%dma_start3A_59 : memref<8192x128xf32, #tpu.memory_space<hbm>>) target(%dma_start3A_55 : memref<80x128xf32, #tpu.memory_space<vmem>>) offsets(%dma_start3A_56 : memref<80xi32, #tpu.memory_space<vmem>>) semaphore(%arg7 : memref<!tpu.dma_semaphore, #tpu.memory_space<semaphore_mem>>)
      %dma_wait3A = arith.constant 0 : i32
      %dma_wait3A_60 = arith.constant 0 : i32
      %dma_wait3A_61 = tpu.memref_slice %arg6[%dma_wait3A, %dma_wait3A_60] : memref<320x128xf32, #tpu.memory_space<vmem>> -> memref<80x128xf32, #tpu.memory_space<vmem>>
      %dma_wait3A_62 = tpu.memref_slice %arg5[%mul3A_14] : memref<5120xi32, #tpu.memory_space<vmem>> -> memref<80xi32, #tpu.memory_space<vmem>>
      %dma_wait3A_63 = arith.constant 0 : i32
      %dma_wait3A_64 = arith.constant 0 : i32
      %dma_wait3A_65 = tpu.memref_slice %arg2[%dma_wait3A_63, %dma_wait3A_64] : memref<8192x128xf32, #tpu.memory_space<hbm>> -> memref<8192x128xf32, #tpu.memory_space<hbm>>
      tpu.wait_indirect_dma semaphore(%arg7 : memref<!tpu.dma_semaphore, #tpu.memory_space<semaphore_mem>>) src(%dma_wait3A_65 : memref<8192x128xf32, #tpu.memory_space<hbm>>) dst(%dma_wait3A_61 : memref<80x128xf32, #tpu.memory_space<vmem>>)
      %dma_wait3A_66 = arith.constant 80 : i32
      %dma_wait3A_67 = arith.constant 0 : i32
      %dma_wait3A_68 = tpu.memref_slice %arg6[%dma_wait3A_66, %dma_wait3A_67] : memref<320x128xf32, #tpu.memory_space<vmem>> -> memref<80x128xf32, #tpu.memory_space<vmem>>
      %dma_wait3A_69 = tpu.memref_slice %arg5[%mul3A_26] : memref<5120xi32, #tpu.memory_space<vmem>> -> memref<80xi32, #tpu.memory_space<vmem>>
      %dma_wait3A_70 = arith.constant 0 : i32
      %dma_wait3A_71 = arith.constant 0 : i32
      %dma_wait3A_72 = tpu.memref_slice %arg2[%dma_wait3A_70, %dma_wait3A_71] : memref<8192x128xf32, #tpu.memory_space<hbm>> -> memref<8192x128xf32, #tpu.memory_space<hbm>>
      tpu.wait_indirect_dma semaphore(%arg7 : memref<!tpu.dma_semaphore, #tpu.memory_space<semaphore_mem>>) src(%dma_wait3A_72 : memref<8192x128xf32, #tpu.memory_space<hbm>>) dst(%dma_wait3A_68 : memref<80x128xf32, #tpu.memory_space<vmem>>)
      %dma_wait3A_73 = arith.constant 160 : i32
      %dma_wait3A_74 = arith.constant 0 : i32
      %dma_wait3A_75 = tpu.memref_slice %arg6[%dma_wait3A_73, %dma_wait3A_74] : memref<320x128xf32, #tpu.memory_space<vmem>> -> memref<80x128xf32, #tpu.memory_space<vmem>>
      %dma_wait3A_76 = tpu.memref_slice %arg5[%mul3A_39] : memref<5120xi32, #tpu.memory_space<vmem>> -> memref<80xi32, #tpu.memory_space<vmem>>
      %dma_wait3A_77 = arith.constant 0 : i32
      %dma_wait3A_78 = arith.constant 0 : i32
      %dma_wait3A_79 = tpu.memref_slice %arg2[%dma_wait3A_77, %dma_wait3A_78] : memref<8192x128xf32, #tpu.memory_space<hbm>> -> memref<8192x128xf32, #tpu.memory_space<hbm>>
      tpu.wait_indirect_dma semaphore(%arg7 : memref<!tpu.dma_semaphore, #tpu.memory_space<semaphore_mem>>) src(%dma_wait3A_79 : memref<8192x128xf32, #tpu.memory_space<hbm>>) dst(%dma_wait3A_75 : memref<80x128xf32, #tpu.memory_space<vmem>>)
      %dma_wait3A_80 = arith.constant 240 : i32
      %dma_wait3A_81 = arith.constant 0 : i32
      %dma_wait3A_82 = tpu.memref_slice %arg6[%dma_wait3A_80, %dma_wait3A_81] : memref<320x128xf32, #tpu.memory_space<vmem>> -> memref<80x128xf32, #tpu.memory_space<vmem>>
      %dma_wait3A_83 = tpu.memref_slice %arg5[%mul3A_52] : memref<5120xi32, #tpu.memory_space<vmem>> -> memref<80xi32, #tpu.memory_space<vmem>>
      %dma_wait3A_84 = arith.constant 0 : i32
      %dma_wait3A_85 = arith.constant 0 : i32
      %dma_wait3A_86 = tpu.memref_slice %arg2[%dma_wait3A_84, %dma_wait3A_85] : memref<8192x128xf32, #tpu.memory_space<hbm>> -> memref<8192x128xf32, #tpu.memory_space<hbm>>
      tpu.wait_indirect_dma semaphore(%arg7 : memref<!tpu.dma_semaphore, #tpu.memory_space<semaphore_mem>>) src(%dma_wait3A_86 : memref<8192x128xf32, #tpu.memory_space<hbm>>) dst(%dma_wait3A_82 : memref<80x128xf32, #tpu.memory_space<vmem>>)
      %mul3A_87 = arith.constant 4 : i32
      %mul3A_88 = arith.muli %scan3A_8, %mul3A_87 : i32
      %add3A_89 = arith.constant 0 : i32
      %add3A_90 = arith.addi %mul3A_88, %add3A_89 : i32
      %mul3A_91 = arith.constant 80 : i32
      %mul3A_92 = arith.muli %add3A_90, %mul3A_91 : i32
      %add3A_93 = arith.addi %mul3A_2, %mul3A_92 : i32
      "tpu.region"() ({
        %run_scoped3A = tpu.sem_alloc : memref<!tpu.dma_semaphore, #tpu.memory_space<semaphore_mem>>
        %dma_start3A_115 = arith.constant 0 : i32
        %dma_start3A_116 = arith.constant 0 : i32
        %dma_start3A_117 = tpu.memref_slice %arg6[%dma_start3A_115, %dma_start3A_116] : memref<320x128xf32, #tpu.memory_space<vmem>> -> memref<80x128xf32, #tpu.memory_space<vmem>>
        %dma_start3A_118 = arith.constant 0 : i32
        %dma_start3A_119 = tpu.memref_slice %arg4[%add3A_93, %dma_start3A_118] : memref<163840x128xf32, #tpu.memory_space<hbm>> -> memref<80x128xf32, #tpu.memory_space<hbm>>
        %dma_start3A_120 = arith.constant 0 : i32
        %dma_start3A_121 = tpu.memref_slice %arg4[%add3A_93, %dma_start3A_120] : memref<163840x128xf32, #tpu.memory_space<hbm>> -> memref<80x128xf32, #tpu.memory_space<hbm>>
        %dma_start3A_122 = arith.constant 0 : i32
        %dma_start3A_123 = arith.constant 0 : i32
        %dma_start3A_124 = tpu.memref_slice %arg6[%dma_start3A_122, %dma_start3A_123] : memref<320x128xf32, #tpu.memory_space<vmem>> -> memref<80x128xf32, #tpu.memory_space<vmem>>
        tpu.enqueue_dma source(%dma_start3A_124 : memref<80x128xf32, #tpu.memory_space<vmem>>) target(%dma_start3A_121 : memref<80x128xf32, #tpu.memory_space<hbm>>) target_semaphore(%run_scoped3A : memref<!tpu.dma_semaphore, #tpu.memory_space<semaphore_mem>>)
        %dma_wait3A_125 = arith.constant 0 : i32
        %dma_wait3A_126 = arith.constant 0 : i32
        %dma_wait3A_127 = tpu.memref_slice %arg6[%dma_wait3A_125, %dma_wait3A_126] : memref<320x128xf32, #tpu.memory_space<vmem>> -> memref<80x128xf32, #tpu.memory_space<vmem>>
        %dma_wait3A_128 = arith.constant 0 : i32
        %dma_wait3A_129 = tpu.memref_slice %arg4[%add3A_93, %dma_wait3A_128] : memref<163840x128xf32, #tpu.memory_space<hbm>> -> memref<80x128xf32, #tpu.memory_space<hbm>>
        %dma_wait3A_130 = arith.constant 0 : i32
        %dma_wait3A_131 = tpu.memref_slice %arg4[%add3A_93, %dma_wait3A_130] : memref<163840x128xf32, #tpu.memory_space<hbm>> -> memref<80x128xf32, #tpu.memory_space<hbm>>
        %dma_wait3A_132 = arith.constant 0 : i32
        %dma_wait3A_133 = arith.constant 0 : i32
        %dma_wait3A_134 = tpu.memref_slice %arg6[%dma_wait3A_132, %dma_wait3A_133] : memref<320x128xf32, #tpu.memory_space<vmem>> -> memref<80x128xf32, #tpu.memory_space<vmem>>
        tpu.wait_dma2 semaphore(%run_scoped3A : memref<!tpu.dma_semaphore, #tpu.memory_space<semaphore_mem>>) src(%dma_wait3A_134 : memref<80x128xf32, #tpu.memory_space<vmem>>) dst(%dma_wait3A_131 : memref<80x128xf32, #tpu.memory_space<hbm>>)
        tpu.yield
      }) : () -> ()
      %mul3A_94 = arith.constant 4 : i32
      %mul3A_95 = arith.muli %scan3A_8, %mul3A_94 : i32
      %add3A_96 = arith.constant 1 : i32
      %add3A_97 = arith.addi %mul3A_95, %add3A_96 : i32
      %mul3A_98 = arith.constant 80 : i32
      %mul3A_99 = arith.muli %add3A_97, %mul3A_98 : i32
      %add3A_100 = arith.addi %mul3A_2, %mul3A_99 : i32
      "tpu.region"() ({
        %run_scoped3A = tpu.sem_alloc : memref<!tpu.dma_semaphore, #tpu.memory_space<semaphore_mem>>
        %dma_start3A_115 = arith.constant 80 : i32
        %dma_start3A_116 = arith.constant 0 : i32
        %dma_start3A_117 = tpu.memref_slice %arg6[%dma_start3A_115, %dma_start3A_116] : memref<320x128xf32, #tpu.memory_space<vmem>> -> memref<80x128xf32, #tpu.memory_space<vmem>>
        %dma_start3A_118 = arith.constant 0 : i32
        %dma_start3A_119 = tpu.memref_slice %arg4[%add3A_100, %dma_start3A_118] : memref<163840x128xf32, #tpu.memory_space<hbm>> -> memref<80x128xf32, #tpu.memory_space<hbm>>
        %dma_start3A_120 = arith.constant 0 : i32
        %dma_start3A_121 = tpu.memref_slice %arg4[%add3A_100, %dma_start3A_120] : memref<163840x128xf32, #tpu.memory_space<hbm>> -> memref<80x128xf32, #tpu.memory_space<hbm>>
        %dma_start3A_122 = arith.constant 80 : i32
        %dma_start3A_123 = arith.constant 0 : i32
        %dma_start3A_124 = tpu.memref_slice %arg6[%dma_start3A_122, %dma_start3A_123] : memref<320x128xf32, #tpu.memory_space<vmem>> -> memref<80x128xf32, #tpu.memory_space<vmem>>
        tpu.enqueue_dma source(%dma_start3A_124 : memref<80x128xf32, #tpu.memory_space<vmem>>) target(%dma_start3A_121 : memref<80x128xf32, #tpu.memory_space<hbm>>) target_semaphore(%run_scoped3A : memref<!tpu.dma_semaphore, #tpu.memory_space<semaphore_mem>>)
        %dma_wait3A_125 = arith.constant 80 : i32
        %dma_wait3A_126 = arith.constant 0 : i32
        %dma_wait3A_127 = tpu.memref_slice %arg6[%dma_wait3A_125, %dma_wait3A_126] : memref<320x128xf32, #tpu.memory_space<vmem>> -> memref<80x128xf32, #tpu.memory_space<vmem>>
        %dma_wait3A_128 = arith.constant 0 : i32
        %dma_wait3A_129 = tpu.memref_slice %arg4[%add3A_100, %dma_wait3A_128] : memref<163840x128xf32, #tpu.memory_space<hbm>> -> memref<80x128xf32, #tpu.memory_space<hbm>>
        %dma_wait3A_130 = arith.constant 0 : i32
        %dma_wait3A_131 = tpu.memref_slice %arg4[%add3A_100, %dma_wait3A_130] : memref<163840x128xf32, #tpu.memory_space<hbm>> -> memref<80x128xf32, #tpu.memory_space<hbm>>
        %dma_wait3A_132 = arith.constant 80 : i32
        %dma_wait3A_133 = arith.constant 0 : i32
        %dma_wait3A_134 = tpu.memref_slice %arg6[%dma_wait3A_132, %dma_wait3A_133] : memref<320x128xf32, #tpu.memory_space<vmem>> -> memref<80x128xf32, #tpu.memory_space<vmem>>
        tpu.wait_dma2 semaphore(%run_scoped3A : memref<!tpu.dma_semaphore, #tpu.memory_space<semaphore_mem>>) src(%dma_wait3A_134 : memref<80x128xf32, #tpu.memory_space<vmem>>) dst(%dma_wait3A_131 : memref<80x128xf32, #tpu.memory_space<hbm>>)
        tpu.yield
      }) : () -> ()
      %mul3A_101 = arith.constant 4 : i32
      %mul3A_102 = arith.muli %scan3A_8, %mul3A_101 : i32
      %add3A_103 = arith.constant 2 : i32
      %add3A_104 = arith.addi %mul3A_102, %add3A_103 : i32
      %mul3A_105 = arith.constant 80 : i32
      %mul3A_106 = arith.muli %add3A_104, %mul3A_105 : i32
      %add3A_107 = arith.addi %mul3A_2, %mul3A_106 : i32
      "tpu.region"() ({
        %run_scoped3A = tpu.sem_alloc : memref<!tpu.dma_semaphore, #tpu.memory_space<semaphore_mem>>
        %dma_start3A_115 = arith.constant 160 : i32
        %dma_start3A_116 = arith.constant 0 : i32
        %dma_start3A_117 = tpu.memref_slice %arg6[%dma_start3A_115, %dma_start3A_116] : memref<320x128xf32, #tpu.memory_space<vmem>> -> memref<80x128xf32, #tpu.memory_space<vmem>>
        %dma_start3A_118 = arith.constant 0 : i32
        %dma_start3A_119 = tpu.memref_slice %arg4[%add3A_107, %dma_start3A_118] : memref<163840x128xf32, #tpu.memory_space<hbm>> -> memref<80x128xf32, #tpu.memory_space<hbm>>
        %dma_start3A_120 = arith.constant 0 : i32
        %dma_start3A_121 = tpu.memref_slice %arg4[%add3A_107, %dma_start3A_120] : memref<163840x128xf32, #tpu.memory_space<hbm>> -> memref<80x128xf32, #tpu.memory_space<hbm>>
        %dma_start3A_122 = arith.constant 160 : i32
        %dma_start3A_123 = arith.constant 0 : i32
        %dma_start3A_124 = tpu.memref_slice %arg6[%dma_start3A_122, %dma_start3A_123] : memref<320x128xf32, #tpu.memory_space<vmem>> -> memref<80x128xf32, #tpu.memory_space<vmem>>
        tpu.enqueue_dma source(%dma_start3A_124 : memref<80x128xf32, #tpu.memory_space<vmem>>) target(%dma_start3A_121 : memref<80x128xf32, #tpu.memory_space<hbm>>) target_semaphore(%run_scoped3A : memref<!tpu.dma_semaphore, #tpu.memory_space<semaphore_mem>>)
        %dma_wait3A_125 = arith.constant 160 : i32
        %dma_wait3A_126 = arith.constant 0 : i32
        %dma_wait3A_127 = tpu.memref_slice %arg6[%dma_wait3A_125, %dma_wait3A_126] : memref<320x128xf32, #tpu.memory_space<vmem>> -> memref<80x128xf32, #tpu.memory_space<vmem>>
        %dma_wait3A_128 = arith.constant 0 : i32
        %dma_wait3A_129 = tpu.memref_slice %arg4[%add3A_107, %dma_wait3A_128] : memref<163840x128xf32, #tpu.memory_space<hbm>> -> memref<80x128xf32, #tpu.memory_space<hbm>>
        %dma_wait3A_130 = arith.constant 0 : i32
        %dma_wait3A_131 = tpu.memref_slice %arg4[%add3A_107, %dma_wait3A_130] : memref<163840x128xf32, #tpu.memory_space<hbm>> -> memref<80x128xf32, #tpu.memory_space<hbm>>
        %dma_wait3A_132 = arith.constant 160 : i32
        %dma_wait3A_133 = arith.constant 0 : i32
        %dma_wait3A_134 = tpu.memref_slice %arg6[%dma_wait3A_132, %dma_wait3A_133] : memref<320x128xf32, #tpu.memory_space<vmem>> -> memref<80x128xf32, #tpu.memory_space<vmem>>
        tpu.wait_dma2 semaphore(%run_scoped3A : memref<!tpu.dma_semaphore, #tpu.memory_space<semaphore_mem>>) src(%dma_wait3A_134 : memref<80x128xf32, #tpu.memory_space<vmem>>) dst(%dma_wait3A_131 : memref<80x128xf32, #tpu.memory_space<hbm>>)
        tpu.yield
      }) : () -> ()
      %mul3A_108 = arith.constant 4 : i32
      %mul3A_109 = arith.muli %scan3A_8, %mul3A_108 : i32
      %add3A_110 = arith.constant 3 : i32
      %add3A_111 = arith.addi %mul3A_109, %add3A_110 : i32
      %mul3A_112 = arith.constant 80 : i32
      %mul3A_113 = arith.muli %add3A_111, %mul3A_112 : i32
      %add3A_114 = arith.addi %mul3A_2, %mul3A_113 : i32
      "tpu.region"() ({
        %run_scoped3A = tpu.sem_alloc : memref<!tpu.dma_semaphore, #tpu.memory_space<semaphore_mem>>
        %dma_start3A_115 = arith.constant 240 : i32
        %dma_start3A_116 = arith.constant 0 : i32
        %dma_start3A_117 = tpu.memref_slice %arg6[%dma_start3A_115, %dma_start3A_116] : memref<320x128xf32, #tpu.memory_space<vmem>> -> memref<80x128xf32, #tpu.memory_space<vmem>>
        %dma_start3A_118 = arith.constant 0 : i32
        %dma_start3A_119 = tpu.memref_slice %arg4[%add3A_114, %dma_start3A_118] : memref<163840x128xf32, #tpu.memory_space<hbm>> -> memref<80x128xf32, #tpu.memory_space<hbm>>
        %dma_start3A_120 = arith.constant 0 : i32
        %dma_start3A_121 = tpu.memref_slice %arg4[%add3A_114, %dma_start3A_120] : memref<163840x128xf32, #tpu.memory_space<hbm>> -> memref<80x128xf32, #tpu.memory_space<hbm>>
        %dma_start3A_122 = arith.constant 240 : i32
        %dma_start3A_123 = arith.constant 0 : i32
        %dma_start3A_124 = tpu.memref_slice %arg6[%dma_start3A_122, %dma_start3A_123] : memref<320x128xf32, #tpu.memory_space<vmem>> -> memref<80x128xf32, #tpu.memory_space<vmem>>
        tpu.enqueue_dma source(%dma_start3A_124 : memref<80x128xf32, #tpu.memory_space<vmem>>) target(%dma_start3A_121 : memref<80x128xf32, #tpu.memory_space<hbm>>) target_semaphore(%run_scoped3A : memref<!tpu.dma_semaphore, #tpu.memory_space<semaphore_mem>>)
        %dma_wait3A_125 = arith.constant 240 : i32
        %dma_wait3A_126 = arith.constant 0 : i32
        %dma_wait3A_127 = tpu.memref_slice %arg6[%dma_wait3A_125, %dma_wait3A_126] : memref<320x128xf32, #tpu.memory_space<vmem>> -> memref<80x128xf32, #tpu.memory_space<vmem>>
        %dma_wait3A_128 = arith.constant 0 : i32
        %dma_wait3A_129 = tpu.memref_slice %arg4[%add3A_114, %dma_wait3A_128] : memref<163840x128xf32, #tpu.memory_space<hbm>> -> memref<80x128xf32, #tpu.memory_space<hbm>>
        %dma_wait3A_130 = arith.constant 0 : i32
        %dma_wait3A_131 = tpu.memref_slice %arg4[%add3A_114, %dma_wait3A_130] : memref<163840x128xf32, #tpu.memory_space<hbm>> -> memref<80x128xf32, #tpu.memory_space<hbm>>
        %dma_wait3A_132 = arith.constant 240 : i32
        %dma_wait3A_133 = arith.constant 0 : i32
        %dma_wait3A_134 = tpu.memref_slice %arg6[%dma_wait3A_132, %dma_wait3A_133] : memref<320x128xf32, #tpu.memory_space<vmem>> -> memref<80x128xf32, #tpu.memory_space<vmem>>
        tpu.wait_dma2 semaphore(%run_scoped3A : memref<!tpu.dma_semaphore, #tpu.memory_space<semaphore_mem>>) src(%dma_wait3A_134 : memref<80x128xf32, #tpu.memory_space<vmem>>) dst(%dma_wait3A_131 : memref<80x128xf32, #tpu.memory_space<hbm>>)
        tpu.yield
      }) : () -> ()
    }
    %scan3A_7 = arith.constant 16 : i32
    return
  }
}

#map = affine_map<(d0, d1) -> (0, 0)>
#map1 = affine_map<(d0, d1) -> (0)>
module attributes {stable_mosaic.version = 14 : i64} {
  func.func @sck(%arg0: i32, %arg1: i32, %arg2: memref<2048x128xf32, #tpu.memory_space<hbm>>, %arg3: memref<40960xi32, #tpu.memory_space<hbm>>, %arg4: memref<40960x128xf32, #tpu.memory_space<hbm>>, %arg5: memref<1280xi32, #tpu.memory_space<vmem>>, %arg6: memref<320x128xf32, #tpu.memory_space<vmem>>, %arg7: memref<!tpu.dma_semaphore, #tpu.memory_space<semaphore_mem>>) attributes {dimension_semantics = [#tpu.dimension_semantics<core_parallel>, #tpu.dimension_semantics<subcore_parallel>], iteration_bounds = array<i64: 2, 16>, scalar_prefetch = 0 : i64, scratch_operands = 3 : i64, tpu.core_type = #tpu.core_type<sc_vector_subcore>, window_params = [{transform_indices = #map}, {transform_indices = #map1}, {transform_indices = #map}]} {
    %mul3A = arith.constant 2 : i32
    %mul3A_0 = arith.muli %arg1, %mul3A : i32
    %add3A = arith.addi %mul3A_0, %arg0 : i32
    %mul3A_1 = arith.constant 1280 : i32
    %mul3A_2 = arith.muli %add3A, %mul3A_1 : i32
    "tpu.region"() ({
      %run_scoped3A = tpu.sem_alloc : memref<!tpu.dma_semaphore, #tpu.memory_space<semaphore_mem>>
      %dma_start3A = tpu.memref_slice %arg3[%mul3A_2] : memref<40960xi32, #tpu.memory_space<hbm>> -> memref<1280xi32, #tpu.memory_space<hbm>>
      %dma_start3A_8 = tpu.memref_slice %arg3[%mul3A_2] : memref<40960xi32, #tpu.memory_space<hbm>> -> memref<1280xi32, #tpu.memory_space<hbm>>
      tpu.enqueue_dma source(%dma_start3A_8 : memref<1280xi32, #tpu.memory_space<hbm>>) target(%arg5 : memref<1280xi32, #tpu.memory_space<vmem>>) target_semaphore(%run_scoped3A : memref<!tpu.dma_semaphore, #tpu.memory_space<semaphore_mem>>)
      %dma_wait3A = tpu.memref_slice %arg3[%mul3A_2] : memref<40960xi32, #tpu.memory_space<hbm>> -> memref<1280xi32, #tpu.memory_space<hbm>>
      %dma_wait3A_9 = tpu.memref_slice %arg3[%mul3A_2] : memref<40960xi32, #tpu.memory_space<hbm>> -> memref<1280xi32, #tpu.memory_space<hbm>>
      tpu.wait_dma2 semaphore(%run_scoped3A : memref<!tpu.dma_semaphore, #tpu.memory_space<semaphore_mem>>) src(%dma_wait3A_9 : memref<1280xi32, #tpu.memory_space<hbm>>) dst(%arg5 : memref<1280xi32, #tpu.memory_space<vmem>>)
      tpu.yield
    }) : () -> ()
    %scan3A = arith.constant 0 : i32
    %scan3A_3 = arith.constant 0 : i32
    %scan3A_4 = arith.constant 4 : i32
    %scan3A_5 = arith.addi %scan3A_3, %scan3A_4 : i32
    %scan3A_6 = arith.constant 1 : i32
    scf.for %scan3A_8 = %scan3A_3 to %scan3A_5 step %scan3A_6  : i32 {
      %mul3A_9 = arith.constant 4 : i32
      %mul3A_10 = arith.muli %scan3A_8, %mul3A_9 : i32
      %add3A_11 = arith.constant 0 : i32
      %add3A_12 = arith.addi %mul3A_10, %add3A_11 : i32
      %mul3A_13 = arith.constant 80 : i32
      %mul3A_14 = arith.muli %add3A_12, %mul3A_13 : i32
      %dma_start3A = arith.constant 0 : i32
      %dma_start3A_15 = arith.constant 0 : i32
      %dma_start3A_16 = tpu.memref_slice %arg6[%dma_start3A, %dma_start3A_15] : memref<320x128xf32, #tpu.memory_space<vmem>> -> memref<80x128xf32, #tpu.memory_space<vmem>>
      %dma_start3A_17 = tpu.memref_slice %arg5[%mul3A_14] : memref<1280xi32, #tpu.memory_space<vmem>> -> memref<80xi32, #tpu.memory_space<vmem>>
      %dma_start3A_18 = arith.constant 0 : i32
      %dma_start3A_19 = arith.constant 0 : i32
      %dma_start3A_20 = tpu.memref_slice %arg2[%dma_start3A_18, %dma_start3A_19] : memref<2048x128xf32, #tpu.memory_space<hbm>> -> memref<2048x128xf32, #tpu.memory_space<hbm>>
      tpu.enqueue_indirect_dma source(%dma_start3A_20 : memref<2048x128xf32, #tpu.memory_space<hbm>>) target(%dma_start3A_16 : memref<80x128xf32, #tpu.memory_space<vmem>>) offsets(%dma_start3A_17 : memref<80xi32, #tpu.memory_space<vmem>>) semaphore(%arg7 : memref<!tpu.dma_semaphore, #tpu.memory_space<semaphore_mem>>)
      %mul3A_21 = arith.constant 4 : i32
      %mul3A_22 = arith.muli %scan3A_8, %mul3A_21 : i32
      %add3A_23 = arith.constant 1 : i32
      %add3A_24 = arith.addi %mul3A_22, %add3A_23 : i32
      %mul3A_25 = arith.constant 80 : i32
      %mul3A_26 = arith.muli %add3A_24, %mul3A_25 : i32
      %dma_start3A_27 = arith.constant 80 : i32
      %dma_start3A_28 = arith.constant 0 : i32
      %dma_start3A_29 = tpu.memref_slice %arg6[%dma_start3A_27, %dma_start3A_28] : memref<320x128xf32, #tpu.memory_space<vmem>> -> memref<80x128xf32, #tpu.memory_space<vmem>>
      %dma_start3A_30 = tpu.memref_slice %arg5[%mul3A_26] : memref<1280xi32, #tpu.memory_space<vmem>> -> memref<80xi32, #tpu.memory_space<vmem>>
      %dma_start3A_31 = arith.constant 0 : i32
      %dma_start3A_32 = arith.constant 0 : i32
      %dma_start3A_33 = tpu.memref_slice %arg2[%dma_start3A_31, %dma_start3A_32] : memref<2048x128xf32, #tpu.memory_space<hbm>> -> memref<2048x128xf32, #tpu.memory_space<hbm>>
      tpu.enqueue_indirect_dma source(%dma_start3A_33 : memref<2048x128xf32, #tpu.memory_space<hbm>>) target(%dma_start3A_29 : memref<80x128xf32, #tpu.memory_space<vmem>>) offsets(%dma_start3A_30 : memref<80xi32, #tpu.memory_space<vmem>>) semaphore(%arg7 : memref<!tpu.dma_semaphore, #tpu.memory_space<semaphore_mem>>)
      %mul3A_34 = arith.constant 4 : i32
      %mul3A_35 = arith.muli %scan3A_8, %mul3A_34 : i32
      %add3A_36 = arith.constant 2 : i32
      %add3A_37 = arith.addi %mul3A_35, %add3A_36 : i32
      %mul3A_38 = arith.constant 80 : i32
      %mul3A_39 = arith.muli %add3A_37, %mul3A_38 : i32
      %dma_start3A_40 = arith.constant 160 : i32
      %dma_start3A_41 = arith.constant 0 : i32
      %dma_start3A_42 = tpu.memref_slice %arg6[%dma_start3A_40, %dma_start3A_41] : memref<320x128xf32, #tpu.memory_space<vmem>> -> memref<80x128xf32, #tpu.memory_space<vmem>>
      %dma_start3A_43 = tpu.memref_slice %arg5[%mul3A_39] : memref<1280xi32, #tpu.memory_space<vmem>> -> memref<80xi32, #tpu.memory_space<vmem>>
      %dma_start3A_44 = arith.constant 0 : i32
      %dma_start3A_45 = arith.constant 0 : i32
      %dma_start3A_46 = tpu.memref_slice %arg2[%dma_start3A_44, %dma_start3A_45] : memref<2048x128xf32, #tpu.memory_space<hbm>> -> memref<2048x128xf32, #tpu.memory_space<hbm>>
      tpu.enqueue_indirect_dma source(%dma_start3A_46 : memref<2048x128xf32, #tpu.memory_space<hbm>>) target(%dma_start3A_42 : memref<80x128xf32, #tpu.memory_space<vmem>>) offsets(%dma_start3A_43 : memref<80xi32, #tpu.memory_space<vmem>>) semaphore(%arg7 : memref<!tpu.dma_semaphore, #tpu.memory_space<semaphore_mem>>)
      %mul3A_47 = arith.constant 4 : i32
      %mul3A_48 = arith.muli %scan3A_8, %mul3A_47 : i32
      %add3A_49 = arith.constant 3 : i32
      %add3A_50 = arith.addi %mul3A_48, %add3A_49 : i32
      %mul3A_51 = arith.constant 80 : i32
      %mul3A_52 = arith.muli %add3A_50, %mul3A_51 : i32
      %dma_start3A_53 = arith.constant 240 : i32
      %dma_start3A_54 = arith.constant 0 : i32
      %dma_start3A_55 = tpu.memref_slice %arg6[%dma_start3A_53, %dma_start3A_54] : memref<320x128xf32, #tpu.memory_space<vmem>> -> memref<80x128xf32, #tpu.memory_space<vmem>>
      %dma_start3A_56 = tpu.memref_slice %arg5[%mul3A_52] : memref<1280xi32, #tpu.memory_space<vmem>> -> memref<80xi32, #tpu.memory_space<vmem>>
      %dma_start3A_57 = arith.constant 0 : i32
      %dma_start3A_58 = arith.constant 0 : i32
      %dma_start3A_59 = tpu.memref_slice %arg2[%dma_start3A_57, %dma_start3A_58] : memref<2048x128xf32, #tpu.memory_space<hbm>> -> memref<2048x128xf32, #tpu.memory_space<hbm>>
      tpu.enqueue_indirect_dma source(%dma_start3A_59 : memref<2048x128xf32, #tpu.memory_space<hbm>>) target(%dma_start3A_55 : memref<80x128xf32, #tpu.memory_space<vmem>>) offsets(%dma_start3A_56 : memref<80xi32, #tpu.memory_space<vmem>>) semaphore(%arg7 : memref<!tpu.dma_semaphore, #tpu.memory_space<semaphore_mem>>)
      %dma_wait3A = arith.constant 0 : i32
      %dma_wait3A_60 = arith.constant 0 : i32
      %dma_wait3A_61 = tpu.memref_slice %arg6[%dma_wait3A, %dma_wait3A_60] : memref<320x128xf32, #tpu.memory_space<vmem>> -> memref<80x128xf32, #tpu.memory_space<vmem>>
      %dma_wait3A_62 = tpu.memref_slice %arg5[%mul3A_14] : memref<1280xi32, #tpu.memory_space<vmem>> -> memref<80xi32, #tpu.memory_space<vmem>>
      %dma_wait3A_63 = arith.constant 0 : i32
      %dma_wait3A_64 = arith.constant 0 : i32
      %dma_wait3A_65 = tpu.memref_slice %arg2[%dma_wait3A_63, %dma_wait3A_64] : memref<2048x128xf32, #tpu.memory_space<hbm>> -> memref<2048x128xf32, #tpu.memory_space<hbm>>
      tpu.wait_indirect_dma semaphore(%arg7 : memref<!tpu.dma_semaphore, #tpu.memory_space<semaphore_mem>>) src(%dma_wait3A_65 : memref<2048x128xf32, #tpu.memory_space<hbm>>) dst(%dma_wait3A_61 : memref<80x128xf32, #tpu.memory_space<vmem>>)
      %dma_wait3A_66 = arith.constant 80 : i32
      %dma_wait3A_67 = arith.constant 0 : i32
      %dma_wait3A_68 = tpu.memref_slice %arg6[%dma_wait3A_66, %dma_wait3A_67] : memref<320x128xf32, #tpu.memory_space<vmem>> -> memref<80x128xf32, #tpu.memory_space<vmem>>
      %dma_wait3A_69 = tpu.memref_slice %arg5[%mul3A_26] : memref<1280xi32, #tpu.memory_space<vmem>> -> memref<80xi32, #tpu.memory_space<vmem>>
      %dma_wait3A_70 = arith.constant 0 : i32
      %dma_wait3A_71 = arith.constant 0 : i32
      %dma_wait3A_72 = tpu.memref_slice %arg2[%dma_wait3A_70, %dma_wait3A_71] : memref<2048x128xf32, #tpu.memory_space<hbm>> -> memref<2048x128xf32, #tpu.memory_space<hbm>>
      tpu.wait_indirect_dma semaphore(%arg7 : memref<!tpu.dma_semaphore, #tpu.memory_space<semaphore_mem>>) src(%dma_wait3A_72 : memref<2048x128xf32, #tpu.memory_space<hbm>>) dst(%dma_wait3A_68 : memref<80x128xf32, #tpu.memory_space<vmem>>)
      %dma_wait3A_73 = arith.constant 160 : i32
      %dma_wait3A_74 = arith.constant 0 : i32
      %dma_wait3A_75 = tpu.memref_slice %arg6[%dma_wait3A_73, %dma_wait3A_74] : memref<320x128xf32, #tpu.memory_space<vmem>> -> memref<80x128xf32, #tpu.memory_space<vmem>>
      %dma_wait3A_76 = tpu.memref_slice %arg5[%mul3A_39] : memref<1280xi32, #tpu.memory_space<vmem>> -> memref<80xi32, #tpu.memory_space<vmem>>
      %dma_wait3A_77 = arith.constant 0 : i32
      %dma_wait3A_78 = arith.constant 0 : i32
      %dma_wait3A_79 = tpu.memref_slice %arg2[%dma_wait3A_77, %dma_wait3A_78] : memref<2048x128xf32, #tpu.memory_space<hbm>> -> memref<2048x128xf32, #tpu.memory_space<hbm>>
      tpu.wait_indirect_dma semaphore(%arg7 : memref<!tpu.dma_semaphore, #tpu.memory_space<semaphore_mem>>) src(%dma_wait3A_79 : memref<2048x128xf32, #tpu.memory_space<hbm>>) dst(%dma_wait3A_75 : memref<80x128xf32, #tpu.memory_space<vmem>>)
      %dma_wait3A_80 = arith.constant 240 : i32
      %dma_wait3A_81 = arith.constant 0 : i32
      %dma_wait3A_82 = tpu.memref_slice %arg6[%dma_wait3A_80, %dma_wait3A_81] : memref<320x128xf32, #tpu.memory_space<vmem>> -> memref<80x128xf32, #tpu.memory_space<vmem>>
      %dma_wait3A_83 = tpu.memref_slice %arg5[%mul3A_52] : memref<1280xi32, #tpu.memory_space<vmem>> -> memref<80xi32, #tpu.memory_space<vmem>>
      %dma_wait3A_84 = arith.constant 0 : i32
      %dma_wait3A_85 = arith.constant 0 : i32
      %dma_wait3A_86 = tpu.memref_slice %arg2[%dma_wait3A_84, %dma_wait3A_85] : memref<2048x128xf32, #tpu.memory_space<hbm>> -> memref<2048x128xf32, #tpu.memory_space<hbm>>
      tpu.wait_indirect_dma semaphore(%arg7 : memref<!tpu.dma_semaphore, #tpu.memory_space<semaphore_mem>>) src(%dma_wait3A_86 : memref<2048x128xf32, #tpu.memory_space<hbm>>) dst(%dma_wait3A_82 : memref<80x128xf32, #tpu.memory_space<vmem>>)
      %mul3A_87 = arith.constant 4 : i32
      %mul3A_88 = arith.muli %scan3A_8, %mul3A_87 : i32
      %add3A_89 = arith.constant 0 : i32
      %add3A_90 = arith.addi %mul3A_88, %add3A_89 : i32
      %mul3A_91 = arith.constant 80 : i32
      %mul3A_92 = arith.muli %add3A_90, %mul3A_91 : i32
      %add3A_93 = arith.addi %mul3A_2, %mul3A_92 : i32
      "tpu.region"() ({
        %run_scoped3A = tpu.sem_alloc : memref<!tpu.dma_semaphore, #tpu.memory_space<semaphore_mem>>
        %dma_start3A_115 = arith.constant 0 : i32
        %dma_start3A_116 = arith.constant 0 : i32
        %dma_start3A_117 = tpu.memref_slice %arg6[%dma_start3A_115, %dma_start3A_116] : memref<320x128xf32, #tpu.memory_space<vmem>> -> memref<80x128xf32, #tpu.memory_space<vmem>>
        %dma_start3A_118 = arith.constant 0 : i32
        %dma_start3A_119 = tpu.memref_slice %arg4[%add3A_93, %dma_start3A_118] : memref<40960x128xf32, #tpu.memory_space<hbm>> -> memref<80x128xf32, #tpu.memory_space<hbm>>
        %dma_start3A_120 = arith.constant 0 : i32
        %dma_start3A_121 = tpu.memref_slice %arg4[%add3A_93, %dma_start3A_120] : memref<40960x128xf32, #tpu.memory_space<hbm>> -> memref<80x128xf32, #tpu.memory_space<hbm>>
        %dma_start3A_122 = arith.constant 0 : i32
        %dma_start3A_123 = arith.constant 0 : i32
        %dma_start3A_124 = tpu.memref_slice %arg6[%dma_start3A_122, %dma_start3A_123] : memref<320x128xf32, #tpu.memory_space<vmem>> -> memref<80x128xf32, #tpu.memory_space<vmem>>
        tpu.enqueue_dma source(%dma_start3A_124 : memref<80x128xf32, #tpu.memory_space<vmem>>) target(%dma_start3A_121 : memref<80x128xf32, #tpu.memory_space<hbm>>) target_semaphore(%run_scoped3A : memref<!tpu.dma_semaphore, #tpu.memory_space<semaphore_mem>>)
        %dma_wait3A_125 = arith.constant 0 : i32
        %dma_wait3A_126 = arith.constant 0 : i32
        %dma_wait3A_127 = tpu.memref_slice %arg6[%dma_wait3A_125, %dma_wait3A_126] : memref<320x128xf32, #tpu.memory_space<vmem>> -> memref<80x128xf32, #tpu.memory_space<vmem>>
        %dma_wait3A_128 = arith.constant 0 : i32
        %dma_wait3A_129 = tpu.memref_slice %arg4[%add3A_93, %dma_wait3A_128] : memref<40960x128xf32, #tpu.memory_space<hbm>> -> memref<80x128xf32, #tpu.memory_space<hbm>>
        %dma_wait3A_130 = arith.constant 0 : i32
        %dma_wait3A_131 = tpu.memref_slice %arg4[%add3A_93, %dma_wait3A_130] : memref<40960x128xf32, #tpu.memory_space<hbm>> -> memref<80x128xf32, #tpu.memory_space<hbm>>
        %dma_wait3A_132 = arith.constant 0 : i32
        %dma_wait3A_133 = arith.constant 0 : i32
        %dma_wait3A_134 = tpu.memref_slice %arg6[%dma_wait3A_132, %dma_wait3A_133] : memref<320x128xf32, #tpu.memory_space<vmem>> -> memref<80x128xf32, #tpu.memory_space<vmem>>
        tpu.wait_dma2 semaphore(%run_scoped3A : memref<!tpu.dma_semaphore, #tpu.memory_space<semaphore_mem>>) src(%dma_wait3A_134 : memref<80x128xf32, #tpu.memory_space<vmem>>) dst(%dma_wait3A_131 : memref<80x128xf32, #tpu.memory_space<hbm>>)
        tpu.yield
      }) : () -> ()
      %mul3A_94 = arith.constant 4 : i32
      %mul3A_95 = arith.muli %scan3A_8, %mul3A_94 : i32
      %add3A_96 = arith.constant 1 : i32
      %add3A_97 = arith.addi %mul3A_95, %add3A_96 : i32
      %mul3A_98 = arith.constant 80 : i32
      %mul3A_99 = arith.muli %add3A_97, %mul3A_98 : i32
      %add3A_100 = arith.addi %mul3A_2, %mul3A_99 : i32
      "tpu.region"() ({
        %run_scoped3A = tpu.sem_alloc : memref<!tpu.dma_semaphore, #tpu.memory_space<semaphore_mem>>
        %dma_start3A_115 = arith.constant 80 : i32
        %dma_start3A_116 = arith.constant 0 : i32
        %dma_start3A_117 = tpu.memref_slice %arg6[%dma_start3A_115, %dma_start3A_116] : memref<320x128xf32, #tpu.memory_space<vmem>> -> memref<80x128xf32, #tpu.memory_space<vmem>>
        %dma_start3A_118 = arith.constant 0 : i32
        %dma_start3A_119 = tpu.memref_slice %arg4[%add3A_100, %dma_start3A_118] : memref<40960x128xf32, #tpu.memory_space<hbm>> -> memref<80x128xf32, #tpu.memory_space<hbm>>
        %dma_start3A_120 = arith.constant 0 : i32
        %dma_start3A_121 = tpu.memref_slice %arg4[%add3A_100, %dma_start3A_120] : memref<40960x128xf32, #tpu.memory_space<hbm>> -> memref<80x128xf32, #tpu.memory_space<hbm>>
        %dma_start3A_122 = arith.constant 80 : i32
        %dma_start3A_123 = arith.constant 0 : i32
        %dma_start3A_124 = tpu.memref_slice %arg6[%dma_start3A_122, %dma_start3A_123] : memref<320x128xf32, #tpu.memory_space<vmem>> -> memref<80x128xf32, #tpu.memory_space<vmem>>
        tpu.enqueue_dma source(%dma_start3A_124 : memref<80x128xf32, #tpu.memory_space<vmem>>) target(%dma_start3A_121 : memref<80x128xf32, #tpu.memory_space<hbm>>) target_semaphore(%run_scoped3A : memref<!tpu.dma_semaphore, #tpu.memory_space<semaphore_mem>>)
        %dma_wait3A_125 = arith.constant 80 : i32
        %dma_wait3A_126 = arith.constant 0 : i32
        %dma_wait3A_127 = tpu.memref_slice %arg6[%dma_wait3A_125, %dma_wait3A_126] : memref<320x128xf32, #tpu.memory_space<vmem>> -> memref<80x128xf32, #tpu.memory_space<vmem>>
        %dma_wait3A_128 = arith.constant 0 : i32
        %dma_wait3A_129 = tpu.memref_slice %arg4[%add3A_100, %dma_wait3A_128] : memref<40960x128xf32, #tpu.memory_space<hbm>> -> memref<80x128xf32, #tpu.memory_space<hbm>>
        %dma_wait3A_130 = arith.constant 0 : i32
        %dma_wait3A_131 = tpu.memref_slice %arg4[%add3A_100, %dma_wait3A_130] : memref<40960x128xf32, #tpu.memory_space<hbm>> -> memref<80x128xf32, #tpu.memory_space<hbm>>
        %dma_wait3A_132 = arith.constant 80 : i32
        %dma_wait3A_133 = arith.constant 0 : i32
        %dma_wait3A_134 = tpu.memref_slice %arg6[%dma_wait3A_132, %dma_wait3A_133] : memref<320x128xf32, #tpu.memory_space<vmem>> -> memref<80x128xf32, #tpu.memory_space<vmem>>
        tpu.wait_dma2 semaphore(%run_scoped3A : memref<!tpu.dma_semaphore, #tpu.memory_space<semaphore_mem>>) src(%dma_wait3A_134 : memref<80x128xf32, #tpu.memory_space<vmem>>) dst(%dma_wait3A_131 : memref<80x128xf32, #tpu.memory_space<hbm>>)
        tpu.yield
      }) : () -> ()
      %mul3A_101 = arith.constant 4 : i32
      %mul3A_102 = arith.muli %scan3A_8, %mul3A_101 : i32
      %add3A_103 = arith.constant 2 : i32
      %add3A_104 = arith.addi %mul3A_102, %add3A_103 : i32
      %mul3A_105 = arith.constant 80 : i32
      %mul3A_106 = arith.muli %add3A_104, %mul3A_105 : i32
      %add3A_107 = arith.addi %mul3A_2, %mul3A_106 : i32
      "tpu.region"() ({
        %run_scoped3A = tpu.sem_alloc : memref<!tpu.dma_semaphore, #tpu.memory_space<semaphore_mem>>
        %dma_start3A_115 = arith.constant 160 : i32
        %dma_start3A_116 = arith.constant 0 : i32
        %dma_start3A_117 = tpu.memref_slice %arg6[%dma_start3A_115, %dma_start3A_116] : memref<320x128xf32, #tpu.memory_space<vmem>> -> memref<80x128xf32, #tpu.memory_space<vmem>>
        %dma_start3A_118 = arith.constant 0 : i32
        %dma_start3A_119 = tpu.memref_slice %arg4[%add3A_107, %dma_start3A_118] : memref<40960x128xf32, #tpu.memory_space<hbm>> -> memref<80x128xf32, #tpu.memory_space<hbm>>
        %dma_start3A_120 = arith.constant 0 : i32
        %dma_start3A_121 = tpu.memref_slice %arg4[%add3A_107, %dma_start3A_120] : memref<40960x128xf32, #tpu.memory_space<hbm>> -> memref<80x128xf32, #tpu.memory_space<hbm>>
        %dma_start3A_122 = arith.constant 160 : i32
        %dma_start3A_123 = arith.constant 0 : i32
        %dma_start3A_124 = tpu.memref_slice %arg6[%dma_start3A_122, %dma_start3A_123] : memref<320x128xf32, #tpu.memory_space<vmem>> -> memref<80x128xf32, #tpu.memory_space<vmem>>
        tpu.enqueue_dma source(%dma_start3A_124 : memref<80x128xf32, #tpu.memory_space<vmem>>) target(%dma_start3A_121 : memref<80x128xf32, #tpu.memory_space<hbm>>) target_semaphore(%run_scoped3A : memref<!tpu.dma_semaphore, #tpu.memory_space<semaphore_mem>>)
        %dma_wait3A_125 = arith.constant 160 : i32
        %dma_wait3A_126 = arith.constant 0 : i32
        %dma_wait3A_127 = tpu.memref_slice %arg6[%dma_wait3A_125, %dma_wait3A_126] : memref<320x128xf32, #tpu.memory_space<vmem>> -> memref<80x128xf32, #tpu.memory_space<vmem>>
        %dma_wait3A_128 = arith.constant 0 : i32
        %dma_wait3A_129 = tpu.memref_slice %arg4[%add3A_107, %dma_wait3A_128] : memref<40960x128xf32, #tpu.memory_space<hbm>> -> memref<80x128xf32, #tpu.memory_space<hbm>>
        %dma_wait3A_130 = arith.constant 0 : i32
        %dma_wait3A_131 = tpu.memref_slice %arg4[%add3A_107, %dma_wait3A_130] : memref<40960x128xf32, #tpu.memory_space<hbm>> -> memref<80x128xf32, #tpu.memory_space<hbm>>
        %dma_wait3A_132 = arith.constant 160 : i32
        %dma_wait3A_133 = arith.constant 0 : i32
        %dma_wait3A_134 = tpu.memref_slice %arg6[%dma_wait3A_132, %dma_wait3A_133] : memref<320x128xf32, #tpu.memory_space<vmem>> -> memref<80x128xf32, #tpu.memory_space<vmem>>
        tpu.wait_dma2 semaphore(%run_scoped3A : memref<!tpu.dma_semaphore, #tpu.memory_space<semaphore_mem>>) src(%dma_wait3A_134 : memref<80x128xf32, #tpu.memory_space<vmem>>) dst(%dma_wait3A_131 : memref<80x128xf32, #tpu.memory_space<hbm>>)
        tpu.yield
      }) : () -> ()
      %mul3A_108 = arith.constant 4 : i32
      %mul3A_109 = arith.muli %scan3A_8, %mul3A_108 : i32
      %add3A_110 = arith.constant 3 : i32
      %add3A_111 = arith.addi %mul3A_109, %add3A_110 : i32
      %mul3A_112 = arith.constant 80 : i32
      %mul3A_113 = arith.muli %add3A_111, %mul3A_112 : i32
      %add3A_114 = arith.addi %mul3A_2, %mul3A_113 : i32
      "tpu.region"() ({
        %run_scoped3A = tpu.sem_alloc : memref<!tpu.dma_semaphore, #tpu.memory_space<semaphore_mem>>
        %dma_start3A_115 = arith.constant 240 : i32
        %dma_start3A_116 = arith.constant 0 : i32
        %dma_start3A_117 = tpu.memref_slice %arg6[%dma_start3A_115, %dma_start3A_116] : memref<320x128xf32, #tpu.memory_space<vmem>> -> memref<80x128xf32, #tpu.memory_space<vmem>>
        %dma_start3A_118 = arith.constant 0 : i32
        %dma_start3A_119 = tpu.memref_slice %arg4[%add3A_114, %dma_start3A_118] : memref<40960x128xf32, #tpu.memory_space<hbm>> -> memref<80x128xf32, #tpu.memory_space<hbm>>
        %dma_start3A_120 = arith.constant 0 : i32
        %dma_start3A_121 = tpu.memref_slice %arg4[%add3A_114, %dma_start3A_120] : memref<40960x128xf32, #tpu.memory_space<hbm>> -> memref<80x128xf32, #tpu.memory_space<hbm>>
        %dma_start3A_122 = arith.constant 240 : i32
        %dma_start3A_123 = arith.constant 0 : i32
        %dma_start3A_124 = tpu.memref_slice %arg6[%dma_start3A_122, %dma_start3A_123] : memref<320x128xf32, #tpu.memory_space<vmem>> -> memref<80x128xf32, #tpu.memory_space<vmem>>
        tpu.enqueue_dma source(%dma_start3A_124 : memref<80x128xf32, #tpu.memory_space<vmem>>) target(%dma_start3A_121 : memref<80x128xf32, #tpu.memory_space<hbm>>) target_semaphore(%run_scoped3A : memref<!tpu.dma_semaphore, #tpu.memory_space<semaphore_mem>>)
        %dma_wait3A_125 = arith.constant 240 : i32
        %dma_wait3A_126 = arith.constant 0 : i32
        %dma_wait3A_127 = tpu.memref_slice %arg6[%dma_wait3A_125, %dma_wait3A_126] : memref<320x128xf32, #tpu.memory_space<vmem>> -> memref<80x128xf32, #tpu.memory_space<vmem>>
        %dma_wait3A_128 = arith.constant 0 : i32
        %dma_wait3A_129 = tpu.memref_slice %arg4[%add3A_114, %dma_wait3A_128] : memref<40960x128xf32, #tpu.memory_space<hbm>> -> memref<80x128xf32, #tpu.memory_space<hbm>>
        %dma_wait3A_130 = arith.constant 0 : i32
        %dma_wait3A_131 = tpu.memref_slice %arg4[%add3A_114, %dma_wait3A_130] : memref<40960x128xf32, #tpu.memory_space<hbm>> -> memref<80x128xf32, #tpu.memory_space<hbm>>
        %dma_wait3A_132 = arith.constant 240 : i32
        %dma_wait3A_133 = arith.constant 0 : i32
        %dma_wait3A_134 = tpu.memref_slice %arg6[%dma_wait3A_132, %dma_wait3A_133] : memref<320x128xf32, #tpu.memory_space<vmem>> -> memref<80x128xf32, #tpu.memory_space<vmem>>
        tpu.wait_dma2 semaphore(%run_scoped3A : memref<!tpu.dma_semaphore, #tpu.memory_space<semaphore_mem>>) src(%dma_wait3A_134 : memref<80x128xf32, #tpu.memory_space<vmem>>) dst(%dma_wait3A_131 : memref<80x128xf32, #tpu.memory_space<hbm>>)
        tpu.yield
      }) : () -> ()
    }
    %scan3A_7 = arith.constant 4 : i32
    return
  }
}

#map = affine_map<(d0, d1) -> (0, 0)>
#map1 = affine_map<(d0, d1) -> (0)>
module attributes {stable_mosaic.version = 14 : i64} {
  func.func @sck(%arg0: i32, %arg1: i32, %arg2: memref<2048x128xf32, #tpu.memory_space<hbm>>, %arg3: memref<40960xi32, #tpu.memory_space<hbm>>, %arg4: memref<40960x128xf32, #tpu.memory_space<hbm>>, %arg5: memref<1280xi32, #tpu.memory_space<vmem>>, %arg6: memref<320x128xf32, #tpu.memory_space<vmem>>, %arg7: memref<!tpu.dma_semaphore, #tpu.memory_space<semaphore_mem>>) attributes {dimension_semantics = [#tpu.dimension_semantics<core_parallel>, #tpu.dimension_semantics<subcore_parallel>], iteration_bounds = array<i64: 2, 16>, scalar_prefetch = 0 : i64, scratch_operands = 3 : i64, tpu.core_type = #tpu.core_type<sc_vector_subcore>, window_params = [{transform_indices = #map}, {transform_indices = #map1}, {transform_indices = #map}]} {
    %mul3A = arith.constant 2 : i32
    %mul3A_0 = arith.muli %arg1, %mul3A : i32
    %add3A = arith.addi %mul3A_0, %arg0 : i32
    %mul3A_1 = arith.constant 1280 : i32
    %mul3A_2 = arith.muli %add3A, %mul3A_1 : i32
    "tpu.region"() ({
      %run_scoped3A = tpu.sem_alloc : memref<!tpu.dma_semaphore, #tpu.memory_space<semaphore_mem>>
      %dma_start3A = tpu.memref_slice %arg3[%mul3A_2] : memref<40960xi32, #tpu.memory_space<hbm>> -> memref<1280xi32, #tpu.memory_space<hbm>>
      %dma_start3A_8 = tpu.memref_slice %arg3[%mul3A_2] : memref<40960xi32, #tpu.memory_space<hbm>> -> memref<1280xi32, #tpu.memory_space<hbm>>
      tpu.enqueue_dma source(%dma_start3A_8 : memref<1280xi32, #tpu.memory_space<hbm>>) target(%arg5 : memref<1280xi32, #tpu.memory_space<vmem>>) target_semaphore(%run_scoped3A : memref<!tpu.dma_semaphore, #tpu.memory_space<semaphore_mem>>)
      %dma_wait3A = tpu.memref_slice %arg3[%mul3A_2] : memref<40960xi32, #tpu.memory_space<hbm>> -> memref<1280xi32, #tpu.memory_space<hbm>>
      %dma_wait3A_9 = tpu.memref_slice %arg3[%mul3A_2] : memref<40960xi32, #tpu.memory_space<hbm>> -> memref<1280xi32, #tpu.memory_space<hbm>>
      tpu.wait_dma2 semaphore(%run_scoped3A : memref<!tpu.dma_semaphore, #tpu.memory_space<semaphore_mem>>) src(%dma_wait3A_9 : memref<1280xi32, #tpu.memory_space<hbm>>) dst(%arg5 : memref<1280xi32, #tpu.memory_space<vmem>>)
      tpu.yield
    }) : () -> ()
    %scan3A = arith.constant 0 : i32
    %scan3A_3 = arith.constant 0 : i32
    %scan3A_4 = arith.constant 4 : i32
    %scan3A_5 = arith.addi %scan3A_3, %scan3A_4 : i32
    %scan3A_6 = arith.constant 1 : i32
    scf.for %scan3A_8 = %scan3A_3 to %scan3A_5 step %scan3A_6  : i32 {
      %mul3A_9 = arith.constant 4 : i32
      %mul3A_10 = arith.muli %scan3A_8, %mul3A_9 : i32
      %add3A_11 = arith.constant 0 : i32
      %add3A_12 = arith.addi %mul3A_10, %add3A_11 : i32
      %mul3A_13 = arith.constant 80 : i32
      %mul3A_14 = arith.muli %add3A_12, %mul3A_13 : i32
      %dma_start3A = arith.constant 0 : i32
      %dma_start3A_15 = arith.constant 0 : i32
      %dma_start3A_16 = tpu.memref_slice %arg6[%dma_start3A, %dma_start3A_15] : memref<320x128xf32, #tpu.memory_space<vmem>> -> memref<80x128xf32, #tpu.memory_space<vmem>>
      %dma_start3A_17 = tpu.memref_slice %arg5[%mul3A_14] : memref<1280xi32, #tpu.memory_space<vmem>> -> memref<80xi32, #tpu.memory_space<vmem>>
      %dma_start3A_18 = arith.constant 0 : i32
      %dma_start3A_19 = arith.constant 0 : i32
      %dma_start3A_20 = tpu.memref_slice %arg2[%dma_start3A_18, %dma_start3A_19] : memref<2048x128xf32, #tpu.memory_space<hbm>> -> memref<2048x128xf32, #tpu.memory_space<hbm>>
      tpu.enqueue_indirect_dma source(%dma_start3A_20 : memref<2048x128xf32, #tpu.memory_space<hbm>>) target(%dma_start3A_16 : memref<80x128xf32, #tpu.memory_space<vmem>>) offsets(%dma_start3A_17 : memref<80xi32, #tpu.memory_space<vmem>>) semaphore(%arg7 : memref<!tpu.dma_semaphore, #tpu.memory_space<semaphore_mem>>)
      %mul3A_21 = arith.constant 4 : i32
      %mul3A_22 = arith.muli %scan3A_8, %mul3A_21 : i32
      %add3A_23 = arith.constant 1 : i32
      %add3A_24 = arith.addi %mul3A_22, %add3A_23 : i32
      %mul3A_25 = arith.constant 80 : i32
      %mul3A_26 = arith.muli %add3A_24, %mul3A_25 : i32
      %dma_start3A_27 = arith.constant 80 : i32
      %dma_start3A_28 = arith.constant 0 : i32
      %dma_start3A_29 = tpu.memref_slice %arg6[%dma_start3A_27, %dma_start3A_28] : memref<320x128xf32, #tpu.memory_space<vmem>> -> memref<80x128xf32, #tpu.memory_space<vmem>>
      %dma_start3A_30 = tpu.memref_slice %arg5[%mul3A_26] : memref<1280xi32, #tpu.memory_space<vmem>> -> memref<80xi32, #tpu.memory_space<vmem>>
      %dma_start3A_31 = arith.constant 0 : i32
      %dma_start3A_32 = arith.constant 0 : i32
      %dma_start3A_33 = tpu.memref_slice %arg2[%dma_start3A_31, %dma_start3A_32] : memref<2048x128xf32, #tpu.memory_space<hbm>> -> memref<2048x128xf32, #tpu.memory_space<hbm>>
      tpu.enqueue_indirect_dma source(%dma_start3A_33 : memref<2048x128xf32, #tpu.memory_space<hbm>>) target(%dma_start3A_29 : memref<80x128xf32, #tpu.memory_space<vmem>>) offsets(%dma_start3A_30 : memref<80xi32, #tpu.memory_space<vmem>>) semaphore(%arg7 : memref<!tpu.dma_semaphore, #tpu.memory_space<semaphore_mem>>)
      %mul3A_34 = arith.constant 4 : i32
      %mul3A_35 = arith.muli %scan3A_8, %mul3A_34 : i32
      %add3A_36 = arith.constant 2 : i32
      %add3A_37 = arith.addi %mul3A_35, %add3A_36 : i32
      %mul3A_38 = arith.constant 80 : i32
      %mul3A_39 = arith.muli %add3A_37, %mul3A_38 : i32
      %dma_start3A_40 = arith.constant 160 : i32
      %dma_start3A_41 = arith.constant 0 : i32
      %dma_start3A_42 = tpu.memref_slice %arg6[%dma_start3A_40, %dma_start3A_41] : memref<320x128xf32, #tpu.memory_space<vmem>> -> memref<80x128xf32, #tpu.memory_space<vmem>>
      %dma_start3A_43 = tpu.memref_slice %arg5[%mul3A_39] : memref<1280xi32, #tpu.memory_space<vmem>> -> memref<80xi32, #tpu.memory_space<vmem>>
      %dma_start3A_44 = arith.constant 0 : i32
      %dma_start3A_45 = arith.constant 0 : i32
      %dma_start3A_46 = tpu.memref_slice %arg2[%dma_start3A_44, %dma_start3A_45] : memref<2048x128xf32, #tpu.memory_space<hbm>> -> memref<2048x128xf32, #tpu.memory_space<hbm>>
      tpu.enqueue_indirect_dma source(%dma_start3A_46 : memref<2048x128xf32, #tpu.memory_space<hbm>>) target(%dma_start3A_42 : memref<80x128xf32, #tpu.memory_space<vmem>>) offsets(%dma_start3A_43 : memref<80xi32, #tpu.memory_space<vmem>>) semaphore(%arg7 : memref<!tpu.dma_semaphore, #tpu.memory_space<semaphore_mem>>)
      %mul3A_47 = arith.constant 4 : i32
      %mul3A_48 = arith.muli %scan3A_8, %mul3A_47 : i32
      %add3A_49 = arith.constant 3 : i32
      %add3A_50 = arith.addi %mul3A_48, %add3A_49 : i32
      %mul3A_51 = arith.constant 80 : i32
      %mul3A_52 = arith.muli %add3A_50, %mul3A_51 : i32
      %dma_start3A_53 = arith.constant 240 : i32
      %dma_start3A_54 = arith.constant 0 : i32
      %dma_start3A_55 = tpu.memref_slice %arg6[%dma_start3A_53, %dma_start3A_54] : memref<320x128xf32, #tpu.memory_space<vmem>> -> memref<80x128xf32, #tpu.memory_space<vmem>>
      %dma_start3A_56 = tpu.memref_slice %arg5[%mul3A_52] : memref<1280xi32, #tpu.memory_space<vmem>> -> memref<80xi32, #tpu.memory_space<vmem>>
      %dma_start3A_57 = arith.constant 0 : i32
      %dma_start3A_58 = arith.constant 0 : i32
      %dma_start3A_59 = tpu.memref_slice %arg2[%dma_start3A_57, %dma_start3A_58] : memref<2048x128xf32, #tpu.memory_space<hbm>> -> memref<2048x128xf32, #tpu.memory_space<hbm>>
      tpu.enqueue_indirect_dma source(%dma_start3A_59 : memref<2048x128xf32, #tpu.memory_space<hbm>>) target(%dma_start3A_55 : memref<80x128xf32, #tpu.memory_space<vmem>>) offsets(%dma_start3A_56 : memref<80xi32, #tpu.memory_space<vmem>>) semaphore(%arg7 : memref<!tpu.dma_semaphore, #tpu.memory_space<semaphore_mem>>)
      %dma_wait3A = arith.constant 0 : i32
      %dma_wait3A_60 = arith.constant 0 : i32
      %dma_wait3A_61 = tpu.memref_slice %arg6[%dma_wait3A, %dma_wait3A_60] : memref<320x128xf32, #tpu.memory_space<vmem>> -> memref<80x128xf32, #tpu.memory_space<vmem>>
      %dma_wait3A_62 = tpu.memref_slice %arg5[%mul3A_14] : memref<1280xi32, #tpu.memory_space<vmem>> -> memref<80xi32, #tpu.memory_space<vmem>>
      %dma_wait3A_63 = arith.constant 0 : i32
      %dma_wait3A_64 = arith.constant 0 : i32
      %dma_wait3A_65 = tpu.memref_slice %arg2[%dma_wait3A_63, %dma_wait3A_64] : memref<2048x128xf32, #tpu.memory_space<hbm>> -> memref<2048x128xf32, #tpu.memory_space<hbm>>
      tpu.wait_indirect_dma semaphore(%arg7 : memref<!tpu.dma_semaphore, #tpu.memory_space<semaphore_mem>>) src(%dma_wait3A_65 : memref<2048x128xf32, #tpu.memory_space<hbm>>) dst(%dma_wait3A_61 : memref<80x128xf32, #tpu.memory_space<vmem>>)
      %dma_wait3A_66 = arith.constant 80 : i32
      %dma_wait3A_67 = arith.constant 0 : i32
      %dma_wait3A_68 = tpu.memref_slice %arg6[%dma_wait3A_66, %dma_wait3A_67] : memref<320x128xf32, #tpu.memory_space<vmem>> -> memref<80x128xf32, #tpu.memory_space<vmem>>
      %dma_wait3A_69 = tpu.memref_slice %arg5[%mul3A_26] : memref<1280xi32, #tpu.memory_space<vmem>> -> memref<80xi32, #tpu.memory_space<vmem>>
      %dma_wait3A_70 = arith.constant 0 : i32
      %dma_wait3A_71 = arith.constant 0 : i32
      %dma_wait3A_72 = tpu.memref_slice %arg2[%dma_wait3A_70, %dma_wait3A_71] : memref<2048x128xf32, #tpu.memory_space<hbm>> -> memref<2048x128xf32, #tpu.memory_space<hbm>>
      tpu.wait_indirect_dma semaphore(%arg7 : memref<!tpu.dma_semaphore, #tpu.memory_space<semaphore_mem>>) src(%dma_wait3A_72 : memref<2048x128xf32, #tpu.memory_space<hbm>>) dst(%dma_wait3A_68 : memref<80x128xf32, #tpu.memory_space<vmem>>)
      %dma_wait3A_73 = arith.constant 160 : i32
      %dma_wait3A_74 = arith.constant 0 : i32
      %dma_wait3A_75 = tpu.memref_slice %arg6[%dma_wait3A_73, %dma_wait3A_74] : memref<320x128xf32, #tpu.memory_space<vmem>> -> memref<80x128xf32, #tpu.memory_space<vmem>>
      %dma_wait3A_76 = tpu.memref_slice %arg5[%mul3A_39] : memref<1280xi32, #tpu.memory_space<vmem>> -> memref<80xi32, #tpu.memory_space<vmem>>
      %dma_wait3A_77 = arith.constant 0 : i32
      %dma_wait3A_78 = arith.constant 0 : i32
      %dma_wait3A_79 = tpu.memref_slice %arg2[%dma_wait3A_77, %dma_wait3A_78] : memref<2048x128xf32, #tpu.memory_space<hbm>> -> memref<2048x128xf32, #tpu.memory_space<hbm>>
      tpu.wait_indirect_dma semaphore(%arg7 : memref<!tpu.dma_semaphore, #tpu.memory_space<semaphore_mem>>) src(%dma_wait3A_79 : memref<2048x128xf32, #tpu.memory_space<hbm>>) dst(%dma_wait3A_75 : memref<80x128xf32, #tpu.memory_space<vmem>>)
      %dma_wait3A_80 = arith.constant 240 : i32
      %dma_wait3A_81 = arith.constant 0 : i32
      %dma_wait3A_82 = tpu.memref_slice %arg6[%dma_wait3A_80, %dma_wait3A_81] : memref<320x128xf32, #tpu.memory_space<vmem>> -> memref<80x128xf32, #tpu.memory_space<vmem>>
      %dma_wait3A_83 = tpu.memref_slice %arg5[%mul3A_52] : memref<1280xi32, #tpu.memory_space<vmem>> -> memref<80xi32, #tpu.memory_space<vmem>>
      %dma_wait3A_84 = arith.constant 0 : i32
      %dma_wait3A_85 = arith.constant 0 : i32
      %dma_wait3A_86 = tpu.memref_slice %arg2[%dma_wait3A_84, %dma_wait3A_85] : memref<2048x128xf32, #tpu.memory_space<hbm>> -> memref<2048x128xf32, #tpu.memory_space<hbm>>
      tpu.wait_indirect_dma semaphore(%arg7 : memref<!tpu.dma_semaphore, #tpu.memory_space<semaphore_mem>>) src(%dma_wait3A_86 : memref<2048x128xf32, #tpu.memory_space<hbm>>) dst(%dma_wait3A_82 : memref<80x128xf32, #tpu.memory_space<vmem>>)
      %mul3A_87 = arith.constant 4 : i32
      %mul3A_88 = arith.muli %scan3A_8, %mul3A_87 : i32
      %add3A_89 = arith.constant 0 : i32
      %add3A_90 = arith.addi %mul3A_88, %add3A_89 : i32
      %mul3A_91 = arith.constant 80 : i32
      %mul3A_92 = arith.muli %add3A_90, %mul3A_91 : i32
      %add3A_93 = arith.addi %mul3A_2, %mul3A_92 : i32
      "tpu.region"() ({
        %run_scoped3A = tpu.sem_alloc : memref<!tpu.dma_semaphore, #tpu.memory_space<semaphore_mem>>
        %dma_start3A_115 = arith.constant 0 : i32
        %dma_start3A_116 = arith.constant 0 : i32
        %dma_start3A_117 = tpu.memref_slice %arg6[%dma_start3A_115, %dma_start3A_116] : memref<320x128xf32, #tpu.memory_space<vmem>> -> memref<80x128xf32, #tpu.memory_space<vmem>>
        %dma_start3A_118 = arith.constant 0 : i32
        %dma_start3A_119 = tpu.memref_slice %arg4[%add3A_93, %dma_start3A_118] : memref<40960x128xf32, #tpu.memory_space<hbm>> -> memref<80x128xf32, #tpu.memory_space<hbm>>
        %dma_start3A_120 = arith.constant 0 : i32
        %dma_start3A_121 = tpu.memref_slice %arg4[%add3A_93, %dma_start3A_120] : memref<40960x128xf32, #tpu.memory_space<hbm>> -> memref<80x128xf32, #tpu.memory_space<hbm>>
        %dma_start3A_122 = arith.constant 0 : i32
        %dma_start3A_123 = arith.constant 0 : i32
        %dma_start3A_124 = tpu.memref_slice %arg6[%dma_start3A_122, %dma_start3A_123] : memref<320x128xf32, #tpu.memory_space<vmem>> -> memref<80x128xf32, #tpu.memory_space<vmem>>
        tpu.enqueue_dma source(%dma_start3A_124 : memref<80x128xf32, #tpu.memory_space<vmem>>) target(%dma_start3A_121 : memref<80x128xf32, #tpu.memory_space<hbm>>) target_semaphore(%run_scoped3A : memref<!tpu.dma_semaphore, #tpu.memory_space<semaphore_mem>>)
        %dma_wait3A_125 = arith.constant 0 : i32
        %dma_wait3A_126 = arith.constant 0 : i32
        %dma_wait3A_127 = tpu.memref_slice %arg6[%dma_wait3A_125, %dma_wait3A_126] : memref<320x128xf32, #tpu.memory_space<vmem>> -> memref<80x128xf32, #tpu.memory_space<vmem>>
        %dma_wait3A_128 = arith.constant 0 : i32
        %dma_wait3A_129 = tpu.memref_slice %arg4[%add3A_93, %dma_wait3A_128] : memref<40960x128xf32, #tpu.memory_space<hbm>> -> memref<80x128xf32, #tpu.memory_space<hbm>>
        %dma_wait3A_130 = arith.constant 0 : i32
        %dma_wait3A_131 = tpu.memref_slice %arg4[%add3A_93, %dma_wait3A_130] : memref<40960x128xf32, #tpu.memory_space<hbm>> -> memref<80x128xf32, #tpu.memory_space<hbm>>
        %dma_wait3A_132 = arith.constant 0 : i32
        %dma_wait3A_133 = arith.constant 0 : i32
        %dma_wait3A_134 = tpu.memref_slice %arg6[%dma_wait3A_132, %dma_wait3A_133] : memref<320x128xf32, #tpu.memory_space<vmem>> -> memref<80x128xf32, #tpu.memory_space<vmem>>
        tpu.wait_dma2 semaphore(%run_scoped3A : memref<!tpu.dma_semaphore, #tpu.memory_space<semaphore_mem>>) src(%dma_wait3A_134 : memref<80x128xf32, #tpu.memory_space<vmem>>) dst(%dma_wait3A_131 : memref<80x128xf32, #tpu.memory_space<hbm>>)
        tpu.yield
      }) : () -> ()
      %mul3A_94 = arith.constant 4 : i32
      %mul3A_95 = arith.muli %scan3A_8, %mul3A_94 : i32
      %add3A_96 = arith.constant 1 : i32
      %add3A_97 = arith.addi %mul3A_95, %add3A_96 : i32
      %mul3A_98 = arith.constant 80 : i32
      %mul3A_99 = arith.muli %add3A_97, %mul3A_98 : i32
      %add3A_100 = arith.addi %mul3A_2, %mul3A_99 : i32
      "tpu.region"() ({
        %run_scoped3A = tpu.sem_alloc : memref<!tpu.dma_semaphore, #tpu.memory_space<semaphore_mem>>
        %dma_start3A_115 = arith.constant 80 : i32
        %dma_start3A_116 = arith.constant 0 : i32
        %dma_start3A_117 = tpu.memref_slice %arg6[%dma_start3A_115, %dma_start3A_116] : memref<320x128xf32, #tpu.memory_space<vmem>> -> memref<80x128xf32, #tpu.memory_space<vmem>>
        %dma_start3A_118 = arith.constant 0 : i32
        %dma_start3A_119 = tpu.memref_slice %arg4[%add3A_100, %dma_start3A_118] : memref<40960x128xf32, #tpu.memory_space<hbm>> -> memref<80x128xf32, #tpu.memory_space<hbm>>
        %dma_start3A_120 = arith.constant 0 : i32
        %dma_start3A_121 = tpu.memref_slice %arg4[%add3A_100, %dma_start3A_120] : memref<40960x128xf32, #tpu.memory_space<hbm>> -> memref<80x128xf32, #tpu.memory_space<hbm>>
        %dma_start3A_122 = arith.constant 80 : i32
        %dma_start3A_123 = arith.constant 0 : i32
        %dma_start3A_124 = tpu.memref_slice %arg6[%dma_start3A_122, %dma_start3A_123] : memref<320x128xf32, #tpu.memory_space<vmem>> -> memref<80x128xf32, #tpu.memory_space<vmem>>
        tpu.enqueue_dma source(%dma_start3A_124 : memref<80x128xf32, #tpu.memory_space<vmem>>) target(%dma_start3A_121 : memref<80x128xf32, #tpu.memory_space<hbm>>) target_semaphore(%run_scoped3A : memref<!tpu.dma_semaphore, #tpu.memory_space<semaphore_mem>>)
        %dma_wait3A_125 = arith.constant 80 : i32
        %dma_wait3A_126 = arith.constant 0 : i32
        %dma_wait3A_127 = tpu.memref_slice %arg6[%dma_wait3A_125, %dma_wait3A_126] : memref<320x128xf32, #tpu.memory_space<vmem>> -> memref<80x128xf32, #tpu.memory_space<vmem>>
        %dma_wait3A_128 = arith.constant 0 : i32
        %dma_wait3A_129 = tpu.memref_slice %arg4[%add3A_100, %dma_wait3A_128] : memref<40960x128xf32, #tpu.memory_space<hbm>> -> memref<80x128xf32, #tpu.memory_space<hbm>>
        %dma_wait3A_130 = arith.constant 0 : i32
        %dma_wait3A_131 = tpu.memref_slice %arg4[%add3A_100, %dma_wait3A_130] : memref<40960x128xf32, #tpu.memory_space<hbm>> -> memref<80x128xf32, #tpu.memory_space<hbm>>
        %dma_wait3A_132 = arith.constant 80 : i32
        %dma_wait3A_133 = arith.constant 0 : i32
        %dma_wait3A_134 = tpu.memref_slice %arg6[%dma_wait3A_132, %dma_wait3A_133] : memref<320x128xf32, #tpu.memory_space<vmem>> -> memref<80x128xf32, #tpu.memory_space<vmem>>
        tpu.wait_dma2 semaphore(%run_scoped3A : memref<!tpu.dma_semaphore, #tpu.memory_space<semaphore_mem>>) src(%dma_wait3A_134 : memref<80x128xf32, #tpu.memory_space<vmem>>) dst(%dma_wait3A_131 : memref<80x128xf32, #tpu.memory_space<hbm>>)
        tpu.yield
      }) : () -> ()
      %mul3A_101 = arith.constant 4 : i32
      %mul3A_102 = arith.muli %scan3A_8, %mul3A_101 : i32
      %add3A_103 = arith.constant 2 : i32
      %add3A_104 = arith.addi %mul3A_102, %add3A_103 : i32
      %mul3A_105 = arith.constant 80 : i32
      %mul3A_106 = arith.muli %add3A_104, %mul3A_105 : i32
      %add3A_107 = arith.addi %mul3A_2, %mul3A_106 : i32
      "tpu.region"() ({
        %run_scoped3A = tpu.sem_alloc : memref<!tpu.dma_semaphore, #tpu.memory_space<semaphore_mem>>
        %dma_start3A_115 = arith.constant 160 : i32
        %dma_start3A_116 = arith.constant 0 : i32
        %dma_start3A_117 = tpu.memref_slice %arg6[%dma_start3A_115, %dma_start3A_116] : memref<320x128xf32, #tpu.memory_space<vmem>> -> memref<80x128xf32, #tpu.memory_space<vmem>>
        %dma_start3A_118 = arith.constant 0 : i32
        %dma_start3A_119 = tpu.memref_slice %arg4[%add3A_107, %dma_start3A_118] : memref<40960x128xf32, #tpu.memory_space<hbm>> -> memref<80x128xf32, #tpu.memory_space<hbm>>
        %dma_start3A_120 = arith.constant 0 : i32
        %dma_start3A_121 = tpu.memref_slice %arg4[%add3A_107, %dma_start3A_120] : memref<40960x128xf32, #tpu.memory_space<hbm>> -> memref<80x128xf32, #tpu.memory_space<hbm>>
        %dma_start3A_122 = arith.constant 160 : i32
        %dma_start3A_123 = arith.constant 0 : i32
        %dma_start3A_124 = tpu.memref_slice %arg6[%dma_start3A_122, %dma_start3A_123] : memref<320x128xf32, #tpu.memory_space<vmem>> -> memref<80x128xf32, #tpu.memory_space<vmem>>
        tpu.enqueue_dma source(%dma_start3A_124 : memref<80x128xf32, #tpu.memory_space<vmem>>) target(%dma_start3A_121 : memref<80x128xf32, #tpu.memory_space<hbm>>) target_semaphore(%run_scoped3A : memref<!tpu.dma_semaphore, #tpu.memory_space<semaphore_mem>>)
        %dma_wait3A_125 = arith.constant 160 : i32
        %dma_wait3A_126 = arith.constant 0 : i32
        %dma_wait3A_127 = tpu.memref_slice %arg6[%dma_wait3A_125, %dma_wait3A_126] : memref<320x128xf32, #tpu.memory_space<vmem>> -> memref<80x128xf32, #tpu.memory_space<vmem>>
        %dma_wait3A_128 = arith.constant 0 : i32
        %dma_wait3A_129 = tpu.memref_slice %arg4[%add3A_107, %dma_wait3A_128] : memref<40960x128xf32, #tpu.memory_space<hbm>> -> memref<80x128xf32, #tpu.memory_space<hbm>>
        %dma_wait3A_130 = arith.constant 0 : i32
        %dma_wait3A_131 = tpu.memref_slice %arg4[%add3A_107, %dma_wait3A_130] : memref<40960x128xf32, #tpu.memory_space<hbm>> -> memref<80x128xf32, #tpu.memory_space<hbm>>
        %dma_wait3A_132 = arith.constant 160 : i32
        %dma_wait3A_133 = arith.constant 0 : i32
        %dma_wait3A_134 = tpu.memref_slice %arg6[%dma_wait3A_132, %dma_wait3A_133] : memref<320x128xf32, #tpu.memory_space<vmem>> -> memref<80x128xf32, #tpu.memory_space<vmem>>
        tpu.wait_dma2 semaphore(%run_scoped3A : memref<!tpu.dma_semaphore, #tpu.memory_space<semaphore_mem>>) src(%dma_wait3A_134 : memref<80x128xf32, #tpu.memory_space<vmem>>) dst(%dma_wait3A_131 : memref<80x128xf32, #tpu.memory_space<hbm>>)
        tpu.yield
      }) : () -> ()
      %mul3A_108 = arith.constant 4 : i32
      %mul3A_109 = arith.muli %scan3A_8, %mul3A_108 : i32
      %add3A_110 = arith.constant 3 : i32
      %add3A_111 = arith.addi %mul3A_109, %add3A_110 : i32
      %mul3A_112 = arith.constant 80 : i32
      %mul3A_113 = arith.muli %add3A_111, %mul3A_112 : i32
      %add3A_114 = arith.addi %mul3A_2, %mul3A_113 : i32
      "tpu.region"() ({
        %run_scoped3A = tpu.sem_alloc : memref<!tpu.dma_semaphore, #tpu.memory_space<semaphore_mem>>
        %dma_start3A_115 = arith.constant 240 : i32
        %dma_start3A_116 = arith.constant 0 : i32
        %dma_start3A_117 = tpu.memref_slice %arg6[%dma_start3A_115, %dma_start3A_116] : memref<320x128xf32, #tpu.memory_space<vmem>> -> memref<80x128xf32, #tpu.memory_space<vmem>>
        %dma_start3A_118 = arith.constant 0 : i32
        %dma_start3A_119 = tpu.memref_slice %arg4[%add3A_114, %dma_start3A_118] : memref<40960x128xf32, #tpu.memory_space<hbm>> -> memref<80x128xf32, #tpu.memory_space<hbm>>
        %dma_start3A_120 = arith.constant 0 : i32
        %dma_start3A_121 = tpu.memref_slice %arg4[%add3A_114, %dma_start3A_120] : memref<40960x128xf32, #tpu.memory_space<hbm>> -> memref<80x128xf32, #tpu.memory_space<hbm>>
        %dma_start3A_122 = arith.constant 240 : i32
        %dma_start3A_123 = arith.constant 0 : i32
        %dma_start3A_124 = tpu.memref_slice %arg6[%dma_start3A_122, %dma_start3A_123] : memref<320x128xf32, #tpu.memory_space<vmem>> -> memref<80x128xf32, #tpu.memory_space<vmem>>
        tpu.enqueue_dma source(%dma_start3A_124 : memref<80x128xf32, #tpu.memory_space<vmem>>) target(%dma_start3A_121 : memref<80x128xf32, #tpu.memory_space<hbm>>) target_semaphore(%run_scoped3A : memref<!tpu.dma_semaphore, #tpu.memory_space<semaphore_mem>>)
        %dma_wait3A_125 = arith.constant 240 : i32
        %dma_wait3A_126 = arith.constant 0 : i32
        %dma_wait3A_127 = tpu.memref_slice %arg6[%dma_wait3A_125, %dma_wait3A_126] : memref<320x128xf32, #tpu.memory_space<vmem>> -> memref<80x128xf32, #tpu.memory_space<vmem>>
        %dma_wait3A_128 = arith.constant 0 : i32
        %dma_wait3A_129 = tpu.memref_slice %arg4[%add3A_114, %dma_wait3A_128] : memref<40960x128xf32, #tpu.memory_space<hbm>> -> memref<80x128xf32, #tpu.memory_space<hbm>>
        %dma_wait3A_130 = arith.constant 0 : i32
        %dma_wait3A_131 = tpu.memref_slice %arg4[%add3A_114, %dma_wait3A_130] : memref<40960x128xf32, #tpu.memory_space<hbm>> -> memref<80x128xf32, #tpu.memory_space<hbm>>
        %dma_wait3A_132 = arith.constant 240 : i32
        %dma_wait3A_133 = arith.constant 0 : i32
        %dma_wait3A_134 = tpu.memref_slice %arg6[%dma_wait3A_132, %dma_wait3A_133] : memref<320x128xf32, #tpu.memory_space<vmem>> -> memref<80x128xf32, #tpu.memory_space<vmem>>
        tpu.wait_dma2 semaphore(%run_scoped3A : memref<!tpu.dma_semaphore, #tpu.memory_space<semaphore_mem>>) src(%dma_wait3A_134 : memref<80x128xf32, #tpu.memory_space<vmem>>) dst(%dma_wait3A_131 : memref<80x128xf32, #tpu.memory_space<hbm>>)
        tpu.yield
      }) : () -> ()
    }
    %scan3A_7 = arith.constant 4 : i32
    return
  }
}

#map = affine_map<(d0, d1) -> (0, 0)>
#map1 = affine_map<(d0, d1) -> (0)>
module attributes {stable_mosaic.version = 14 : i64} {
  func.func @sck(%arg0: i32, %arg1: i32, %arg2: memref<2048x256xf32, #tpu.memory_space<hbm>>, %arg3: memref<40960xi32, #tpu.memory_space<hbm>>, %arg4: memref<40960x256xf32, #tpu.memory_space<hbm>>, %arg5: memref<1280xi32, #tpu.memory_space<vmem>>, %arg6: memref<320x256xf32, #tpu.memory_space<vmem>>, %arg7: memref<!tpu.dma_semaphore, #tpu.memory_space<semaphore_mem>>) attributes {dimension_semantics = [#tpu.dimension_semantics<core_parallel>, #tpu.dimension_semantics<subcore_parallel>], iteration_bounds = array<i64: 2, 16>, scalar_prefetch = 0 : i64, scratch_operands = 3 : i64, tpu.core_type = #tpu.core_type<sc_vector_subcore>, window_params = [{transform_indices = #map}, {transform_indices = #map1}, {transform_indices = #map}]} {
    %mul3A = arith.constant 2 : i32
    %mul3A_0 = arith.muli %arg1, %mul3A : i32
    %add3A = arith.addi %mul3A_0, %arg0 : i32
    %mul3A_1 = arith.constant 1280 : i32
    %mul3A_2 = arith.muli %add3A, %mul3A_1 : i32
    "tpu.region"() ({
      %run_scoped3A = tpu.sem_alloc : memref<!tpu.dma_semaphore, #tpu.memory_space<semaphore_mem>>
      %dma_start3A = tpu.memref_slice %arg3[%mul3A_2] : memref<40960xi32, #tpu.memory_space<hbm>> -> memref<1280xi32, #tpu.memory_space<hbm>>
      %dma_start3A_8 = tpu.memref_slice %arg3[%mul3A_2] : memref<40960xi32, #tpu.memory_space<hbm>> -> memref<1280xi32, #tpu.memory_space<hbm>>
      tpu.enqueue_dma source(%dma_start3A_8 : memref<1280xi32, #tpu.memory_space<hbm>>) target(%arg5 : memref<1280xi32, #tpu.memory_space<vmem>>) target_semaphore(%run_scoped3A : memref<!tpu.dma_semaphore, #tpu.memory_space<semaphore_mem>>)
      %dma_wait3A = tpu.memref_slice %arg3[%mul3A_2] : memref<40960xi32, #tpu.memory_space<hbm>> -> memref<1280xi32, #tpu.memory_space<hbm>>
      %dma_wait3A_9 = tpu.memref_slice %arg3[%mul3A_2] : memref<40960xi32, #tpu.memory_space<hbm>> -> memref<1280xi32, #tpu.memory_space<hbm>>
      tpu.wait_dma2 semaphore(%run_scoped3A : memref<!tpu.dma_semaphore, #tpu.memory_space<semaphore_mem>>) src(%dma_wait3A_9 : memref<1280xi32, #tpu.memory_space<hbm>>) dst(%arg5 : memref<1280xi32, #tpu.memory_space<vmem>>)
      tpu.yield
    }) : () -> ()
    %scan3A = arith.constant 0 : i32
    %scan3A_3 = arith.constant 0 : i32
    %scan3A_4 = arith.constant 4 : i32
    %scan3A_5 = arith.addi %scan3A_3, %scan3A_4 : i32
    %scan3A_6 = arith.constant 1 : i32
    scf.for %scan3A_8 = %scan3A_3 to %scan3A_5 step %scan3A_6  : i32 {
      %mul3A_9 = arith.constant 4 : i32
      %mul3A_10 = arith.muli %scan3A_8, %mul3A_9 : i32
      %add3A_11 = arith.constant 0 : i32
      %add3A_12 = arith.addi %mul3A_10, %add3A_11 : i32
      %mul3A_13 = arith.constant 80 : i32
      %mul3A_14 = arith.muli %add3A_12, %mul3A_13 : i32
      %dma_start3A = arith.constant 0 : i32
      %dma_start3A_15 = arith.constant 0 : i32
      %dma_start3A_16 = tpu.memref_slice %arg6[%dma_start3A, %dma_start3A_15] : memref<320x256xf32, #tpu.memory_space<vmem>> -> memref<80x256xf32, #tpu.memory_space<vmem>>
      %dma_start3A_17 = tpu.memref_slice %arg5[%mul3A_14] : memref<1280xi32, #tpu.memory_space<vmem>> -> memref<80xi32, #tpu.memory_space<vmem>>
      %dma_start3A_18 = arith.constant 0 : i32
      %dma_start3A_19 = arith.constant 0 : i32
      %dma_start3A_20 = tpu.memref_slice %arg2[%dma_start3A_18, %dma_start3A_19] : memref<2048x256xf32, #tpu.memory_space<hbm>> -> memref<2048x256xf32, #tpu.memory_space<hbm>>
      tpu.enqueue_indirect_dma source(%dma_start3A_20 : memref<2048x256xf32, #tpu.memory_space<hbm>>) target(%dma_start3A_16 : memref<80x256xf32, #tpu.memory_space<vmem>>) offsets(%dma_start3A_17 : memref<80xi32, #tpu.memory_space<vmem>>) semaphore(%arg7 : memref<!tpu.dma_semaphore, #tpu.memory_space<semaphore_mem>>)
      %mul3A_21 = arith.constant 4 : i32
      %mul3A_22 = arith.muli %scan3A_8, %mul3A_21 : i32
      %add3A_23 = arith.constant 1 : i32
      %add3A_24 = arith.addi %mul3A_22, %add3A_23 : i32
      %mul3A_25 = arith.constant 80 : i32
      %mul3A_26 = arith.muli %add3A_24, %mul3A_25 : i32
      %dma_start3A_27 = arith.constant 80 : i32
      %dma_start3A_28 = arith.constant 0 : i32
      %dma_start3A_29 = tpu.memref_slice %arg6[%dma_start3A_27, %dma_start3A_28] : memref<320x256xf32, #tpu.memory_space<vmem>> -> memref<80x256xf32, #tpu.memory_space<vmem>>
      %dma_start3A_30 = tpu.memref_slice %arg5[%mul3A_26] : memref<1280xi32, #tpu.memory_space<vmem>> -> memref<80xi32, #tpu.memory_space<vmem>>
      %dma_start3A_31 = arith.constant 0 : i32
      %dma_start3A_32 = arith.constant 0 : i32
      %dma_start3A_33 = tpu.memref_slice %arg2[%dma_start3A_31, %dma_start3A_32] : memref<2048x256xf32, #tpu.memory_space<hbm>> -> memref<2048x256xf32, #tpu.memory_space<hbm>>
      tpu.enqueue_indirect_dma source(%dma_start3A_33 : memref<2048x256xf32, #tpu.memory_space<hbm>>) target(%dma_start3A_29 : memref<80x256xf32, #tpu.memory_space<vmem>>) offsets(%dma_start3A_30 : memref<80xi32, #tpu.memory_space<vmem>>) semaphore(%arg7 : memref<!tpu.dma_semaphore, #tpu.memory_space<semaphore_mem>>)
      %mul3A_34 = arith.constant 4 : i32
      %mul3A_35 = arith.muli %scan3A_8, %mul3A_34 : i32
      %add3A_36 = arith.constant 2 : i32
      %add3A_37 = arith.addi %mul3A_35, %add3A_36 : i32
      %mul3A_38 = arith.constant 80 : i32
      %mul3A_39 = arith.muli %add3A_37, %mul3A_38 : i32
      %dma_start3A_40 = arith.constant 160 : i32
      %dma_start3A_41 = arith.constant 0 : i32
      %dma_start3A_42 = tpu.memref_slice %arg6[%dma_start3A_40, %dma_start3A_41] : memref<320x256xf32, #tpu.memory_space<vmem>> -> memref<80x256xf32, #tpu.memory_space<vmem>>
      %dma_start3A_43 = tpu.memref_slice %arg5[%mul3A_39] : memref<1280xi32, #tpu.memory_space<vmem>> -> memref<80xi32, #tpu.memory_space<vmem>>
      %dma_start3A_44 = arith.constant 0 : i32
      %dma_start3A_45 = arith.constant 0 : i32
      %dma_start3A_46 = tpu.memref_slice %arg2[%dma_start3A_44, %dma_start3A_45] : memref<2048x256xf32, #tpu.memory_space<hbm>> -> memref<2048x256xf32, #tpu.memory_space<hbm>>
      tpu.enqueue_indirect_dma source(%dma_start3A_46 : memref<2048x256xf32, #tpu.memory_space<hbm>>) target(%dma_start3A_42 : memref<80x256xf32, #tpu.memory_space<vmem>>) offsets(%dma_start3A_43 : memref<80xi32, #tpu.memory_space<vmem>>) semaphore(%arg7 : memref<!tpu.dma_semaphore, #tpu.memory_space<semaphore_mem>>)
      %mul3A_47 = arith.constant 4 : i32
      %mul3A_48 = arith.muli %scan3A_8, %mul3A_47 : i32
      %add3A_49 = arith.constant 3 : i32
      %add3A_50 = arith.addi %mul3A_48, %add3A_49 : i32
      %mul3A_51 = arith.constant 80 : i32
      %mul3A_52 = arith.muli %add3A_50, %mul3A_51 : i32
      %dma_start3A_53 = arith.constant 240 : i32
      %dma_start3A_54 = arith.constant 0 : i32
      %dma_start3A_55 = tpu.memref_slice %arg6[%dma_start3A_53, %dma_start3A_54] : memref<320x256xf32, #tpu.memory_space<vmem>> -> memref<80x256xf32, #tpu.memory_space<vmem>>
      %dma_start3A_56 = tpu.memref_slice %arg5[%mul3A_52] : memref<1280xi32, #tpu.memory_space<vmem>> -> memref<80xi32, #tpu.memory_space<vmem>>
      %dma_start3A_57 = arith.constant 0 : i32
      %dma_start3A_58 = arith.constant 0 : i32
      %dma_start3A_59 = tpu.memref_slice %arg2[%dma_start3A_57, %dma_start3A_58] : memref<2048x256xf32, #tpu.memory_space<hbm>> -> memref<2048x256xf32, #tpu.memory_space<hbm>>
      tpu.enqueue_indirect_dma source(%dma_start3A_59 : memref<2048x256xf32, #tpu.memory_space<hbm>>) target(%dma_start3A_55 : memref<80x256xf32, #tpu.memory_space<vmem>>) offsets(%dma_start3A_56 : memref<80xi32, #tpu.memory_space<vmem>>) semaphore(%arg7 : memref<!tpu.dma_semaphore, #tpu.memory_space<semaphore_mem>>)
      %dma_wait3A = arith.constant 0 : i32
      %dma_wait3A_60 = arith.constant 0 : i32
      %dma_wait3A_61 = tpu.memref_slice %arg6[%dma_wait3A, %dma_wait3A_60] : memref<320x256xf32, #tpu.memory_space<vmem>> -> memref<80x256xf32, #tpu.memory_space<vmem>>
      %dma_wait3A_62 = tpu.memref_slice %arg5[%mul3A_14] : memref<1280xi32, #tpu.memory_space<vmem>> -> memref<80xi32, #tpu.memory_space<vmem>>
      %dma_wait3A_63 = arith.constant 0 : i32
      %dma_wait3A_64 = arith.constant 0 : i32
      %dma_wait3A_65 = tpu.memref_slice %arg2[%dma_wait3A_63, %dma_wait3A_64] : memref<2048x256xf32, #tpu.memory_space<hbm>> -> memref<2048x256xf32, #tpu.memory_space<hbm>>
      tpu.wait_indirect_dma semaphore(%arg7 : memref<!tpu.dma_semaphore, #tpu.memory_space<semaphore_mem>>) src(%dma_wait3A_65 : memref<2048x256xf32, #tpu.memory_space<hbm>>) dst(%dma_wait3A_61 : memref<80x256xf32, #tpu.memory_space<vmem>>)
      %dma_wait3A_66 = arith.constant 80 : i32
      %dma_wait3A_67 = arith.constant 0 : i32
      %dma_wait3A_68 = tpu.memref_slice %arg6[%dma_wait3A_66, %dma_wait3A_67] : memref<320x256xf32, #tpu.memory_space<vmem>> -> memref<80x256xf32, #tpu.memory_space<vmem>>
      %dma_wait3A_69 = tpu.memref_slice %arg5[%mul3A_26] : memref<1280xi32, #tpu.memory_space<vmem>> -> memref<80xi32, #tpu.memory_space<vmem>>
      %dma_wait3A_70 = arith.constant 0 : i32
      %dma_wait3A_71 = arith.constant 0 : i32
      %dma_wait3A_72 = tpu.memref_slice %arg2[%dma_wait3A_70, %dma_wait3A_71] : memref<2048x256xf32, #tpu.memory_space<hbm>> -> memref<2048x256xf32, #tpu.memory_space<hbm>>
      tpu.wait_indirect_dma semaphore(%arg7 : memref<!tpu.dma_semaphore, #tpu.memory_space<semaphore_mem>>) src(%dma_wait3A_72 : memref<2048x256xf32, #tpu.memory_space<hbm>>) dst(%dma_wait3A_68 : memref<80x256xf32, #tpu.memory_space<vmem>>)
      %dma_wait3A_73 = arith.constant 160 : i32
      %dma_wait3A_74 = arith.constant 0 : i32
      %dma_wait3A_75 = tpu.memref_slice %arg6[%dma_wait3A_73, %dma_wait3A_74] : memref<320x256xf32, #tpu.memory_space<vmem>> -> memref<80x256xf32, #tpu.memory_space<vmem>>
      %dma_wait3A_76 = tpu.memref_slice %arg5[%mul3A_39] : memref<1280xi32, #tpu.memory_space<vmem>> -> memref<80xi32, #tpu.memory_space<vmem>>
      %dma_wait3A_77 = arith.constant 0 : i32
      %dma_wait3A_78 = arith.constant 0 : i32
      %dma_wait3A_79 = tpu.memref_slice %arg2[%dma_wait3A_77, %dma_wait3A_78] : memref<2048x256xf32, #tpu.memory_space<hbm>> -> memref<2048x256xf32, #tpu.memory_space<hbm>>
      tpu.wait_indirect_dma semaphore(%arg7 : memref<!tpu.dma_semaphore, #tpu.memory_space<semaphore_mem>>) src(%dma_wait3A_79 : memref<2048x256xf32, #tpu.memory_space<hbm>>) dst(%dma_wait3A_75 : memref<80x256xf32, #tpu.memory_space<vmem>>)
      %dma_wait3A_80 = arith.constant 240 : i32
      %dma_wait3A_81 = arith.constant 0 : i32
      %dma_wait3A_82 = tpu.memref_slice %arg6[%dma_wait3A_80, %dma_wait3A_81] : memref<320x256xf32, #tpu.memory_space<vmem>> -> memref<80x256xf32, #tpu.memory_space<vmem>>
      %dma_wait3A_83 = tpu.memref_slice %arg5[%mul3A_52] : memref<1280xi32, #tpu.memory_space<vmem>> -> memref<80xi32, #tpu.memory_space<vmem>>
      %dma_wait3A_84 = arith.constant 0 : i32
      %dma_wait3A_85 = arith.constant 0 : i32
      %dma_wait3A_86 = tpu.memref_slice %arg2[%dma_wait3A_84, %dma_wait3A_85] : memref<2048x256xf32, #tpu.memory_space<hbm>> -> memref<2048x256xf32, #tpu.memory_space<hbm>>
      tpu.wait_indirect_dma semaphore(%arg7 : memref<!tpu.dma_semaphore, #tpu.memory_space<semaphore_mem>>) src(%dma_wait3A_86 : memref<2048x256xf32, #tpu.memory_space<hbm>>) dst(%dma_wait3A_82 : memref<80x256xf32, #tpu.memory_space<vmem>>)
      %mul3A_87 = arith.constant 4 : i32
      %mul3A_88 = arith.muli %scan3A_8, %mul3A_87 : i32
      %add3A_89 = arith.constant 0 : i32
      %add3A_90 = arith.addi %mul3A_88, %add3A_89 : i32
      %mul3A_91 = arith.constant 80 : i32
      %mul3A_92 = arith.muli %add3A_90, %mul3A_91 : i32
      %add3A_93 = arith.addi %mul3A_2, %mul3A_92 : i32
      "tpu.region"() ({
        %run_scoped3A = tpu.sem_alloc : memref<!tpu.dma_semaphore, #tpu.memory_space<semaphore_mem>>
        %dma_start3A_115 = arith.constant 0 : i32
        %dma_start3A_116 = arith.constant 0 : i32
        %dma_start3A_117 = tpu.memref_slice %arg6[%dma_start3A_115, %dma_start3A_116] : memref<320x256xf32, #tpu.memory_space<vmem>> -> memref<80x256xf32, #tpu.memory_space<vmem>>
        %dma_start3A_118 = arith.constant 0 : i32
        %dma_start3A_119 = tpu.memref_slice %arg4[%add3A_93, %dma_start3A_118] : memref<40960x256xf32, #tpu.memory_space<hbm>> -> memref<80x256xf32, #tpu.memory_space<hbm>>
        %dma_start3A_120 = arith.constant 0 : i32
        %dma_start3A_121 = tpu.memref_slice %arg4[%add3A_93, %dma_start3A_120] : memref<40960x256xf32, #tpu.memory_space<hbm>> -> memref<80x256xf32, #tpu.memory_space<hbm>>
        %dma_start3A_122 = arith.constant 0 : i32
        %dma_start3A_123 = arith.constant 0 : i32
        %dma_start3A_124 = tpu.memref_slice %arg6[%dma_start3A_122, %dma_start3A_123] : memref<320x256xf32, #tpu.memory_space<vmem>> -> memref<80x256xf32, #tpu.memory_space<vmem>>
        tpu.enqueue_dma source(%dma_start3A_124 : memref<80x256xf32, #tpu.memory_space<vmem>>) target(%dma_start3A_121 : memref<80x256xf32, #tpu.memory_space<hbm>>) target_semaphore(%run_scoped3A : memref<!tpu.dma_semaphore, #tpu.memory_space<semaphore_mem>>)
        %dma_wait3A_125 = arith.constant 0 : i32
        %dma_wait3A_126 = arith.constant 0 : i32
        %dma_wait3A_127 = tpu.memref_slice %arg6[%dma_wait3A_125, %dma_wait3A_126] : memref<320x256xf32, #tpu.memory_space<vmem>> -> memref<80x256xf32, #tpu.memory_space<vmem>>
        %dma_wait3A_128 = arith.constant 0 : i32
        %dma_wait3A_129 = tpu.memref_slice %arg4[%add3A_93, %dma_wait3A_128] : memref<40960x256xf32, #tpu.memory_space<hbm>> -> memref<80x256xf32, #tpu.memory_space<hbm>>
        %dma_wait3A_130 = arith.constant 0 : i32
        %dma_wait3A_131 = tpu.memref_slice %arg4[%add3A_93, %dma_wait3A_130] : memref<40960x256xf32, #tpu.memory_space<hbm>> -> memref<80x256xf32, #tpu.memory_space<hbm>>
        %dma_wait3A_132 = arith.constant 0 : i32
        %dma_wait3A_133 = arith.constant 0 : i32
        %dma_wait3A_134 = tpu.memref_slice %arg6[%dma_wait3A_132, %dma_wait3A_133] : memref<320x256xf32, #tpu.memory_space<vmem>> -> memref<80x256xf32, #tpu.memory_space<vmem>>
        tpu.wait_dma2 semaphore(%run_scoped3A : memref<!tpu.dma_semaphore, #tpu.memory_space<semaphore_mem>>) src(%dma_wait3A_134 : memref<80x256xf32, #tpu.memory_space<vmem>>) dst(%dma_wait3A_131 : memref<80x256xf32, #tpu.memory_space<hbm>>)
        tpu.yield
      }) : () -> ()
      %mul3A_94 = arith.constant 4 : i32
      %mul3A_95 = arith.muli %scan3A_8, %mul3A_94 : i32
      %add3A_96 = arith.constant 1 : i32
      %add3A_97 = arith.addi %mul3A_95, %add3A_96 : i32
      %mul3A_98 = arith.constant 80 : i32
      %mul3A_99 = arith.muli %add3A_97, %mul3A_98 : i32
      %add3A_100 = arith.addi %mul3A_2, %mul3A_99 : i32
      "tpu.region"() ({
        %run_scoped3A = tpu.sem_alloc : memref<!tpu.dma_semaphore, #tpu.memory_space<semaphore_mem>>
        %dma_start3A_115 = arith.constant 80 : i32
        %dma_start3A_116 = arith.constant 0 : i32
        %dma_start3A_117 = tpu.memref_slice %arg6[%dma_start3A_115, %dma_start3A_116] : memref<320x256xf32, #tpu.memory_space<vmem>> -> memref<80x256xf32, #tpu.memory_space<vmem>>
        %dma_start3A_118 = arith.constant 0 : i32
        %dma_start3A_119 = tpu.memref_slice %arg4[%add3A_100, %dma_start3A_118] : memref<40960x256xf32, #tpu.memory_space<hbm>> -> memref<80x256xf32, #tpu.memory_space<hbm>>
        %dma_start3A_120 = arith.constant 0 : i32
        %dma_start3A_121 = tpu.memref_slice %arg4[%add3A_100, %dma_start3A_120] : memref<40960x256xf32, #tpu.memory_space<hbm>> -> memref<80x256xf32, #tpu.memory_space<hbm>>
        %dma_start3A_122 = arith.constant 80 : i32
        %dma_start3A_123 = arith.constant 0 : i32
        %dma_start3A_124 = tpu.memref_slice %arg6[%dma_start3A_122, %dma_start3A_123] : memref<320x256xf32, #tpu.memory_space<vmem>> -> memref<80x256xf32, #tpu.memory_space<vmem>>
        tpu.enqueue_dma source(%dma_start3A_124 : memref<80x256xf32, #tpu.memory_space<vmem>>) target(%dma_start3A_121 : memref<80x256xf32, #tpu.memory_space<hbm>>) target_semaphore(%run_scoped3A : memref<!tpu.dma_semaphore, #tpu.memory_space<semaphore_mem>>)
        %dma_wait3A_125 = arith.constant 80 : i32
        %dma_wait3A_126 = arith.constant 0 : i32
        %dma_wait3A_127 = tpu.memref_slice %arg6[%dma_wait3A_125, %dma_wait3A_126] : memref<320x256xf32, #tpu.memory_space<vmem>> -> memref<80x256xf32, #tpu.memory_space<vmem>>
        %dma_wait3A_128 = arith.constant 0 : i32
        %dma_wait3A_129 = tpu.memref_slice %arg4[%add3A_100, %dma_wait3A_128] : memref<40960x256xf32, #tpu.memory_space<hbm>> -> memref<80x256xf32, #tpu.memory_space<hbm>>
        %dma_wait3A_130 = arith.constant 0 : i32
        %dma_wait3A_131 = tpu.memref_slice %arg4[%add3A_100, %dma_wait3A_130] : memref<40960x256xf32, #tpu.memory_space<hbm>> -> memref<80x256xf32, #tpu.memory_space<hbm>>
        %dma_wait3A_132 = arith.constant 80 : i32
        %dma_wait3A_133 = arith.constant 0 : i32
        %dma_wait3A_134 = tpu.memref_slice %arg6[%dma_wait3A_132, %dma_wait3A_133] : memref<320x256xf32, #tpu.memory_space<vmem>> -> memref<80x256xf32, #tpu.memory_space<vmem>>
        tpu.wait_dma2 semaphore(%run_scoped3A : memref<!tpu.dma_semaphore, #tpu.memory_space<semaphore_mem>>) src(%dma_wait3A_134 : memref<80x256xf32, #tpu.memory_space<vmem>>) dst(%dma_wait3A_131 : memref<80x256xf32, #tpu.memory_space<hbm>>)
        tpu.yield
      }) : () -> ()
      %mul3A_101 = arith.constant 4 : i32
      %mul3A_102 = arith.muli %scan3A_8, %mul3A_101 : i32
      %add3A_103 = arith.constant 2 : i32
      %add3A_104 = arith.addi %mul3A_102, %add3A_103 : i32
      %mul3A_105 = arith.constant 80 : i32
      %mul3A_106 = arith.muli %add3A_104, %mul3A_105 : i32
      %add3A_107 = arith.addi %mul3A_2, %mul3A_106 : i32
      "tpu.region"() ({
        %run_scoped3A = tpu.sem_alloc : memref<!tpu.dma_semaphore, #tpu.memory_space<semaphore_mem>>
        %dma_start3A_115 = arith.constant 160 : i32
        %dma_start3A_116 = arith.constant 0 : i32
        %dma_start3A_117 = tpu.memref_slice %arg6[%dma_start3A_115, %dma_start3A_116] : memref<320x256xf32, #tpu.memory_space<vmem>> -> memref<80x256xf32, #tpu.memory_space<vmem>>
        %dma_start3A_118 = arith.constant 0 : i32
        %dma_start3A_119 = tpu.memref_slice %arg4[%add3A_107, %dma_start3A_118] : memref<40960x256xf32, #tpu.memory_space<hbm>> -> memref<80x256xf32, #tpu.memory_space<hbm>>
        %dma_start3A_120 = arith.constant 0 : i32
        %dma_start3A_121 = tpu.memref_slice %arg4[%add3A_107, %dma_start3A_120] : memref<40960x256xf32, #tpu.memory_space<hbm>> -> memref<80x256xf32, #tpu.memory_space<hbm>>
        %dma_start3A_122 = arith.constant 160 : i32
        %dma_start3A_123 = arith.constant 0 : i32
        %dma_start3A_124 = tpu.memref_slice %arg6[%dma_start3A_122, %dma_start3A_123] : memref<320x256xf32, #tpu.memory_space<vmem>> -> memref<80x256xf32, #tpu.memory_space<vmem>>
        tpu.enqueue_dma source(%dma_start3A_124 : memref<80x256xf32, #tpu.memory_space<vmem>>) target(%dma_start3A_121 : memref<80x256xf32, #tpu.memory_space<hbm>>) target_semaphore(%run_scoped3A : memref<!tpu.dma_semaphore, #tpu.memory_space<semaphore_mem>>)
        %dma_wait3A_125 = arith.constant 160 : i32
        %dma_wait3A_126 = arith.constant 0 : i32
        %dma_wait3A_127 = tpu.memref_slice %arg6[%dma_wait3A_125, %dma_wait3A_126] : memref<320x256xf32, #tpu.memory_space<vmem>> -> memref<80x256xf32, #tpu.memory_space<vmem>>
        %dma_wait3A_128 = arith.constant 0 : i32
        %dma_wait3A_129 = tpu.memref_slice %arg4[%add3A_107, %dma_wait3A_128] : memref<40960x256xf32, #tpu.memory_space<hbm>> -> memref<80x256xf32, #tpu.memory_space<hbm>>
        %dma_wait3A_130 = arith.constant 0 : i32
        %dma_wait3A_131 = tpu.memref_slice %arg4[%add3A_107, %dma_wait3A_130] : memref<40960x256xf32, #tpu.memory_space<hbm>> -> memref<80x256xf32, #tpu.memory_space<hbm>>
        %dma_wait3A_132 = arith.constant 160 : i32
        %dma_wait3A_133 = arith.constant 0 : i32
        %dma_wait3A_134 = tpu.memref_slice %arg6[%dma_wait3A_132, %dma_wait3A_133] : memref<320x256xf32, #tpu.memory_space<vmem>> -> memref<80x256xf32, #tpu.memory_space<vmem>>
        tpu.wait_dma2 semaphore(%run_scoped3A : memref<!tpu.dma_semaphore, #tpu.memory_space<semaphore_mem>>) src(%dma_wait3A_134 : memref<80x256xf32, #tpu.memory_space<vmem>>) dst(%dma_wait3A_131 : memref<80x256xf32, #tpu.memory_space<hbm>>)
        tpu.yield
      }) : () -> ()
      %mul3A_108 = arith.constant 4 : i32
      %mul3A_109 = arith.muli %scan3A_8, %mul3A_108 : i32
      %add3A_110 = arith.constant 3 : i32
      %add3A_111 = arith.addi %mul3A_109, %add3A_110 : i32
      %mul3A_112 = arith.constant 80 : i32
      %mul3A_113 = arith.muli %add3A_111, %mul3A_112 : i32
      %add3A_114 = arith.addi %mul3A_2, %mul3A_113 : i32
      "tpu.region"() ({
        %run_scoped3A = tpu.sem_alloc : memref<!tpu.dma_semaphore, #tpu.memory_space<semaphore_mem>>
        %dma_start3A_115 = arith.constant 240 : i32
        %dma_start3A_116 = arith.constant 0 : i32
        %dma_start3A_117 = tpu.memref_slice %arg6[%dma_start3A_115, %dma_start3A_116] : memref<320x256xf32, #tpu.memory_space<vmem>> -> memref<80x256xf32, #tpu.memory_space<vmem>>
        %dma_start3A_118 = arith.constant 0 : i32
        %dma_start3A_119 = tpu.memref_slice %arg4[%add3A_114, %dma_start3A_118] : memref<40960x256xf32, #tpu.memory_space<hbm>> -> memref<80x256xf32, #tpu.memory_space<hbm>>
        %dma_start3A_120 = arith.constant 0 : i32
        %dma_start3A_121 = tpu.memref_slice %arg4[%add3A_114, %dma_start3A_120] : memref<40960x256xf32, #tpu.memory_space<hbm>> -> memref<80x256xf32, #tpu.memory_space<hbm>>
        %dma_start3A_122 = arith.constant 240 : i32
        %dma_start3A_123 = arith.constant 0 : i32
        %dma_start3A_124 = tpu.memref_slice %arg6[%dma_start3A_122, %dma_start3A_123] : memref<320x256xf32, #tpu.memory_space<vmem>> -> memref<80x256xf32, #tpu.memory_space<vmem>>
        tpu.enqueue_dma source(%dma_start3A_124 : memref<80x256xf32, #tpu.memory_space<vmem>>) target(%dma_start3A_121 : memref<80x256xf32, #tpu.memory_space<hbm>>) target_semaphore(%run_scoped3A : memref<!tpu.dma_semaphore, #tpu.memory_space<semaphore_mem>>)
        %dma_wait3A_125 = arith.constant 240 : i32
        %dma_wait3A_126 = arith.constant 0 : i32
        %dma_wait3A_127 = tpu.memref_slice %arg6[%dma_wait3A_125, %dma_wait3A_126] : memref<320x256xf32, #tpu.memory_space<vmem>> -> memref<80x256xf32, #tpu.memory_space<vmem>>
        %dma_wait3A_128 = arith.constant 0 : i32
        %dma_wait3A_129 = tpu.memref_slice %arg4[%add3A_114, %dma_wait3A_128] : memref<40960x256xf32, #tpu.memory_space<hbm>> -> memref<80x256xf32, #tpu.memory_space<hbm>>
        %dma_wait3A_130 = arith.constant 0 : i32
        %dma_wait3A_131 = tpu.memref_slice %arg4[%add3A_114, %dma_wait3A_130] : memref<40960x256xf32, #tpu.memory_space<hbm>> -> memref<80x256xf32, #tpu.memory_space<hbm>>
        %dma_wait3A_132 = arith.constant 240 : i32
        %dma_wait3A_133 = arith.constant 0 : i32
        %dma_wait3A_134 = tpu.memref_slice %arg6[%dma_wait3A_132, %dma_wait3A_133] : memref<320x256xf32, #tpu.memory_space<vmem>> -> memref<80x256xf32, #tpu.memory_space<vmem>>
        tpu.wait_dma2 semaphore(%run_scoped3A : memref<!tpu.dma_semaphore, #tpu.memory_space<semaphore_mem>>) src(%dma_wait3A_134 : memref<80x256xf32, #tpu.memory_space<vmem>>) dst(%dma_wait3A_131 : memref<80x256xf32, #tpu.memory_space<hbm>>)
        tpu.yield
      }) : () -> ()
    }
    %scan3A_7 = arith.constant 4 : i32
    return
  }
}

#map = affine_map<(d0, d1) -> (0, 0)>
#map1 = affine_map<(d0, d1) -> (0)>
module attributes {stable_mosaic.version = 14 : i64} {
  func.func @sck(%arg0: i32, %arg1: i32, %arg2: memref<2048x512xf32, #tpu.memory_space<hbm>>, %arg3: memref<40960xi32, #tpu.memory_space<hbm>>, %arg4: memref<40960x512xf32, #tpu.memory_space<hbm>>, %arg5: memref<1280xi32, #tpu.memory_space<vmem>>, %arg6: memref<160x512xf32, #tpu.memory_space<vmem>>, %arg7: memref<!tpu.dma_semaphore, #tpu.memory_space<semaphore_mem>>) attributes {dimension_semantics = [#tpu.dimension_semantics<core_parallel>, #tpu.dimension_semantics<subcore_parallel>], iteration_bounds = array<i64: 2, 16>, scalar_prefetch = 0 : i64, scratch_operands = 3 : i64, tpu.core_type = #tpu.core_type<sc_vector_subcore>, window_params = [{transform_indices = #map}, {transform_indices = #map1}, {transform_indices = #map}]} {
    %mul3A = arith.constant 2 : i32
    %mul3A_0 = arith.muli %arg1, %mul3A : i32
    %add3A = arith.addi %mul3A_0, %arg0 : i32
    %mul3A_1 = arith.constant 1280 : i32
    %mul3A_2 = arith.muli %add3A, %mul3A_1 : i32
    "tpu.region"() ({
      %run_scoped3A = tpu.sem_alloc : memref<!tpu.dma_semaphore, #tpu.memory_space<semaphore_mem>>
      %dma_start3A = tpu.memref_slice %arg3[%mul3A_2] : memref<40960xi32, #tpu.memory_space<hbm>> -> memref<1280xi32, #tpu.memory_space<hbm>>
      %dma_start3A_8 = tpu.memref_slice %arg3[%mul3A_2] : memref<40960xi32, #tpu.memory_space<hbm>> -> memref<1280xi32, #tpu.memory_space<hbm>>
      tpu.enqueue_dma source(%dma_start3A_8 : memref<1280xi32, #tpu.memory_space<hbm>>) target(%arg5 : memref<1280xi32, #tpu.memory_space<vmem>>) target_semaphore(%run_scoped3A : memref<!tpu.dma_semaphore, #tpu.memory_space<semaphore_mem>>)
      %dma_wait3A = tpu.memref_slice %arg3[%mul3A_2] : memref<40960xi32, #tpu.memory_space<hbm>> -> memref<1280xi32, #tpu.memory_space<hbm>>
      %dma_wait3A_9 = tpu.memref_slice %arg3[%mul3A_2] : memref<40960xi32, #tpu.memory_space<hbm>> -> memref<1280xi32, #tpu.memory_space<hbm>>
      tpu.wait_dma2 semaphore(%run_scoped3A : memref<!tpu.dma_semaphore, #tpu.memory_space<semaphore_mem>>) src(%dma_wait3A_9 : memref<1280xi32, #tpu.memory_space<hbm>>) dst(%arg5 : memref<1280xi32, #tpu.memory_space<vmem>>)
      tpu.yield
    }) : () -> ()
    %scan3A = arith.constant 0 : i32
    %scan3A_3 = arith.constant 0 : i32
    %scan3A_4 = arith.constant 8 : i32
    %scan3A_5 = arith.addi %scan3A_3, %scan3A_4 : i32
    %scan3A_6 = arith.constant 1 : i32
    scf.for %scan3A_8 = %scan3A_3 to %scan3A_5 step %scan3A_6  : i32 {
      %mul3A_9 = arith.constant 2 : i32
      %mul3A_10 = arith.muli %scan3A_8, %mul3A_9 : i32
      %add3A_11 = arith.constant 0 : i32
      %add3A_12 = arith.addi %mul3A_10, %add3A_11 : i32
      %mul3A_13 = arith.constant 80 : i32
      %mul3A_14 = arith.muli %add3A_12, %mul3A_13 : i32
      %dma_start3A = arith.constant 0 : i32
      %dma_start3A_15 = arith.constant 0 : i32
      %dma_start3A_16 = tpu.memref_slice %arg6[%dma_start3A, %dma_start3A_15] : memref<160x512xf32, #tpu.memory_space<vmem>> -> memref<80x512xf32, #tpu.memory_space<vmem>>
      %dma_start3A_17 = tpu.memref_slice %arg5[%mul3A_14] : memref<1280xi32, #tpu.memory_space<vmem>> -> memref<80xi32, #tpu.memory_space<vmem>>
      %dma_start3A_18 = arith.constant 0 : i32
      %dma_start3A_19 = arith.constant 0 : i32
      %dma_start3A_20 = tpu.memref_slice %arg2[%dma_start3A_18, %dma_start3A_19] : memref<2048x512xf32, #tpu.memory_space<hbm>> -> memref<2048x512xf32, #tpu.memory_space<hbm>>
      tpu.enqueue_indirect_dma source(%dma_start3A_20 : memref<2048x512xf32, #tpu.memory_space<hbm>>) target(%dma_start3A_16 : memref<80x512xf32, #tpu.memory_space<vmem>>) offsets(%dma_start3A_17 : memref<80xi32, #tpu.memory_space<vmem>>) semaphore(%arg7 : memref<!tpu.dma_semaphore, #tpu.memory_space<semaphore_mem>>)
      %mul3A_21 = arith.constant 2 : i32
      %mul3A_22 = arith.muli %scan3A_8, %mul3A_21 : i32
      %add3A_23 = arith.constant 1 : i32
      %add3A_24 = arith.addi %mul3A_22, %add3A_23 : i32
      %mul3A_25 = arith.constant 80 : i32
      %mul3A_26 = arith.muli %add3A_24, %mul3A_25 : i32
      %dma_start3A_27 = arith.constant 80 : i32
      %dma_start3A_28 = arith.constant 0 : i32
      %dma_start3A_29 = tpu.memref_slice %arg6[%dma_start3A_27, %dma_start3A_28] : memref<160x512xf32, #tpu.memory_space<vmem>> -> memref<80x512xf32, #tpu.memory_space<vmem>>
      %dma_start3A_30 = tpu.memref_slice %arg5[%mul3A_26] : memref<1280xi32, #tpu.memory_space<vmem>> -> memref<80xi32, #tpu.memory_space<vmem>>
      %dma_start3A_31 = arith.constant 0 : i32
      %dma_start3A_32 = arith.constant 0 : i32
      %dma_start3A_33 = tpu.memref_slice %arg2[%dma_start3A_31, %dma_start3A_32] : memref<2048x512xf32, #tpu.memory_space<hbm>> -> memref<2048x512xf32, #tpu.memory_space<hbm>>
      tpu.enqueue_indirect_dma source(%dma_start3A_33 : memref<2048x512xf32, #tpu.memory_space<hbm>>) target(%dma_start3A_29 : memref<80x512xf32, #tpu.memory_space<vmem>>) offsets(%dma_start3A_30 : memref<80xi32, #tpu.memory_space<vmem>>) semaphore(%arg7 : memref<!tpu.dma_semaphore, #tpu.memory_space<semaphore_mem>>)
      %dma_wait3A = arith.constant 0 : i32
      %dma_wait3A_34 = arith.constant 0 : i32
      %dma_wait3A_35 = tpu.memref_slice %arg6[%dma_wait3A, %dma_wait3A_34] : memref<160x512xf32, #tpu.memory_space<vmem>> -> memref<80x512xf32, #tpu.memory_space<vmem>>
      %dma_wait3A_36 = tpu.memref_slice %arg5[%mul3A_14] : memref<1280xi32, #tpu.memory_space<vmem>> -> memref<80xi32, #tpu.memory_space<vmem>>
      %dma_wait3A_37 = arith.constant 0 : i32
      %dma_wait3A_38 = arith.constant 0 : i32
      %dma_wait3A_39 = tpu.memref_slice %arg2[%dma_wait3A_37, %dma_wait3A_38] : memref<2048x512xf32, #tpu.memory_space<hbm>> -> memref<2048x512xf32, #tpu.memory_space<hbm>>
      tpu.wait_indirect_dma semaphore(%arg7 : memref<!tpu.dma_semaphore, #tpu.memory_space<semaphore_mem>>) src(%dma_wait3A_39 : memref<2048x512xf32, #tpu.memory_space<hbm>>) dst(%dma_wait3A_35 : memref<80x512xf32, #tpu.memory_space<vmem>>)
      %dma_wait3A_40 = arith.constant 80 : i32
      %dma_wait3A_41 = arith.constant 0 : i32
      %dma_wait3A_42 = tpu.memref_slice %arg6[%dma_wait3A_40, %dma_wait3A_41] : memref<160x512xf32, #tpu.memory_space<vmem>> -> memref<80x512xf32, #tpu.memory_space<vmem>>
      %dma_wait3A_43 = tpu.memref_slice %arg5[%mul3A_26] : memref<1280xi32, #tpu.memory_space<vmem>> -> memref<80xi32, #tpu.memory_space<vmem>>
      %dma_wait3A_44 = arith.constant 0 : i32
      %dma_wait3A_45 = arith.constant 0 : i32
      %dma_wait3A_46 = tpu.memref_slice %arg2[%dma_wait3A_44, %dma_wait3A_45] : memref<2048x512xf32, #tpu.memory_space<hbm>> -> memref<2048x512xf32, #tpu.memory_space<hbm>>
      tpu.wait_indirect_dma semaphore(%arg7 : memref<!tpu.dma_semaphore, #tpu.memory_space<semaphore_mem>>) src(%dma_wait3A_46 : memref<2048x512xf32, #tpu.memory_space<hbm>>) dst(%dma_wait3A_42 : memref<80x512xf32, #tpu.memory_space<vmem>>)
      %mul3A_47 = arith.constant 2 : i32
      %mul3A_48 = arith.muli %scan3A_8, %mul3A_47 : i32
      %add3A_49 = arith.constant 0 : i32
      %add3A_50 = arith.addi %mul3A_48, %add3A_49 : i32
      %mul3A_51 = arith.constant 80 : i32
      %mul3A_52 = arith.muli %add3A_50, %mul3A_51 : i32
      %add3A_53 = arith.addi %mul3A_2, %mul3A_52 : i32
      "tpu.region"() ({
        %run_scoped3A = tpu.sem_alloc : memref<!tpu.dma_semaphore, #tpu.memory_space<semaphore_mem>>
        %dma_start3A_61 = arith.constant 0 : i32
        %dma_start3A_62 = arith.constant 0 : i32
        %dma_start3A_63 = tpu.memref_slice %arg6[%dma_start3A_61, %dma_start3A_62] : memref<160x512xf32, #tpu.memory_space<vmem>> -> memref<80x512xf32, #tpu.memory_space<vmem>>
        %dma_start3A_64 = arith.constant 0 : i32
        %dma_start3A_65 = tpu.memref_slice %arg4[%add3A_53, %dma_start3A_64] : memref<40960x512xf32, #tpu.memory_space<hbm>> -> memref<80x512xf32, #tpu.memory_space<hbm>>
        %dma_start3A_66 = arith.constant 0 : i32
        %dma_start3A_67 = tpu.memref_slice %arg4[%add3A_53, %dma_start3A_66] : memref<40960x512xf32, #tpu.memory_space<hbm>> -> memref<80x512xf32, #tpu.memory_space<hbm>>
        %dma_start3A_68 = arith.constant 0 : i32
        %dma_start3A_69 = arith.constant 0 : i32
        %dma_start3A_70 = tpu.memref_slice %arg6[%dma_start3A_68, %dma_start3A_69] : memref<160x512xf32, #tpu.memory_space<vmem>> -> memref<80x512xf32, #tpu.memory_space<vmem>>
        tpu.enqueue_dma source(%dma_start3A_70 : memref<80x512xf32, #tpu.memory_space<vmem>>) target(%dma_start3A_67 : memref<80x512xf32, #tpu.memory_space<hbm>>) target_semaphore(%run_scoped3A : memref<!tpu.dma_semaphore, #tpu.memory_space<semaphore_mem>>)
        %dma_wait3A_71 = arith.constant 0 : i32
        %dma_wait3A_72 = arith.constant 0 : i32
        %dma_wait3A_73 = tpu.memref_slice %arg6[%dma_wait3A_71, %dma_wait3A_72] : memref<160x512xf32, #tpu.memory_space<vmem>> -> memref<80x512xf32, #tpu.memory_space<vmem>>
        %dma_wait3A_74 = arith.constant 0 : i32
        %dma_wait3A_75 = tpu.memref_slice %arg4[%add3A_53, %dma_wait3A_74] : memref<40960x512xf32, #tpu.memory_space<hbm>> -> memref<80x512xf32, #tpu.memory_space<hbm>>
        %dma_wait3A_76 = arith.constant 0 : i32
        %dma_wait3A_77 = tpu.memref_slice %arg4[%add3A_53, %dma_wait3A_76] : memref<40960x512xf32, #tpu.memory_space<hbm>> -> memref<80x512xf32, #tpu.memory_space<hbm>>
        %dma_wait3A_78 = arith.constant 0 : i32
        %dma_wait3A_79 = arith.constant 0 : i32
        %dma_wait3A_80 = tpu.memref_slice %arg6[%dma_wait3A_78, %dma_wait3A_79] : memref<160x512xf32, #tpu.memory_space<vmem>> -> memref<80x512xf32, #tpu.memory_space<vmem>>
        tpu.wait_dma2 semaphore(%run_scoped3A : memref<!tpu.dma_semaphore, #tpu.memory_space<semaphore_mem>>) src(%dma_wait3A_80 : memref<80x512xf32, #tpu.memory_space<vmem>>) dst(%dma_wait3A_77 : memref<80x512xf32, #tpu.memory_space<hbm>>)
        tpu.yield
      }) : () -> ()
      %mul3A_54 = arith.constant 2 : i32
      %mul3A_55 = arith.muli %scan3A_8, %mul3A_54 : i32
      %add3A_56 = arith.constant 1 : i32
      %add3A_57 = arith.addi %mul3A_55, %add3A_56 : i32
      %mul3A_58 = arith.constant 80 : i32
      %mul3A_59 = arith.muli %add3A_57, %mul3A_58 : i32
      %add3A_60 = arith.addi %mul3A_2, %mul3A_59 : i32
      "tpu.region"() ({
        %run_scoped3A = tpu.sem_alloc : memref<!tpu.dma_semaphore, #tpu.memory_space<semaphore_mem>>
        %dma_start3A_61 = arith.constant 80 : i32
        %dma_start3A_62 = arith.constant 0 : i32
        %dma_start3A_63 = tpu.memref_slice %arg6[%dma_start3A_61, %dma_start3A_62] : memref<160x512xf32, #tpu.memory_space<vmem>> -> memref<80x512xf32, #tpu.memory_space<vmem>>
        %dma_start3A_64 = arith.constant 0 : i32
        %dma_start3A_65 = tpu.memref_slice %arg4[%add3A_60, %dma_start3A_64] : memref<40960x512xf32, #tpu.memory_space<hbm>> -> memref<80x512xf32, #tpu.memory_space<hbm>>
        %dma_start3A_66 = arith.constant 0 : i32
        %dma_start3A_67 = tpu.memref_slice %arg4[%add3A_60, %dma_start3A_66] : memref<40960x512xf32, #tpu.memory_space<hbm>> -> memref<80x512xf32, #tpu.memory_space<hbm>>
        %dma_start3A_68 = arith.constant 80 : i32
        %dma_start3A_69 = arith.constant 0 : i32
        %dma_start3A_70 = tpu.memref_slice %arg6[%dma_start3A_68, %dma_start3A_69] : memref<160x512xf32, #tpu.memory_space<vmem>> -> memref<80x512xf32, #tpu.memory_space<vmem>>
        tpu.enqueue_dma source(%dma_start3A_70 : memref<80x512xf32, #tpu.memory_space<vmem>>) target(%dma_start3A_67 : memref<80x512xf32, #tpu.memory_space<hbm>>) target_semaphore(%run_scoped3A : memref<!tpu.dma_semaphore, #tpu.memory_space<semaphore_mem>>)
        %dma_wait3A_71 = arith.constant 80 : i32
        %dma_wait3A_72 = arith.constant 0 : i32
        %dma_wait3A_73 = tpu.memref_slice %arg6[%dma_wait3A_71, %dma_wait3A_72] : memref<160x512xf32, #tpu.memory_space<vmem>> -> memref<80x512xf32, #tpu.memory_space<vmem>>
        %dma_wait3A_74 = arith.constant 0 : i32
        %dma_wait3A_75 = tpu.memref_slice %arg4[%add3A_60, %dma_wait3A_74] : memref<40960x512xf32, #tpu.memory_space<hbm>> -> memref<80x512xf32, #tpu.memory_space<hbm>>
        %dma_wait3A_76 = arith.constant 0 : i32
        %dma_wait3A_77 = tpu.memref_slice %arg4[%add3A_60, %dma_wait3A_76] : memref<40960x512xf32, #tpu.memory_space<hbm>> -> memref<80x512xf32, #tpu.memory_space<hbm>>
        %dma_wait3A_78 = arith.constant 80 : i32
        %dma_wait3A_79 = arith.constant 0 : i32
        %dma_wait3A_80 = tpu.memref_slice %arg6[%dma_wait3A_78, %dma_wait3A_79] : memref<160x512xf32, #tpu.memory_space<vmem>> -> memref<80x512xf32, #tpu.memory_space<vmem>>
        tpu.wait_dma2 semaphore(%run_scoped3A : memref<!tpu.dma_semaphore, #tpu.memory_space<semaphore_mem>>) src(%dma_wait3A_80 : memref<80x512xf32, #tpu.memory_space<vmem>>) dst(%dma_wait3A_77 : memref<80x512xf32, #tpu.memory_space<hbm>>)
        tpu.yield
      }) : () -> ()
    }
    %scan3A_7 = arith.constant 8 : i32
    return
  }
}

#map = affine_map<(d0, d1) -> (0, 0)>
#map1 = affine_map<(d0, d1) -> (0)>
module attributes {stable_mosaic.version = 14 : i64} {
  func.func @sck(%arg0: i32, %arg1: i32, %arg2: memref<2048x512xf32, #tpu.memory_space<hbm>>, %arg3: memref<40960xi32, #tpu.memory_space<hbm>>, %arg4: memref<40960x512xf32, #tpu.memory_space<hbm>>, %arg5: memref<1280xi32, #tpu.memory_space<vmem>>, %arg6: memref<160x512xf32, #tpu.memory_space<vmem>>, %arg7: memref<!tpu.dma_semaphore, #tpu.memory_space<semaphore_mem>>) attributes {dimension_semantics = [#tpu.dimension_semantics<core_parallel>, #tpu.dimension_semantics<subcore_parallel>], iteration_bounds = array<i64: 2, 16>, scalar_prefetch = 0 : i64, scratch_operands = 3 : i64, tpu.core_type = #tpu.core_type<sc_vector_subcore>, window_params = [{transform_indices = #map}, {transform_indices = #map1}, {transform_indices = #map}]} {
    %mul3A = arith.constant 2 : i32
    %mul3A_0 = arith.muli %arg1, %mul3A : i32
    %add3A = arith.addi %mul3A_0, %arg0 : i32
    %mul3A_1 = arith.constant 1280 : i32
    %mul3A_2 = arith.muli %add3A, %mul3A_1 : i32
    "tpu.region"() ({
      %run_scoped3A = tpu.sem_alloc : memref<!tpu.dma_semaphore, #tpu.memory_space<semaphore_mem>>
      %dma_start3A = tpu.memref_slice %arg3[%mul3A_2] : memref<40960xi32, #tpu.memory_space<hbm>> -> memref<1280xi32, #tpu.memory_space<hbm>>
      %dma_start3A_8 = tpu.memref_slice %arg3[%mul3A_2] : memref<40960xi32, #tpu.memory_space<hbm>> -> memref<1280xi32, #tpu.memory_space<hbm>>
      tpu.enqueue_dma source(%dma_start3A_8 : memref<1280xi32, #tpu.memory_space<hbm>>) target(%arg5 : memref<1280xi32, #tpu.memory_space<vmem>>) target_semaphore(%run_scoped3A : memref<!tpu.dma_semaphore, #tpu.memory_space<semaphore_mem>>)
      %dma_wait3A = tpu.memref_slice %arg3[%mul3A_2] : memref<40960xi32, #tpu.memory_space<hbm>> -> memref<1280xi32, #tpu.memory_space<hbm>>
      %dma_wait3A_9 = tpu.memref_slice %arg3[%mul3A_2] : memref<40960xi32, #tpu.memory_space<hbm>> -> memref<1280xi32, #tpu.memory_space<hbm>>
      tpu.wait_dma2 semaphore(%run_scoped3A : memref<!tpu.dma_semaphore, #tpu.memory_space<semaphore_mem>>) src(%dma_wait3A_9 : memref<1280xi32, #tpu.memory_space<hbm>>) dst(%arg5 : memref<1280xi32, #tpu.memory_space<vmem>>)
      tpu.yield
    }) : () -> ()
    %scan3A = arith.constant 0 : i32
    %scan3A_3 = arith.constant 0 : i32
    %scan3A_4 = arith.constant 8 : i32
    %scan3A_5 = arith.addi %scan3A_3, %scan3A_4 : i32
    %scan3A_6 = arith.constant 1 : i32
    scf.for %scan3A_8 = %scan3A_3 to %scan3A_5 step %scan3A_6  : i32 {
      %mul3A_9 = arith.constant 2 : i32
      %mul3A_10 = arith.muli %scan3A_8, %mul3A_9 : i32
      %add3A_11 = arith.constant 0 : i32
      %add3A_12 = arith.addi %mul3A_10, %add3A_11 : i32
      %mul3A_13 = arith.constant 80 : i32
      %mul3A_14 = arith.muli %add3A_12, %mul3A_13 : i32
      %dma_start3A = arith.constant 0 : i32
      %dma_start3A_15 = arith.constant 0 : i32
      %dma_start3A_16 = tpu.memref_slice %arg6[%dma_start3A, %dma_start3A_15] : memref<160x512xf32, #tpu.memory_space<vmem>> -> memref<80x512xf32, #tpu.memory_space<vmem>>
      %dma_start3A_17 = tpu.memref_slice %arg5[%mul3A_14] : memref<1280xi32, #tpu.memory_space<vmem>> -> memref<80xi32, #tpu.memory_space<vmem>>
      %dma_start3A_18 = arith.constant 0 : i32
      %dma_start3A_19 = arith.constant 0 : i32
      %dma_start3A_20 = tpu.memref_slice %arg2[%dma_start3A_18, %dma_start3A_19] : memref<2048x512xf32, #tpu.memory_space<hbm>> -> memref<2048x512xf32, #tpu.memory_space<hbm>>
      tpu.enqueue_indirect_dma source(%dma_start3A_20 : memref<2048x512xf32, #tpu.memory_space<hbm>>) target(%dma_start3A_16 : memref<80x512xf32, #tpu.memory_space<vmem>>) offsets(%dma_start3A_17 : memref<80xi32, #tpu.memory_space<vmem>>) semaphore(%arg7 : memref<!tpu.dma_semaphore, #tpu.memory_space<semaphore_mem>>)
      %mul3A_21 = arith.constant 2 : i32
      %mul3A_22 = arith.muli %scan3A_8, %mul3A_21 : i32
      %add3A_23 = arith.constant 1 : i32
      %add3A_24 = arith.addi %mul3A_22, %add3A_23 : i32
      %mul3A_25 = arith.constant 80 : i32
      %mul3A_26 = arith.muli %add3A_24, %mul3A_25 : i32
      %dma_start3A_27 = arith.constant 80 : i32
      %dma_start3A_28 = arith.constant 0 : i32
      %dma_start3A_29 = tpu.memref_slice %arg6[%dma_start3A_27, %dma_start3A_28] : memref<160x512xf32, #tpu.memory_space<vmem>> -> memref<80x512xf32, #tpu.memory_space<vmem>>
      %dma_start3A_30 = tpu.memref_slice %arg5[%mul3A_26] : memref<1280xi32, #tpu.memory_space<vmem>> -> memref<80xi32, #tpu.memory_space<vmem>>
      %dma_start3A_31 = arith.constant 0 : i32
      %dma_start3A_32 = arith.constant 0 : i32
      %dma_start3A_33 = tpu.memref_slice %arg2[%dma_start3A_31, %dma_start3A_32] : memref<2048x512xf32, #tpu.memory_space<hbm>> -> memref<2048x512xf32, #tpu.memory_space<hbm>>
      tpu.enqueue_indirect_dma source(%dma_start3A_33 : memref<2048x512xf32, #tpu.memory_space<hbm>>) target(%dma_start3A_29 : memref<80x512xf32, #tpu.memory_space<vmem>>) offsets(%dma_start3A_30 : memref<80xi32, #tpu.memory_space<vmem>>) semaphore(%arg7 : memref<!tpu.dma_semaphore, #tpu.memory_space<semaphore_mem>>)
      %dma_wait3A = arith.constant 0 : i32
      %dma_wait3A_34 = arith.constant 0 : i32
      %dma_wait3A_35 = tpu.memref_slice %arg6[%dma_wait3A, %dma_wait3A_34] : memref<160x512xf32, #tpu.memory_space<vmem>> -> memref<80x512xf32, #tpu.memory_space<vmem>>
      %dma_wait3A_36 = tpu.memref_slice %arg5[%mul3A_14] : memref<1280xi32, #tpu.memory_space<vmem>> -> memref<80xi32, #tpu.memory_space<vmem>>
      %dma_wait3A_37 = arith.constant 0 : i32
      %dma_wait3A_38 = arith.constant 0 : i32
      %dma_wait3A_39 = tpu.memref_slice %arg2[%dma_wait3A_37, %dma_wait3A_38] : memref<2048x512xf32, #tpu.memory_space<hbm>> -> memref<2048x512xf32, #tpu.memory_space<hbm>>
      tpu.wait_indirect_dma semaphore(%arg7 : memref<!tpu.dma_semaphore, #tpu.memory_space<semaphore_mem>>) src(%dma_wait3A_39 : memref<2048x512xf32, #tpu.memory_space<hbm>>) dst(%dma_wait3A_35 : memref<80x512xf32, #tpu.memory_space<vmem>>)
      %dma_wait3A_40 = arith.constant 80 : i32
      %dma_wait3A_41 = arith.constant 0 : i32
      %dma_wait3A_42 = tpu.memref_slice %arg6[%dma_wait3A_40, %dma_wait3A_41] : memref<160x512xf32, #tpu.memory_space<vmem>> -> memref<80x512xf32, #tpu.memory_space<vmem>>
      %dma_wait3A_43 = tpu.memref_slice %arg5[%mul3A_26] : memref<1280xi32, #tpu.memory_space<vmem>> -> memref<80xi32, #tpu.memory_space<vmem>>
      %dma_wait3A_44 = arith.constant 0 : i32
      %dma_wait3A_45 = arith.constant 0 : i32
      %dma_wait3A_46 = tpu.memref_slice %arg2[%dma_wait3A_44, %dma_wait3A_45] : memref<2048x512xf32, #tpu.memory_space<hbm>> -> memref<2048x512xf32, #tpu.memory_space<hbm>>
      tpu.wait_indirect_dma semaphore(%arg7 : memref<!tpu.dma_semaphore, #tpu.memory_space<semaphore_mem>>) src(%dma_wait3A_46 : memref<2048x512xf32, #tpu.memory_space<hbm>>) dst(%dma_wait3A_42 : memref<80x512xf32, #tpu.memory_space<vmem>>)
      %mul3A_47 = arith.constant 2 : i32
      %mul3A_48 = arith.muli %scan3A_8, %mul3A_47 : i32
      %add3A_49 = arith.constant 0 : i32
      %add3A_50 = arith.addi %mul3A_48, %add3A_49 : i32
      %mul3A_51 = arith.constant 80 : i32
      %mul3A_52 = arith.muli %add3A_50, %mul3A_51 : i32
      %add3A_53 = arith.addi %mul3A_2, %mul3A_52 : i32
      "tpu.region"() ({
        %run_scoped3A = tpu.sem_alloc : memref<!tpu.dma_semaphore, #tpu.memory_space<semaphore_mem>>
        %dma_start3A_61 = arith.constant 0 : i32
        %dma_start3A_62 = arith.constant 0 : i32
        %dma_start3A_63 = tpu.memref_slice %arg6[%dma_start3A_61, %dma_start3A_62] : memref<160x512xf32, #tpu.memory_space<vmem>> -> memref<80x512xf32, #tpu.memory_space<vmem>>
        %dma_start3A_64 = arith.constant 0 : i32
        %dma_start3A_65 = tpu.memref_slice %arg4[%add3A_53, %dma_start3A_64] : memref<40960x512xf32, #tpu.memory_space<hbm>> -> memref<80x512xf32, #tpu.memory_space<hbm>>
        %dma_start3A_66 = arith.constant 0 : i32
        %dma_start3A_67 = tpu.memref_slice %arg4[%add3A_53, %dma_start3A_66] : memref<40960x512xf32, #tpu.memory_space<hbm>> -> memref<80x512xf32, #tpu.memory_space<hbm>>
        %dma_start3A_68 = arith.constant 0 : i32
        %dma_start3A_69 = arith.constant 0 : i32
        %dma_start3A_70 = tpu.memref_slice %arg6[%dma_start3A_68, %dma_start3A_69] : memref<160x512xf32, #tpu.memory_space<vmem>> -> memref<80x512xf32, #tpu.memory_space<vmem>>
        tpu.enqueue_dma source(%dma_start3A_70 : memref<80x512xf32, #tpu.memory_space<vmem>>) target(%dma_start3A_67 : memref<80x512xf32, #tpu.memory_space<hbm>>) target_semaphore(%run_scoped3A : memref<!tpu.dma_semaphore, #tpu.memory_space<semaphore_mem>>)
        %dma_wait3A_71 = arith.constant 0 : i32
        %dma_wait3A_72 = arith.constant 0 : i32
        %dma_wait3A_73 = tpu.memref_slice %arg6[%dma_wait3A_71, %dma_wait3A_72] : memref<160x512xf32, #tpu.memory_space<vmem>> -> memref<80x512xf32, #tpu.memory_space<vmem>>
        %dma_wait3A_74 = arith.constant 0 : i32
        %dma_wait3A_75 = tpu.memref_slice %arg4[%add3A_53, %dma_wait3A_74] : memref<40960x512xf32, #tpu.memory_space<hbm>> -> memref<80x512xf32, #tpu.memory_space<hbm>>
        %dma_wait3A_76 = arith.constant 0 : i32
        %dma_wait3A_77 = tpu.memref_slice %arg4[%add3A_53, %dma_wait3A_76] : memref<40960x512xf32, #tpu.memory_space<hbm>> -> memref<80x512xf32, #tpu.memory_space<hbm>>
        %dma_wait3A_78 = arith.constant 0 : i32
        %dma_wait3A_79 = arith.constant 0 : i32
        %dma_wait3A_80 = tpu.memref_slice %arg6[%dma_wait3A_78, %dma_wait3A_79] : memref<160x512xf32, #tpu.memory_space<vmem>> -> memref<80x512xf32, #tpu.memory_space<vmem>>
        tpu.wait_dma2 semaphore(%run_scoped3A : memref<!tpu.dma_semaphore, #tpu.memory_space<semaphore_mem>>) src(%dma_wait3A_80 : memref<80x512xf32, #tpu.memory_space<vmem>>) dst(%dma_wait3A_77 : memref<80x512xf32, #tpu.memory_space<hbm>>)
        tpu.yield
      }) : () -> ()
      %mul3A_54 = arith.constant 2 : i32
      %mul3A_55 = arith.muli %scan3A_8, %mul3A_54 : i32
      %add3A_56 = arith.constant 1 : i32
      %add3A_57 = arith.addi %mul3A_55, %add3A_56 : i32
      %mul3A_58 = arith.constant 80 : i32
      %mul3A_59 = arith.muli %add3A_57, %mul3A_58 : i32
      %add3A_60 = arith.addi %mul3A_2, %mul3A_59 : i32
      "tpu.region"() ({
        %run_scoped3A = tpu.sem_alloc : memref<!tpu.dma_semaphore, #tpu.memory_space<semaphore_mem>>
        %dma_start3A_61 = arith.constant 80 : i32
        %dma_start3A_62 = arith.constant 0 : i32
        %dma_start3A_63 = tpu.memref_slice %arg6[%dma_start3A_61, %dma_start3A_62] : memref<160x512xf32, #tpu.memory_space<vmem>> -> memref<80x512xf32, #tpu.memory_space<vmem>>
        %dma_start3A_64 = arith.constant 0 : i32
        %dma_start3A_65 = tpu.memref_slice %arg4[%add3A_60, %dma_start3A_64] : memref<40960x512xf32, #tpu.memory_space<hbm>> -> memref<80x512xf32, #tpu.memory_space<hbm>>
        %dma_start3A_66 = arith.constant 0 : i32
        %dma_start3A_67 = tpu.memref_slice %arg4[%add3A_60, %dma_start3A_66] : memref<40960x512xf32, #tpu.memory_space<hbm>> -> memref<80x512xf32, #tpu.memory_space<hbm>>
        %dma_start3A_68 = arith.constant 80 : i32
        %dma_start3A_69 = arith.constant 0 : i32
        %dma_start3A_70 = tpu.memref_slice %arg6[%dma_start3A_68, %dma_start3A_69] : memref<160x512xf32, #tpu.memory_space<vmem>> -> memref<80x512xf32, #tpu.memory_space<vmem>>
        tpu.enqueue_dma source(%dma_start3A_70 : memref<80x512xf32, #tpu.memory_space<vmem>>) target(%dma_start3A_67 : memref<80x512xf32, #tpu.memory_space<hbm>>) target_semaphore(%run_scoped3A : memref<!tpu.dma_semaphore, #tpu.memory_space<semaphore_mem>>)
        %dma_wait3A_71 = arith.constant 80 : i32
        %dma_wait3A_72 = arith.constant 0 : i32
        %dma_wait3A_73 = tpu.memref_slice %arg6[%dma_wait3A_71, %dma_wait3A_72] : memref<160x512xf32, #tpu.memory_space<vmem>> -> memref<80x512xf32, #tpu.memory_space<vmem>>
        %dma_wait3A_74 = arith.constant 0 : i32
        %dma_wait3A_75 = tpu.memref_slice %arg4[%add3A_60, %dma_wait3A_74] : memref<40960x512xf32, #tpu.memory_space<hbm>> -> memref<80x512xf32, #tpu.memory_space<hbm>>
        %dma_wait3A_76 = arith.constant 0 : i32
        %dma_wait3A_77 = tpu.memref_slice %arg4[%add3A_60, %dma_wait3A_76] : memref<40960x512xf32, #tpu.memory_space<hbm>> -> memref<80x512xf32, #tpu.memory_space<hbm>>
        %dma_wait3A_78 = arith.constant 80 : i32
        %dma_wait3A_79 = arith.constant 0 : i32
        %dma_wait3A_80 = tpu.memref_slice %arg6[%dma_wait3A_78, %dma_wait3A_79] : memref<160x512xf32, #tpu.memory_space<vmem>> -> memref<80x512xf32, #tpu.memory_space<vmem>>
        tpu.wait_dma2 semaphore(%run_scoped3A : memref<!tpu.dma_semaphore, #tpu.memory_space<semaphore_mem>>) src(%dma_wait3A_80 : memref<80x512xf32, #tpu.memory_space<vmem>>) dst(%dma_wait3A_77 : memref<80x512xf32, #tpu.memory_space<hbm>>)
        tpu.yield
      }) : () -> ()
    }
    %scan3A_7 = arith.constant 8 : i32
    return
  }
}

module attributes {stable_mosaic.version = 14 : i64} {
  func.func @body(%arg0: i32, %arg1: i32, %arg2: memref<1x512x3xf32, #tpu.memory_space<vmem>>, %arg3: memref<1x2048x3xf32, #tpu.memory_space<vmem>>, %arg4: memref<1x512x20xi32, #tpu.memory_space<vmem>>) attributes {dimension_semantics = [#tpu.dimension_semantics<arbitrary>, #tpu.dimension_semantics<arbitrary>], iteration_bounds = array<i64: 4, 4>, scalar_prefetch = 0 : i64, scratch_operands = 0 : i64, tpu.core_type = #tpu.core_type<tc>, window_params = [{transform_indices = @transform_0, window_bounds = array<i64: 1, 512, 3>}, {transform_indices = @transform_1, window_bounds = array<i64: 1, 2048, 3>}, {transform_indices = @transform_2, window_bounds = array<i64: 1, 512, 20>}]} {
    %get3A = arith.constant 0 : index
    %get3A_0 = arith.constant 0 : index
    %get3A_1 = arith.constant 0 : index
    %get3A_2 = vector.load %arg2[%get3A, %get3A_0, %get3A_1] : memref<1x512x3xf32, #tpu.memory_space<vmem>>, vector<1x512x3xf32>
    %get3A_3 = vector.shape_cast %get3A_2 : vector<1x512x3xf32> to vector<512x3xf32>
    %get3A_4 = arith.constant 0 : index
    %get3A_5 = arith.constant 0 : index
    %get3A_6 = arith.constant 0 : index
    %get3A_7 = vector.load %arg3[%get3A_4, %get3A_5, %get3A_6] : memref<1x2048x3xf32, #tpu.memory_space<vmem>>, vector<1x2048x3xf32>
    %get3A_8 = vector.shape_cast %get3A_7 : vector<1x2048x3xf32> to vector<2048x3xf32>
    %mul3A = arith.mulf %get3A_3, %get3A_3 : vector<512x3xf32>
    %reduce_sum3A = arith.constant dense<0.000000e+00> : vector<512xf32>
    %reduce_sum3A_9 = vector.multi_reduction <add>, %mul3A, %reduce_sum3A [1] : vector<512x3xf32> to vector<512xf32>
    %broadcast_in_dim3A = vector.shape_cast %reduce_sum3A_9 : vector<512xf32> to vector<512x1xf32>
    %mul3A_10 = arith.mulf %get3A_8, %get3A_8 : vector<2048x3xf32>
    %reduce_sum3A_11 = arith.constant dense<0.000000e+00> : vector<2048xf32>
    %reduce_sum3A_12 = vector.multi_reduction <add>, %mul3A_10, %reduce_sum3A_11 [1] : vector<2048x3xf32> to vector<2048xf32>
    %broadcast_in_dim3A_13 = vector.shape_cast %reduce_sum3A_12 : vector<2048xf32> to vector<1x2048xf32>
    %dot_general3A = arith.constant dense<0.000000e+00> : vector<512x2048xf32>
    %dot_general3A_14 = tpu.matmul %get3A_3, %get3A_8, %dot_general3A {dimension_numbers = #tpu.dot_dimension_numbers<[1], [1], [0], [0], [0, 0, 1, 0], [], []>, transpose_lhs_hint = false} : vector<512x3xf32>, vector<2048x3xf32>, vector<512x2048xf32> -> vector<512x2048xf32>
    %add3A = vector.broadcast %broadcast_in_dim3A : vector<512x1xf32> to vector<512x2048xf32>
    %add3A_15 = vector.broadcast %broadcast_in_dim3A_13 : vector<1x2048xf32> to vector<512x2048xf32>
    %add3A_16 = arith.addf %add3A, %add3A_15 : vector<512x2048xf32>
    %mul3A_17 = arith.constant 2.000000e+00 : f32
    %mul3A_18 = vector.broadcast %mul3A_17 : f32 to vector<512x2048xf32>
    %mul3A_19 = arith.mulf %mul3A_18, %dot_general3A_14 : vector<512x2048xf32>
    %sub3A = arith.subf %add3A_16, %mul3A_19 : vector<512x2048xf32>
    %iota3A = tpu.iota {dimensions = array<i32: 1>} : vector<512x2048xi32>
    %iota3A_20 = tpu.iota {dimensions = array<i32: 1>} : vector<512x20xi32>
    %broadcast_in_dim3A_21 = arith.constant 0 : i32
    %broadcast_in_dim3A_22 = vector.broadcast %broadcast_in_dim3A_21 : i32 to vector<512x20xi32>
    %scan3A = arith.constant 0x7F800000 : f32
    %scan3A_23 = arith.constant 0 : i32
    %scan3A_24 = arith.constant 20 : i32
    %scan3A_25 = arith.addi %scan3A_23, %scan3A_24 : i32
    %scan3A_26 = arith.constant 1 : i32
    %scan3A_27:2 = scf.for %scan3A_38 = %scan3A_23 to %scan3A_25 step %scan3A_26 iter_args(%scan3A_39 = %sub3A, %scan3A_40 = %broadcast_in_dim3A_22) -> (vector<512x2048xf32>, vector<512x20xi32>)  : i32 {
      %reduce_min3A = arith.constant dense<0x7F800000> : vector<512xf32>
      %reduce_min3A_41 = vector.multi_reduction <minimumf>, %scan3A_39, %reduce_min3A [1] : vector<512x2048xf32> to vector<512xf32>
      %broadcast_in_dim3A_42 = vector.shape_cast %reduce_min3A_41 : vector<512xf32> to vector<512x1xf32>
      %le3A = vector.broadcast %broadcast_in_dim3A_42 : vector<512x1xf32> to vector<512x2048xf32>
      %le3A_43 = arith.cmpf ole, %scan3A_39, %le3A : vector<512x2048xf32>
      %jit3A = arith.constant 2048 : i32
      %broadcast_in_dim3A_44 = vector.broadcast %jit3A : i32 to vector<512x2048xi32>
      %select_n3A = arith.select %le3A_43, %iota3A, %broadcast_in_dim3A_44 : vector<512x2048xi1>, vector<512x2048xi32>
      %reduce_min3A_45 = arith.constant dense<2147483647> : vector<512xi32>
      %reduce_min3A_46 = vector.multi_reduction <minsi>, %select_n3A, %reduce_min3A_45 [1] : vector<512x2048xi32> to vector<512xi32>
      %broadcast_in_dim3A_47 = vector.shape_cast %reduce_min3A_46 : vector<512xi32> to vector<512x1xi32>
      %eq3A = vector.broadcast %broadcast_in_dim3A_47 : vector<512x1xi32> to vector<512x2048xi32>
      %eq3A_48 = arith.cmpi eq, %iota3A, %eq3A : vector<512x2048xi32>
      %broadcast_in_dim3A_49 = vector.broadcast %scan3A : f32 to vector<512x2048xf32>
      %select_n3A_50 = arith.select %eq3A_48, %broadcast_in_dim3A_49, %scan3A_39 : vector<512x2048xi1>, vector<512x2048xf32>
      %eq3A_51 = vector.broadcast %scan3A_38 : i32 to vector<512x20xi32>
      %eq3A_52 = arith.cmpi eq, %iota3A_20, %eq3A_51 : vector<512x20xi32>
      %convert_element_type3A = arith.extui %eq3A_52 : vector<512x20xi1> to vector<512x20xi32>
      %mul3A_53 = vector.broadcast %broadcast_in_dim3A_47 : vector<512x1xi32> to vector<512x20xi32>
      %mul3A_54 = arith.muli %mul3A_53, %convert_element_type3A : vector<512x20xi32>
      %add3A_55 = arith.addi %scan3A_40, %mul3A_54 : vector<512x20xi32>
      scf.yield %select_n3A_50, %add3A_55 : vector<512x2048xf32>, vector<512x20xi32>
    }
    %scan3A_28 = arith.constant 20 : i32
    %mul3A_29 = arith.constant 2048 : i32
    %mul3A_30 = arith.muli %arg0, %mul3A_29 : i32
    %add3A_31 = vector.broadcast %mul3A_30 : i32 to vector<512x20xi32>
    %add3A_32 = arith.addi %scan3A_27#1, %add3A_31 : vector<512x20xi32>
    %swap3A = arith.constant 0 : index
    %swap3A_33 = arith.constant 0 : index
    %swap3A_34 = arith.constant 0 : index
    %swap3A_35 = vector.load %arg4[%swap3A, %swap3A_33, %swap3A_34] : memref<1x512x20xi32, #tpu.memory_space<vmem>>, vector<1x512x20xi32>
    %swap3A_36 = vector.shape_cast %swap3A_35 : vector<1x512x20xi32> to vector<512x20xi32>
    %swap3A_37 = vector.shape_cast %add3A_32 : vector<512x20xi32> to vector<1x512x20xi32>
    tpu.vector_store %arg4[%swap3A, %swap3A_33, %swap3A_34], %swap3A_37 {strides = array<i32>} : memref<1x512x20xi32, #tpu.memory_space<vmem>>, vector<1x512x20xi32>,
    return
  }
  func.func @transform_0(%arg0: i32, %arg1: i32) -> (i32, i32, i32) {
    %c0_i32 = arith.constant 0 : i32
    %c0_i32_0 = arith.constant 0 : i32
    return %arg0, %arg1, %c0_i32 : i32, i32, i32
  }
  func.func @transform_1(%arg0: i32, %arg1: i32) -> (i32, i32, i32) {
    %c0_i32 = arith.constant 0 : i32
    %c0_i32_0 = arith.constant 0 : i32
    %c0_i32_1 = arith.constant 0 : i32
    return %arg0, %c0_i32, %c0_i32_0 : i32, i32, i32
  }
  func.func @transform_2(%arg0: i32, %arg1: i32) -> (i32, i32, i32) {
    %c0_i32 = arith.constant 0 : i32
    %c0_i32_0 = arith.constant 0 : i32
    return %arg0, %arg1, %c0_i32 : i32, i32, i32
  }
}

module attributes {stable_mosaic.version = 14 : i64} {
  func.func @body(%arg0: i32, %arg1: i32, %arg2: memref<1x512x32xf32, #tpu.memory_space<vmem>>, %arg3: memref<1x2048x32xf32, #tpu.memory_space<vmem>>, %arg4: memref<1x512x20xi32, #tpu.memory_space<vmem>>) attributes {dimension_semantics = [#tpu.dimension_semantics<arbitrary>, #tpu.dimension_semantics<arbitrary>], iteration_bounds = array<i64: 4, 4>, scalar_prefetch = 0 : i64, scratch_operands = 0 : i64, tpu.core_type = #tpu.core_type<tc>, window_params = [{transform_indices = @transform_0, window_bounds = array<i64: 1, 512, 32>}, {transform_indices = @transform_1, window_bounds = array<i64: 1, 2048, 32>}, {transform_indices = @transform_2, window_bounds = array<i64: 1, 512, 20>}]} {
    %get3A = arith.constant 0 : index
    %get3A_0 = arith.constant 0 : index
    %get3A_1 = arith.constant 0 : index
    %get3A_2 = vector.load %arg2[%get3A, %get3A_0, %get3A_1] : memref<1x512x32xf32, #tpu.memory_space<vmem>>, vector<1x512x32xf32>
    %get3A_3 = vector.shape_cast %get3A_2 : vector<1x512x32xf32> to vector<512x32xf32>
    %get3A_4 = arith.constant 0 : index
    %get3A_5 = arith.constant 0 : index
    %get3A_6 = arith.constant 0 : index
    %get3A_7 = vector.load %arg3[%get3A_4, %get3A_5, %get3A_6] : memref<1x2048x32xf32, #tpu.memory_space<vmem>>, vector<1x2048x32xf32>
    %get3A_8 = vector.shape_cast %get3A_7 : vector<1x2048x32xf32> to vector<2048x32xf32>
    %mul3A = arith.mulf %get3A_3, %get3A_3 : vector<512x32xf32>
    %reduce_sum3A = arith.constant dense<0.000000e+00> : vector<512xf32>
    %reduce_sum3A_9 = vector.multi_reduction <add>, %mul3A, %reduce_sum3A [1] : vector<512x32xf32> to vector<512xf32>
    %broadcast_in_dim3A = vector.shape_cast %reduce_sum3A_9 : vector<512xf32> to vector<512x1xf32>
    %mul3A_10 = arith.mulf %get3A_8, %get3A_8 : vector<2048x32xf32>
    %reduce_sum3A_11 = arith.constant dense<0.000000e+00> : vector<2048xf32>
    %reduce_sum3A_12 = vector.multi_reduction <add>, %mul3A_10, %reduce_sum3A_11 [1] : vector<2048x32xf32> to vector<2048xf32>
    %broadcast_in_dim3A_13 = vector.shape_cast %reduce_sum3A_12 : vector<2048xf32> to vector<1x2048xf32>
    %dot_general3A = arith.constant dense<0.000000e+00> : vector<512x2048xf32>
    %dot_general3A_14 = tpu.matmul %get3A_3, %get3A_8, %dot_general3A {dimension_numbers = #tpu.dot_dimension_numbers<[1], [1], [0], [0], [0, 0, 1, 0], [], []>, transpose_lhs_hint = false} : vector<512x32xf32>, vector<2048x32xf32>, vector<512x2048xf32> -> vector<512x2048xf32>
    %add3A = vector.broadcast %broadcast_in_dim3A : vector<512x1xf32> to vector<512x2048xf32>
    %add3A_15 = vector.broadcast %broadcast_in_dim3A_13 : vector<1x2048xf32> to vector<512x2048xf32>
    %add3A_16 = arith.addf %add3A, %add3A_15 : vector<512x2048xf32>
    %mul3A_17 = arith.constant 2.000000e+00 : f32
    %mul3A_18 = vector.broadcast %mul3A_17 : f32 to vector<512x2048xf32>
    %mul3A_19 = arith.mulf %mul3A_18, %dot_general3A_14 : vector<512x2048xf32>
    %sub3A = arith.subf %add3A_16, %mul3A_19 : vector<512x2048xf32>
    %iota3A = tpu.iota {dimensions = array<i32: 1>} : vector<512x2048xi32>
    %iota3A_20 = tpu.iota {dimensions = array<i32: 1>} : vector<512x20xi32>
    %broadcast_in_dim3A_21 = arith.constant 0 : i32
    %broadcast_in_dim3A_22 = vector.broadcast %broadcast_in_dim3A_21 : i32 to vector<512x20xi32>
    %scan3A = arith.constant 0x7F800000 : f32
    %scan3A_23 = arith.constant 0 : i32
    %scan3A_24 = arith.constant 20 : i32
    %scan3A_25 = arith.addi %scan3A_23, %scan3A_24 : i32
    %scan3A_26 = arith.constant 1 : i32
    %scan3A_27:2 = scf.for %scan3A_38 = %scan3A_23 to %scan3A_25 step %scan3A_26 iter_args(%scan3A_39 = %sub3A, %scan3A_40 = %broadcast_in_dim3A_22) -> (vector<512x2048xf32>, vector<512x20xi32>)  : i32 {
      %reduce_min3A = arith.constant dense<0x7F800000> : vector<512xf32>
      %reduce_min3A_41 = vector.multi_reduction <minimumf>, %scan3A_39, %reduce_min3A [1] : vector<512x2048xf32> to vector<512xf32>
      %broadcast_in_dim3A_42 = vector.shape_cast %reduce_min3A_41 : vector<512xf32> to vector<512x1xf32>
      %le3A = vector.broadcast %broadcast_in_dim3A_42 : vector<512x1xf32> to vector<512x2048xf32>
      %le3A_43 = arith.cmpf ole, %scan3A_39, %le3A : vector<512x2048xf32>
      %jit3A = arith.constant 2048 : i32
      %broadcast_in_dim3A_44 = vector.broadcast %jit3A : i32 to vector<512x2048xi32>
      %select_n3A = arith.select %le3A_43, %iota3A, %broadcast_in_dim3A_44 : vector<512x2048xi1>, vector<512x2048xi32>
      %reduce_min3A_45 = arith.constant dense<2147483647> : vector<512xi32>
      %reduce_min3A_46 = vector.multi_reduction <minsi>, %select_n3A, %reduce_min3A_45 [1] : vector<512x2048xi32> to vector<512xi32>
      %broadcast_in_dim3A_47 = vector.shape_cast %reduce_min3A_46 : vector<512xi32> to vector<512x1xi32>
      %eq3A = vector.broadcast %broadcast_in_dim3A_47 : vector<512x1xi32> to vector<512x2048xi32>
      %eq3A_48 = arith.cmpi eq, %iota3A, %eq3A : vector<512x2048xi32>
      %broadcast_in_dim3A_49 = vector.broadcast %scan3A : f32 to vector<512x2048xf32>
      %select_n3A_50 = arith.select %eq3A_48, %broadcast_in_dim3A_49, %scan3A_39 : vector<512x2048xi1>, vector<512x2048xf32>
      %eq3A_51 = vector.broadcast %scan3A_38 : i32 to vector<512x20xi32>
      %eq3A_52 = arith.cmpi eq, %iota3A_20, %eq3A_51 : vector<512x20xi32>
      %convert_element_type3A = arith.extui %eq3A_52 : vector<512x20xi1> to vector<512x20xi32>
      %mul3A_53 = vector.broadcast %broadcast_in_dim3A_47 : vector<512x1xi32> to vector<512x20xi32>
      %mul3A_54 = arith.muli %mul3A_53, %convert_element_type3A : vector<512x20xi32>
      %add3A_55 = arith.addi %scan3A_40, %mul3A_54 : vector<512x20xi32>
      scf.yield %select_n3A_50, %add3A_55 : vector<512x2048xf32>, vector<512x20xi32>
    }
    %scan3A_28 = arith.constant 20 : i32
    %mul3A_29 = arith.constant 2048 : i32
    %mul3A_30 = arith.muli %arg0, %mul3A_29 : i32
    %add3A_31 = vector.broadcast %mul3A_30 : i32 to vector<512x20xi32>
    %add3A_32 = arith.addi %scan3A_27#1, %add3A_31 : vector<512x20xi32>
    %swap3A = arith.constant 0 : index
    %swap3A_33 = arith.constant 0 : index
    %swap3A_34 = arith.constant 0 : index
    %swap3A_35 = vector.load %arg4[%swap3A, %swap3A_33, %swap3A_34] : memref<1x512x20xi32, #tpu.memory_space<vmem>>, vector<1x512x20xi32>
    %swap3A_36 = vector.shape_cast %swap3A_35 : vector<1x512x20xi32> to vector<512x20xi32>
    %swap3A_37 = vector.shape_cast %add3A_32 : vector<512x20xi32> to vector<1x512x20xi32>
    tpu.vector_store %arg4[%swap3A, %swap3A_33, %swap3A_34], %swap3A_37 {strides = array<i32>} : memref<1x512x20xi32, #tpu.memory_space<vmem>>, vector<1x512x20xi32>,
    return
  }
  func.func @transform_0(%arg0: i32, %arg1: i32) -> (i32, i32, i32) {
    %c0_i32 = arith.constant 0 : i32
    %c0_i32_0 = arith.constant 0 : i32
    return %arg0, %arg1, %c0_i32 : i32, i32, i32
  }
  func.func @transform_1(%arg0: i32, %arg1: i32) -> (i32, i32, i32) {
    %c0_i32 = arith.constant 0 : i32
    %c0_i32_0 = arith.constant 0 : i32
    %c0_i32_1 = arith.constant 0 : i32
    return %arg0, %c0_i32, %c0_i32_0 : i32, i32, i32
  }
  func.func @transform_2(%arg0: i32, %arg1: i32) -> (i32, i32, i32) {
    %c0_i32 = arith.constant 0 : i32
    %c0_i32_0 = arith.constant 0 : i32
    return %arg0, %arg1, %c0_i32 : i32, i32, i32
  }
}

module attributes {stable_mosaic.version = 14 : i64} {
  func.func @body(%arg0: i32, %arg1: i32, %arg2: memref<1x512x64xf32, #tpu.memory_space<vmem>>, %arg3: memref<1x512x64xf32, #tpu.memory_space<vmem>>, %arg4: memref<1x512x20xi32, #tpu.memory_space<vmem>>) attributes {dimension_semantics = [#tpu.dimension_semantics<arbitrary>, #tpu.dimension_semantics<arbitrary>], iteration_bounds = array<i64: 4, 1>, scalar_prefetch = 0 : i64, scratch_operands = 0 : i64, tpu.core_type = #tpu.core_type<tc>, window_params = [{transform_indices = @transform_0, window_bounds = array<i64: 1, 512, 64>}, {transform_indices = @transform_1, window_bounds = array<i64: 1, 512, 64>}, {transform_indices = @transform_2, window_bounds = array<i64: 1, 512, 20>}]} {
    %get3A = arith.constant 0 : index
    %get3A_0 = arith.constant 0 : index
    %get3A_1 = arith.constant 0 : index
    %get3A_2 = vector.load %arg2[%get3A, %get3A_0, %get3A_1] : memref<1x512x64xf32, #tpu.memory_space<vmem>>, vector<1x512x64xf32>
    %get3A_3 = vector.shape_cast %get3A_2 : vector<1x512x64xf32> to vector<512x64xf32>
    %get3A_4 = arith.constant 0 : index
    %get3A_5 = arith.constant 0 : index
    %get3A_6 = arith.constant 0 : index
    %get3A_7 = vector.load %arg3[%get3A_4, %get3A_5, %get3A_6] : memref<1x512x64xf32, #tpu.memory_space<vmem>>, vector<1x512x64xf32>
    %get3A_8 = vector.shape_cast %get3A_7 : vector<1x512x64xf32> to vector<512x64xf32>
    %mul3A = arith.mulf %get3A_3, %get3A_3 : vector<512x64xf32>
    %reduce_sum3A = arith.constant dense<0.000000e+00> : vector<512xf32>
    %reduce_sum3A_9 = vector.multi_reduction <add>, %mul3A, %reduce_sum3A [1] : vector<512x64xf32> to vector<512xf32>
    %broadcast_in_dim3A = vector.shape_cast %reduce_sum3A_9 : vector<512xf32> to vector<512x1xf32>
    %mul3A_10 = arith.mulf %get3A_8, %get3A_8 : vector<512x64xf32>
    %reduce_sum3A_11 = arith.constant dense<0.000000e+00> : vector<512xf32>
    %reduce_sum3A_12 = vector.multi_reduction <add>, %mul3A_10, %reduce_sum3A_11 [1] : vector<512x64xf32> to vector<512xf32>
    %broadcast_in_dim3A_13 = vector.shape_cast %reduce_sum3A_12 : vector<512xf32> to vector<1x512xf32>
    %dot_general3A = arith.constant dense<0.000000e+00> : vector<512x512xf32>
    %dot_general3A_14 = tpu.matmul %get3A_3, %get3A_8, %dot_general3A {dimension_numbers = #tpu.dot_dimension_numbers<[1], [1], [0], [0], [0, 0, 1, 0], [], []>, transpose_lhs_hint = false} : vector<512x64xf32>, vector<512x64xf32>, vector<512x512xf32> -> vector<512x512xf32>
    %add3A = vector.broadcast %broadcast_in_dim3A : vector<512x1xf32> to vector<512x512xf32>
    %add3A_15 = vector.broadcast %broadcast_in_dim3A_13 : vector<1x512xf32> to vector<512x512xf32>
    %add3A_16 = arith.addf %add3A, %add3A_15 : vector<512x512xf32>
    %mul3A_17 = arith.constant 2.000000e+00 : f32
    %mul3A_18 = vector.broadcast %mul3A_17 : f32 to vector<512x512xf32>
    %mul3A_19 = arith.mulf %mul3A_18, %dot_general3A_14 : vector<512x512xf32>
    %sub3A = arith.subf %add3A_16, %mul3A_19 : vector<512x512xf32>
    %iota3A = tpu.iota {dimensions = array<i32: 1>} : vector<512x512xi32>
    %iota3A_20 = tpu.iota {dimensions = array<i32: 1>} : vector<512x20xi32>
    %broadcast_in_dim3A_21 = arith.constant 0 : i32
    %broadcast_in_dim3A_22 = vector.broadcast %broadcast_in_dim3A_21 : i32 to vector<512x20xi32>
    %scan3A = arith.constant 0x7F800000 : f32
    %scan3A_23 = arith.constant 0 : i32
    %scan3A_24 = arith.constant 20 : i32
    %scan3A_25 = arith.addi %scan3A_23, %scan3A_24 : i32
    %scan3A_26 = arith.constant 1 : i32
    %scan3A_27:2 = scf.for %scan3A_38 = %scan3A_23 to %scan3A_25 step %scan3A_26 iter_args(%scan3A_39 = %sub3A, %scan3A_40 = %broadcast_in_dim3A_22) -> (vector<512x512xf32>, vector<512x20xi32>)  : i32 {
      %reduce_min3A = arith.constant dense<0x7F800000> : vector<512xf32>
      %reduce_min3A_41 = vector.multi_reduction <minimumf>, %scan3A_39, %reduce_min3A [1] : vector<512x512xf32> to vector<512xf32>
      %broadcast_in_dim3A_42 = vector.shape_cast %reduce_min3A_41 : vector<512xf32> to vector<512x1xf32>
      %le3A = vector.broadcast %broadcast_in_dim3A_42 : vector<512x1xf32> to vector<512x512xf32>
      %le3A_43 = arith.cmpf ole, %scan3A_39, %le3A : vector<512x512xf32>
      %jit3A = arith.constant 512 : i32
      %broadcast_in_dim3A_44 = vector.broadcast %jit3A : i32 to vector<512x512xi32>
      %select_n3A = arith.select %le3A_43, %iota3A, %broadcast_in_dim3A_44 : vector<512x512xi1>, vector<512x512xi32>
      %reduce_min3A_45 = arith.constant dense<2147483647> : vector<512xi32>
      %reduce_min3A_46 = vector.multi_reduction <minsi>, %select_n3A, %reduce_min3A_45 [1] : vector<512x512xi32> to vector<512xi32>
      %broadcast_in_dim3A_47 = vector.shape_cast %reduce_min3A_46 : vector<512xi32> to vector<512x1xi32>
      %eq3A = vector.broadcast %broadcast_in_dim3A_47 : vector<512x1xi32> to vector<512x512xi32>
      %eq3A_48 = arith.cmpi eq, %iota3A, %eq3A : vector<512x512xi32>
      %broadcast_in_dim3A_49 = vector.broadcast %scan3A : f32 to vector<512x512xf32>
      %select_n3A_50 = arith.select %eq3A_48, %broadcast_in_dim3A_49, %scan3A_39 : vector<512x512xi1>, vector<512x512xf32>
      %eq3A_51 = vector.broadcast %scan3A_38 : i32 to vector<512x20xi32>
      %eq3A_52 = arith.cmpi eq, %iota3A_20, %eq3A_51 : vector<512x20xi32>
      %convert_element_type3A = arith.extui %eq3A_52 : vector<512x20xi1> to vector<512x20xi32>
      %mul3A_53 = vector.broadcast %broadcast_in_dim3A_47 : vector<512x1xi32> to vector<512x20xi32>
      %mul3A_54 = arith.muli %mul3A_53, %convert_element_type3A : vector<512x20xi32>
      %add3A_55 = arith.addi %scan3A_40, %mul3A_54 : vector<512x20xi32>
      scf.yield %select_n3A_50, %add3A_55 : vector<512x512xf32>, vector<512x20xi32>
    }
    %scan3A_28 = arith.constant 20 : i32
    %mul3A_29 = arith.constant 512 : i32
    %mul3A_30 = arith.muli %arg0, %mul3A_29 : i32
    %add3A_31 = vector.broadcast %mul3A_30 : i32 to vector<512x20xi32>
    %add3A_32 = arith.addi %scan3A_27#1, %add3A_31 : vector<512x20xi32>
    %swap3A = arith.constant 0 : index
    %swap3A_33 = arith.constant 0 : index
    %swap3A_34 = arith.constant 0 : index
    %swap3A_35 = vector.load %arg4[%swap3A, %swap3A_33, %swap3A_34] : memref<1x512x20xi32, #tpu.memory_space<vmem>>, vector<1x512x20xi32>
    %swap3A_36 = vector.shape_cast %swap3A_35 : vector<1x512x20xi32> to vector<512x20xi32>
    %swap3A_37 = vector.shape_cast %add3A_32 : vector<512x20xi32> to vector<1x512x20xi32>
    tpu.vector_store %arg4[%swap3A, %swap3A_33, %swap3A_34], %swap3A_37 {strides = array<i32>} : memref<1x512x20xi32, #tpu.memory_space<vmem>>, vector<1x512x20xi32>,
    return
  }
  func.func @transform_0(%arg0: i32, %arg1: i32) -> (i32, i32, i32) {
    %c0_i32 = arith.constant 0 : i32
    %c0_i32_0 = arith.constant 0 : i32
    return %arg0, %arg1, %c0_i32 : i32, i32, i32
  }
  func.func @transform_1(%arg0: i32, %arg1: i32) -> (i32, i32, i32) {
    %c0_i32 = arith.constant 0 : i32
    %c0_i32_0 = arith.constant 0 : i32
    %c0_i32_1 = arith.constant 0 : i32
    return %arg0, %c0_i32, %c0_i32_0 : i32, i32, i32
  }
  func.func @transform_2(%arg0: i32, %arg1: i32) -> (i32, i32, i32) {
    %c0_i32 = arith.constant 0 : i32
    %c0_i32_0 = arith.constant 0 : i32
    return %arg0, %arg1, %c0_i32 : i32, i32, i32
  }
}

module attributes {stable_mosaic.version = 14 : i64} {
  func.func @body(%arg0: i32, %arg1: i32, %arg2: memref<1x512x128xf32, #tpu.memory_space<vmem>>, %arg3: memref<1x512x128xf32, #tpu.memory_space<vmem>>, %arg4: memref<1x512x20xi32, #tpu.memory_space<vmem>>) attributes {dimension_semantics = [#tpu.dimension_semantics<arbitrary>, #tpu.dimension_semantics<arbitrary>], iteration_bounds = array<i64: 4, 1>, scalar_prefetch = 0 : i64, scratch_operands = 0 : i64, tpu.core_type = #tpu.core_type<tc>, window_params = [{transform_indices = @transform_0, window_bounds = array<i64: 1, 512, 128>}, {transform_indices = @transform_1, window_bounds = array<i64: 1, 512, 128>}, {transform_indices = @transform_2, window_bounds = array<i64: 1, 512, 20>}]} {
    %get3A = arith.constant 0 : index
    %get3A_0 = arith.constant 0 : index
    %get3A_1 = arith.constant 0 : index
    %get3A_2 = vector.load %arg2[%get3A, %get3A_0, %get3A_1] : memref<1x512x128xf32, #tpu.memory_space<vmem>>, vector<1x512x128xf32>
    %get3A_3 = vector.shape_cast %get3A_2 : vector<1x512x128xf32> to vector<512x128xf32>
    %get3A_4 = arith.constant 0 : index
    %get3A_5 = arith.constant 0 : index
    %get3A_6 = arith.constant 0 : index
    %get3A_7 = vector.load %arg3[%get3A_4, %get3A_5, %get3A_6] : memref<1x512x128xf32, #tpu.memory_space<vmem>>, vector<1x512x128xf32>
    %get3A_8 = vector.shape_cast %get3A_7 : vector<1x512x128xf32> to vector<512x128xf32>
    %mul3A = arith.mulf %get3A_3, %get3A_3 : vector<512x128xf32>
    %reduce_sum3A = arith.constant dense<0.000000e+00> : vector<512xf32>
    %reduce_sum3A_9 = vector.multi_reduction <add>, %mul3A, %reduce_sum3A [1] : vector<512x128xf32> to vector<512xf32>
    %broadcast_in_dim3A = vector.shape_cast %reduce_sum3A_9 : vector<512xf32> to vector<512x1xf32>
    %mul3A_10 = arith.mulf %get3A_8, %get3A_8 : vector<512x128xf32>
    %reduce_sum3A_11 = arith.constant dense<0.000000e+00> : vector<512xf32>
    %reduce_sum3A_12 = vector.multi_reduction <add>, %mul3A_10, %reduce_sum3A_11 [1] : vector<512x128xf32> to vector<512xf32>
    %broadcast_in_dim3A_13 = vector.shape_cast %reduce_sum3A_12 : vector<512xf32> to vector<1x512xf32>
    %dot_general3A = arith.constant dense<0.000000e+00> : vector<512x512xf32>
    %dot_general3A_14 = tpu.matmul %get3A_3, %get3A_8, %dot_general3A {dimension_numbers = #tpu.dot_dimension_numbers<[1], [1], [0], [0], [0, 0, 1, 0], [], []>, transpose_lhs_hint = false} : vector<512x128xf32>, vector<512x128xf32>, vector<512x512xf32> -> vector<512x512xf32>
    %add3A = vector.broadcast %broadcast_in_dim3A : vector<512x1xf32> to vector<512x512xf32>
    %add3A_15 = vector.broadcast %broadcast_in_dim3A_13 : vector<1x512xf32> to vector<512x512xf32>
    %add3A_16 = arith.addf %add3A, %add3A_15 : vector<512x512xf32>
    %mul3A_17 = arith.constant 2.000000e+00 : f32
    %mul3A_18 = vector.broadcast %mul3A_17 : f32 to vector<512x512xf32>
    %mul3A_19 = arith.mulf %mul3A_18, %dot_general3A_14 : vector<512x512xf32>
    %sub3A = arith.subf %add3A_16, %mul3A_19 : vector<512x512xf32>
    %iota3A = tpu.iota {dimensions = array<i32: 1>} : vector<512x512xi32>
    %iota3A_20 = tpu.iota {dimensions = array<i32: 1>} : vector<512x20xi32>
    %broadcast_in_dim3A_21 = arith.constant 0 : i32
    %broadcast_in_dim3A_22 = vector.broadcast %broadcast_in_dim3A_21 : i32 to vector<512x20xi32>
    %scan3A = arith.constant 0x7F800000 : f32
    %scan3A_23 = arith.constant 0 : i32
    %scan3A_24 = arith.constant 20 : i32
    %scan3A_25 = arith.addi %scan3A_23, %scan3A_24 : i32
    %scan3A_26 = arith.constant 1 : i32
    %scan3A_27:2 = scf.for %scan3A_38 = %scan3A_23 to %scan3A_25 step %scan3A_26 iter_args(%scan3A_39 = %sub3A, %scan3A_40 = %broadcast_in_dim3A_22) -> (vector<512x512xf32>, vector<512x20xi32>)  : i32 {
      %reduce_min3A = arith.constant dense<0x7F800000> : vector<512xf32>
      %reduce_min3A_41 = vector.multi_reduction <minimumf>, %scan3A_39, %reduce_min3A [1] : vector<512x512xf32> to vector<512xf32>
      %broadcast_in_dim3A_42 = vector.shape_cast %reduce_min3A_41 : vector<512xf32> to vector<512x1xf32>
      %le3A = vector.broadcast %broadcast_in_dim3A_42 : vector<512x1xf32> to vector<512x512xf32>
      %le3A_43 = arith.cmpf ole, %scan3A_39, %le3A : vector<512x512xf32>
      %jit3A = arith.constant 512 : i32
      %broadcast_in_dim3A_44 = vector.broadcast %jit3A : i32 to vector<512x512xi32>
      %select_n3A = arith.select %le3A_43, %iota3A, %broadcast_in_dim3A_44 : vector<512x512xi1>, vector<512x512xi32>
      %reduce_min3A_45 = arith.constant dense<2147483647> : vector<512xi32>
      %reduce_min3A_46 = vector.multi_reduction <minsi>, %select_n3A, %reduce_min3A_45 [1] : vector<512x512xi32> to vector<512xi32>
      %broadcast_in_dim3A_47 = vector.shape_cast %reduce_min3A_46 : vector<512xi32> to vector<512x1xi32>
      %eq3A = vector.broadcast %broadcast_in_dim3A_47 : vector<512x1xi32> to vector<512x512xi32>
      %eq3A_48 = arith.cmpi eq, %iota3A, %eq3A : vector<512x512xi32>
      %broadcast_in_dim3A_49 = vector.broadcast %scan3A : f32 to vector<512x512xf32>
      %select_n3A_50 = arith.select %eq3A_48, %broadcast_in_dim3A_49, %scan3A_39 : vector<512x512xi1>, vector<512x512xf32>
      %eq3A_51 = vector.broadcast %scan3A_38 : i32 to vector<512x20xi32>
      %eq3A_52 = arith.cmpi eq, %iota3A_20, %eq3A_51 : vector<512x20xi32>
      %convert_element_type3A = arith.extui %eq3A_52 : vector<512x20xi1> to vector<512x20xi32>
      %mul3A_53 = vector.broadcast %broadcast_in_dim3A_47 : vector<512x1xi32> to vector<512x20xi32>
      %mul3A_54 = arith.muli %mul3A_53, %convert_element_type3A : vector<512x20xi32>
      %add3A_55 = arith.addi %scan3A_40, %mul3A_54 : vector<512x20xi32>
      scf.yield %select_n3A_50, %add3A_55 : vector<512x512xf32>, vector<512x20xi32>
    }
    %scan3A_28 = arith.constant 20 : i32
    %mul3A_29 = arith.constant 512 : i32
    %mul3A_30 = arith.muli %arg0, %mul3A_29 : i32
    %add3A_31 = vector.broadcast %mul3A_30 : i32 to vector<512x20xi32>
    %add3A_32 = arith.addi %scan3A_27#1, %add3A_31 : vector<512x20xi32>
    %swap3A = arith.constant 0 : index
    %swap3A_33 = arith.constant 0 : index
    %swap3A_34 = arith.constant 0 : index
    %swap3A_35 = vector.load %arg4[%swap3A, %swap3A_33, %swap3A_34] : memref<1x512x20xi32, #tpu.memory_space<vmem>>, vector<1x512x20xi32>
    %swap3A_36 = vector.shape_cast %swap3A_35 : vector<1x512x20xi32> to vector<512x20xi32>
    %swap3A_37 = vector.shape_cast %add3A_32 : vector<512x20xi32> to vector<1x512x20xi32>
    tpu.vector_store %arg4[%swap3A, %swap3A_33, %swap3A_34], %swap3A_37 {strides = array<i32>} : memref<1x512x20xi32, #tpu.memory_space<vmem>>, vector<1x512x20xi32>,
    return
  }
  func.func @transform_0(%arg0: i32, %arg1: i32) -> (i32, i32, i32) {
    %c0_i32 = arith.constant 0 : i32
    %c0_i32_0 = arith.constant 0 : i32
    return %arg0, %arg1, %c0_i32 : i32, i32, i32
  }
  func.func @transform_1(%arg0: i32, %arg1: i32) -> (i32, i32, i32) {
    %c0_i32 = arith.constant 0 : i32
    %c0_i32_0 = arith.constant 0 : i32
    %c0_i32_1 = arith.constant 0 : i32
    return %arg0, %c0_i32, %c0_i32_0 : i32, i32, i32
  }
  func.func @transform_2(%arg0: i32, %arg1: i32) -> (i32, i32, i32) {
    %c0_i32 = arith.constant 0 : i32
    %c0_i32_0 = arith.constant 0 : i32
    return %arg0, %arg1, %c0_i32 : i32, i32, i32
  }
}

module attributes {stable_mosaic.version = 14 : i64} {
  func.func @body(%arg0: i32, %arg1: i32, %arg2: memref<1x512x256xf32, #tpu.memory_space<vmem>>, %arg3: memref<1x512x256xf32, #tpu.memory_space<vmem>>, %arg4: memref<1x512x20xi32, #tpu.memory_space<vmem>>) attributes {dimension_semantics = [#tpu.dimension_semantics<arbitrary>, #tpu.dimension_semantics<arbitrary>], iteration_bounds = array<i64: 4, 1>, scalar_prefetch = 0 : i64, scratch_operands = 0 : i64, tpu.core_type = #tpu.core_type<tc>, window_params = [{transform_indices = @transform_0, window_bounds = array<i64: 1, 512, 256>}, {transform_indices = @transform_1, window_bounds = array<i64: 1, 512, 256>}, {transform_indices = @transform_2, window_bounds = array<i64: 1, 512, 20>}]} {
    %get3A = arith.constant 0 : index
    %get3A_0 = arith.constant 0 : index
    %get3A_1 = arith.constant 0 : index
    %get3A_2 = vector.load %arg2[%get3A, %get3A_0, %get3A_1] : memref<1x512x256xf32, #tpu.memory_space<vmem>>, vector<1x512x256xf32>
    %get3A_3 = vector.shape_cast %get3A_2 : vector<1x512x256xf32> to vector<512x256xf32>
    %get3A_4 = arith.constant 0 : index
    %get3A_5 = arith.constant 0 : index
    %get3A_6 = arith.constant 0 : index
    %get3A_7 = vector.load %arg3[%get3A_4, %get3A_5, %get3A_6] : memref<1x512x256xf32, #tpu.memory_space<vmem>>, vector<1x512x256xf32>
    %get3A_8 = vector.shape_cast %get3A_7 : vector<1x512x256xf32> to vector<512x256xf32>
    %mul3A = arith.mulf %get3A_3, %get3A_3 : vector<512x256xf32>
    %reduce_sum3A = arith.constant dense<0.000000e+00> : vector<512xf32>
    %reduce_sum3A_9 = vector.multi_reduction <add>, %mul3A, %reduce_sum3A [1] : vector<512x256xf32> to vector<512xf32>
    %broadcast_in_dim3A = vector.shape_cast %reduce_sum3A_9 : vector<512xf32> to vector<512x1xf32>
    %mul3A_10 = arith.mulf %get3A_8, %get3A_8 : vector<512x256xf32>
    %reduce_sum3A_11 = arith.constant dense<0.000000e+00> : vector<512xf32>
    %reduce_sum3A_12 = vector.multi_reduction <add>, %mul3A_10, %reduce_sum3A_11 [1] : vector<512x256xf32> to vector<512xf32>
    %broadcast_in_dim3A_13 = vector.shape_cast %reduce_sum3A_12 : vector<512xf32> to vector<1x512xf32>
    %dot_general3A = arith.constant dense<0.000000e+00> : vector<512x512xf32>
    %dot_general3A_14 = tpu.matmul %get3A_3, %get3A_8, %dot_general3A {dimension_numbers = #tpu.dot_dimension_numbers<[1], [1], [0], [0], [0, 0, 1, 0], [], []>, transpose_lhs_hint = false} : vector<512x256xf32>, vector<512x256xf32>, vector<512x512xf32> -> vector<512x512xf32>
    %add3A = vector.broadcast %broadcast_in_dim3A : vector<512x1xf32> to vector<512x512xf32>
    %add3A_15 = vector.broadcast %broadcast_in_dim3A_13 : vector<1x512xf32> to vector<512x512xf32>
    %add3A_16 = arith.addf %add3A, %add3A_15 : vector<512x512xf32>
    %mul3A_17 = arith.constant 2.000000e+00 : f32
    %mul3A_18 = vector.broadcast %mul3A_17 : f32 to vector<512x512xf32>
    %mul3A_19 = arith.mulf %mul3A_18, %dot_general3A_14 : vector<512x512xf32>
    %sub3A = arith.subf %add3A_16, %mul3A_19 : vector<512x512xf32>
    %iota3A = tpu.iota {dimensions = array<i32: 1>} : vector<512x512xi32>
    %iota3A_20 = tpu.iota {dimensions = array<i32: 1>} : vector<512x20xi32>
    %broadcast_in_dim3A_21 = arith.constant 0 : i32
    %broadcast_in_dim3A_22 = vector.broadcast %broadcast_in_dim3A_21 : i32 to vector<512x20xi32>
    %scan3A = arith.constant 0x7F800000 : f32
    %scan3A_23 = arith.constant 0 : i32
    %scan3A_24 = arith.constant 20 : i32
    %scan3A_25 = arith.addi %scan3A_23, %scan3A_24 : i32
    %scan3A_26 = arith.constant 1 : i32
    %scan3A_27:2 = scf.for %scan3A_38 = %scan3A_23 to %scan3A_25 step %scan3A_26 iter_args(%scan3A_39 = %sub3A, %scan3A_40 = %broadcast_in_dim3A_22) -> (vector<512x512xf32>, vector<512x20xi32>)  : i32 {
      %reduce_min3A = arith.constant dense<0x7F800000> : vector<512xf32>
      %reduce_min3A_41 = vector.multi_reduction <minimumf>, %scan3A_39, %reduce_min3A [1] : vector<512x512xf32> to vector<512xf32>
      %broadcast_in_dim3A_42 = vector.shape_cast %reduce_min3A_41 : vector<512xf32> to vector<512x1xf32>
      %le3A = vector.broadcast %broadcast_in_dim3A_42 : vector<512x1xf32> to vector<512x512xf32>
      %le3A_43 = arith.cmpf ole, %scan3A_39, %le3A : vector<512x512xf32>
      %jit3A = arith.constant 512 : i32
      %broadcast_in_dim3A_44 = vector.broadcast %jit3A : i32 to vector<512x512xi32>
      %select_n3A = arith.select %le3A_43, %iota3A, %broadcast_in_dim3A_44 : vector<512x512xi1>, vector<512x512xi32>
      %reduce_min3A_45 = arith.constant dense<2147483647> : vector<512xi32>
      %reduce_min3A_46 = vector.multi_reduction <minsi>, %select_n3A, %reduce_min3A_45 [1] : vector<512x512xi32> to vector<512xi32>
      %broadcast_in_dim3A_47 = vector.shape_cast %reduce_min3A_46 : vector<512xi32> to vector<512x1xi32>
      %eq3A = vector.broadcast %broadcast_in_dim3A_47 : vector<512x1xi32> to vector<512x512xi32>
      %eq3A_48 = arith.cmpi eq, %iota3A, %eq3A : vector<512x512xi32>
      %broadcast_in_dim3A_49 = vector.broadcast %scan3A : f32 to vector<512x512xf32>
      %select_n3A_50 = arith.select %eq3A_48, %broadcast_in_dim3A_49, %scan3A_39 : vector<512x512xi1>, vector<512x512xf32>
      %eq3A_51 = vector.broadcast %scan3A_38 : i32 to vector<512x20xi32>
      %eq3A_52 = arith.cmpi eq, %iota3A_20, %eq3A_51 : vector<512x20xi32>
      %convert_element_type3A = arith.extui %eq3A_52 : vector<512x20xi1> to vector<512x20xi32>
      %mul3A_53 = vector.broadcast %broadcast_in_dim3A_47 : vector<512x1xi32> to vector<512x20xi32>
      %mul3A_54 = arith.muli %mul3A_53, %convert_element_type3A : vector<512x20xi32>
      %add3A_55 = arith.addi %scan3A_40, %mul3A_54 : vector<512x20xi32>
      scf.yield %select_n3A_50, %add3A_55 : vector<512x512xf32>, vector<512x20xi32>
    }
    %scan3A_28 = arith.constant 20 : i32
    %mul3A_29 = arith.constant 512 : i32
    %mul3A_30 = arith.muli %arg0, %mul3A_29 : i32
    %add3A_31 = vector.broadcast %mul3A_30 : i32 to vector<512x20xi32>
    %add3A_32 = arith.addi %scan3A_27#1, %add3A_31 : vector<512x20xi32>
    %swap3A = arith.constant 0 : index
    %swap3A_33 = arith.constant 0 : index
    %swap3A_34 = arith.constant 0 : index
    %swap3A_35 = vector.load %arg4[%swap3A, %swap3A_33, %swap3A_34] : memref<1x512x20xi32, #tpu.memory_space<vmem>>, vector<1x512x20xi32>
    %swap3A_36 = vector.shape_cast %swap3A_35 : vector<1x512x20xi32> to vector<512x20xi32>
    %swap3A_37 = vector.shape_cast %add3A_32 : vector<512x20xi32> to vector<1x512x20xi32>
    tpu.vector_store %arg4[%swap3A, %swap3A_33, %swap3A_34], %swap3A_37 {strides = array<i32>} : memref<1x512x20xi32, #tpu.memory_space<vmem>>, vector<1x512x20xi32>,
    return
  }
  func.func @transform_0(%arg0: i32, %arg1: i32) -> (i32, i32, i32) {
    %c0_i32 = arith.constant 0 : i32
    %c0_i32_0 = arith.constant 0 : i32
    return %arg0, %arg1, %c0_i32 : i32, i32, i32
  }
  func.func @transform_1(%arg0: i32, %arg1: i32) -> (i32, i32, i32) {
    %c0_i32 = arith.constant 0 : i32
    %c0_i32_0 = arith.constant 0 : i32
    %c0_i32_1 = arith.constant 0 : i32
    return %arg0, %c0_i32, %c0_i32_0 : i32, i32, i32
  }
  func.func @transform_2(%arg0: i32, %arg1: i32) -> (i32, i32, i32) {
    %c0_i32 = arith.constant 0 : i32
    %c0_i32_0 = arith.constant 0 : i32
    return %arg0, %arg1, %c0_i32 : i32, i32, i32
  }
}

module attributes {stable_mosaic.version = 14 : i64} {
  func.func @body(%arg0: i32, %arg1: i32, %arg2: memref<1x512x512xf32, #tpu.memory_space<vmem>>, %arg3: memref<1x512x512xf32, #tpu.memory_space<vmem>>, %arg4: memref<1x512x20xi32, #tpu.memory_space<vmem>>) attributes {dimension_semantics = [#tpu.dimension_semantics<arbitrary>, #tpu.dimension_semantics<arbitrary>], iteration_bounds = array<i64: 4, 1>, scalar_prefetch = 0 : i64, scratch_operands = 0 : i64, tpu.core_type = #tpu.core_type<tc>, window_params = [{transform_indices = @transform_0, window_bounds = array<i64: 1, 512, 512>}, {transform_indices = @transform_1, window_bounds = array<i64: 1, 512, 512>}, {transform_indices = @transform_2, window_bounds = array<i64: 1, 512, 20>}]} {
    %get3A = arith.constant 0 : index
    %get3A_0 = arith.constant 0 : index
    %get3A_1 = arith.constant 0 : index
    %get3A_2 = vector.load %arg2[%get3A, %get3A_0, %get3A_1] : memref<1x512x512xf32, #tpu.memory_space<vmem>>, vector<1x512x512xf32>
    %get3A_3 = vector.shape_cast %get3A_2 : vector<1x512x512xf32> to vector<512x512xf32>
    %get3A_4 = arith.constant 0 : index
    %get3A_5 = arith.constant 0 : index
    %get3A_6 = arith.constant 0 : index
    %get3A_7 = vector.load %arg3[%get3A_4, %get3A_5, %get3A_6] : memref<1x512x512xf32, #tpu.memory_space<vmem>>, vector<1x512x512xf32>
    %get3A_8 = vector.shape_cast %get3A_7 : vector<1x512x512xf32> to vector<512x512xf32>
    %mul3A = arith.mulf %get3A_3, %get3A_3 : vector<512x512xf32>
    %reduce_sum3A = arith.constant dense<0.000000e+00> : vector<512xf32>
    %reduce_sum3A_9 = vector.multi_reduction <add>, %mul3A, %reduce_sum3A [1] : vector<512x512xf32> to vector<512xf32>
    %broadcast_in_dim3A = vector.shape_cast %reduce_sum3A_9 : vector<512xf32> to vector<512x1xf32>
    %mul3A_10 = arith.mulf %get3A_8, %get3A_8 : vector<512x512xf32>
    %reduce_sum3A_11 = arith.constant dense<0.000000e+00> : vector<512xf32>
    %reduce_sum3A_12 = vector.multi_reduction <add>, %mul3A_10, %reduce_sum3A_11 [1] : vector<512x512xf32> to vector<512xf32>
    %broadcast_in_dim3A_13 = vector.shape_cast %reduce_sum3A_12 : vector<512xf32> to vector<1x512xf32>
    %dot_general3A = arith.constant dense<0.000000e+00> : vector<512x512xf32>
    %dot_general3A_14 = tpu.matmul %get3A_3, %get3A_8, %dot_general3A {dimension_numbers = #tpu.dot_dimension_numbers<[1], [1], [0], [0], [0, 0, 1, 0], [], []>, transpose_lhs_hint = false} : vector<512x512xf32>, vector<512x512xf32>, vector<512x512xf32> -> vector<512x512xf32>
    %add3A = vector.broadcast %broadcast_in_dim3A : vector<512x1xf32> to vector<512x512xf32>
    %add3A_15 = vector.broadcast %broadcast_in_dim3A_13 : vector<1x512xf32> to vector<512x512xf32>
    %add3A_16 = arith.addf %add3A, %add3A_15 : vector<512x512xf32>
    %mul3A_17 = arith.constant 2.000000e+00 : f32
    %mul3A_18 = vector.broadcast %mul3A_17 : f32 to vector<512x512xf32>
    %mul3A_19 = arith.mulf %mul3A_18, %dot_general3A_14 : vector<512x512xf32>
    %sub3A = arith.subf %add3A_16, %mul3A_19 : vector<512x512xf32>
    %iota3A = tpu.iota {dimensions = array<i32: 1>} : vector<512x512xi32>
    %iota3A_20 = tpu.iota {dimensions = array<i32: 1>} : vector<512x20xi32>
    %broadcast_in_dim3A_21 = arith.constant 0 : i32
    %broadcast_in_dim3A_22 = vector.broadcast %broadcast_in_dim3A_21 : i32 to vector<512x20xi32>
    %scan3A = arith.constant 0x7F800000 : f32
    %scan3A_23 = arith.constant 0 : i32
    %scan3A_24 = arith.constant 20 : i32
    %scan3A_25 = arith.addi %scan3A_23, %scan3A_24 : i32
    %scan3A_26 = arith.constant 1 : i32
    %scan3A_27:2 = scf.for %scan3A_38 = %scan3A_23 to %scan3A_25 step %scan3A_26 iter_args(%scan3A_39 = %sub3A, %scan3A_40 = %broadcast_in_dim3A_22) -> (vector<512x512xf32>, vector<512x20xi32>)  : i32 {
      %reduce_min3A = arith.constant dense<0x7F800000> : vector<512xf32>
      %reduce_min3A_41 = vector.multi_reduction <minimumf>, %scan3A_39, %reduce_min3A [1] : vector<512x512xf32> to vector<512xf32>
      %broadcast_in_dim3A_42 = vector.shape_cast %reduce_min3A_41 : vector<512xf32> to vector<512x1xf32>
      %le3A = vector.broadcast %broadcast_in_dim3A_42 : vector<512x1xf32> to vector<512x512xf32>
      %le3A_43 = arith.cmpf ole, %scan3A_39, %le3A : vector<512x512xf32>
      %jit3A = arith.constant 512 : i32
      %broadcast_in_dim3A_44 = vector.broadcast %jit3A : i32 to vector<512x512xi32>
      %select_n3A = arith.select %le3A_43, %iota3A, %broadcast_in_dim3A_44 : vector<512x512xi1>, vector<512x512xi32>
      %reduce_min3A_45 = arith.constant dense<2147483647> : vector<512xi32>
      %reduce_min3A_46 = vector.multi_reduction <minsi>, %select_n3A, %reduce_min3A_45 [1] : vector<512x512xi32> to vector<512xi32>
      %broadcast_in_dim3A_47 = vector.shape_cast %reduce_min3A_46 : vector<512xi32> to vector<512x1xi32>
      %eq3A = vector.broadcast %broadcast_in_dim3A_47 : vector<512x1xi32> to vector<512x512xi32>
      %eq3A_48 = arith.cmpi eq, %iota3A, %eq3A : vector<512x512xi32>
      %broadcast_in_dim3A_49 = vector.broadcast %scan3A : f32 to vector<512x512xf32>
      %select_n3A_50 = arith.select %eq3A_48, %broadcast_in_dim3A_49, %scan3A_39 : vector<512x512xi1>, vector<512x512xf32>
      %eq3A_51 = vector.broadcast %scan3A_38 : i32 to vector<512x20xi32>
      %eq3A_52 = arith.cmpi eq, %iota3A_20, %eq3A_51 : vector<512x20xi32>
      %convert_element_type3A = arith.extui %eq3A_52 : vector<512x20xi1> to vector<512x20xi32>
      %mul3A_53 = vector.broadcast %broadcast_in_dim3A_47 : vector<512x1xi32> to vector<512x20xi32>
      %mul3A_54 = arith.muli %mul3A_53, %convert_element_type3A : vector<512x20xi32>
      %add3A_55 = arith.addi %scan3A_40, %mul3A_54 : vector<512x20xi32>
      scf.yield %select_n3A_50, %add3A_55 : vector<512x512xf32>, vector<512x20xi32>
    }
    %scan3A_28 = arith.constant 20 : i32
    %mul3A_29 = arith.constant 512 : i32
    %mul3A_30 = arith.muli %arg0, %mul3A_29 : i32
    %add3A_31 = vector.broadcast %mul3A_30 : i32 to vector<512x20xi32>
    %add3A_32 = arith.addi %scan3A_27#1, %add3A_31 : vector<512x20xi32>
    %swap3A = arith.constant 0 : index
    %swap3A_33 = arith.constant 0 : index
    %swap3A_34 = arith.constant 0 : index
    %swap3A_35 = vector.load %arg4[%swap3A, %swap3A_33, %swap3A_34] : memref<1x512x20xi32, #tpu.memory_space<vmem>>, vector<1x512x20xi32>
    %swap3A_36 = vector.shape_cast %swap3A_35 : vector<1x512x20xi32> to vector<512x20xi32>
    %swap3A_37 = vector.shape_cast %add3A_32 : vector<512x20xi32> to vector<1x512x20xi32>
    tpu.vector_store %arg4[%swap3A, %swap3A_33, %swap3A_34], %swap3A_37 {strides = array<i32>} : memref<1x512x20xi32, #tpu.memory_space<vmem>>, vector<1x512x20xi32>,
    return
  }
  func.func @transform_0(%arg0: i32, %arg1: i32) -> (i32, i32, i32) {
    %c0_i32 = arith.constant 0 : i32
    %c0_i32_0 = arith.constant 0 : i32
    return %arg0, %arg1, %c0_i32 : i32, i32, i32
  }
  func.func @transform_1(%arg0: i32, %arg1: i32) -> (i32, i32, i32) {
    %c0_i32 = arith.constant 0 : i32
    %c0_i32_0 = arith.constant 0 : i32
    %c0_i32_1 = arith.constant 0 : i32
    return %arg0, %c0_i32, %c0_i32_0 : i32, i32, i32
  }
  func.func @transform_2(%arg0: i32, %arg1: i32) -> (i32, i32, i32) {
    %c0_i32 = arith.constant 0 : i32
    %c0_i32_0 = arith.constant 0 : i32
    return %arg0, %arg1, %c0_i32 : i32, i32, i32
  }
}

module attributes {stable_mosaic.version = 14 : i64} {
  func.func @body(%arg0: i32, %arg1: memref<4x512x1024xf32, #tpu.memory_space<vmem>>, %arg2: memref<1024x2xf32, #tpu.memory_space<vmem>>, %arg3: memref<1x2xf32, #tpu.memory_space<vmem>>, %arg4: memref<4x512x2xf32, #tpu.memory_space<vmem>>) attributes {dimension_semantics = [#tpu.dimension_semantics<arbitrary>], iteration_bounds = array<i64: 1>, scalar_prefetch = 0 : i64, scratch_operands = 0 : i64, tpu.core_type = #tpu.core_type<tc>, window_params = [{pipeline_mode = #tpu.pipeline_mode<synchronous>, transform_indices = @transform_0, window_bounds = array<i64: 4, 512, 1024>}, {pipeline_mode = #tpu.pipeline_mode<synchronous>, transform_indices = @transform_1, window_bounds = array<i64: 1024, 2>}, {pipeline_mode = #tpu.pipeline_mode<synchronous>, transform_indices = @transform_2, window_bounds = array<i64: 1, 2>}, {pipeline_mode = #tpu.pipeline_mode<synchronous>, transform_indices = @transform_3, window_bounds = array<i64: 4, 512, 2>}]} {
    %get3A = arith.constant 0 : index
    %get3A_0 = arith.constant 0 : index
    %get3A_1 = arith.constant 0 : index
    %get3A_2 = vector.load %arg1[%get3A, %get3A_0, %get3A_1] : memref<4x512x1024xf32, #tpu.memory_space<vmem>>, vector<1x512x1024xf32>
    %get3A_3 = vector.shape_cast %get3A_2 : vector<1x512x1024xf32> to vector<512x1024xf32>
    %get3A_4 = arith.constant 0 : index
    %get3A_5 = arith.constant 0 : index
    %get3A_6 = vector.load %arg2[%get3A_4, %get3A_5] : memref<1024x2xf32, #tpu.memory_space<vmem>>, vector<1024x2xf32>
    %dot_general3A = arith.constant dense<0.000000e+00> : vector<512x2xf32>
    %dot_general3A_7 = tpu.matmul %get3A_3, %get3A_6, %dot_general3A {dimension_numbers = #tpu.dot_dimension_numbers<[1], [0], [0], [1], [0, 0, 1, 1], [], []>, transpose_lhs_hint = false} : vector<512x1024xf32>, vector<1024x2xf32>, vector<512x2xf32> -> vector<512x2xf32>
    %get3A_8 = arith.constant 0 : index
    %get3A_9 = arith.constant 0 : index
    %get3A_10 = vector.load %arg3[%get3A_8, %get3A_9] : memref<1x2xf32, #tpu.memory_space<vmem>>, vector<1x2xf32>
    %add3A = vector.broadcast %get3A_10 : vector<1x2xf32> to vector<512x2xf32>
    %add3A_11 = arith.addf %dot_general3A_7, %add3A : vector<512x2xf32>
    %neg3A = arith.constant 0.000000e+00 : f32
    %neg3A_12 = vector.broadcast %neg3A : f32 to vector<512x2xf32>
    %neg3A_13 = arith.subf %neg3A_12, %add3A_11 : vector<512x2xf32>
    %exp3A = math.exp %neg3A_13 : vector<512x2xf32>
    %add3A_14 = arith.constant 1.000000e+00 : f32
    %add3A_15 = vector.broadcast %add3A_14 : f32 to vector<512x2xf32>
    %add3A_16 = arith.addf %add3A_15, %exp3A : vector<512x2xf32>
    %div3A = arith.constant 1.000000e+00 : f32
    %div3A_17 = vector.broadcast %div3A : f32 to vector<512x2xf32>
    %div3A_18 = arith.divf %div3A_17, %add3A_16 : vector<512x2xf32>
    %swap3A = arith.constant 0 : index
    %swap3A_19 = arith.constant 0 : index
    %swap3A_20 = arith.constant 0 : index
    %swap3A_21 = vector.load %arg4[%swap3A, %swap3A_19, %swap3A_20] : memref<4x512x2xf32, #tpu.memory_space<vmem>>, vector<1x512x2xf32>
    %swap3A_22 = vector.shape_cast %swap3A_21 : vector<1x512x2xf32> to vector<512x2xf32>
    %swap3A_23 = vector.shape_cast %div3A_18 : vector<512x2xf32> to vector<1x512x2xf32>
    tpu.vector_store %arg4[%swap3A, %swap3A_19, %swap3A_20], %swap3A_23 {strides = array<i32>} : memref<4x512x2xf32, #tpu.memory_space<vmem>>, vector<1x512x2xf32>,
    %get3A_24 = arith.constant 1 : index
    %get3A_25 = arith.constant 0 : index
    %get3A_26 = arith.constant 0 : index
    %get3A_27 = vector.load %arg1[%get3A_24, %get3A_25, %get3A_26] : memref<4x512x1024xf32, #tpu.memory_space<vmem>>, vector<1x512x1024xf32>
    %get3A_28 = vector.shape_cast %get3A_27 : vector<1x512x1024xf32> to vector<512x1024xf32>
    %get3A_29 = arith.constant 0 : index
    %get3A_30 = arith.constant 0 : index
    %get3A_31 = vector.load %arg2[%get3A_29, %get3A_30] : memref<1024x2xf32, #tpu.memory_space<vmem>>, vector<1024x2xf32>
    %dot_general3A_32 = arith.constant dense<0.000000e+00> : vector<512x2xf32>
    %dot_general3A_33 = tpu.matmul %get3A_28, %get3A_31, %dot_general3A_32 {dimension_numbers = #tpu.dot_dimension_numbers<[1], [0], [0], [1], [0, 0, 1, 1], [], []>, transpose_lhs_hint = false} : vector<512x1024xf32>, vector<1024x2xf32>, vector<512x2xf32> -> vector<512x2xf32>
    %get3A_34 = arith.constant 0 : index
    %get3A_35 = arith.constant 0 : index
    %get3A_36 = vector.load %arg3[%get3A_34, %get3A_35] : memref<1x2xf32, #tpu.memory_space<vmem>>, vector<1x2xf32>
    %add3A_37 = vector.broadcast %get3A_36 : vector<1x2xf32> to vector<512x2xf32>
    %add3A_38 = arith.addf %dot_general3A_33, %add3A_37 : vector<512x2xf32>
    %neg3A_39 = arith.constant 0.000000e+00 : f32
    %neg3A_40 = vector.broadcast %neg3A_39 : f32 to vector<512x2xf32>
    %neg3A_41 = arith.subf %neg3A_40, %add3A_38 : vector<512x2xf32>
    %exp3A_42 = math.exp %neg3A_41 : vector<512x2xf32>
    %add3A_43 = arith.constant 1.000000e+00 : f32
    %add3A_44 = vector.broadcast %add3A_43 : f32 to vector<512x2xf32>
    %add3A_45 = arith.addf %add3A_44, %exp3A_42 : vector<512x2xf32>
    %div3A_46 = arith.constant 1.000000e+00 : f32
    %div3A_47 = vector.broadcast %div3A_46 : f32 to vector<512x2xf32>
    %div3A_48 = arith.divf %div3A_47, %add3A_45 : vector<512x2xf32>
    %swap3A_49 = arith.constant 1 : index
    %swap3A_50 = arith.constant 0 : index
    %swap3A_51 = arith.constant 0 : index
    %swap3A_52 = vector.load %arg4[%swap3A_49, %swap3A_50, %swap3A_51] : memref<4x512x2xf32, #tpu.memory_space<vmem>>, vector<1x512x2xf32>
    %swap3A_53 = vector.shape_cast %swap3A_52 : vector<1x512x2xf32> to vector<512x2xf32>
    %swap3A_54 = vector.shape_cast %div3A_48 : vector<512x2xf32> to vector<1x512x2xf32>
    tpu.vector_store %arg4[%swap3A_49, %swap3A_50, %swap3A_51], %swap3A_54 {strides = array<i32>} : memref<4x512x2xf32, #tpu.memory_space<vmem>>, vector<1x512x2xf32>,
    %get3A_55 = arith.constant 2 : index
    %get3A_56 = arith.constant 0 : index
    %get3A_57 = arith.constant 0 : index
    %get3A_58 = vector.load %arg1[%get3A_55, %get3A_56, %get3A_57] : memref<4x512x1024xf32, #tpu.memory_space<vmem>>, vector<1x512x1024xf32>
    %get3A_59 = vector.shape_cast %get3A_58 : vector<1x512x1024xf32> to vector<512x1024xf32>
    %get3A_60 = arith.constant 0 : index
    %get3A_61 = arith.constant 0 : index
    %get3A_62 = vector.load %arg2[%get3A_60, %get3A_61] : memref<1024x2xf32, #tpu.memory_space<vmem>>, vector<1024x2xf32>
    %dot_general3A_63 = arith.constant dense<0.000000e+00> : vector<512x2xf32>
    %dot_general3A_64 = tpu.matmul %get3A_59, %get3A_62, %dot_general3A_63 {dimension_numbers = #tpu.dot_dimension_numbers<[1], [0], [0], [1], [0, 0, 1, 1], [], []>, transpose_lhs_hint = false} : vector<512x1024xf32>, vector<1024x2xf32>, vector<512x2xf32> -> vector<512x2xf32>
    %get3A_65 = arith.constant 0 : index
    %get3A_66 = arith.constant 0 : index
    %get3A_67 = vector.load %arg3[%get3A_65, %get3A_66] : memref<1x2xf32, #tpu.memory_space<vmem>>, vector<1x2xf32>
    %add3A_68 = vector.broadcast %get3A_67 : vector<1x2xf32> to vector<512x2xf32>
    %add3A_69 = arith.addf %dot_general3A_64, %add3A_68 : vector<512x2xf32>
    %neg3A_70 = arith.constant 0.000000e+00 : f32
    %neg3A_71 = vector.broadcast %neg3A_70 : f32 to vector<512x2xf32>
    %neg3A_72 = arith.subf %neg3A_71, %add3A_69 : vector<512x2xf32>
    %exp3A_73 = math.exp %neg3A_72 : vector<512x2xf32>
    %add3A_74 = arith.constant 1.000000e+00 : f32
    %add3A_75 = vector.broadcast %add3A_74 : f32 to vector<512x2xf32>
    %add3A_76 = arith.addf %add3A_75, %exp3A_73 : vector<512x2xf32>
    %div3A_77 = arith.constant 1.000000e+00 : f32
    %div3A_78 = vector.broadcast %div3A_77 : f32 to vector<512x2xf32>
    %div3A_79 = arith.divf %div3A_78, %add3A_76 : vector<512x2xf32>
    %swap3A_80 = arith.constant 2 : index
    %swap3A_81 = arith.constant 0 : index
    %swap3A_82 = arith.constant 0 : index
    %swap3A_83 = vector.load %arg4[%swap3A_80, %swap3A_81, %swap3A_82] : memref<4x512x2xf32, #tpu.memory_space<vmem>>, vector<1x512x2xf32>
    %swap3A_84 = vector.shape_cast %swap3A_83 : vector<1x512x2xf32> to vector<512x2xf32>
    %swap3A_85 = vector.shape_cast %div3A_79 : vector<512x2xf32> to vector<1x512x2xf32>
    tpu.vector_store %arg4[%swap3A_80, %swap3A_81, %swap3A_82], %swap3A_85 {strides = array<i32>} : memref<4x512x2xf32, #tpu.memory_space<vmem>>, vector<1x512x2xf32>,
    %get3A_86 = arith.constant 3 : index
    %get3A_87 = arith.constant 0 : index
    %get3A_88 = arith.constant 0 : index
    %get3A_89 = vector.load %arg1[%get3A_86, %get3A_87, %get3A_88] : memref<4x512x1024xf32, #tpu.memory_space<vmem>>, vector<1x512x1024xf32>
    %get3A_90 = vector.shape_cast %get3A_89 : vector<1x512x1024xf32> to vector<512x1024xf32>
    %get3A_91 = arith.constant 0 : index
    %get3A_92 = arith.constant 0 : index
    %get3A_93 = vector.load %arg2[%get3A_91, %get3A_92] : memref<1024x2xf32, #tpu.memory_space<vmem>>, vector<1024x2xf32>
    %dot_general3A_94 = arith.constant dense<0.000000e+00> : vector<512x2xf32>
    %dot_general3A_95 = tpu.matmul %get3A_90, %get3A_93, %dot_general3A_94 {dimension_numbers = #tpu.dot_dimension_numbers<[1], [0], [0], [1], [0, 0, 1, 1], [], []>, transpose_lhs_hint = false} : vector<512x1024xf32>, vector<1024x2xf32>, vector<512x2xf32> -> vector<512x2xf32>
    %get3A_96 = arith.constant 0 : index
    %get3A_97 = arith.constant 0 : index
    %get3A_98 = vector.load %arg3[%get3A_96, %get3A_97] : memref<1x2xf32, #tpu.memory_space<vmem>>, vector<1x2xf32>
    %add3A_99 = vector.broadcast %get3A_98 : vector<1x2xf32> to vector<512x2xf32>
    %add3A_100 = arith.addf %dot_general3A_95, %add3A_99 : vector<512x2xf32>
    %neg3A_101 = arith.constant 0.000000e+00 : f32
    %neg3A_102 = vector.broadcast %neg3A_101 : f32 to vector<512x2xf32>
    %neg3A_103 = arith.subf %neg3A_102, %add3A_100 : vector<512x2xf32>
    %exp3A_104 = math.exp %neg3A_103 : vector<512x2xf32>
    %add3A_105 = arith.constant 1.000000e+00 : f32
    %add3A_106 = vector.broadcast %add3A_105 : f32 to vector<512x2xf32>
    %add3A_107 = arith.addf %add3A_106, %exp3A_104 : vector<512x2xf32>
    %div3A_108 = arith.constant 1.000000e+00 : f32
    %div3A_109 = vector.broadcast %div3A_108 : f32 to vector<512x2xf32>
    %div3A_110 = arith.divf %div3A_109, %add3A_107 : vector<512x2xf32>
    %swap3A_111 = arith.constant 3 : index
    %swap3A_112 = arith.constant 0 : index
    %swap3A_113 = arith.constant 0 : index
    %swap3A_114 = vector.load %arg4[%swap3A_111, %swap3A_112, %swap3A_113] : memref<4x512x2xf32, #tpu.memory_space<vmem>>, vector<1x512x2xf32>
    %swap3A_115 = vector.shape_cast %swap3A_114 : vector<1x512x2xf32> to vector<512x2xf32>
    %swap3A_116 = vector.shape_cast %div3A_110 : vector<512x2xf32> to vector<1x512x2xf32>
    tpu.vector_store %arg4[%swap3A_111, %swap3A_112, %swap3A_113], %swap3A_116 {strides = array<i32>} : memref<4x512x2xf32, #tpu.memory_space<vmem>>, vector<1x512x2xf32>,
    return
  }
  func.func @transform_0(%arg0: i32) -> (i32, i32, i32) {
    %c0_i32 = arith.constant 0 : i32
    %c0_i32_0 = arith.constant 0 : i32
    %c0_i32_1 = arith.constant 0 : i32
    %c0_i32_2 = arith.constant 0 : i32
    return %c0_i32, %c0_i32_0, %c0_i32_1 : i32, i32, i32
  }
  func.func @transform_1(%arg0: i32) -> (i32, i32) {
    %c0_i32 = arith.constant 0 : i32
    %c0_i32_0 = arith.constant 0 : i32
    %c0_i32_1 = arith.constant 0 : i32
    return %c0_i32, %c0_i32_0 : i32, i32
  }
  func.func @transform_2(%arg0: i32) -> (i32, i32) {
    %c0_i32 = arith.constant 0 : i32
    %c0_i32_0 = arith.constant 0 : i32
    %c0_i32_1 = arith.constant 0 : i32
    return %c0_i32, %c0_i32_0 : i32, i32
  }
  func.func @transform_3(%arg0: i32) -> (i32, i32, i32) {
    %c0_i32 = arith.constant 0 : i32
    %c0_i32_0 = arith.constant 0 : i32
    %c0_i32_1 = arith.constant 0 : i32
    %c0_i32_2 = arith.constant 0 : i32
    return %c0_i32, %c0_i32_0, %c0_i32_1 : i32, i32, i32
  }
}

</mosaic_0001>

<sc_bundles>
// kernel: gather_offload_async_start.1
scs
__scs_entry_jumppad:
0x0: {  	(pc) =	sbr.rel $0x88, $3  }
0x1: {  	(tag) =	ssettag $0x0;
	lr =	simm.s32 $0x1  }
0x2: {  	[smem:$0x3F6D] =	sst lr;
	_ =	strace $0xD0000000  }
0x3: {  	_ = 	snop  }
0x4: {  	_ = 	snop  }
0x5: {  	_ = 	snop  }
0x6: {  	_ = 	snop  }
0x7: {  	_ = 	snop  }
__scs_overlays_trampoline_lowered:
0x8: {  	[smem:$0x3F7C] =	sst s0  }
0x9: {  	[smem:$0x3F7D] =	sst s1  }
0xa: {  	[smem:$0x3F7E] =	sst s2  }
0xb: {  	[smem:$0x3F7F] =	sst s3  }
0xc: {  	[smem:$0x3F80] =	sst s4  }
0xd: {  	[smem:$0x3F81] =	sst s5  }
0xe: {  	[smem:$0x3F82] =	sst s6  }
0xf: {  	[smem:$0x3F83] =	sst s7  }
0x10: {  	[smem:$0x3F84] =	sst s8  }
0x11: {  	[smem:$0x3F85] =	sst s9;
	s0 =	simm.s32 @!p0 $0x0  }
0x12: {  	s1 =	sld [smem:$0x3F6B];
	s0 =	simm.s32 @p0 $0x1  }
0x13: {  	[smem:$0x3F86] =	sst s0;
	s0 =	simm.s32 @!p1 $0x0  }
0x14: {  	s2 =	sld [smem:$0x3F6A];
	s0 =	simm.s32 @p1 $0x1  }
0x15: {  	[smem:$0x3F87] =	sst s0;
	s0 =	simm.s32 @!p2 $0x0  }
0x16: {  	s3 =	sld [smem:$0x3FDB];
	s0 =	simm.s32 @p2 $0x1  }
0x17: {  	s4 =	simm.s32 $0x1BF5;
	[smem:$0x3F89] =	sst s0  }
0x18: {  	s0 =	sld [smem:$0x3F6C];
	_ =	swait.ge [sflag:s4], $0x0  }
0x19: {  	s7 =	sld [smem:$0x3F6D]  }
0x1a: {  	s8 =	sadd.s32 $0xFFFFE003, lr  }
0x1b: {  	s9 =	sadd.s32 $0xFFFFFEF7, lr;
	s5 =	simm.s32 $0xFFFFFFFF;
	p2 =	slt.u32 s8, $0xFFFFF086  }
0x1c: {  	p1 =	slt.u32 s9, $0xF7A;
	s5 =	simm.s32 @!p2 $0x0  }
0x1d: {  	s5 =	simm.s32 @p1 $0x1;
	p0 =	seq.s32 s7, s2  }
0x1e: {  	s7 =	smul.u32 @!p0 $0xF7A, s2;
	p2 =	seq.s32 @!p0 s5, $0x0  }
0x1f: {  	s9 =	smul.u32 $0xF7A, s1;
	s8 =	simm.s32 @!p0 $0x1BF5;
	p2 =	por !p2, p0  }
0x20: {  	[sflag:s8] =	ssyncset.s32 @!p0 $0xFFFFF086;
	s6 =	sadd.s32 @!p0 s3, s7;
	s7 =	simm.s32 @!p0 $0x108  }
0x21: {  	s3 =	sadd.s32 s3, s9;
	s6 =	sadd.s32 @!p0 $0x88, s6;
	s7 =	simm.s32 @p2 $0x1082  }
0x22: {  	[simem:s7], [sflag:s8] =	dma.local @!p0 [hbm:s6], $0xF7A  }
0x23: {  	s9 =	sor.u32 $0xD0000000, s2;
	s6 =	simm.s32 $0x108;
	_ =	swait.ge @!p0 [sflag:s8], $0x0  }
0x24: {  	s3 =	sadd.s32 $0x88, s3;
	s6 =	simm.s32 @!p1 $0x1082;
	[sflag:s4] =	ssyncset.s32 $0xFFFFF086  }
0x25: {  	[simem:s6], [sflag:s4] =	dma.local [hbm:s3], $0xF7A  }
0x26: {  	[smem:$0x3F6D] =	sst s1;
	(tag) =	ssettag s2;
	_ =	strace s9  }
0x27: {  	s1 =	sld [smem:$0x3F7D]  }
0x28: {  	s2 =	sld [smem:$0x3F7E]  }
0x29: {  	s4 =	sld [smem:$0x3F80]  }
0x2a: {  	p0 =	seq.s32 s5, $0x0;
	s5 =	sld [smem:$0x3F81]  }
0x2b: {  	s6 =	sld [smem:$0x3F82]  }
0x2c: {  	s7 =	sld [smem:$0x3F83]  }
0x2d: {  	s3 =	simm.s32 $0x108;
	s8 =	sld [smem:$0x3F84]  }
0x2e: {  	s3 =	simm.s32 @!p0 $0x1082;
	s9 =	sld [smem:$0x3F85]  }
0x2f: {  	lr =	sadd.s32 s0, s3;
	s0 =	sld [smem:$0x3F7C]  }
0x30: {  	s3 =	sld [smem:$0x3F7F]  }
0x31: {  	[smem:$0x3F88] =	sst s10  }
0x32: {  	s10 =	sld [smem:$0x3F86];
	_ =	sdelay $0x3  }
0x33: {  	p0 =	seq.s32 s10, $0x1;
	s10 =	sld [smem:$0x3F88];
	_ =	sdelay $0x3  }
0x34: {  	[smem:$0x3F88] =	sst s10  }
0x35: {  	s10 =	sld [smem:$0x3F87];
	_ =	sdelay $0x3  }
0x36: {  	p1 =	seq.s32 s10, $0x1;
	s10 =	sld [smem:$0x3F88];
	_ =	sdelay $0x3  }
0x37: {  	[smem:$0x3F88] =	sst s10  }
0x38: {  	s10 =	sld [smem:$0x3F89]  }
0x39: {  	_ = 	snop;
	(pc) =	sbr.ind lr, $3  }
0x3a: {  	_ = 	snop  }
0x3b: {  	_ = 	snop  }
0x3c: {  	p2 =	seq.s32 s10, $0x1;
	s10 =	sld [smem:$0x3F88]  }
0x3d: {  	_ =	shalt  }
0x3e: {  	_ =	shalt  }
0x3f: {  	_ =	shalt  }
0x40: {  	_ =	shalt  }
0x41: {  	_ =	shalt  }
0x42: {  	_ =	shalt  }
0x43: {  	_ =	shalt  }
0x44: {  	_ =	shalt  }
0x45: {  	_ =	shalt  }
0x46: {  	_ =	shalt  }
0x47: {  	_ =	shalt  }
0x48: {  	_ =	shalt  }
0x49: {  	_ =	shalt  }
0x4a: {  	_ =	shalt  }
0x4b: {  	_ =	shalt  }
0x4c: {  	_ =	shalt  }
0x4d: {  	_ =	shalt  }
0x4e: {  	_ =	shalt  }
0x4f: {  	_ =	shalt  }
0x50: {  	_ =	shalt  }
0x51: {  	_ =	shalt  }
0x52: {  	_ =	shalt  }
0x53: {  	_ =	shalt  }
0x54: {  	_ =	shalt  }
0x55: {  	_ =	shalt  }
0x56: {  	_ =	shalt  }
0x57: {  	_ =	shalt  }
0x58: {  	_ =	shalt  }
0x59: {  	_ =	shalt  }
0x5a: {  	_ =	shalt  }
0x5b: {  	_ =	shalt  }
0x5c: {  	_ =	shalt  }
0x5d: {  	_ =	shalt  }
0x5e: {  	_ =	shalt  }
0x5f: {  	_ =	shalt  }
0x60: {  	_ =	shalt  }
0x61: {  	_ =	shalt  }
0x62: {  	_ =	shalt  }
0x63: {  	_ =	shalt  }
0x64: {  	_ =	shalt  }
0x65: {  	_ =	shalt  }
0x66: {  	_ =	shalt  }
0x67: {  	_ =	shalt  }
0x68: {  	_ =	shalt  }
0x69: {  	_ =	shalt  }
0x6a: {  	_ =	shalt  }
0x6b: {  	_ =	shalt  }
0x6c: {  	_ =	shalt  }
0x6d: {  	_ =	shalt  }
0x6e: {  	_ =	shalt  }
0x6f: {  	_ =	shalt  }
0x70: {  	_ =	shalt  }
0x71: {  	_ =	shalt  }
0x72: {  	_ =	shalt  }
0x73: {  	_ =	shalt  }
0x74: {  	_ =	shalt  }
0x75: {  	_ =	shalt  }
0x76: {  	_ =	shalt  }
0x77: {  	_ =	shalt  }
0x78: {  	_ =	shalt  }
0x79: {  	_ =	shalt  }
0x7a: {  	_ =	shalt  }
0x7b: {  	_ =	shalt  }
0x7c: {  	_ =	shalt  }
0x7d: {  	_ =	shalt  }
0x7e: {  	_ =	shalt  }
0x7f: {  	_ =	shalt  }
0x80: {  	_ =	shalt  }
0x81: {  	_ =	shalt  }
0x82: {  	_ =	shalt  }
0x83: {  	_ =	shalt  }
0x84: {  	_ =	shalt  }
0x85: {  	_ =	shalt  }
0x86: {  	_ =	shalt  }
0x87: {  	_ =	shalt  }
.Lfunc_end0:
.L_simem_size_0:
called_computation.1_lowered:
.L_overlay_start_0:
0x88: {  	s2 =	sld [smem:$0x3FD9]  }
0x89: {  	s3 =	sld [smem:$0x3FFE];
	_ =	sdelay $0x1  }
0x8a: {  	s1 =	srdreg.scid  }
0x8b: {  	s0 =	sand.u32 $0x1, s1  }
0x8c: {  	s16 =	sshll.u32 s0, $0xA;
	s2 =	sadd.s32 s3, s2  }
0x8d: {  	s2 =	sadd.s32 s2, s16  }
0x8e: {  	[smem:$0x3F94] =	sst s2  }
0x8f: {  	_ = 	snop  }
0x90: {  	(tm) =	ssettm $0x1  }
0x91: {  	s17 =	sld [smem:$0x3FFB];
	_ =	sdelay $0x3  }
0x92: {  	_ =	strace s17  }
0x93: {  	s2 =	sld [smem:$0x3FFC];
	_ =	sdelay $0x3  }
0x94: {  	_ =	strace s2  }
0x95: {  	s2 =	sld [smem:$0x3FFD];
	_ =	sdelay $0x3  }
0x96: {  	_ =	strace s2  }
0x97: {  	_ =	strace $0x8FFFFFFF  }
0x98: {  	s18 =	sld [smem:$0x3FDB];
	_ =	sdelay $0x1  }
0x99: {  	s19 =	simm.s32 $_scs_section_size  }
0x9a: {  	s4 =	simm.s32 $_size__tile_overlayer_lowered;
	s5 =	simm.s32 $_tile_overlayer_lowered  }
0x9b: {  	s22 =	simm.s32 $0x1BFF;
	s21 =	sshll.u32 s5, $0x1;
	s2 =	sadd.s32 s19, s18  }
0x9c: {  	s6 =	simm.s32 $0x0;
	s20 =	sshll.u32 s4, $0x1;
	s4 =	sadd.s32 s21, s2  }
0x9d: {  	[timem:s6], [sflag:s22] =	dma.local [hbm:s4], s20  }
0x9e: {  	_ =	swait.ge [sflag:s22], s20  }
0x9f: {  	s3 =	ssub.s32 $0x0, s20;
	[sflag:s22] =	ssyncset.done $0x0  }
0xa0: {  	[sflag:s22] =	ssyncadd.s32 s3;
	_ =	sdelay $0x1  }
0xa1: {  	s23 =	simm.s32 $0x1B8B  }
0xa2: {  	_ =	swait.ge [sflag:s23], $0x1  }
0xa3: {  	[sflag:s23] =	ssyncset.done $0x0  }
0xa4: {  	s25 =	simm.s32 $0x1B8E;
	s24 =	sld [smem:$0x3FFE];
	[sflag:s23] =	ssyncadd.s32 $0xFFFFFFFF  }
0xa5: {  	s26 =	simm.s32 $execute0_lowered;
	[smem:$0x3FD2] =	sst s25  }
0xa6: {  	s4 =	sshll.u32 s26, $0x1;
	_ =	strace $0x80000058;
	[dreg:$0x1] =	wrdreg $0xFFFFFFFF  }
0xa7: {  	s28 =	simm.s32 $_size_execute0_lowered;
	s2 =	sadd.s32 s2, s4;
	[dreg:$0x0] =	wrdreg $0x0  }
0xa8: {  	s4 =	sshll.u32 s28, $0x1;
	[dreg:$0x2] =	wrdreg s2  }
0xa9: {  	[dreg:$0x3] =	wrdreg s4  }
0xaa: {  	[dreg:$0x4] =	wrdreg $0xC0  }
0xab: {  	_ =	task [dreg:s6], $0x5FFFF  }
0xac: {  	[dreg:$0x1] =	wrdreg $0xFFFFFFFF  }
0xad: {  	[dreg:$0x0] =	wrdreg $0x60  }
0xae: {  	[dreg:$0x2] =	wrdreg s24  }
0xaf: {  	[dreg:$0x3] =	wrdreg $0x9  }
0xb0: {  	_ =	task.clear_ibuf [dreg:s6], $0x4FFFF;
	_ =	strace $0x90000058  }
0xb1: {  	s29 =	simm.s32 $0x9;
	_ =	strace $0x8000005A  }
0xb2: {  	_ =	swait.ge [sflag:s29], $0x1  }
0xb3: {  	[sflag:s29] =	ssyncadd.s32 $0xFFFFFFFF  }
0xb4: {  	_ =	strace $0x9000005A  }
0xb5: {  	_ =	sfence  }
0xb6: {  	s30 =	sld [smem:$0x0];
	_ =	sdelay $0x2  }
0xb7: {  	s31 =	sshll.u32 s1, $0xD;
	s1 =	sshrl.u32 s1, $0x2  }
0xb8: {  	s3 =	sand.u32 $0x4000, s31;
	s1 =	sadd.s32 s1, s30  }
0xb9: {  	s0 =	sor.u32 s3, s0;
	s1 =	sshll.u32 s1, $0x11  }
0xba: {  	s0 =	sor.u32 s1, s0  }
0xbb: {  	s0 =	sadd.s32 $0x8F2B, s0  }
0xbc: {  	[sflag:s0] =	ssyncadd.remote.s32 $0x1  }
0xbd: {  	_ =	sfence.sel $0xFFFF  }
0xbe: {  	[dreg:$0x0] =	wrdreg $0xFFFFFFFF;
	(pc) =	sbr.abs _section_cstart, $3  }
0xbf: {  	[dreg:$0x1] =	wrdreg $0xFFFFFFFF  }
0xc0: {  	_ =	task.clear_ibuf [dreg:s6], $0x2FFFF;
	_ =	strace $0x9FFFFFFF  }
0xc1: {  	(tm) =	ssettm $0x7FFFFFFF  }
tec
execute0_lowered:
.L_overlay_start_1:
0x0: {  	(tag) =	ssettag $0x1  }
0x1: {  	s7 =	rddreg [dreg:$0x0]  }
0x2: {  	s0 =	rddreg [dreg:$0x1];
	_ =	strace $0x80000059  }
0x3: {  	s1 =	srdreg.scid;
	s4 =	simm.s32 $0x1;
	s9 =	simm.s32 $0x3  }
0x4: {  	s12 =	simm.s32 $0x0;
	s10 =	simm.s32 $0x0;
	s5 =	sshll.u32 s1, $0x4  }
.Ltmp0:
0x5: {  	s1 =	stileid.u32;
	s5 =	sand.u32 $0x10, s5;
	(pc) =	sbr.rel .LBB2_1-.Ltmp0, $4  }
0x6: {  	s2 =	sadd.s32 $0x2C00, s7;
	s3 =	sadd.s32 $0xAC000, s7;
	s6 =	sor.u32 s1, s5  }
0x7: {  	[sflag:s4] =	ssyncpa.u1 $0x0;
	s5 =	simm.s32 $0x2;
	s6 =	sshll.u32 s6, $0x6  }
0x8: {  	s7 =	sadd.s32 $0x12C00, s7;
	[sflag:s5] =	ssyncpa.u1 $0x0;
	s8 =	sadd.s32 $0x40, s6  }
0x9: {  	vm0 =	vmmov $0xff;
	vm1 =	vcmask $0x3F20;
	[sflag:s9] =	ssyncpa.u1 $0x0;
	s9 =	simm.s32 $0x40;
	s11 =	smov.u32 s6  }
.LBB2_10:
0xa: {  	[hbm:s16] =	stream.linear.scatter [tilespmem:s13], [sflag:$0x3], $0x800, $0x38;
	[tilespmem:$0x8080] =	vst v63  }
.LBB2_11:
0xb: {  	p0 =	seq.s32 s10, $0x2  }
.Ltmp1:
0xc: {  	_ = 	snop;
	(pc) =	sbr.rel @p0 .LBB2_13-.Ltmp1, $1  }
0xd: {  	_ =	sdelay $0x3  }
.LBB2_12:
0xe: {  	s12 =	sadd.s32 $0x40, s11  }
0xf: {  	s13 =	smov.u32 s6;
	p0 =	slt.s32 s12, s8  }
0x10: {  	s13 =	smov.u32 @p0 s12  }
0x11: {  	s10 =	sadd.s32 $0x1, s10;
	s12 =	smov.u32 s11;
	s11 =	smov.u32 s13  }
.LBB2_1:
0x12: {  	p0 =	sne.s32 s10, $0x0  }
.Ltmp2:
0x13: {  	_ = 	snop;
	(pc) =	sbr.rel @!p0 .LBB2_2-.Ltmp2, $1  }
0x14: {  	_ =	sdelay $0x3  }
0x15: {  	s13 =	sand.u32 $0x1, s10  }
0x16: {  	p0 =	seq.s32 s13, $0x0  }
.Ltmp3:
0x17: {  	_ = 	snop;
	(pc) =	sbr.rel @p0 .LBB2_11-.Ltmp3, $1  }
0x18: {  	_ =	sdelay $0x3  }
0x19: {  	_ =	swait.ge [sflag:s5], $0x40  }
0x1a: {  	[sflag:s5] =	ssyncset.done $0x0  }
0x1b: {  	s13 =	simm.s32 $0x0;
	[sflag:s5] =	ssyncadd.s32 $0xFFFFFFC0  }
.LBB2_5:
0x1c: {  	s14 =	sshll.u32 s13, $0x4  }
0x1d: {  	s14 =	sand.u32 $0x3FFFFFF0, s14  }
0x1e: {  	v0 =	vld.msk [tilespmem:s14+$0x40 ss:$0x1], $0xffff;
	_ =	sdelay $0x4  }
0x1f: {  	v1 =	vshrl.u32 v0, $0x2  }
0x20: {  	vm2 =	veq.s32 v0, $0x80000000;
	v1 =	vand.u32 $0x1FF, v1  }
0x21: {  	v0 =	vshll.u32 v0, $0x11;
	v1 =	vsel vm2, $0xFFFFFFFF, v1  }
0x22: {  	v0 =	vand.u32 $0x60000, v0;
	v2 =	vshll.u32 v1, $0x8  }
0x23: {  	v0 =	vsel vm2, $0xFFFE0000, v0;
	v1 =	vshll.u32 v1, $0x7;
	v2 =	vand.u32 $0xFFFFF800, v2  }
0x24: {  	s31 =	sshll.u32 s13, $0xC;
	v1 =	vand.u32 $0x380, v1;
	v0 =	vadd.s32 v0, v2  }
0x25: {  	s14 =	sand.u32 $0x3FFFF000, s31;
	v0 =	vor.u32 v1, v0  }
0x26: {  	p0 =	por $0x1, $0x1;
	s15 =	simm.s32 $0x0;
	s14 =	sadd.s32 $0x4080, s14;
	v0 =	vshrl.u32 v0, $0x3  }
.LBB2_6:
0x27: {  	_ =	sdelay $0x1  }
0x28: {  	s15 =	sshra.s32 s15, $0x2;
	p1 =	por p0, p0  }
.Ltmp4:
0x29: {  	s15 =	sadd.s32 s15, s14;
	(pc) =	sbr.rel @p1 .LBB2_6-.Ltmp4, $4  }
0x2a: {  	[tilespmem:s15], [sflag:$0x1] =	stream.indirect_vreg.gather [hbm:s2], $0x80, v0, vm0, $0x38;
	[tilespmem:$0x8080] =	vst v63  }
0x2b: {  	s15 =	sadd.s32 $0x800, s15  }
0x2c: {  	[tilespmem:s15], [sflag:$0x1] =	stream.indirect_vreg.gather [hbm:s2], $0x80, v0, vm1, $0x38;
	[tilespmem:$0x8080] =	vst v63  }
0x2d: {  	p0 =	por $0x0, $0x0;
	v0 =	vadd.s32 $0x80, v0;
	s15 =	simm.s32 $0x1000  }
0x2e: {  	s13 =	sadd.s32 $0x1, s13  }
0x2f: {  	p0 =	sne.s32 s13, $0x4  }
.Ltmp5:
0x30: {  	_ = 	snop;
	(pc) =	sbr.rel @p0 .LBB2_5-.Ltmp5, $1  }
0x31: {  	_ =	sdelay $0x3  }
0x32: {  	s13 =	sshll.u32 s12, $0x5  }
0x33: {  	_ =	swait.ge [sflag:s4], $0x4000;
	s31 =	sshll.u32 s12, $0x4;
	s13 =	sand.u32 $0xFFFFFF00, s13  }
0x34: {  	s14 =	simm.s32 $0x100;
	s12 =	sand.u32 $0x70, s31;
	s13 =	sadd.s32 s13, s7  }
0x35: {  	s15 =	simm.s32 $0x4880;
	[sflag:s4] =	ssyncset.done $0x0;
	s12 =	sadd.s32 s12, s13  }
0x36: {  	[sflag:s4] =	ssyncadd.s32 $0xFFFFC000;
	s13 =	simm.s32 $0x4080;
	s16 =	sadd.s32 $0x0, s12  }
.LBB2_9:
0x37: {  	[hbm:s16] =	stream.linear.scatter [tilespmem:s13], [sflag:$0x3], $0x800, $0x38;
	[tilespmem:$0x8080] =	vst v63  }
0x38: {  	s16 =	smov.u32 s14;
	s13 =	smov.u32 s15;
	p0 =	sne.s32 s14, $0x700  }
.Ltmp6:
0x39: {  	s14 =	sadd.s32 $0x100, s14;
	(pc) =	sbr.rel @p0 .LBB2_9-.Ltmp6, $2  }
0x3a: {  	_ =	sdelay $0x2  }
0x3b: {  	s15 =	sadd.s32 $0x800, s15;
	s16 =	sadd.s32 s16, s12  }
.Ltmp7:
0x3c: {  	_ = 	snop;
	(pc) =	sbr.rel .LBB2_10-.Ltmp7, $1  }
0x3d: {  	_ =	sdelay $0x3  }
.LBB2_2:
.Ltmp8:
0x3e: {  	(pc) =	sbr.rel .LBB2_12-.Ltmp8, $4  }
0x3f: {  	_ = 	snop  }
0x40: {  	s12 =	sshrl.u32 s11, $0x3  }
0x41: {  	s13 =	sand.u32 $0x7, s11;
	s12 =	sadd.s32 s3, s12  }
0x42: {  	[tilespmem:s9], [sflag:$0x2] =	stream.linear.gather [hbm4b:s12+s13], $0x40, $0x38;
	[tilespmem:$0x8080] =	vst v63  }
.LBB2_13:
0x43: {  	s2 =	simm.s32 $0x3  }
0x44: {  	_ =	swait.ge [sflag:s2], $0x4000  }
0x45: {  	[sflag:s2] =	ssyncset.done $0x0  }
0x46: {  	[sflag:s2] =	ssyncadd.s32 $0xFFFFC000  }
0x47: {  	_ =	sfence.sel $0x180000  }
0x48: {  	s3 =	simm.s32 $0x2;
	[bflag:$0x0] =	sbarrier.arrive $0xFFFF  }
0x49: {  	[sflag:s3] =	ssyncpa.u1 $0x1  }
0x4a: {  	s31 =	simm.s32 $0x1;
	[sflag:s2] =	ssyncpa.u1 $0x1  }
0x4b: {  	[sflag:s31] =	ssyncpa.u1 $0x1  }
0x4c: {  	p0 =	sne.s32 s1, $0x0;
	_ =	strace $0x90000059  }
0x4d: {  	s0 =	sadd.s32 @!p0 $0x100000, s0;
	[bflag:$0x2] =	sbarrier.arrive $0xFFFF  }
0x4e: {  	[sflag:s0] =	ssyncadd.tile.s32 @!p0 $0x1;
	_ =	shalt  }
.Lfunc_end2:
_tile_overlayer_lowered:
.L_overlay_start_2:
0x4f: {  	(tag) =	ssettag $0x2  }
0x50: {  	s0 =	rddreg [dreg:$0x0];
	s2 =	stileid.u32  }
0x51: {  	s1 =	rddreg [dreg:$0x1];
	p0 =	sne.s32 s2, $0x0  }
0x52: {  	s3 =	rddreg [dreg:$0x2];
	[bflag:$0x3] =	sbarrier.arrive $0xFFFF;
	s2 =	simm.s32 @!p0 $0x1C01  }
0x53: {  	[timem:s3], [sflag:s2] =	dma.local @!p0 [hbm:s0], s1  }
0x54: {  	s0 =	simm.s32 @!p0 $0x1  }
0x55: {  	_ =	swait.ge @!p0 [sflag:s0], s1  }
0x56: {  	s1 =	ssub.s32 @!p0 $0x0, s1;
	[sflag:s0] =	ssyncset.done @!p0 $0x0  }
0x57: {  	[sflag:s0] =	ssyncadd.s32 @!p0 s1  }
0x58: {  	[bflag:$0x3] =	sbarrier.arrive $0xFFFF  }
0x59: {  	_ =	shalt  }

// kernel: gather_offload_async_start.2
scs
__scs_entry_jumppad:
0x0: {  	(pc) =	sbr.rel $0x88, $3  }
0x1: {  	(tag) =	ssettag $0x0;
	lr =	simm.s32 $0x1  }
0x2: {  	[smem:$0x3F6D] =	sst lr;
	_ =	strace $0xD0000000  }
0x3: {  	_ = 	snop  }
0x4: {  	_ = 	snop  }
0x5: {  	_ = 	snop  }
0x6: {  	_ = 	snop  }
0x7: {  	_ = 	snop  }
__scs_overlays_trampoline_lowered:
0x8: {  	[smem:$0x3F7C] =	sst s0  }
0x9: {  	[smem:$0x3F7D] =	sst s1  }
0xa: {  	[smem:$0x3F7E] =	sst s2  }
0xb: {  	[smem:$0x3F7F] =	sst s3  }
0xc: {  	[smem:$0x3F80] =	sst s4  }
0xd: {  	[smem:$0x3F81] =	sst s5  }
0xe: {  	[smem:$0x3F82] =	sst s6  }
0xf: {  	[smem:$0x3F83] =	sst s7  }
0x10: {  	[smem:$0x3F84] =	sst s8  }
0x11: {  	[smem:$0x3F85] =	sst s9;
	s0 =	simm.s32 @!p0 $0x0  }
0x12: {  	s1 =	sld [smem:$0x3F6B];
	s0 =	simm.s32 @p0 $0x1  }
0x13: {  	[smem:$0x3F86] =	sst s0;
	s0 =	simm.s32 @!p1 $0x0  }
0x14: {  	s2 =	sld [smem:$0x3F6A];
	s0 =	simm.s32 @p1 $0x1  }
0x15: {  	[smem:$0x3F87] =	sst s0;
	s0 =	simm.s32 @!p2 $0x0  }
0x16: {  	s3 =	sld [smem:$0x3FDB];
	s0 =	simm.s32 @p2 $0x1  }
0x17: {  	s4 =	simm.s32 $0x1BF5;
	[smem:$0x3F89] =	sst s0  }
0x18: {  	s0 =	sld [smem:$0x3F6C];
	_ =	swait.ge [sflag:s4], $0x0  }
0x19: {  	s7 =	sld [smem:$0x3F6D]  }
0x1a: {  	s8 =	sadd.s32 $0xFFFFE003, lr  }
0x1b: {  	s9 =	sadd.s32 $0xFFFFFEF7, lr;
	s5 =	simm.s32 $0xFFFFFFFF;
	p2 =	slt.u32 s8, $0xFFFFF086  }
0x1c: {  	p1 =	slt.u32 s9, $0xF7A;
	s5 =	simm.s32 @!p2 $0x0  }
0x1d: {  	s5 =	simm.s32 @p1 $0x1;
	p0 =	seq.s32 s7, s2  }
0x1e: {  	s7 =	smul.u32 @!p0 $0xF7A, s2;
	p2 =	seq.s32 @!p0 s5, $0x0  }
0x1f: {  	s9 =	smul.u32 $0xF7A, s1;
	s8 =	simm.s32 @!p0 $0x1BF5;
	p2 =	por !p2, p0  }
0x20: {  	[sflag:s8] =	ssyncset.s32 @!p0 $0xFFFFF086;
	s6 =	sadd.s32 @!p0 s3, s7;
	s7 =	simm.s32 @!p0 $0x108  }
0x21: {  	s3 =	sadd.s32 s3, s9;
	s6 =	sadd.s32 @!p0 $0x88, s6;
	s7 =	simm.s32 @p2 $0x1082  }
0x22: {  	[simem:s7], [sflag:s8] =	dma.local @!p0 [hbm:s6], $0xF7A  }
0x23: {  	s9 =	sor.u32 $0xD0000000, s2;
	s6 =	simm.s32 $0x108;
	_ =	swait.ge @!p0 [sflag:s8], $0x0  }
0x24: {  	s3 =	sadd.s32 $0x88, s3;
	s6 =	simm.s32 @!p1 $0x1082;
	[sflag:s4] =	ssyncset.s32 $0xFFFFF086  }
0x25: {  	[simem:s6], [sflag:s4] =	dma.local [hbm:s3], $0xF7A  }
0x26: {  	[smem:$0x3F6D] =	sst s1;
	(tag) =	ssettag s2;
	_ =	strace s9  }
0x27: {  	s1 =	sld [smem:$0x3F7D]  }
0x28: {  	s2 =	sld [smem:$0x3F7E]  }
0x29: {  	s4 =	sld [smem:$0x3F80]  }
0x2a: {  	p0 =	seq.s32 s5, $0x0;
	s5 =	sld [smem:$0x3F81]  }
0x2b: {  	s6 =	sld [smem:$0x3F82]  }
0x2c: {  	s7 =	sld [smem:$0x3F83]  }
0x2d: {  	s3 =	simm.s32 $0x108;
	s8 =	sld [smem:$0x3F84]  }
0x2e: {  	s3 =	simm.s32 @!p0 $0x1082;
	s9 =	sld [smem:$0x3F85]  }
0x2f: {  	lr =	sadd.s32 s0, s3;
	s0 =	sld [smem:$0x3F7C]  }
0x30: {  	s3 =	sld [smem:$0x3F7F]  }
0x31: {  	[smem:$0x3F88] =	sst s10  }
0x32: {  	s10 =	sld [smem:$0x3F86];
	_ =	sdelay $0x3  }
0x33: {  	p0 =	seq.s32 s10, $0x1;
	s10 =	sld [smem:$0x3F88];
	_ =	sdelay $0x3  }
0x34: {  	[smem:$0x3F88] =	sst s10  }
0x35: {  	s10 =	sld [smem:$0x3F87];
	_ =	sdelay $0x3  }
0x36: {  	p1 =	seq.s32 s10, $0x1;
	s10 =	sld [smem:$0x3F88];
	_ =	sdelay $0x3  }
0x37: {  	[smem:$0x3F88] =	sst s10  }
0x38: {  	s10 =	sld [smem:$0x3F89]  }
0x39: {  	_ = 	snop;
	(pc) =	sbr.ind lr, $3  }
0x3a: {  	_ = 	snop  }
0x3b: {  	_ = 	snop  }
0x3c: {  	p2 =	seq.s32 s10, $0x1;
	s10 =	sld [smem:$0x3F88]  }
0x3d: {  	_ =	shalt  }
0x3e: {  	_ =	shalt  }
0x3f: {  	_ =	shalt  }
0x40: {  	_ =	shalt  }
0x41: {  	_ =	shalt  }
0x42: {  	_ =	shalt  }
0x43: {  	_ =	shalt  }
0x44: {  	_ =	shalt  }
0x45: {  	_ =	shalt  }
0x46: {  	_ =	shalt  }
0x47: {  	_ =	shalt  }
0x48: {  	_ =	shalt  }
0x49: {  	_ =	shalt  }
0x4a: {  	_ =	shalt  }
0x4b: {  	_ =	shalt  }
0x4c: {  	_ =	shalt  }
0x4d: {  	_ =	shalt  }
0x4e: {  	_ =	shalt  }
0x4f: {  	_ =	shalt  }
0x50: {  	_ =	shalt  }
0x51: {  	_ =	shalt  }
0x52: {  	_ =	shalt  }
0x53: {  	_ =	shalt  }
0x54: {  	_ =	shalt  }
0x55: {  	_ =	shalt  }
0x56: {  	_ =	shalt  }
0x57: {  	_ =	shalt  }
0x58: {  	_ =	shalt  }
0x59: {  	_ =	shalt  }
0x5a: {  	_ =	shalt  }
0x5b: {  	_ =	shalt  }
0x5c: {  	_ =	shalt  }
0x5d: {  	_ =	shalt  }
0x5e: {  	_ =	shalt  }
0x5f: {  	_ =	shalt  }
0x60: {  	_ =	shalt  }
0x61: {  	_ =	shalt  }
0x62: {  	_ =	shalt  }
0x63: {  	_ =	shalt  }
0x64: {  	_ =	shalt  }
0x65: {  	_ =	shalt  }
0x66: {  	_ =	shalt  }
0x67: {  	_ =	shalt  }
0x68: {  	_ =	shalt  }
0x69: {  	_ =	shalt  }
0x6a: {  	_ =	shalt  }
0x6b: {  	_ =	shalt  }
0x6c: {  	_ =	shalt  }
0x6d: {  	_ =	shalt  }
0x6e: {  	_ =	shalt  }
0x6f: {  	_ =	shalt  }
0x70: {  	_ =	shalt  }
0x71: {  	_ =	shalt  }
0x72: {  	_ =	shalt  }
0x73: {  	_ =	shalt  }
0x74: {  	_ =	shalt  }
0x75: {  	_ =	shalt  }
0x76: {  	_ =	shalt  }
0x77: {  	_ =	shalt  }
0x78: {  	_ =	shalt  }
0x79: {  	_ =	shalt  }
0x7a: {  	_ =	shalt  }
0x7b: {  	_ =	shalt  }
0x7c: {  	_ =	shalt  }
0x7d: {  	_ =	shalt  }
0x7e: {  	_ =	shalt  }
0x7f: {  	_ =	shalt  }
0x80: {  	_ =	shalt  }
0x81: {  	_ =	shalt  }
0x82: {  	_ =	shalt  }
0x83: {  	_ =	shalt  }
0x84: {  	_ =	shalt  }
0x85: {  	_ =	shalt  }
0x86: {  	_ =	shalt  }
0x87: {  	_ =	shalt  }
.Lfunc_end0:
.L_simem_size_0:
called_computation.2_lowered:
.L_overlay_start_0:
0x88: {  	s2 =	sld [smem:$0x3FD9]  }
0x89: {  	s3 =	sld [smem:$0x3FFE];
	_ =	sdelay $0x1  }
0x8a: {  	s1 =	srdreg.scid  }
0x8b: {  	s0 =	sand.u32 $0x1, s1  }
0x8c: {  	s17 =	sshll.u32 s0, $0xA;
	s2 =	sadd.s32 s3, s2  }
0x8d: {  	s2 =	sadd.s32 s2, s17  }
0x8e: {  	[smem:$0x3F94] =	sst s2  }
0x8f: {  	_ = 	snop  }
0x90: {  	s2 =	sld [smem:$0x3FD0];
	(tm) =	ssettm $0x1  }
0x91: {  	s18 =	sld [smem:$0x3FFB];
	_ =	sdelay $0x3  }
0x92: {  	_ =	strace s18  }
0x93: {  	s3 =	sld [smem:$0x3FFC];
	_ =	sdelay $0x3  }
0x94: {  	_ =	strace s3  }
0x95: {  	s3 =	sld [smem:$0x3FFD];
	_ =	sdelay $0x3  }
0x96: {  	_ =	strace s3  }
0x97: {  	_ =	strace $0x8FFFFFFF  }
0x98: {  	s19 =	sld [smem:$0x3FDB];
	_ =	sdelay $0x1  }
0x99: {  	s4 =	simm.s32 $_scs_section_size  }
0x9a: {  	s5 =	simm.s32 $_size__tile_overlayer_lowered;
	s6 =	simm.s32 $_tile_overlayer_lowered  }
0x9b: {  	s22 =	simm.s32 $0x1BFF;
	s21 =	sshll.u32 s6, $0x1;
	s3 =	sadd.s32 s4, s19  }
0x9c: {  	s7 =	simm.s32 $0x0;
	s20 =	sshll.u32 s5, $0x1;
	s5 =	sadd.s32 s21, s3  }
0x9d: {  	[timem:s7], [sflag:s22] =	dma.local [hbm:s5], s20  }
0x9e: {  	_ =	swait.ge [sflag:s22], s20  }
0x9f: {  	s4 =	ssub.s32 $0x0, s20;
	[sflag:s22] =	ssyncset.done $0x0  }
0xa0: {  	[sflag:s22] =	ssyncadd.s32 s4;
	_ =	sdelay $0x1  }
0xa1: {  	s23 =	simm.s32 $0x1B8B  }
0xa2: {  	_ =	swait.ge [sflag:s23], $0x1  }
0xa3: {  	[sflag:s23] =	ssyncset.done $0x0  }
0xa4: {  	s25 =	simm.s32 $0x1B8E;
	s24 =	sld [smem:$0x3FFE];
	[sflag:s23] =	ssyncadd.s32 $0xFFFFFFFF  }
0xa5: {  	s26 =	simm.s32 $execute0_lowered;
	[smem:$0x3FD2] =	sst s25  }
0xa6: {  	s5 =	sshll.u32 s26, $0x1;
	_ =	strace $0x80000064;
	[dreg:$0x1] =	wrdreg $0xFFFFFFFF  }
0xa7: {  	s28 =	simm.s32 $_size_execute0_lowered;
	s3 =	sadd.s32 s3, s5;
	[dreg:$0x0] =	wrdreg $0x0  }
0xa8: {  	s5 =	sshll.u32 s28, $0x1;
	[dreg:$0x2] =	wrdreg s3  }
0xa9: {  	[dreg:$0x3] =	wrdreg s5  }
0xaa: {  	[dreg:$0x4] =	wrdreg $0xC0  }
0xab: {  	_ =	task [dreg:s7], $0x5FFFF  }
0xac: {  	[dreg:$0x1] =	wrdreg $0xFFFFFFFF  }
0xad: {  	[dreg:$0x0] =	wrdreg $0x60  }
0xae: {  	[dreg:$0x2] =	wrdreg s24  }
0xaf: {  	[dreg:$0x3] =	wrdreg s2  }
0xb0: {  	[dreg:$0x4] =	wrdreg $0x9  }
0xb1: {  	_ =	task.clear_ibuf [dreg:s7], $0x5FFFF;
	_ =	strace $0x90000064  }
0xb2: {  	s29 =	simm.s32 $0x9;
	_ =	strace $0x80000066  }
0xb3: {  	_ =	swait.ge [sflag:s29], $0x1  }
0xb4: {  	[sflag:s29] =	ssyncadd.s32 $0xFFFFFFFF  }
0xb5: {  	_ =	strace $0x90000066  }
0xb6: {  	_ =	sfence  }
0xb7: {  	s30 =	sld [smem:$0x0];
	_ =	sdelay $0x2  }
0xb8: {  	s31 =	sshll.u32 s1, $0xD;
	s1 =	sshrl.u32 s1, $0x2  }
0xb9: {  	s3 =	sand.u32 $0x4000, s31;
	s1 =	sadd.s32 s1, s30  }
0xba: {  	s0 =	sor.u32 s3, s0;
	s1 =	sshll.u32 s1, $0x11  }
0xbb: {  	s0 =	sor.u32 s1, s0  }
0xbc: {  	s0 =	sadd.s32 $0x8F2B, s0  }
0xbd: {  	[sflag:s0] =	ssyncadd.remote.s32 $0x1  }
0xbe: {  	_ =	sfence.sel $0xFFFF  }
0xbf: {  	[dreg:$0x0] =	wrdreg $0xFFFFFFFF;
	(pc) =	sbr.abs _section_cstart, $3  }
0xc0: {  	[dreg:$0x1] =	wrdreg $0xFFFFFFFF  }
0xc1: {  	_ =	task.clear_ibuf [dreg:s7], $0x2FFFF;
	_ =	strace $0x9FFFFFFF  }
0xc2: {  	(tm) =	ssettm $0x7FFFFFFF  }
0xc3: {  	_ =	shalt  }
tec
execute0_lowered:
.L_overlay_start_1:
0x0: {  	(tag) =	ssettag $0x1  }
0x1: {  	s7 =	rddreg [dreg:$0x0]  }
0x2: {  	s2 =	rddreg [dreg:$0x1]  }
0x3: {  	s0 =	rddreg [dreg:$0x2]  }
0x4: {  	s1 =	srdreg.scid;
	_ =	strace $0x80000065;
	s4 =	simm.s32 $0x1  }
0x5: {  	s9 =	simm.s32 $0x3;
	s11 =	simm.s32 $0x0;
	s5 =	sshll.u32 s1, $0x4  }
.Ltmp0:
0x6: {  	s1 =	stileid.u32;
	s5 =	sand.u32 $0x10, s5;
	(pc) =	sbr.rel .LBB2_1-.Ltmp0, $4  }
0x7: {  	p0 =	por $0x0, $0x0;
	s3 =	sadd.s32 $0x2C00, s7;
	s6 =	sor.u32 s1, s5  }
0x8: {  	[sflag:s4] =	ssyncpa.u1 $0x0;
	s5 =	simm.s32 $0x2;
	s6 =	sshll.u32 s6, $0x6  }
0x9: {  	s7 =	sadd.s32 $0x42C00, s7;
	[sflag:s5] =	ssyncpa.u1 $0x0;
	s8 =	sadd.s32 $0x40, s6  }
0xa: {  	vm0 =	vmmov $0xff;
	vm1 =	vcmask $0x3F20;
	[sflag:s9] =	ssyncpa.u1 $0x0;
	s10 =	smov.u32 s6;
	s9 =	simm.s32 $0x0  }
.LBB2_9:
0xb: {  	p1 =	slt.u32 s9, $0x2;
	s11 =	sadd.s32 $0x20, s10  }
0xc: {  	s13 =	smov.u32 s6;
	s9 =	sadd.s32 $0x1, s9;
	p2 =	slt.s32 s11, s8  }
0xd: {  	s13 =	smov.u32 @p2 s11;
	p2 =	sne.s32 s9, $0x4  }
.Ltmp1:
0xe: {  	_ = 	snop;
	(pc) =	sbr.rel @!p2 .LBB2_10-.Ltmp1, $4  }
0xf: {  	s12 =	simm.s32 @!p1 $0x3  }
0x10: {  	_ =	swait.ge @!p1 [sflag:s12], $0x8000  }
0x11: {  	p0 =	por !p0, !p0;
	[sflag:s12] =	ssyncset.done @!p1 $0x0  }
0x12: {  	s11 =	smov.u32 s10;
	s10 =	smov.u32 s13;
	[sflag:s12] =	ssyncadd.s32 @!p1 $0xFFFF8000  }
.LBB2_1:
0x13: {  	p1 =	sgt.u32 s9, $0x1  }
0x14: {  	s12 =	sshll.u32 @!p1 s9, $0x5;
	s13 =	sshrl.u32 @!p1 s10, $0x3  }
0x15: {  	s14 =	sand.u32 @!p1 $0x7, s10;
	s12 =	sxor.u32 @!p1 $0x20, s12;
	s13 =	sadd.s32 @!p1 s2, s13  }
0x16: {  	[tilespmem:s12], [sflag:$0x2] =	stream.linear.gather @!p1 [hbm4b:s13+s14], $0x20, $0x38;
	[tilespmem:$0x10040] =	vst v63  }
0x17: {  	p1 =	seq.s32 s9, $0x0  }
0x18: {  	p2 =	seq.s32 @!p1 s9, $0x3  }
0x19: {  	p1 =	por p1, p2  }
.Ltmp2:
0x1a: {  	_ = 	snop;
	(pc) =	sbr.rel @p1 .LBB2_9-.Ltmp2, $1  }
0x1b: {  	_ =	sdelay $0x3  }
0x1c: {  	s12 =	simm.s32 $0x1  }
0x1d: {  	_ =	swait.ge [sflag:s5], $0x20;
	s13 =	sand.u32 $0x1, s9;
	s12 =	simm.s32 @!p0 $0x0  }
0x1e: {  	s15 =	simm.s32 $0x0;
	p1 =	por $0x1, $0x1;
	s12 =	sshll.u32 s12, $0x11  }
0x1f: {  	[sflag:s5] =	ssyncset.done $0x0;
	s13 =	sshll.u32 s13, $0x5;
	s14 =	sshrl.u32 s12, $0x2  }
0x20: {  	[sflag:s5] =	ssyncadd.s32 $0xFFFFFFE0;
	s12 =	sor.u32 $0x40, s14;
	s14 =	sadd.s32 $0x40, s14  }
.LBB2_3:
0x21: {  	s16 =	sshll.u32 s15, $0x4  }
0x22: {  	s16 =	sand.u32 $0x3FFFFFF0, s16  }
0x23: {  	s16 =	sadd.s32 s16, s13  }
0x24: {  	v0 =	vld.msk [tilespmem:s16+$0x0 ss:$0x1], $0xffff;
	_ =	sdelay $0x4  }
0x25: {  	v1 =	vshrl.u32 v0, $0x2  }
0x26: {  	vm2 =	veq.s32 v0, $0x80000000;
	v1 =	vand.u32 $0x1FF, v1  }
0x27: {  	v0 =	vshll.u32 v0, $0x13;
	v1 =	vsel vm2, $0xFFFFFFFF, v1  }
0x28: {  	v0 =	vand.u32 $0x180000, v0;
	v2 =	vshll.u32 v1, $0xA  }
0x29: {  	v0 =	vsel vm2, $0xFFF80000, v0;
	v1 =	vshll.u32 v1, $0x7;
	v2 =	vand.u32 $0xFFFFE000, v2  }
0x2a: {  	v1 =	vand.u32 $0x380, v1;
	v0 =	vadd.s32 v0, v2  }
0x2b: {  	v0 =	vor.u32 v1, v0  }
0x2c: {  	v0 =	vshrl.u32 v0, $0x3  }
0x2d: {  	s31 =	sshll.u32 s15, $0x10  }
0x2e: {  	s15 =	sshra.s32 s31, $0x2  }
0x2f: {  	s15 =	sadd.s32 s15, s14  }
0x30: {  	s17 =	sadd.s32 $0x0, s15  }
0x31: {  	[tilespmem:s17], [sflag:$0x1] =	stream.indirect_vreg.gather [hbm:s3], $0x80, v0, vm0, $0x38;
	[tilespmem:$0x10040] =	vst v63  }
0x32: {  	p2 =	por p1, p1;
	s16 =	simm.s32 $0x1000;
	v1 =	vadd.s32 $0x80, v0;
	s17 =	sadd.s32 $0x2000, s17  }
.LBB2_4:
0x33: {  	[tilespmem:s17], [sflag:$0x1] =	stream.indirect_vreg.gather [hbm:s3], $0x80, v0, vm1, $0x38;
	[tilespmem:$0x10040] =	vst v63  }
0x34: {  	v0 =	vmov v1;
	s17 =	smov.u32 s16;
	p1 =	sne.s32 s16, $0x7000  }
.Ltmp3:
0x35: {  	s16 =	sadd.s32 $0x1000, s16;
	(pc) =	sbr.rel @p1 .LBB2_4-.Ltmp3, $4  }
0x36: {  	s17 =	sshra.s32 s17, $0x2  }
0x37: {  	s17 =	sadd.s32 s17, s15  }
0x38: {  	[tilespmem:s17], [sflag:$0x1] =	stream.indirect_vreg.gather [hbm:s3], $0x80, v1, vm0, $0x38;
	[tilespmem:$0x10040] =	vst v63  }
0x39: {  	s17 =	sadd.s32 $0x2000, s17;
	v1 =	vadd.s32 $0x80, v1  }
0x3a: {  	_ = 	snop  }
.Ltmp4:
0x3b: {  	_ = 	snop;
	(pc) =	sbr.rel @p2 .LBB2_3-.Ltmp4, $3  }
0x3c: {  	_ =	sdelay $0x1  }
0x3d: {  	[tilespmem:s17], [sflag:$0x1] =	stream.indirect_vreg.gather [hbm:s3], $0x80, v0, vm1, $0x38;
	[tilespmem:$0x10040] =	vst v63  }
0x3e: {  	s15 =	simm.s32 $0x1;
	p1 =	por $0x0, $0x0  }
0x3f: {  	s13 =	sshll.u32 s11, $0x7  }
0x40: {  	s31 =	sshll.u32 s11, $0x4;
	s13 =	sand.u32 $0xFFFFFC00, s13  }
0x41: {  	_ =	swait.ge [sflag:s4], $0x8000;
	s11 =	sand.u32 $0x70, s31;
	s13 =	sadd.s32 s13, s7  }
0x42: {  	s14 =	sadd.s32 $0x2000, s12;
	[sflag:s4] =	ssyncset.done $0x0;
	s11 =	sadd.s32 s11, s13  }
0x43: {  	[sflag:s4] =	ssyncadd.s32 $0xFFFF8000;
	s13 =	simm.s32 $0x400;
	s15 =	sadd.s32 $0x0, s11  }
.LBB2_7:
0x44: {  	[hbm:s15] =	stream.linear.scatter [tilespmem:s12], [sflag:$0x3], $0x2000, $0x38;
	[tilespmem:$0x10040] =	vst v63  }
0x45: {  	s15 =	smov.u32 s13;
	s12 =	smov.u32 s14;
	p1 =	sne.s32 s13, $0xC00  }
.Ltmp5:
0x46: {  	s13 =	sadd.s32 $0x400, s13;
	(pc) =	sbr.rel @p1 .LBB2_7-.Ltmp5, $2  }
0x47: {  	_ =	sdelay $0x2  }
0x48: {  	s14 =	sadd.s32 $0x2000, s14;
	s15 =	sadd.s32 s15, s11  }
.Ltmp6:
0x49: {  	(pc) =	sbr.rel .LBB2_9-.Ltmp6, $2  }
0x4a: {  	_ =	sdelay $0x2  }
0x4b: {  	[hbm:s15] =	stream.linear.scatter [tilespmem:s12], [sflag:$0x3], $0x2000, $0x38;
	[tilespmem:$0x10040] =	vst v63  }
.LBB2_10:
0x4c: {  	_ =	sfence.sel $0x180000  }
0x4d: {  	s2 =	simm.s32 $0x2;
	[bflag:$0x0] =	sbarrier.arrive $0xFFFF  }
0x4e: {  	s30 =	simm.s32 $0x3;
	[sflag:s2] =	ssyncpa.u1 $0x1  }
0x4f: {  	s31 =	simm.s32 $0x1;
	[sflag:s30] =	ssyncpa.u1 $0x1  }
0x50: {  	[sflag:s31] =	ssyncpa.u1 $0x1  }
0x51: {  	p0 =	sne.s32 s1, $0x0;
	_ =	strace $0x90000065  }
0x52: {  	s0 =	sadd.s32 @!p0 $0x100000, s0;
	[bflag:$0x2] =	sbarrier.arrive $0xFFFF  }
0x53: {  	[sflag:s0] =	ssyncadd.tile.s32 @!p0 $0x1;
	_ =	shalt  }
.Lfunc_end2:
_tile_overlayer_lowered:
.L_overlay_start_2:
0x54: {  	(tag) =	ssettag $0x2  }
0x55: {  	s0 =	rddreg [dreg:$0x0];
	s2 =	stileid.u32  }
0x56: {  	s1 =	rddreg [dreg:$0x1];
	p0 =	sne.s32 s2, $0x0  }
0x57: {  	s3 =	rddreg [dreg:$0x2];
	[bflag:$0x3] =	sbarrier.arrive $0xFFFF;
	s2 =	simm.s32 @!p0 $0x1C01  }
0x58: {  	[timem:s3], [sflag:s2] =	dma.local @!p0 [hbm:s0], s1  }
0x59: {  	s0 =	simm.s32 @!p0 $0x1  }
0x5a: {  	_ =	swait.ge @!p0 [sflag:s0], s1  }
0x5b: {  	s1 =	ssub.s32 @!p0 $0x0, s1;
	[sflag:s0] =	ssyncset.done @!p0 $0x0  }
0x5c: {  	[sflag:s0] =	ssyncadd.s32 @!p0 s1  }
0x5d: {  	[bflag:$0x3] =	sbarrier.arrive $0xFFFF  }
0x5e: {  	_ =	shalt  }

// kernel: gather_offload_async_start
scs
__scs_entry_jumppad:
0x0: {  	(pc) =	sbr.rel $0x88, $3  }
0x1: {  	(tag) =	ssettag $0x0;
	lr =	simm.s32 $0x1  }
0x2: {  	[smem:$0x3F6D] =	sst lr;
	_ =	strace $0xD0000000  }
0x3: {  	_ = 	snop  }
0x4: {  	_ = 	snop  }
0x5: {  	_ = 	snop  }
0x6: {  	_ = 	snop  }
0x7: {  	_ = 	snop  }
__scs_overlays_trampoline_lowered:
0x8: {  	[smem:$0x3F7C] =	sst s0  }
0x9: {  	[smem:$0x3F7D] =	sst s1  }
0xa: {  	[smem:$0x3F7E] =	sst s2  }
0xb: {  	[smem:$0x3F7F] =	sst s3  }
0xc: {  	[smem:$0x3F80] =	sst s4  }
0xd: {  	[smem:$0x3F81] =	sst s5  }
0xe: {  	[smem:$0x3F82] =	sst s6  }
0xf: {  	[smem:$0x3F83] =	sst s7  }
0x10: {  	[smem:$0x3F84] =	sst s8  }
0x11: {  	[smem:$0x3F85] =	sst s9;
	s0 =	simm.s32 @!p0 $0x0  }
0x12: {  	s1 =	sld [smem:$0x3F6B];
	s0 =	simm.s32 @p0 $0x1  }
0x13: {  	[smem:$0x3F86] =	sst s0;
	s0 =	simm.s32 @!p1 $0x0  }
0x14: {  	s2 =	sld [smem:$0x3F6A];
	s0 =	simm.s32 @p1 $0x1  }
0x15: {  	[smem:$0x3F87] =	sst s0;
	s0 =	simm.s32 @!p2 $0x0  }
0x16: {  	s3 =	sld [smem:$0x3FDB];
	s0 =	simm.s32 @p2 $0x1  }
0x17: {  	s4 =	simm.s32 $0x1BF5;
	[smem:$0x3F89] =	sst s0  }
0x18: {  	s0 =	sld [smem:$0x3F6C];
	_ =	swait.ge [sflag:s4], $0x0  }
0x19: {  	s7 =	sld [smem:$0x3F6D]  }
0x1a: {  	s8 =	sadd.s32 $0xFFFFE003, lr  }
0x1b: {  	s9 =	sadd.s32 $0xFFFFFEF7, lr;
	s5 =	simm.s32 $0xFFFFFFFF;
	p2 =	slt.u32 s8, $0xFFFFF086  }
0x1c: {  	p1 =	slt.u32 s9, $0xF7A;
	s5 =	simm.s32 @!p2 $0x0  }
0x1d: {  	s5 =	simm.s32 @p1 $0x1;
	p0 =	seq.s32 s7, s2  }
0x1e: {  	s7 =	smul.u32 @!p0 $0xF7A, s2;
	p2 =	seq.s32 @!p0 s5, $0x0  }
0x1f: {  	s9 =	smul.u32 $0xF7A, s1;
	s8 =	simm.s32 @!p0 $0x1BF5;
	p2 =	por !p2, p0  }
0x20: {  	[sflag:s8] =	ssyncset.s32 @!p0 $0xFFFFF086;
	s6 =	sadd.s32 @!p0 s3, s7;
	s7 =	simm.s32 @!p0 $0x108  }
0x21: {  	s3 =	sadd.s32 s3, s9;
	s6 =	sadd.s32 @!p0 $0x88, s6;
	s7 =	simm.s32 @p2 $0x1082  }
0x22: {  	[simem:s7], [sflag:s8] =	dma.local @!p0 [hbm:s6], $0xF7A  }
0x23: {  	s9 =	sor.u32 $0xD0000000, s2;
	s6 =	simm.s32 $0x108;
	_ =	swait.ge @!p0 [sflag:s8], $0x0  }
0x24: {  	s3 =	sadd.s32 $0x88, s3;
	s6 =	simm.s32 @!p1 $0x1082;
	[sflag:s4] =	ssyncset.s32 $0xFFFFF086  }
0x25: {  	[simem:s6], [sflag:s4] =	dma.local [hbm:s3], $0xF7A  }
0x26: {  	[smem:$0x3F6D] =	sst s1;
	(tag) =	ssettag s2;
	_ =	strace s9  }
0x27: {  	s1 =	sld [smem:$0x3F7D]  }
0x28: {  	s2 =	sld [smem:$0x3F7E]  }
0x29: {  	s4 =	sld [smem:$0x3F80]  }
0x2a: {  	p0 =	seq.s32 s5, $0x0;
	s5 =	sld [smem:$0x3F81]  }
0x2b: {  	s6 =	sld [smem:$0x3F82]  }
0x2c: {  	s7 =	sld [smem:$0x3F83]  }
0x2d: {  	s3 =	simm.s32 $0x108;
	s8 =	sld [smem:$0x3F84]  }
0x2e: {  	s3 =	simm.s32 @!p0 $0x1082;
	s9 =	sld [smem:$0x3F85]  }
0x2f: {  	lr =	sadd.s32 s0, s3;
	s0 =	sld [smem:$0x3F7C]  }
0x30: {  	s3 =	sld [smem:$0x3F7F]  }
0x31: {  	[smem:$0x3F88] =	sst s10  }
0x32: {  	s10 =	sld [smem:$0x3F86];
	_ =	sdelay $0x3  }
0x33: {  	p0 =	seq.s32 s10, $0x1;
	s10 =	sld [smem:$0x3F88];
	_ =	sdelay $0x3  }
0x34: {  	[smem:$0x3F88] =	sst s10  }
0x35: {  	s10 =	sld [smem:$0x3F87];
	_ =	sdelay $0x3  }
0x36: {  	p1 =	seq.s32 s10, $0x1;
	s10 =	sld [smem:$0x3F88];
	_ =	sdelay $0x3  }
0x37: {  	[smem:$0x3F88] =	sst s10  }
0x38: {  	s10 =	sld [smem:$0x3F89]  }
0x39: {  	_ = 	snop;
	(pc) =	sbr.ind lr, $3  }
0x3a: {  	_ = 	snop  }
0x3b: {  	_ = 	snop  }
0x3c: {  	p2 =	seq.s32 s10, $0x1;
	s10 =	sld [smem:$0x3F88]  }
0x3d: {  	_ =	shalt  }
0x3e: {  	_ =	shalt  }
0x3f: {  	_ =	shalt  }
0x40: {  	_ =	shalt  }
0x41: {  	_ =	shalt  }
0x42: {  	_ =	shalt  }
0x43: {  	_ =	shalt  }
0x44: {  	_ =	shalt  }
0x45: {  	_ =	shalt  }
0x46: {  	_ =	shalt  }
0x47: {  	_ =	shalt  }
0x48: {  	_ =	shalt  }
0x49: {  	_ =	shalt  }
0x4a: {  	_ =	shalt  }
0x4b: {  	_ =	shalt  }
0x4c: {  	_ =	shalt  }
0x4d: {  	_ =	shalt  }
0x4e: {  	_ =	shalt  }
0x4f: {  	_ =	shalt  }
0x50: {  	_ =	shalt  }
0x51: {  	_ =	shalt  }
0x52: {  	_ =	shalt  }
0x53: {  	_ =	shalt  }
0x54: {  	_ =	shalt  }
0x55: {  	_ =	shalt  }
0x56: {  	_ =	shalt  }
0x57: {  	_ =	shalt  }
0x58: {  	_ =	shalt  }
0x59: {  	_ =	shalt  }
0x5a: {  	_ =	shalt  }
0x5b: {  	_ =	shalt  }
0x5c: {  	_ =	shalt  }
0x5d: {  	_ =	shalt  }
0x5e: {  	_ =	shalt  }
0x5f: {  	_ =	shalt  }
0x60: {  	_ =	shalt  }
0x61: {  	_ =	shalt  }
0x62: {  	_ =	shalt  }
0x63: {  	_ =	shalt  }
0x64: {  	_ =	shalt  }
0x65: {  	_ =	shalt  }
0x66: {  	_ =	shalt  }
0x67: {  	_ =	shalt  }
0x68: {  	_ =	shalt  }
0x69: {  	_ =	shalt  }
0x6a: {  	_ =	shalt  }
0x6b: {  	_ =	shalt  }
0x6c: {  	_ =	shalt  }
0x6d: {  	_ =	shalt  }
0x6e: {  	_ =	shalt  }
0x6f: {  	_ =	shalt  }
0x70: {  	_ =	shalt  }
0x71: {  	_ =	shalt  }
0x72: {  	_ =	shalt  }
0x73: {  	_ =	shalt  }
0x74: {  	_ =	shalt  }
0x75: {  	_ =	shalt  }
0x76: {  	_ =	shalt  }
0x77: {  	_ =	shalt  }
0x78: {  	_ =	shalt  }
0x79: {  	_ =	shalt  }
0x7a: {  	_ =	shalt  }
0x7b: {  	_ =	shalt  }
0x7c: {  	_ =	shalt  }
0x7d: {  	_ =	shalt  }
0x7e: {  	_ =	shalt  }
0x7f: {  	_ =	shalt  }
0x80: {  	_ =	shalt  }
0x81: {  	_ =	shalt  }
0x82: {  	_ =	shalt  }
0x83: {  	_ =	shalt  }
0x84: {  	_ =	shalt  }
0x85: {  	_ =	shalt  }
0x86: {  	_ =	shalt  }
0x87: {  	_ =	shalt  }
.Lfunc_end0:
.L_simem_size_0:
called_computation_lowered:
.L_overlay_start_0:
0x88: {  	s2 =	sld [smem:$0x3FD9]  }
0x89: {  	s3 =	sld [smem:$0x3FFE];
	_ =	sdelay $0x1  }
0x8a: {  	s1 =	srdreg.scid  }
0x8b: {  	s0 =	sand.u32 $0x1, s1  }
0x8c: {  	s16 =	sshll.u32 s0, $0xA;
	s2 =	sadd.s32 s3, s2  }
0x8d: {  	s2 =	sadd.s32 s2, s16  }
0x8e: {  	[smem:$0x3F94] =	sst s2  }
0x8f: {  	_ = 	snop  }
0x90: {  	(tm) =	ssettm $0x1  }
0x91: {  	s17 =	sld [smem:$0x3FFB];
	_ =	sdelay $0x3  }
0x92: {  	_ =	strace s17  }
0x93: {  	s2 =	sld [smem:$0x3FFC];
	_ =	sdelay $0x3  }
0x94: {  	_ =	strace s2  }
0x95: {  	s2 =	sld [smem:$0x3FFD];
	_ =	sdelay $0x3  }
0x96: {  	_ =	strace s2  }
0x97: {  	_ =	strace $0x8FFFFFFF  }
0x98: {  	s18 =	sld [smem:$0x3FDB];
	_ =	sdelay $0x1  }
0x99: {  	s19 =	simm.s32 $_scs_section_size  }
0x9a: {  	s4 =	simm.s32 $_size__tile_overlayer_lowered;
	s5 =	simm.s32 $_tile_overlayer_lowered  }
0x9b: {  	s22 =	simm.s32 $0x1BFF;
	s21 =	sshll.u32 s5, $0x1;
	s2 =	sadd.s32 s19, s18  }
0x9c: {  	s6 =	simm.s32 $0x0;
	s20 =	sshll.u32 s4, $0x1;
	s4 =	sadd.s32 s21, s2  }
0x9d: {  	[timem:s6], [sflag:s22] =	dma.local [hbm:s4], s20  }
0x9e: {  	_ =	swait.ge [sflag:s22], s20  }
0x9f: {  	s3 =	ssub.s32 $0x0, s20;
	[sflag:s22] =	ssyncset.done $0x0  }
0xa0: {  	[sflag:s22] =	ssyncadd.s32 s3;
	_ =	sdelay $0x1  }
0xa1: {  	s23 =	simm.s32 $0x1B8B  }
0xa2: {  	_ =	swait.ge [sflag:s23], $0x1  }
0xa3: {  	[sflag:s23] =	ssyncset.done $0x0  }
0xa4: {  	s25 =	simm.s32 $0x1B8E;
	s24 =	sld [smem:$0x3FFE];
	[sflag:s23] =	ssyncadd.s32 $0xFFFFFFFF  }
0xa5: {  	s26 =	simm.s32 $execute0_lowered;
	[smem:$0x3FD2] =	sst s25  }
0xa6: {  	s4 =	sshll.u32 s26, $0x1;
	_ =	strace $0x8000004C;
	[dreg:$0x1] =	wrdreg $0xFFFFFFFF  }
0xa7: {  	s28 =	simm.s32 $_size_execute0_lowered;
	s2 =	sadd.s32 s2, s4;
	[dreg:$0x0] =	wrdreg $0x0  }
0xa8: {  	s4 =	sshll.u32 s28, $0x1;
	[dreg:$0x2] =	wrdreg s2  }
0xa9: {  	[dreg:$0x3] =	wrdreg s4  }
0xaa: {  	[dreg:$0x4] =	wrdreg $0xC0  }
0xab: {  	_ =	task [dreg:s6], $0x5FFFF  }
0xac: {  	[dreg:$0x1] =	wrdreg $0xFFFFFFFF  }
0xad: {  	[dreg:$0x0] =	wrdreg $0x60  }
0xae: {  	[dreg:$0x2] =	wrdreg s24  }
0xaf: {  	[dreg:$0x3] =	wrdreg $0x9  }
0xb0: {  	_ =	task.clear_ibuf [dreg:s6], $0x4FFFF;
	_ =	strace $0x9000004C  }
0xb1: {  	s29 =	simm.s32 $0x9;
	_ =	strace $0x8000004E  }
0xb2: {  	_ =	swait.ge [sflag:s29], $0x1  }
0xb3: {  	[sflag:s29] =	ssyncadd.s32 $0xFFFFFFFF  }
0xb4: {  	_ =	strace $0x9000004E  }
0xb5: {  	_ =	sfence  }
0xb6: {  	s30 =	sld [smem:$0x0];
	_ =	sdelay $0x2  }
0xb7: {  	s31 =	sshll.u32 s1, $0xD;
	s1 =	sshrl.u32 s1, $0x2  }
0xb8: {  	s3 =	sand.u32 $0x4000, s31;
	s1 =	sadd.s32 s1, s30  }
0xb9: {  	s0 =	sor.u32 s3, s0;
	s1 =	sshll.u32 s1, $0x11  }
0xba: {  	s0 =	sor.u32 s1, s0  }
0xbb: {  	s0 =	sadd.s32 $0x8F2B, s0  }
0xbc: {  	[sflag:s0] =	ssyncadd.remote.s32 $0x1  }
0xbd: {  	_ =	sfence.sel $0xFFFF  }
0xbe: {  	[dreg:$0x0] =	wrdreg $0xFFFFFFFF;
	(pc) =	sbr.abs _section_cstart, $3  }
0xbf: {  	[dreg:$0x1] =	wrdreg $0xFFFFFFFF  }
0xc0: {  	_ =	task.clear_ibuf [dreg:s6], $0x2FFFF;
	_ =	strace $0x9FFFFFFF  }
0xc1: {  	(tm) =	ssettm $0x7FFFFFFF  }
tec
execute0_lowered:
.L_overlay_start_1:
0x0: {  	(tag) =	ssettag $0x1  }
0x1: {  	s7 =	rddreg [dreg:$0x0]  }
0x2: {  	s0 =	rddreg [dreg:$0x1];
	_ =	strace $0x8000004D  }
0x3: {  	s1 =	srdreg.scid;
	s4 =	simm.s32 $0x1;
	s9 =	simm.s32 $0x3  }
0x4: {  	s12 =	simm.s32 $0x0;
	s10 =	simm.s32 $0x0;
	s5 =	sshll.u32 s1, $0x4  }
.Ltmp0:
0x5: {  	s1 =	stileid.u32;
	s5 =	sand.u32 $0x10, s5;
	(pc) =	sbr.rel .LBB2_1-.Ltmp0, $4  }
0x6: {  	s2 =	sadd.s32 $0x2C00, s7;
	s3 =	sadd.s32 $0x2A7E00, s7;
	s6 =	sor.u32 s1, s5  }
0x7: {  	[sflag:s4] =	ssyncpa.u1 $0x0;
	s5 =	simm.s32 $0x2;
	s6 =	sshll.u32 s6, $0x6  }
0x8: {  	s7 =	sadd.s32 $0x22C00, s7;
	[sflag:s5] =	ssyncpa.u1 $0x0;
	s8 =	sadd.s32 $0x40, s6  }
0x9: {  	vm0 =	vmmov $0xff;
	vm1 =	vcmask $0x3F20;
	[sflag:s9] =	ssyncpa.u1 $0x0;
	s9 =	simm.s32 $0x40;
	s11 =	smov.u32 s6  }
.LBB2_9:
0xa: {  	p0 =	seq.s32 s10, $0x2  }
.Ltmp1:
0xb: {  	_ = 	snop;
	(pc) =	sbr.rel @p0 .LBB2_11-.Ltmp1, $1  }
0xc: {  	_ =	sdelay $0x3  }
.LBB2_10:
0xd: {  	s12 =	sadd.s32 $0x40, s11  }
0xe: {  	s13 =	smov.u32 s6;
	p0 =	slt.s32 s12, s8  }
0xf: {  	s13 =	smov.u32 @p0 s12  }
0x10: {  	s10 =	sadd.s32 $0x1, s10;
	s12 =	smov.u32 s11;
	s11 =	smov.u32 s13  }
.LBB2_1:
0x11: {  	p0 =	sne.s32 s10, $0x0  }
.Ltmp2:
0x12: {  	_ = 	snop;
	(pc) =	sbr.rel @!p0 .LBB2_2-.Ltmp2, $1  }
0x13: {  	_ =	sdelay $0x3  }
0x14: {  	s13 =	sand.u32 $0x1, s10  }
0x15: {  	p0 =	seq.s32 s13, $0x0  }
.Ltmp3:
0x16: {  	_ = 	snop;
	(pc) =	sbr.rel @p0 .LBB2_9-.Ltmp3, $1  }
0x17: {  	_ =	sdelay $0x3  }
0x18: {  	_ =	swait.ge [sflag:s5], $0x40  }
0x19: {  	[sflag:s5] =	ssyncset.done $0x0  }
0x1a: {  	s13 =	simm.s32 $0x0;
	[sflag:s5] =	ssyncadd.s32 $0xFFFFFFC0  }
0x1b: {  	v0 =	vld.msk [tilespmem:s13+$0x40 ss:$0x1], $0xffff;
	_ =	sdelay $0x4  }
0x1c: {  	v1 =	vshll.u32 v0, $0x5  }
0x1d: {  	vm2 =	veq.s32 v0, $0x80000000;
	v0 =	vshll.u32 v0, $0x12;
	v1 =	vand.u32 $0x3FF80, v1  }
0x1e: {  	v0 =	vand.u32 $0xC0000, v0;
	v1 =	vsel vm2, $0xFFFFFF80, v1  }
0x1f: {  	v0 =	vsel vm2, $0xFFFC0000, v0;
	v2 =	vand.u32 $0xFFFFFC00, v1  }
0x20: {  	v1 =	vand.u32 $0x380, v1;
	v0 =	vadd.s32 v0, v2  }
0x21: {  	v0 =	vor.u32 v1, v0  }
0x22: {  	v0 =	vshrl.u32 v0, $0x3;
	_ =	sdelay $0x3  }
0x23: {  	s13 =	simm.s32 $0x2080  }
0x24: {  	[tilespmem:s13], [sflag:$0x1] =	stream.indirect_vreg.gather [hbm:s2], $0x80, v0, vm0, $0x38;
	[tilespmem:$0x4080] =	vst v63  }
0x25: {  	s14 =	simm.s32 $0x2480;
	s31 =	simm.s32 $0x10  }
0x26: {  	[tilespmem:s14], [sflag:$0x1] =	stream.indirect_vreg.gather [hbm:s2], $0x80, v0, vm1, $0x38;
	[tilespmem:$0x4080] =	vst v63  }
0x27: {  	s14 =	simm.s32 $0x80;
	v0 =	vld.msk [tilespmem:s31+$0x40 ss:$0x1], $0xffff  }
.LBB2_5:
0x28: {  	p0 =	sne.s32 s14, $0xC0;
	_ =	sdelay $0x4  }
0x29: {  	v1 =	vshll.u32 v0, $0x5  }
0x2a: {  	vm2 =	veq.s32 v0, $0x80000000;
	v0 =	vshll.u32 v0, $0x12;
	v1 =	vand.u32 $0x3FF80, v1  }
0x2b: {  	v0 =	vand.u32 $0xC0000, v0;
	v1 =	vsel vm2, $0xFFFFFF80, v1  }
0x2c: {  	v0 =	vsel vm2, $0xFFFC0000, v0;
	v2 =	vand.u32 $0xFFFFFC00, v1  }
0x2d: {  	v1 =	vand.u32 $0x380, v1;
	v0 =	vadd.s32 v0, v2  }
0x2e: {  	v0 =	vor.u32 v1, v0  }
0x2f: {  	v0 =	vshrl.u32 v0, $0x3;
	_ =	sdelay $0x3  }
.Ltmp4:
0x30: {  	s13 =	sadd.s32 $0x800, s13;
	(pc) =	sbr.rel @p0 .LBB2_5-.Ltmp4, $4  }
0x31: {  	[tilespmem:s13], [sflag:$0x1] =	stream.indirect_vreg.gather [hbm:s2], $0x80, v0, vm0, $0x38;
	[tilespmem:$0x4080] =	vst v63  }
0x32: {  	s15 =	sshra.s32 s14, $0x2;
	s16 =	sadd.s32 $0x400, s13  }
0x33: {  	[tilespmem:s16], [sflag:$0x1] =	stream.indirect_vreg.gather [hbm:s2], $0x80, v0, vm1, $0x38;
	[tilespmem:$0x4080] =	vst v63  }
0x34: {  	s14 =	sadd.s32 $0x40, s14;
	v0 =	vld.msk [tilespmem:s15+$0x40 ss:$0x1], $0xffff  }
0x35: {  	_ =	sdelay $0x3  }
0x36: {  	v1 =	vshll.u32 v0, $0x5  }
0x37: {  	vm2 =	veq.s32 v0, $0x80000000;
	v63 =	vshll.u32 v0, $0x12;
	v1 =	vand.u32 $0x3FF80, v1  }
0x38: {  	v0 =	vand.u32 $0xC0000, v63;
	v1 =	vsel vm2, $0xFFFFFF80, v1  }
0x39: {  	v0 =	vsel vm2, $0xFFFC0000, v0;
	v2 =	vand.u32 $0xFFFFFC00, v1  }
0x3a: {  	v1 =	vand.u32 $0x380, v1;
	v0 =	vadd.s32 v0, v2  }
0x3b: {  	v0 =	vor.u32 v1, v0  }
0x3c: {  	v0 =	vshrl.u32 v0, $0x3;
	_ =	sdelay $0x3  }
0x3d: {  	s13 =	sadd.s32 $0x800, s13  }
0x3e: {  	[tilespmem:s13], [sflag:$0x1] =	stream.indirect_vreg.gather [hbm:s2], $0x80, v0, vm0, $0x38;
	[tilespmem:$0x4080] =	vst v63  }
0x3f: {  	s13 =	sadd.s32 $0x400, s13  }
0x40: {  	[tilespmem:s13], [sflag:$0x1] =	stream.indirect_vreg.gather [hbm:s2], $0x80, v0, vm1, $0x38;
	[tilespmem:$0x4080] =	vst v63  }
0x41: {  	s12 =	sshll.u32 s12, $0x4;
	s14 =	simm.s32 $0x80;
	_ =	swait.ge [sflag:s4], $0x2000  }
0x42: {  	s15 =	simm.s32 $0x2480;
	s12 =	sadd.s32 s12, s7;
	[sflag:s4] =	ssyncset.done $0x0  }
0x43: {  	s16 =	sadd.s32 $0x0, s12;
	s13 =	simm.s32 $0x2080;
	[sflag:s4] =	ssyncadd.s32 $0xFFFFE000  }
.LBB2_7:
0x44: {  	[hbm:s16] =	stream.linear.scatter [tilespmem:s13], [sflag:$0x3], $0x400, $0x38;
	[tilespmem:$0x4080] =	vst v63  }
0x45: {  	s16 =	smov.u32 s14;
	s13 =	smov.u32 s15;
	p0 =	sne.s32 s14, $0x380  }
.Ltmp5:
0x46: {  	s14 =	sadd.s32 $0x80, s14;
	(pc) =	sbr.rel @p0 .LBB2_7-.Ltmp5, $2  }
0x47: {  	_ =	sdelay $0x2  }
0x48: {  	s15 =	sadd.s32 $0x400, s15;
	s16 =	sadd.s32 s16, s12  }
.Ltmp6:
0x49: {  	(pc) =	sbr.rel .LBB2_9-.Ltmp6, $2  }
0x4a: {  	_ =	sdelay $0x2  }
0x4b: {  	[hbm:s16] =	stream.linear.scatter [tilespmem:s13], [sflag:$0x3], $0x400, $0x38;
	[tilespmem:$0x4080] =	vst v63  }
.LBB2_2:
.Ltmp7:
0x4c: {  	(pc) =	sbr.rel .LBB2_10-.Ltmp7, $4  }
0x4d: {  	_ = 	snop  }
0x4e: {  	s12 =	sshrl.u32 s11, $0x3  }
0x4f: {  	s13 =	sand.u32 $0x7, s11;
	s12 =	sadd.s32 s3, s12  }
0x50: {  	[tilespmem:s9], [sflag:$0x2] =	stream.linear.gather [hbm4b:s12+s13], $0x40, $0x38;
	[tilespmem:$0x4080] =	vst v63  }
.LBB2_11:
0x51: {  	s2 =	simm.s32 $0x3  }
0x52: {  	_ =	swait.ge [sflag:s2], $0x2000  }
0x53: {  	[sflag:s2] =	ssyncset.done $0x0  }
0x54: {  	[sflag:s2] =	ssyncadd.s32 $0xFFFFE000  }
0x55: {  	_ =	sfence.sel $0x180000  }
0x56: {  	s3 =	simm.s32 $0x2;
	[bflag:$0x0] =	sbarrier.arrive $0xFFFF  }
0x57: {  	[sflag:s3] =	ssyncpa.u1 $0x1  }
0x58: {  	s31 =	simm.s32 $0x1;
	[sflag:s2] =	ssyncpa.u1 $0x1  }
0x59: {  	[sflag:s31] =	ssyncpa.u1 $0x1  }
0x5a: {  	p0 =	sne.s32 s1, $0x0;
	_ =	strace $0x9000004D  }
0x5b: {  	s0 =	sadd.s32 @!p0 $0x100000, s0;
	[bflag:$0x2] =	sbarrier.arrive $0xFFFF  }
0x5c: {  	[sflag:s0] =	ssyncadd.tile.s32 @!p0 $0x1;
	_ =	shalt  }
.Lfunc_end2:
_tile_overlayer_lowered:
.L_overlay_start_2:
0x5d: {  	(tag) =	ssettag $0x2  }
0x5e: {  	s0 =	rddreg [dreg:$0x0];
	s2 =	stileid.u32  }
0x5f: {  	s1 =	rddreg [dreg:$0x1];
	p0 =	sne.s32 s2, $0x0  }
0x60: {  	s3 =	rddreg [dreg:$0x2];
	[bflag:$0x3] =	sbarrier.arrive $0xFFFF;
	s2 =	simm.s32 @!p0 $0x1C01  }
0x61: {  	[timem:s3], [sflag:s2] =	dma.local @!p0 [hbm:s0], s1  }
0x62: {  	s0 =	simm.s32 @!p0 $0x1  }
0x63: {  	_ =	swait.ge @!p0 [sflag:s0], s1  }
0x64: {  	s1 =	ssub.s32 @!p0 $0x0, s1;
	[sflag:s0] =	ssyncset.done @!p0 $0x0  }
0x65: {  	[sflag:s0] =	ssyncadd.s32 @!p0 s1  }
0x66: {  	[bflag:$0x3] =	sbarrier.arrive $0xFFFF  }
0x67: {  	_ =	shalt  }

// kernel: kernel.19.cloned.1.call-start
scs
__scs_entry_jumppad:
0x0: {  	(pc) =	sbr.rel $0x88, $3  }
0x1: {  	(tag) =	ssettag $0x0;
	lr =	simm.s32 $0x1  }
0x2: {  	[smem:$0x3F6D] =	sst lr;
	_ =	strace $0xD0000000  }
0x3: {  	_ = 	snop  }
0x4: {  	_ = 	snop  }
0x5: {  	_ = 	snop  }
0x6: {  	_ = 	snop  }
0x7: {  	_ = 	snop  }
__scs_overlays_trampoline_lowered:
0x8: {  	[smem:$0x3F7C] =	sst s0  }
0x9: {  	[smem:$0x3F7D] =	sst s1  }
0xa: {  	[smem:$0x3F7E] =	sst s2  }
0xb: {  	[smem:$0x3F7F] =	sst s3  }
0xc: {  	[smem:$0x3F80] =	sst s4  }
0xd: {  	[smem:$0x3F81] =	sst s5  }
0xe: {  	[smem:$0x3F82] =	sst s6  }
0xf: {  	[smem:$0x3F83] =	sst s7  }
0x10: {  	[smem:$0x3F84] =	sst s8  }
0x11: {  	[smem:$0x3F85] =	sst s9;
	s0 =	simm.s32 @!p0 $0x0  }
0x12: {  	s1 =	sld [smem:$0x3F6B];
	s0 =	simm.s32 @p0 $0x1  }
0x13: {  	[smem:$0x3F86] =	sst s0;
	s0 =	simm.s32 @!p1 $0x0  }
0x14: {  	s2 =	sld [smem:$0x3F6A];
	s0 =	simm.s32 @p1 $0x1  }
0x15: {  	[smem:$0x3F87] =	sst s0;
	s0 =	simm.s32 @!p2 $0x0  }
0x16: {  	s3 =	sld [smem:$0x3FDB];
	s0 =	simm.s32 @p2 $0x1  }
0x17: {  	s4 =	simm.s32 $0x1BF5;
	[smem:$0x3F89] =	sst s0  }
0x18: {  	s0 =	sld [smem:$0x3F6C];
	_ =	swait.ge [sflag:s4], $0x0  }
0x19: {  	s7 =	sld [smem:$0x3F6D]  }
0x1a: {  	s8 =	sadd.s32 $0xFFFFE003, lr  }
0x1b: {  	s9 =	sadd.s32 $0xFFFFFEF7, lr;
	s5 =	simm.s32 $0xFFFFFFFF;
	p2 =	slt.u32 s8, $0xFFFFF086  }
0x1c: {  	p1 =	slt.u32 s9, $0xF7A;
	s5 =	simm.s32 @!p2 $0x0  }
0x1d: {  	s5 =	simm.s32 @p1 $0x1;
	p0 =	seq.s32 s7, s2  }
0x1e: {  	s7 =	smul.u32 @!p0 $0xF7A, s2;
	p2 =	seq.s32 @!p0 s5, $0x0  }
0x1f: {  	s9 =	smul.u32 $0xF7A, s1;
	s8 =	simm.s32 @!p0 $0x1BF5;
	p2 =	por !p2, p0  }
0x20: {  	[sflag:s8] =	ssyncset.s32 @!p0 $0xFFFFF086;
	s6 =	sadd.s32 @!p0 s3, s7;
	s7 =	simm.s32 @!p0 $0x108  }
0x21: {  	s3 =	sadd.s32 s3, s9;
	s6 =	sadd.s32 @!p0 $0x88, s6;
	s7 =	simm.s32 @p2 $0x1082  }
0x22: {  	[simem:s7], [sflag:s8] =	dma.local @!p0 [hbm:s6], $0xF7A  }
0x23: {  	s9 =	sor.u32 $0xD0000000, s2;
	s6 =	simm.s32 $0x108;
	_ =	swait.ge @!p0 [sflag:s8], $0x0  }
0x24: {  	s3 =	sadd.s32 $0x88, s3;
	s6 =	simm.s32 @!p1 $0x1082;
	[sflag:s4] =	ssyncset.s32 $0xFFFFF086  }
0x25: {  	[simem:s6], [sflag:s4] =	dma.local [hbm:s3], $0xF7A  }
0x26: {  	[smem:$0x3F6D] =	sst s1;
	(tag) =	ssettag s2;
	_ =	strace s9  }
0x27: {  	s1 =	sld [smem:$0x3F7D]  }
0x28: {  	s2 =	sld [smem:$0x3F7E]  }
0x29: {  	s4 =	sld [smem:$0x3F80]  }
0x2a: {  	p0 =	seq.s32 s5, $0x0;
	s5 =	sld [smem:$0x3F81]  }
0x2b: {  	s6 =	sld [smem:$0x3F82]  }
0x2c: {  	s7 =	sld [smem:$0x3F83]  }
0x2d: {  	s3 =	simm.s32 $0x108;
	s8 =	sld [smem:$0x3F84]  }
0x2e: {  	s3 =	simm.s32 @!p0 $0x1082;
	s9 =	sld [smem:$0x3F85]  }
0x2f: {  	lr =	sadd.s32 s0, s3;
	s0 =	sld [smem:$0x3F7C]  }
0x30: {  	s3 =	sld [smem:$0x3F7F]  }
0x31: {  	[smem:$0x3F88] =	sst s10  }
0x32: {  	s10 =	sld [smem:$0x3F86];
	_ =	sdelay $0x3  }
0x33: {  	p0 =	seq.s32 s10, $0x1;
	s10 =	sld [smem:$0x3F88];
	_ =	sdelay $0x3  }
0x34: {  	[smem:$0x3F88] =	sst s10  }
0x35: {  	s10 =	sld [smem:$0x3F87];
	_ =	sdelay $0x3  }
0x36: {  	p1 =	seq.s32 s10, $0x1;
	s10 =	sld [smem:$0x3F88];
	_ =	sdelay $0x3  }
0x37: {  	[smem:$0x3F88] =	sst s10  }
0x38: {  	s10 =	sld [smem:$0x3F89]  }
0x39: {  	_ = 	snop;
	(pc) =	sbr.ind lr, $3  }
0x3a: {  	_ = 	snop  }
0x3b: {  	_ = 	snop  }
0x3c: {  	p2 =	seq.s32 s10, $0x1;
	s10 =	sld [smem:$0x3F88]  }
0x3d: {  	_ =	shalt  }
0x3e: {  	_ =	shalt  }
0x3f: {  	_ =	shalt  }
0x40: {  	_ =	shalt  }
0x41: {  	_ =	shalt  }
0x42: {  	_ =	shalt  }
0x43: {  	_ =	shalt  }
0x44: {  	_ =	shalt  }
0x45: {  	_ =	shalt  }
0x46: {  	_ =	shalt  }
0x47: {  	_ =	shalt  }
0x48: {  	_ =	shalt  }
0x49: {  	_ =	shalt  }
0x4a: {  	_ =	shalt  }
0x4b: {  	_ =	shalt  }
0x4c: {  	_ =	shalt  }
0x4d: {  	_ =	shalt  }
0x4e: {  	_ =	shalt  }
0x4f: {  	_ =	shalt  }
0x50: {  	_ =	shalt  }
0x51: {  	_ =	shalt  }
0x52: {  	_ =	shalt  }
0x53: {  	_ =	shalt  }
0x54: {  	_ =	shalt  }
0x55: {  	_ =	shalt  }
0x56: {  	_ =	shalt  }
0x57: {  	_ =	shalt  }
0x58: {  	_ =	shalt  }
0x59: {  	_ =	shalt  }
0x5a: {  	_ =	shalt  }
0x5b: {  	_ =	shalt  }
0x5c: {  	_ =	shalt  }
0x5d: {  	_ =	shalt  }
0x5e: {  	_ =	shalt  }
0x5f: {  	_ =	shalt  }
0x60: {  	_ =	shalt  }
0x61: {  	_ =	shalt  }
0x62: {  	_ =	shalt  }
0x63: {  	_ =	shalt  }
0x64: {  	_ =	shalt  }
0x65: {  	_ =	shalt  }
0x66: {  	_ =	shalt  }
0x67: {  	_ =	shalt  }
0x68: {  	_ =	shalt  }
0x69: {  	_ =	shalt  }
0x6a: {  	_ =	shalt  }
0x6b: {  	_ =	shalt  }
0x6c: {  	_ =	shalt  }
0x6d: {  	_ =	shalt  }
0x6e: {  	_ =	shalt  }
0x6f: {  	_ =	shalt  }
0x70: {  	_ =	shalt  }
0x71: {  	_ =	shalt  }
0x72: {  	_ =	shalt  }
0x73: {  	_ =	shalt  }
0x74: {  	_ =	shalt  }
0x75: {  	_ =	shalt  }
0x76: {  	_ =	shalt  }
0x77: {  	_ =	shalt  }
0x78: {  	_ =	shalt  }
0x79: {  	_ =	shalt  }
0x7a: {  	_ =	shalt  }
0x7b: {  	_ =	shalt  }
0x7c: {  	_ =	shalt  }
0x7d: {  	_ =	shalt  }
0x7e: {  	_ =	shalt  }
0x7f: {  	_ =	shalt  }
0x80: {  	_ =	shalt  }
0x81: {  	_ =	shalt  }
0x82: {  	_ =	shalt  }
0x83: {  	_ =	shalt  }
0x84: {  	_ =	shalt  }
0x85: {  	_ =	shalt  }
0x86: {  	_ =	shalt  }
0x87: {  	_ =	shalt  }
.Lfunc_end0:
.L_simem_size_0:
called_computation.3_lowered:
.L_overlay_start_0:
0x88: {  	s2 =	sld [smem:$0x3FD9]  }
0x89: {  	s3 =	sld [smem:$0x3FFE];
	_ =	sdelay $0x1  }
0x8a: {  	s1 =	srdreg.scid  }
0x8b: {  	s0 =	sand.u32 $0x1, s1  }
0x8c: {  	s16 =	sshll.u32 s0, $0xA;
	s2 =	sadd.s32 s3, s2  }
0x8d: {  	s2 =	sadd.s32 s2, s16  }
0x8e: {  	[smem:$0x3F94] =	sst s2  }
0x8f: {  	_ = 	snop  }
0x90: {  	(tm) =	ssettm $0x1  }
0x91: {  	s17 =	sld [smem:$0x3FFB];
	_ =	sdelay $0x3  }
0x92: {  	_ =	strace s17  }
0x93: {  	s2 =	sld [smem:$0x3FFC];
	_ =	sdelay $0x3  }
0x94: {  	_ =	strace s2  }
0x95: {  	s2 =	sld [smem:$0x3FFD];
	_ =	sdelay $0x3  }
0x96: {  	_ =	strace s2  }
0x97: {  	_ =	strace $0x8FFFFFFF  }
0x98: {  	s18 =	sld [smem:$0x3FDB];
	_ =	sdelay $0x1  }
0x99: {  	s19 =	simm.s32 $_scs_section_size  }
0x9a: {  	s4 =	simm.s32 $_size__tile_overlayer_lowered;
	s5 =	simm.s32 $_tile_overlayer_lowered  }
0x9b: {  	s22 =	simm.s32 $0x1BFF;
	s21 =	sshll.u32 s5, $0x1;
	s2 =	sadd.s32 s19, s18  }
0x9c: {  	s6 =	simm.s32 $0x0;
	s20 =	sshll.u32 s4, $0x1;
	s4 =	sadd.s32 s21, s2  }
0x9d: {  	[timem:s6], [sflag:s22] =	dma.local [hbm:s4], s20  }
0x9e: {  	_ =	swait.ge [sflag:s22], s20  }
0x9f: {  	s3 =	ssub.s32 $0x0, s20;
	[sflag:s22] =	ssyncset.done $0x0  }
0xa0: {  	[sflag:s22] =	ssyncadd.s32 s3;
	_ =	sdelay $0x1  }
0xa1: {  	s23 =	simm.s32 $0x1B8B  }
0xa2: {  	_ =	swait.ge [sflag:s23], $0x1  }
0xa3: {  	[sflag:s23] =	ssyncset.done $0x0  }
0xa4: {  	s25 =	simm.s32 $0x1B8E;
	s24 =	sld [smem:$0x3FFE];
	[sflag:s23] =	ssyncadd.s32 $0xFFFFFFFF  }
0xa5: {  	s26 =	simm.s32 $execute0_lowered;
	[smem:$0x3FD2] =	sst s25  }
0xa6: {  	s4 =	sshll.u32 s26, $0x1;
	_ =	strace $0x80000046;
	[dreg:$0x1] =	wrdreg $0xFFFFFFFF  }
0xa7: {  	s28 =	simm.s32 $_size_execute0_lowered;
	s2 =	sadd.s32 s2, s4;
	[dreg:$0x0] =	wrdreg $0x0  }
0xa8: {  	s4 =	sshll.u32 s28, $0x1;
	[dreg:$0x2] =	wrdreg s2  }
0xa9: {  	[dreg:$0x3] =	wrdreg s4  }
0xaa: {  	[dreg:$0x4] =	wrdreg $0xC0  }
0xab: {  	_ =	task [dreg:s6], $0x5FFFF  }
0xac: {  	[dreg:$0x1] =	wrdreg $0xFFFFFFFF  }
0xad: {  	[dreg:$0x0] =	wrdreg $0x60  }
0xae: {  	[dreg:$0x2] =	wrdreg s24  }
0xaf: {  	[dreg:$0x3] =	wrdreg $0x9  }
0xb0: {  	_ =	task.clear_ibuf [dreg:s6], $0x4FFFF;
	_ =	strace $0x90000046  }
0xb1: {  	s29 =	simm.s32 $0x9;
	_ =	strace $0x80000048  }
0xb2: {  	_ =	swait.ge [sflag:s29], $0x1  }
0xb3: {  	[sflag:s29] =	ssyncadd.s32 $0xFFFFFFFF  }
0xb4: {  	_ =	strace $0x90000048  }
0xb5: {  	_ =	sfence  }
0xb6: {  	s30 =	sld [smem:$0x0];
	_ =	sdelay $0x2  }
0xb7: {  	s31 =	sshll.u32 s1, $0xD;
	s1 =	sshrl.u32 s1, $0x2  }
0xb8: {  	s3 =	sand.u32 $0x4000, s31;
	s1 =	sadd.s32 s1, s30  }
0xb9: {  	s0 =	sor.u32 s3, s0;
	s1 =	sshll.u32 s1, $0x11  }
0xba: {  	s0 =	sor.u32 s1, s0  }
0xbb: {  	s0 =	sadd.s32 $0x8F2B, s0  }
0xbc: {  	[sflag:s0] =	ssyncadd.remote.s32 $0x1  }
0xbd: {  	_ =	sfence.sel $0xFFFF  }
0xbe: {  	[dreg:$0x0] =	wrdreg $0xFFFFFFFF;
	(pc) =	sbr.abs _section_cstart, $3  }
0xbf: {  	[dreg:$0x1] =	wrdreg $0xFFFFFFFF  }
0xc0: {  	_ =	task.clear_ibuf [dreg:s6], $0x2FFFF;
	_ =	strace $0x9FFFFFFF  }
0xc1: {  	(tm) =	ssettm $0x7FFFFFFF  }
tec
execute0_lowered:
.L_overlay_start_1:
0x0: {  	(tag) =	ssettag $0x1  }
0x1: {  	s4 =	rddreg [dreg:$0x0]  }
0x2: {  	s0 =	rddreg [dreg:$0x1]  }
0x3: {  	s3 =	srdreg.scid;
	s1 =	stileid.u32;
	s2 =	simm.s32 $0x0  }
0x4: {  	s11 =	simm.s32 $0x6400;
	s12 =	simm.s32 $0x8C00;
	s13 =	simm.s32 $0x1  }
0x5: {  	s14 =	simm.s32 $0x0;
	s5 =	sand.u32 $0x1, s3;
	s28 =	sshll.u32 s1, $0x1  }
0x6: {  	[smem:$0x7FF] =	sst s2;
	s7 =	smul.u32 $0x28000, s1;
	s3 =	sor.u32 s5, s28  }
0x7: {  	_ =	strace $0x80000047;
	s8 =	ssub.s32 $0x2, s5;
	s10 =	smul.u32 $0x14000, s5  }
0x8: {  	s6 =	smul.u32 $0x1400, s3;
	s3 =	sadd.s32 $0x7C00, s4;
	s9 =	sshrl.u32 s8, $0x1  }
0x9: {  	s30 =	sadd.s32 s7, s4;
	s7 =	simm.s32 $0x2;
	s31 =	ssub.s32 s8, s9  }
0xa: {  	s8 =	simm.s32 $0x50;
	s9 =	simm.s32 $0x1400;
	s6 =	sshrl.u32 s6, $0x3  }
0xb: {  	s5 =	smax.u32 s31, $0x1;
	s29 =	sadd.s32 s6, s4;
	s6 =	sadd.s32 s10, s30  }
0xc: {  	s10 =	simm.s32 $0x3C00;
	s4 =	sadd.s32 $0x2C00, s29;
	s6 =	sadd.s32 $0x27C00, s6  }
.LBB2_1:
0xd: {  	[tilespmem:s2], [sflag:$0x2] =	stream.linear.gather [hbm4b:s4+s2], $0x1400, $0x38;
	[tilespmem:$0xB400] =	vst v63  }
0xe: {  	_ =	swait.ge [sflag:s7], $0x1400  }
0xf: {  	[sflag:s7] =	ssyncset.done $0x0  }
0x10: {  	s15 =	simm.s32 $0x0;
	[sflag:s7] =	ssyncadd.s32 $0xFFFFEC00  }
0x11: {  	[tilespmem:s9], [sflag:$0x1] =	stream.indirect.gather [hbm4b:s3+s8], $0x80, s15, s8, $0xb8;
	[tilespmem:$0xB400] =	vst v63  }
0x12: {  	s26 =	simm.s32 $0x50  }
0x13: {  	[tilespmem:s10], [sflag:$0x1] =	stream.indirect.gather [hbm4b:s3+s8], $0x80, s26, s8, $0xb8;
	[tilespmem:$0xB400] =	vst v63  }
0x14: {  	s28 =	simm.s32 $0xA0  }
0x15: {  	[tilespmem:s11], [sflag:$0x1] =	stream.indirect.gather [hbm4b:s3+s8], $0x80, s28, s8, $0xb8;
	[tilespmem:$0xB400] =	vst v63  }
0x16: {  	s29 =	simm.s32 $0xF0  }
0x17: {  	[tilespmem:s12], [sflag:$0x1] =	stream.indirect.gather [hbm4b:s3+s8], $0x80, s29, s8, $0xb8;
	[tilespmem:$0xB400] =	vst v63  }
0x18: {  	_ =	swait.ge [sflag:s13], $0x2800  }
0x19: {  	[sflag:s13] =	ssyncset.done $0x0  }
0x1a: {  	[sflag:s13] =	ssyncadd.s32 $0xFFFFD800  }
0x1b: {  	_ =	swait.ge [sflag:s13], $0x2800  }
0x1c: {  	[sflag:s13] =	ssyncset.done $0x0  }
0x1d: {  	[sflag:s13] =	ssyncadd.s32 $0xFFFFD800  }
0x1e: {  	_ =	swait.ge [sflag:s13], $0x2800  }
0x1f: {  	[sflag:s13] =	ssyncset.done $0x0  }
0x20: {  	[sflag:s13] =	ssyncadd.s32 $0xFFFFD800  }
0x21: {  	_ =	swait.ge [sflag:s13], $0x2800  }
0x22: {  	[sflag:s13] =	ssyncset.done $0x0  }
0x23: {  	s30 =	sadd.s32 $0x0, s6;
	[sflag:s13] =	ssyncadd.s32 $0xFFFFD800  }
0x24: {  	[hbm4b:s30+s2] =	stream.linear.scatter [tilespmem:s9], [sflag:$0x2], $0x2800, $0x38;
	[tilespmem:$0xB400] =	vst v63  }
0x25: {  	_ =	swait.ge [sflag:s7], $0x2800  }
0x26: {  	[sflag:s7] =	ssyncset.done $0x0  }
0x27: {  	s16 =	sadd.s32 $0x500, s30;
	[sflag:s7] =	ssyncadd.s32 $0xFFFFD800  }
0x28: {  	[hbm4b:s16+s2] =	stream.linear.scatter [tilespmem:s10], [sflag:$0x2], $0x2800, $0x38;
	[tilespmem:$0xB400] =	vst v63  }
0x29: {  	_ =	swait.ge [sflag:s7], $0x2800  }
0x2a: {  	[sflag:s7] =	ssyncset.done $0x0  }
0x2b: {  	s31 =	sadd.s32 $0xA00, s30;
	[sflag:s7] =	ssyncadd.s32 $0xFFFFD800  }
0x2c: {  	[hbm4b:s31+s2] =	stream.linear.scatter [tilespmem:s11], [sflag:$0x2], $0x2800, $0x38;
	[tilespmem:$0xB400] =	vst v63  }
0x2d: {  	_ =	swait.ge [sflag:s7], $0x2800  }
0x2e: {  	[sflag:s7] =	ssyncset.done $0x0  }
0x2f: {  	s15 =	sadd.s32 $0xF00, s30;
	[sflag:s7] =	ssyncadd.s32 $0xFFFFD800  }
0x30: {  	[hbm4b:s15+s2] =	stream.linear.scatter [tilespmem:s12], [sflag:$0x2], $0x2800, $0x38;
	[tilespmem:$0xB400] =	vst v63  }
0x31: {  	s17 =	simm.s32 $0x2800;
	_ =	swait.ge [sflag:s7], $0x2800  }
0x32: {  	s16 =	simm.s32 $0x230;
	s15 =	simm.s32 $0x1400;
	[sflag:s7] =	ssyncset.done $0x0  }
.LBB2_2:
0x33: {  	p0 =	sne.s32 s17, $0x12C00;
	s18 =	sadd.s32 $0xFFFFFF10, s16;
	[sflag:s7] =	ssyncadd.s32 $0xFFFFD800  }
0x34: {  	[tilespmem:s9], [sflag:$0x1] =	stream.indirect.gather [hbm4b:s3+s8], $0x80, s18, s8, $0xb8;
	[tilespmem:$0xB400] =	vst v63  }
0x35: {  	s19 =	smov.u32 s17;
	s17 =	sadd.s32 $0x1400, s17;
	s18 =	sadd.s32 $0xFFFFFF60, s16  }
0x36: {  	[tilespmem:s10], [sflag:$0x1] =	stream.indirect.gather [hbm4b:s3+s8], $0x80, s18, s8, $0xb8;
	[tilespmem:$0xB400] =	vst v63  }
0x37: {  	s18 =	sadd.s32 $0xFFFFFFB0, s16  }
0x38: {  	[tilespmem:s11], [sflag:$0x1] =	stream.indirect.gather [hbm4b:s3+s8], $0x80, s18, s8, $0xb8;
	[tilespmem:$0xB400] =	vst v63  }
0x39: {  	_ = 	snop  }
0x3a: {  	[tilespmem:s12], [sflag:$0x1] =	stream.indirect.gather [hbm4b:s3+s8], $0x80, s16, s8, $0xb8;
	[tilespmem:$0xB400] =	vst v63  }
0x3b: {  	_ =	swait.ge [sflag:s13], $0x2800  }
0x3c: {  	[sflag:s13] =	ssyncset.done $0x0  }
0x3d: {  	[sflag:s13] =	ssyncadd.s32 $0xFFFFD800  }
0x3e: {  	_ =	swait.ge [sflag:s13], $0x2800  }
0x3f: {  	[sflag:s13] =	ssyncset.done $0x0  }
0x40: {  	[sflag:s13] =	ssyncadd.s32 $0xFFFFD800  }
0x41: {  	_ =	swait.ge [sflag:s13], $0x2800  }
0x42: {  	[sflag:s13] =	ssyncset.done $0x0  }
0x43: {  	[sflag:s13] =	ssyncadd.s32 $0xFFFFD800  }
0x44: {  	_ =	swait.ge [sflag:s13], $0x2800  }
0x45: {  	[sflag:s13] =	ssyncset.done $0x0  }
0x46: {  	s18 =	sadd.s32 s15, s6;
	s15 =	smov.u32 s19;
	[sflag:s13] =	ssyncadd.s32 $0xFFFFD800  }
0x47: {  	[hbm4b:s18+s2] =	stream.linear.scatter [tilespmem:s9], [sflag:$0x2], $0x2800, $0x38;
	[tilespmem:$0xB400] =	vst v63  }
0x48: {  	_ =	swait.ge [sflag:s7], $0x2800  }
0x49: {  	[sflag:s7] =	ssyncset.done $0x0  }
0x4a: {  	s19 =	sadd.s32 $0x500, s18;
	[sflag:s7] =	ssyncadd.s32 $0xFFFFD800  }
0x4b: {  	[hbm4b:s19+s2] =	stream.linear.scatter [tilespmem:s10], [sflag:$0x2], $0x2800, $0x38;
	[tilespmem:$0xB400] =	vst v63  }
0x4c: {  	_ =	swait.ge [sflag:s7], $0x2800  }
0x4d: {  	[sflag:s7] =	ssyncset.done $0x0  }
0x4e: {  	s19 =	sadd.s32 $0xA00, s18;
	[sflag:s7] =	ssyncadd.s32 $0xFFFFD800  }
0x4f: {  	[hbm4b:s19+s2] =	stream.linear.scatter [tilespmem:s11], [sflag:$0x2], $0x2800, $0x38;
	[tilespmem:$0xB400] =	vst v63  }
0x50: {  	_ =	swait.ge [sflag:s7], $0x2800  }
.Ltmp0:
0x51: {  	[sflag:s7] =	ssyncset.done $0x0;
	(pc) =	sbr.rel @p0 .LBB2_2-.Ltmp0, $4  }
0x52: {  	s18 =	sadd.s32 $0xF00, s18;
	[sflag:s7] =	ssyncadd.s32 $0xFFFFD800  }
0x53: {  	[hbm4b:s18+s2] =	stream.linear.scatter [tilespmem:s12], [sflag:$0x2], $0x2800, $0x38;
	[tilespmem:$0xB400] =	vst v63  }
0x54: {  	_ =	swait.ge [sflag:s7], $0x2800  }
0x55: {  	s16 =	sadd.s32 $0x140, s16;
	[sflag:s7] =	ssyncset.done $0x0  }
0x56: {  	s17 =	sadd.s32 $0xFFFFFF10, s16;
	[sflag:s7] =	ssyncadd.s32 $0xFFFFD800  }
0x57: {  	[tilespmem:s9], [sflag:$0x1] =	stream.indirect.gather [hbm4b:s3+s8], $0x80, s17, s8, $0xb8;
	[tilespmem:$0xB400] =	vst v63  }
0x58: {  	s28 =	sadd.s32 $0xFFFFFF60, s16  }
0x59: {  	[tilespmem:s10], [sflag:$0x1] =	stream.indirect.gather [hbm4b:s3+s8], $0x80, s28, s8, $0xb8;
	[tilespmem:$0xB400] =	vst v63  }
0x5a: {  	s29 =	sadd.s32 $0xFFFFFFB0, s16  }
0x5b: {  	[tilespmem:s11], [sflag:$0x1] =	stream.indirect.gather [hbm4b:s3+s8], $0x80, s29, s8, $0xb8;
	[tilespmem:$0xB400] =	vst v63  }
0x5c: {  	_ = 	snop  }
0x5d: {  	[tilespmem:s12], [sflag:$0x1] =	stream.indirect.gather [hbm4b:s3+s8], $0x80, s16, s8, $0xb8;
	[tilespmem:$0xB400] =	vst v63  }
0x5e: {  	_ =	swait.ge [sflag:s13], $0x2800  }
0x5f: {  	[sflag:s13] =	ssyncset.done $0x0  }
0x60: {  	[sflag:s13] =	ssyncadd.s32 $0xFFFFD800  }
0x61: {  	_ =	swait.ge [sflag:s13], $0x2800  }
0x62: {  	[sflag:s13] =	ssyncset.done $0x0  }
0x63: {  	[sflag:s13] =	ssyncadd.s32 $0xFFFFD800  }
0x64: {  	_ =	swait.ge [sflag:s13], $0x2800  }
0x65: {  	[sflag:s13] =	ssyncset.done $0x0  }
0x66: {  	[sflag:s13] =	ssyncadd.s32 $0xFFFFD800  }
0x67: {  	_ =	swait.ge [sflag:s13], $0x2800  }
0x68: {  	[sflag:s13] =	ssyncset.done $0x0  }
0x69: {  	s15 =	sadd.s32 s15, s6;
	[sflag:s13] =	ssyncadd.s32 $0xFFFFD800  }
0x6a: {  	[hbm4b:s15+s2] =	stream.linear.scatter [tilespmem:s9], [sflag:$0x2], $0x2800, $0x38;
	[tilespmem:$0xB400] =	vst v63  }
0x6b: {  	_ =	swait.ge [sflag:s7], $0x2800  }
0x6c: {  	[sflag:s7] =	ssyncset.done $0x0  }
0x6d: {  	s30 =	sadd.s32 $0x500, s15;
	[sflag:s7] =	ssyncadd.s32 $0xFFFFD800  }
0x6e: {  	[hbm4b:s30+s2] =	stream.linear.scatter [tilespmem:s10], [sflag:$0x2], $0x2800, $0x38;
	[tilespmem:$0xB400] =	vst v63  }
0x6f: {  	_ =	swait.ge [sflag:s7], $0x2800  }
0x70: {  	[sflag:s7] =	ssyncset.done $0x0  }
0x71: {  	s31 =	sadd.s32 $0xA00, s15;
	[sflag:s7] =	ssyncadd.s32 $0xFFFFD800  }
0x72: {  	[hbm4b:s31+s2] =	stream.linear.scatter [tilespmem:s11], [sflag:$0x2], $0x2800, $0x38;
	[tilespmem:$0xB400] =	vst v63  }
0x73: {  	s14 =	sadd.s32 $0x1, s14;
	_ =	swait.ge [sflag:s7], $0x2800  }
0x74: {  	p0 =	sne.s32 s14, s5;
	[sflag:s7] =	ssyncset.done $0x0  }
.Ltmp1:
0x75: {  	s15 =	sadd.s32 $0xF00, s15;
	[sflag:s7] =	ssyncadd.s32 $0xFFFFD800;
	(pc) =	sbr.rel @p0 .LBB2_1-.Ltmp1, $4  }
0x76: {  	[hbm4b:s15+s2] =	stream.linear.scatter [tilespmem:s12], [sflag:$0x2], $0x2800, $0x38;
	[tilespmem:$0xB400] =	vst v63  }
0x77: {  	_ =	swait.ge [sflag:s7], $0x2800  }
0x78: {  	[sflag:s7] =	ssyncset.done $0x0  }
0x79: {  	[sflag:s7] =	ssyncadd.s32 $0xFFFFD800  }
0x7a: {  	_ =	sfence.sel $0x180000  }
0x7b: {  	[bflag:$0x0] =	sbarrier.arrive $0xFFFF  }
0x7c: {  	p0 =	sne.s32 s1, $0x0;
	_ =	strace $0x90000047  }
0x7d: {  	s0 =	sadd.s32 @!p0 $0x100000, s0;
	[bflag:$0x2] =	sbarrier.arrive $0xFFFF  }
0x7e: {  	[sflag:s0] =	ssyncadd.tile.s32 @!p0 $0x1;
	_ =	shalt  }
.Lfunc_end2:
_tile_overlayer_lowered:
.L_overlay_start_2:
0x7f: {  	(tag) =	ssettag $0x2  }
0x80: {  	s0 =	rddreg [dreg:$0x0];
	s2 =	stileid.u32  }
0x81: {  	s1 =	rddreg [dreg:$0x1];
	p0 =	sne.s32 s2, $0x0  }
0x82: {  	s3 =	rddreg [dreg:$0x2];
	[bflag:$0x3] =	sbarrier.arrive $0xFFFF;
	s2 =	simm.s32 @!p0 $0x1C02  }
0x83: {  	[timem:s3], [sflag:s2] =	dma.local @!p0 [hbm:s0], s1  }
0x84: {  	s0 =	simm.s32 @!p0 $0x2  }
0x85: {  	_ =	swait.ge @!p0 [sflag:s0], s1  }
0x86: {  	s1 =	ssub.s32 @!p0 $0x0, s1;
	[sflag:s0] =	ssyncset.done @!p0 $0x0  }
0x87: {  	[sflag:s0] =	ssyncadd.s32 @!p0 s1  }
0x88: {  	[bflag:$0x3] =	sbarrier.arrive $0xFFFF  }
0x89: {  	_ =	shalt  }

// kernel: kernel.22.cloned.1.call-start
scs
__scs_entry_jumppad:
0x0: {  	(pc) =	sbr.rel $0x88, $3  }
0x1: {  	(tag) =	ssettag $0x0;
	lr =	simm.s32 $0x1  }
0x2: {  	[smem:$0x3F6D] =	sst lr;
	_ =	strace $0xD0000000  }
0x3: {  	_ = 	snop  }
0x4: {  	_ = 	snop  }
0x5: {  	_ = 	snop  }
0x6: {  	_ = 	snop  }
0x7: {  	_ = 	snop  }
__scs_overlays_trampoline_lowered:
0x8: {  	[smem:$0x3F7C] =	sst s0  }
0x9: {  	[smem:$0x3F7D] =	sst s1  }
0xa: {  	[smem:$0x3F7E] =	sst s2  }
0xb: {  	[smem:$0x3F7F] =	sst s3  }
0xc: {  	[smem:$0x3F80] =	sst s4  }
0xd: {  	[smem:$0x3F81] =	sst s5  }
0xe: {  	[smem:$0x3F82] =	sst s6  }
0xf: {  	[smem:$0x3F83] =	sst s7  }
0x10: {  	[smem:$0x3F84] =	sst s8  }
0x11: {  	[smem:$0x3F85] =	sst s9;
	s0 =	simm.s32 @!p0 $0x0  }
0x12: {  	s1 =	sld [smem:$0x3F6B];
	s0 =	simm.s32 @p0 $0x1  }
0x13: {  	[smem:$0x3F86] =	sst s0;
	s0 =	simm.s32 @!p1 $0x0  }
0x14: {  	s2 =	sld [smem:$0x3F6A];
	s0 =	simm.s32 @p1 $0x1  }
0x15: {  	[smem:$0x3F87] =	sst s0;
	s0 =	simm.s32 @!p2 $0x0  }
0x16: {  	s3 =	sld [smem:$0x3FDB];
	s0 =	simm.s32 @p2 $0x1  }
0x17: {  	s4 =	simm.s32 $0x1BF5;
	[smem:$0x3F89] =	sst s0  }
0x18: {  	s0 =	sld [smem:$0x3F6C];
	_ =	swait.ge [sflag:s4], $0x0  }
0x19: {  	s7 =	sld [smem:$0x3F6D]  }
0x1a: {  	s8 =	sadd.s32 $0xFFFFE003, lr  }
0x1b: {  	s9 =	sadd.s32 $0xFFFFFEF7, lr;
	s5 =	simm.s32 $0xFFFFFFFF;
	p2 =	slt.u32 s8, $0xFFFFF086  }
0x1c: {  	p1 =	slt.u32 s9, $0xF7A;
	s5 =	simm.s32 @!p2 $0x0  }
0x1d: {  	s5 =	simm.s32 @p1 $0x1;
	p0 =	seq.s32 s7, s2  }
0x1e: {  	s7 =	smul.u32 @!p0 $0xF7A, s2;
	p2 =	seq.s32 @!p0 s5, $0x0  }
0x1f: {  	s9 =	smul.u32 $0xF7A, s1;
	s8 =	simm.s32 @!p0 $0x1BF5;
	p2 =	por !p2, p0  }
0x20: {  	[sflag:s8] =	ssyncset.s32 @!p0 $0xFFFFF086;
	s6 =	sadd.s32 @!p0 s3, s7;
	s7 =	simm.s32 @!p0 $0x108  }
0x21: {  	s3 =	sadd.s32 s3, s9;
	s6 =	sadd.s32 @!p0 $0x88, s6;
	s7 =	simm.s32 @p2 $0x1082  }
0x22: {  	[simem:s7], [sflag:s8] =	dma.local @!p0 [hbm:s6], $0xF7A  }
0x23: {  	s9 =	sor.u32 $0xD0000000, s2;
	s6 =	simm.s32 $0x108;
	_ =	swait.ge @!p0 [sflag:s8], $0x0  }
0x24: {  	s3 =	sadd.s32 $0x88, s3;
	s6 =	simm.s32 @!p1 $0x1082;
	[sflag:s4] =	ssyncset.s32 $0xFFFFF086  }
0x25: {  	[simem:s6], [sflag:s4] =	dma.local [hbm:s3], $0xF7A  }
0x26: {  	[smem:$0x3F6D] =	sst s1;
	(tag) =	ssettag s2;
	_ =	strace s9  }
0x27: {  	s1 =	sld [smem:$0x3F7D]  }
0x28: {  	s2 =	sld [smem:$0x3F7E]  }
0x29: {  	s4 =	sld [smem:$0x3F80]  }
0x2a: {  	p0 =	seq.s32 s5, $0x0;
	s5 =	sld [smem:$0x3F81]  }
0x2b: {  	s6 =	sld [smem:$0x3F82]  }
0x2c: {  	s7 =	sld [smem:$0x3F83]  }
0x2d: {  	s3 =	simm.s32 $0x108;
	s8 =	sld [smem:$0x3F84]  }
0x2e: {  	s3 =	simm.s32 @!p0 $0x1082;
	s9 =	sld [smem:$0x3F85]  }
0x2f: {  	lr =	sadd.s32 s0, s3;
	s0 =	sld [smem:$0x3F7C]  }
0x30: {  	s3 =	sld [smem:$0x3F7F]  }
0x31: {  	[smem:$0x3F88] =	sst s10  }
0x32: {  	s10 =	sld [smem:$0x3F86];
	_ =	sdelay $0x3  }
0x33: {  	p0 =	seq.s32 s10, $0x1;
	s10 =	sld [smem:$0x3F88];
	_ =	sdelay $0x3  }
0x34: {  	[smem:$0x3F88] =	sst s10  }
0x35: {  	s10 =	sld [smem:$0x3F87];
	_ =	sdelay $0x3  }
0x36: {  	p1 =	seq.s32 s10, $0x1;
	s10 =	sld [smem:$0x3F88];
	_ =	sdelay $0x3  }
0x37: {  	[smem:$0x3F88] =	sst s10  }
0x38: {  	s10 =	sld [smem:$0x3F89]  }
0x39: {  	_ = 	snop;
	(pc) =	sbr.ind lr, $3  }
0x3a: {  	_ = 	snop  }
0x3b: {  	_ = 	snop  }
0x3c: {  	p2 =	seq.s32 s10, $0x1;
	s10 =	sld [smem:$0x3F88]  }
0x3d: {  	_ =	shalt  }
0x3e: {  	_ =	shalt  }
0x3f: {  	_ =	shalt  }
0x40: {  	_ =	shalt  }
0x41: {  	_ =	shalt  }
0x42: {  	_ =	shalt  }
0x43: {  	_ =	shalt  }
0x44: {  	_ =	shalt  }
0x45: {  	_ =	shalt  }
0x46: {  	_ =	shalt  }
0x47: {  	_ =	shalt  }
0x48: {  	_ =	shalt  }
0x49: {  	_ =	shalt  }
0x4a: {  	_ =	shalt  }
0x4b: {  	_ =	shalt  }
0x4c: {  	_ =	shalt  }
0x4d: {  	_ =	shalt  }
0x4e: {  	_ =	shalt  }
0x4f: {  	_ =	shalt  }
0x50: {  	_ =	shalt  }
0x51: {  	_ =	shalt  }
0x52: {  	_ =	shalt  }
0x53: {  	_ =	shalt  }
0x54: {  	_ =	shalt  }
0x55: {  	_ =	shalt  }
0x56: {  	_ =	shalt  }
0x57: {  	_ =	shalt  }
0x58: {  	_ =	shalt  }
0x59: {  	_ =	shalt  }
0x5a: {  	_ =	shalt  }
0x5b: {  	_ =	shalt  }
0x5c: {  	_ =	shalt  }
0x5d: {  	_ =	shalt  }
0x5e: {  	_ =	shalt  }
0x5f: {  	_ =	shalt  }
0x60: {  	_ =	shalt  }
0x61: {  	_ =	shalt  }
0x62: {  	_ =	shalt  }
0x63: {  	_ =	shalt  }
0x64: {  	_ =	shalt  }
0x65: {  	_ =	shalt  }
0x66: {  	_ =	shalt  }
0x67: {  	_ =	shalt  }
0x68: {  	_ =	shalt  }
0x69: {  	_ =	shalt  }
0x6a: {  	_ =	shalt  }
0x6b: {  	_ =	shalt  }
0x6c: {  	_ =	shalt  }
0x6d: {  	_ =	shalt  }
0x6e: {  	_ =	shalt  }
0x6f: {  	_ =	shalt  }
0x70: {  	_ =	shalt  }
0x71: {  	_ =	shalt  }
0x72: {  	_ =	shalt  }
0x73: {  	_ =	shalt  }
0x74: {  	_ =	shalt  }
0x75: {  	_ =	shalt  }
0x76: {  	_ =	shalt  }
0x77: {  	_ =	shalt  }
0x78: {  	_ =	shalt  }
0x79: {  	_ =	shalt  }
0x7a: {  	_ =	shalt  }
0x7b: {  	_ =	shalt  }
0x7c: {  	_ =	shalt  }
0x7d: {  	_ =	shalt  }
0x7e: {  	_ =	shalt  }
0x7f: {  	_ =	shalt  }
0x80: {  	_ =	shalt  }
0x81: {  	_ =	shalt  }
0x82: {  	_ =	shalt  }
0x83: {  	_ =	shalt  }
0x84: {  	_ =	shalt  }
0x85: {  	_ =	shalt  }
0x86: {  	_ =	shalt  }
0x87: {  	_ =	shalt  }
.Lfunc_end0:
.L_simem_size_0:
called_computation.4_lowered:
.L_overlay_start_0:
0x88: {  	s2 =	sld [smem:$0x3FD9]  }
0x89: {  	s3 =	sld [smem:$0x3FFE];
	_ =	sdelay $0x1  }
0x8a: {  	s1 =	srdreg.scid  }
0x8b: {  	s0 =	sand.u32 $0x1, s1  }
0x8c: {  	s16 =	sshll.u32 s0, $0xA;
	s2 =	sadd.s32 s3, s2  }
0x8d: {  	s2 =	sadd.s32 s2, s16  }
0x8e: {  	[smem:$0x3F94] =	sst s2  }
0x8f: {  	_ = 	snop  }
0x90: {  	(tm) =	ssettm $0x1  }
0x91: {  	s17 =	sld [smem:$0x3FFB];
	_ =	sdelay $0x3  }
0x92: {  	_ =	strace s17  }
0x93: {  	s2 =	sld [smem:$0x3FFC];
	_ =	sdelay $0x3  }
0x94: {  	_ =	strace s2  }
0x95: {  	s2 =	sld [smem:$0x3FFD];
	_ =	sdelay $0x3  }
0x96: {  	_ =	strace s2  }
0x97: {  	_ =	strace $0x8FFFFFFF  }
0x98: {  	s18 =	sld [smem:$0x3FDB];
	_ =	sdelay $0x1  }
0x99: {  	s19 =	simm.s32 $_scs_section_size  }
0x9a: {  	s4 =	simm.s32 $_size__tile_overlayer_lowered;
	s5 =	simm.s32 $_tile_overlayer_lowered  }
0x9b: {  	s22 =	simm.s32 $0x1BFF;
	s21 =	sshll.u32 s5, $0x1;
	s2 =	sadd.s32 s19, s18  }
0x9c: {  	s6 =	simm.s32 $0x0;
	s20 =	sshll.u32 s4, $0x1;
	s4 =	sadd.s32 s21, s2  }
0x9d: {  	[timem:s6], [sflag:s22] =	dma.local [hbm:s4], s20  }
0x9e: {  	_ =	swait.ge [sflag:s22], s20  }
0x9f: {  	s3 =	ssub.s32 $0x0, s20;
	[sflag:s22] =	ssyncset.done $0x0  }
0xa0: {  	[sflag:s22] =	ssyncadd.s32 s3;
	_ =	sdelay $0x1  }
0xa1: {  	s23 =	simm.s32 $0x1B8B  }
0xa2: {  	_ =	swait.ge [sflag:s23], $0x1  }
0xa3: {  	[sflag:s23] =	ssyncset.done $0x0  }
0xa4: {  	s25 =	simm.s32 $0x1B8E;
	s24 =	sld [smem:$0x3FFE];
	[sflag:s23] =	ssyncadd.s32 $0xFFFFFFFF  }
0xa5: {  	s26 =	simm.s32 $execute0_lowered;
	[smem:$0x3FD2] =	sst s25  }
0xa6: {  	s4 =	sshll.u32 s26, $0x1;
	_ =	strace $0x80000049;
	[dreg:$0x1] =	wrdreg $0xFFFFFFFF  }
0xa7: {  	s28 =	simm.s32 $_size_execute0_lowered;
	s2 =	sadd.s32 s2, s4;
	[dreg:$0x0] =	wrdreg $0x0  }
0xa8: {  	s4 =	sshll.u32 s28, $0x1;
	[dreg:$0x2] =	wrdreg s2  }
0xa9: {  	[dreg:$0x3] =	wrdreg s4  }
0xaa: {  	[dreg:$0x4] =	wrdreg $0xC0  }
0xab: {  	_ =	task [dreg:s6], $0x5FFFF  }
0xac: {  	[dreg:$0x1] =	wrdreg $0xFFFFFFFF  }
0xad: {  	[dreg:$0x0] =	wrdreg $0x60  }
0xae: {  	[dreg:$0x2] =	wrdreg s24  }
0xaf: {  	[dreg:$0x3] =	wrdreg $0x9  }
0xb0: {  	_ =	task.clear_ibuf [dreg:s6], $0x4FFFF;
	_ =	strace $0x90000049  }
0xb1: {  	s29 =	simm.s32 $0x9;
	_ =	strace $0x8000004B  }
0xb2: {  	_ =	swait.ge [sflag:s29], $0x1  }
0xb3: {  	[sflag:s29] =	ssyncadd.s32 $0xFFFFFFFF  }
0xb4: {  	_ =	strace $0x9000004B  }
0xb5: {  	_ =	sfence  }
0xb6: {  	s30 =	sld [smem:$0x0];
	_ =	sdelay $0x2  }
0xb7: {  	s31 =	sshll.u32 s1, $0xD;
	s1 =	sshrl.u32 s1, $0x2  }
0xb8: {  	s3 =	sand.u32 $0x4000, s31;
	s1 =	sadd.s32 s1, s30  }
0xb9: {  	s0 =	sor.u32 s3, s0;
	s1 =	sshll.u32 s1, $0x11  }
0xba: {  	s0 =	sor.u32 s1, s0  }
0xbb: {  	s0 =	sadd.s32 $0x8F2B, s0  }
0xbc: {  	[sflag:s0] =	ssyncadd.remote.s32 $0x1  }
0xbd: {  	_ =	sfence.sel $0xFFFF  }
0xbe: {  	[dreg:$0x0] =	wrdreg $0xFFFFFFFF;
	(pc) =	sbr.abs _section_cstart, $3  }
0xbf: {  	[dreg:$0x1] =	wrdreg $0xFFFFFFFF  }
0xc0: {  	_ =	task.clear_ibuf [dreg:s6], $0x2FFFF;
	_ =	strace $0x9FFFFFFF  }
0xc1: {  	(tm) =	ssettm $0x7FFFFFFF  }
tec
execute0_lowered:
.L_overlay_start_1:
0x0: {  	(tag) =	ssettag $0x1  }
0x1: {  	s4 =	rddreg [dreg:$0x0]  }
0x2: {  	s0 =	rddreg [dreg:$0x1]  }
0x3: {  	s3 =	srdreg.scid;
	s1 =	stileid.u32;
	s2 =	simm.s32 $0x0  }
0x4: {  	s11 =	simm.s32 $0x6400;
	s12 =	simm.s32 $0x8C00;
	s13 =	simm.s32 $0x1  }
0x5: {  	s14 =	simm.s32 $0x0;
	s5 =	sand.u32 $0x1, s3;
	s28 =	sshll.u32 s1, $0x1  }
0x6: {  	[smem:$0x7FF] =	sst s2;
	s7 =	smul.u32 $0x28000, s1;
	s3 =	sor.u32 s5, s28  }
0x7: {  	_ =	strace $0x8000004A;
	s8 =	ssub.s32 $0x2, s5;
	s10 =	smul.u32 $0x14000, s5  }
0x8: {  	s6 =	smul.u32 $0x1400, s3;
	s3 =	sadd.s32 $0x7C00, s4;
	s9 =	sshrl.u32 s8, $0x1  }
0x9: {  	s30 =	sadd.s32 s7, s4;
	s7 =	simm.s32 $0x2;
	s31 =	ssub.s32 s8, s9  }
0xa: {  	s8 =	simm.s32 $0x50;
	s9 =	simm.s32 $0x1400;
	s6 =	sshrl.u32 s6, $0x3  }
0xb: {  	s5 =	smax.u32 s31, $0x1;
	s29 =	sadd.s32 s6, s4;
	s6 =	sadd.s32 s10, s30  }
0xc: {  	s10 =	simm.s32 $0x3C00;
	s4 =	sadd.s32 $0x2C00, s29;
	s6 =	sadd.s32 $0x27C00, s6  }
.LBB2_1:
0xd: {  	[tilespmem:s2], [sflag:$0x2] =	stream.linear.gather [hbm4b:s4+s2], $0x1400, $0x38;
	[tilespmem:$0xB400] =	vst v63  }
0xe: {  	_ =	swait.ge [sflag:s7], $0x1400  }
0xf: {  	[sflag:s7] =	ssyncset.done $0x0  }
0x10: {  	s15 =	simm.s32 $0x0;
	[sflag:s7] =	ssyncadd.s32 $0xFFFFEC00  }
0x11: {  	[tilespmem:s9], [sflag:$0x1] =	stream.indirect.gather [hbm4b:s3+s8], $0x80, s15, s8, $0xb8;
	[tilespmem:$0xB400] =	vst v63  }
0x12: {  	s26 =	simm.s32 $0x50  }
0x13: {  	[tilespmem:s10], [sflag:$0x1] =	stream.indirect.gather [hbm4b:s3+s8], $0x80, s26, s8, $0xb8;
	[tilespmem:$0xB400] =	vst v63  }
0x14: {  	s28 =	simm.s32 $0xA0  }
0x15: {  	[tilespmem:s11], [sflag:$0x1] =	stream.indirect.gather [hbm4b:s3+s8], $0x80, s28, s8, $0xb8;
	[tilespmem:$0xB400] =	vst v63  }
0x16: {  	s29 =	simm.s32 $0xF0  }
0x17: {  	[tilespmem:s12], [sflag:$0x1] =	stream.indirect.gather [hbm4b:s3+s8], $0x80, s29, s8, $0xb8;
	[tilespmem:$0xB400] =	vst v63  }
0x18: {  	_ =	swait.ge [sflag:s13], $0x2800  }
0x19: {  	[sflag:s13] =	ssyncset.done $0x0  }
0x1a: {  	[sflag:s13] =	ssyncadd.s32 $0xFFFFD800  }
0x1b: {  	_ =	swait.ge [sflag:s13], $0x2800  }
0x1c: {  	[sflag:s13] =	ssyncset.done $0x0  }
0x1d: {  	[sflag:s13] =	ssyncadd.s32 $0xFFFFD800  }
0x1e: {  	_ =	swait.ge [sflag:s13], $0x2800  }
0x1f: {  	[sflag:s13] =	ssyncset.done $0x0  }
0x20: {  	[sflag:s13] =	ssyncadd.s32 $0xFFFFD800  }
0x21: {  	_ =	swait.ge [sflag:s13], $0x2800  }
0x22: {  	[sflag:s13] =	ssyncset.done $0x0  }
0x23: {  	s30 =	sadd.s32 $0x0, s6;
	[sflag:s13] =	ssyncadd.s32 $0xFFFFD800  }
0x24: {  	[hbm4b:s30+s2] =	stream.linear.scatter [tilespmem:s9], [sflag:$0x2], $0x2800, $0x38;
	[tilespmem:$0xB400] =	vst v63  }
0x25: {  	_ =	swait.ge [sflag:s7], $0x2800  }
0x26: {  	[sflag:s7] =	ssyncset.done $0x0  }
0x27: {  	s16 =	sadd.s32 $0x500, s30;
	[sflag:s7] =	ssyncadd.s32 $0xFFFFD800  }
0x28: {  	[hbm4b:s16+s2] =	stream.linear.scatter [tilespmem:s10], [sflag:$0x2], $0x2800, $0x38;
	[tilespmem:$0xB400] =	vst v63  }
0x29: {  	_ =	swait.ge [sflag:s7], $0x2800  }
0x2a: {  	[sflag:s7] =	ssyncset.done $0x0  }
0x2b: {  	s31 =	sadd.s32 $0xA00, s30;
	[sflag:s7] =	ssyncadd.s32 $0xFFFFD800  }
0x2c: {  	[hbm4b:s31+s2] =	stream.linear.scatter [tilespmem:s11], [sflag:$0x2], $0x2800, $0x38;
	[tilespmem:$0xB400] =	vst v63  }
0x2d: {  	_ =	swait.ge [sflag:s7], $0x2800  }
0x2e: {  	[sflag:s7] =	ssyncset.done $0x0  }
0x2f: {  	s15 =	sadd.s32 $0xF00, s30;
	[sflag:s7] =	ssyncadd.s32 $0xFFFFD800  }
0x30: {  	[hbm4b:s15+s2] =	stream.linear.scatter [tilespmem:s12], [sflag:$0x2], $0x2800, $0x38;
	[tilespmem:$0xB400] =	vst v63  }
0x31: {  	s17 =	simm.s32 $0x2800;
	_ =	swait.ge [sflag:s7], $0x2800  }
0x32: {  	s16 =	simm.s32 $0x230;
	s15 =	simm.s32 $0x1400;
	[sflag:s7] =	ssyncset.done $0x0  }
.LBB2_2:
0x33: {  	p0 =	sne.s32 s17, $0x12C00;
	s18 =	sadd.s32 $0xFFFFFF10, s16;
	[sflag:s7] =	ssyncadd.s32 $0xFFFFD800  }
0x34: {  	[tilespmem:s9], [sflag:$0x1] =	stream.indirect.gather [hbm4b:s3+s8], $0x80, s18, s8, $0xb8;
	[tilespmem:$0xB400] =	vst v63  }
0x35: {  	s19 =	smov.u32 s17;
	s17 =	sadd.s32 $0x1400, s17;
	s18 =	sadd.s32 $0xFFFFFF60, s16  }
0x36: {  	[tilespmem:s10], [sflag:$0x1] =	stream.indirect.gather [hbm4b:s3+s8], $0x80, s18, s8, $0xb8;
	[tilespmem:$0xB400] =	vst v63  }
0x37: {  	s18 =	sadd.s32 $0xFFFFFFB0, s16  }
0x38: {  	[tilespmem:s11], [sflag:$0x1] =	stream.indirect.gather [hbm4b:s3+s8], $0x80, s18, s8, $0xb8;
	[tilespmem:$0xB400] =	vst v63  }
0x39: {  	_ = 	snop  }
0x3a: {  	[tilespmem:s12], [sflag:$0x1] =	stream.indirect.gather [hbm4b:s3+s8], $0x80, s16, s8, $0xb8;
	[tilespmem:$0xB400] =	vst v63  }
0x3b: {  	_ =	swait.ge [sflag:s13], $0x2800  }
0x3c: {  	[sflag:s13] =	ssyncset.done $0x0  }
0x3d: {  	[sflag:s13] =	ssyncadd.s32 $0xFFFFD800  }
0x3e: {  	_ =	swait.ge [sflag:s13], $0x2800  }
0x3f: {  	[sflag:s13] =	ssyncset.done $0x0  }
0x40: {  	[sflag:s13] =	ssyncadd.s32 $0xFFFFD800  }
0x41: {  	_ =	swait.ge [sflag:s13], $0x2800  }
0x42: {  	[sflag:s13] =	ssyncset.done $0x0  }
0x43: {  	[sflag:s13] =	ssyncadd.s32 $0xFFFFD800  }
0x44: {  	_ =	swait.ge [sflag:s13], $0x2800  }
0x45: {  	[sflag:s13] =	ssyncset.done $0x0  }
0x46: {  	s18 =	sadd.s32 s15, s6;
	s15 =	smov.u32 s19;
	[sflag:s13] =	ssyncadd.s32 $0xFFFFD800  }
0x47: {  	[hbm4b:s18+s2] =	stream.linear.scatter [tilespmem:s9], [sflag:$0x2], $0x2800, $0x38;
	[tilespmem:$0xB400] =	vst v63  }
0x48: {  	_ =	swait.ge [sflag:s7], $0x2800  }
0x49: {  	[sflag:s7] =	ssyncset.done $0x0  }
0x4a: {  	s19 =	sadd.s32 $0x500, s18;
	[sflag:s7] =	ssyncadd.s32 $0xFFFFD800  }
0x4b: {  	[hbm4b:s19+s2] =	stream.linear.scatter [tilespmem:s10], [sflag:$0x2], $0x2800, $0x38;
	[tilespmem:$0xB400] =	vst v63  }
0x4c: {  	_ =	swait.ge [sflag:s7], $0x2800  }
0x4d: {  	[sflag:s7] =	ssyncset.done $0x0  }
0x4e: {  	s19 =	sadd.s32 $0xA00, s18;
	[sflag:s7] =	ssyncadd.s32 $0xFFFFD800  }
0x4f: {  	[hbm4b:s19+s2] =	stream.linear.scatter [tilespmem:s11], [sflag:$0x2], $0x2800, $0x38;
	[tilespmem:$0xB400] =	vst v63  }
0x50: {  	_ =	swait.ge [sflag:s7], $0x2800  }
.Ltmp0:
0x51: {  	[sflag:s7] =	ssyncset.done $0x0;
	(pc) =	sbr.rel @p0 .LBB2_2-.Ltmp0, $4  }
0x52: {  	s18 =	sadd.s32 $0xF00, s18;
	[sflag:s7] =	ssyncadd.s32 $0xFFFFD800  }
0x53: {  	[hbm4b:s18+s2] =	stream.linear.scatter [tilespmem:s12], [sflag:$0x2], $0x2800, $0x38;
	[tilespmem:$0xB400] =	vst v63  }
0x54: {  	_ =	swait.ge [sflag:s7], $0x2800  }
0x55: {  	s16 =	sadd.s32 $0x140, s16;
	[sflag:s7] =	ssyncset.done $0x0  }
0x56: {  	s17 =	sadd.s32 $0xFFFFFF10, s16;
	[sflag:s7] =	ssyncadd.s32 $0xFFFFD800  }
0x57: {  	[tilespmem:s9], [sflag:$0x1] =	stream.indirect.gather [hbm4b:s3+s8], $0x80, s17, s8, $0xb8;
	[tilespmem:$0xB400] =	vst v63  }
0x58: {  	s28 =	sadd.s32 $0xFFFFFF60, s16  }
0x59: {  	[tilespmem:s10], [sflag:$0x1] =	stream.indirect.gather [hbm4b:s3+s8], $0x80, s28, s8, $0xb8;
	[tilespmem:$0xB400] =	vst v63  }
0x5a: {  	s29 =	sadd.s32 $0xFFFFFFB0, s16  }
0x5b: {  	[tilespmem:s11], [sflag:$0x1] =	stream.indirect.gather [hbm4b:s3+s8], $0x80, s29, s8, $0xb8;
	[tilespmem:$0xB400] =	vst v63  }
0x5c: {  	_ = 	snop  }
0x5d: {  	[tilespmem:s12], [sflag:$0x1] =	stream.indirect.gather [hbm4b:s3+s8], $0x80, s16, s8, $0xb8;
	[tilespmem:$0xB400] =	vst v63  }
0x5e: {  	_ =	swait.ge [sflag:s13], $0x2800  }
0x5f: {  	[sflag:s13] =	ssyncset.done $0x0  }
0x60: {  	[sflag:s13] =	ssyncadd.s32 $0xFFFFD800  }
0x61: {  	_ =	swait.ge [sflag:s13], $0x2800  }
0x62: {  	[sflag:s13] =	ssyncset.done $0x0  }
0x63: {  	[sflag:s13] =	ssyncadd.s32 $0xFFFFD800  }
0x64: {  	_ =	swait.ge [sflag:s13], $0x2800  }
0x65: {  	[sflag:s13] =	ssyncset.done $0x0  }
0x66: {  	[sflag:s13] =	ssyncadd.s32 $0xFFFFD800  }
0x67: {  	_ =	swait.ge [sflag:s13], $0x2800  }
0x68: {  	[sflag:s13] =	ssyncset.done $0x0  }
0x69: {  	s15 =	sadd.s32 s15, s6;
	[sflag:s13] =	ssyncadd.s32 $0xFFFFD800  }
0x6a: {  	[hbm4b:s15+s2] =	stream.linear.scatter [tilespmem:s9], [sflag:$0x2], $0x2800, $0x38;
	[tilespmem:$0xB400] =	vst v63  }
0x6b: {  	_ =	swait.ge [sflag:s7], $0x2800  }
0x6c: {  	[sflag:s7] =	ssyncset.done $0x0  }
0x6d: {  	s30 =	sadd.s32 $0x500, s15;
	[sflag:s7] =	ssyncadd.s32 $0xFFFFD800  }
0x6e: {  	[hbm4b:s30+s2] =	stream.linear.scatter [tilespmem:s10], [sflag:$0x2], $0x2800, $0x38;
	[tilespmem:$0xB400] =	vst v63  }
0x6f: {  	_ =	swait.ge [sflag:s7], $0x2800  }
0x70: {  	[sflag:s7] =	ssyncset.done $0x0  }
0x71: {  	s31 =	sadd.s32 $0xA00, s15;
	[sflag:s7] =	ssyncadd.s32 $0xFFFFD800  }
0x72: {  	[hbm4b:s31+s2] =	stream.linear.scatter [tilespmem:s11], [sflag:$0x2], $0x2800, $0x38;
	[tilespmem:$0xB400] =	vst v63  }
0x73: {  	s14 =	sadd.s32 $0x1, s14;
	_ =	swait.ge [sflag:s7], $0x2800  }
0x74: {  	p0 =	sne.s32 s14, s5;
	[sflag:s7] =	ssyncset.done $0x0  }
.Ltmp1:
0x75: {  	s15 =	sadd.s32 $0xF00, s15;
	[sflag:s7] =	ssyncadd.s32 $0xFFFFD800;
	(pc) =	sbr.rel @p0 .LBB2_1-.Ltmp1, $4  }
0x76: {  	[hbm4b:s15+s2] =	stream.linear.scatter [tilespmem:s12], [sflag:$0x2], $0x2800, $0x38;
	[tilespmem:$0xB400] =	vst v63  }
0x77: {  	_ =	swait.ge [sflag:s7], $0x2800  }
0x78: {  	[sflag:s7] =	ssyncset.done $0x0  }
0x79: {  	[sflag:s7] =	ssyncadd.s32 $0xFFFFD800  }
0x7a: {  	_ =	sfence.sel $0x180000  }
0x7b: {  	[bflag:$0x0] =	sbarrier.arrive $0xFFFF  }
0x7c: {  	p0 =	sne.s32 s1, $0x0;
	_ =	strace $0x9000004A  }
0x7d: {  	s0 =	sadd.s32 @!p0 $0x100000, s0;
	[bflag:$0x2] =	sbarrier.arrive $0xFFFF  }
0x7e: {  	[sflag:s0] =	ssyncadd.tile.s32 @!p0 $0x1;
	_ =	shalt  }
.Lfunc_end2:
_tile_overlayer_lowered:
.L_overlay_start_2:
0x7f: {  	(tag) =	ssettag $0x2  }
0x80: {  	s0 =	rddreg [dreg:$0x0];
	s2 =	stileid.u32  }
0x81: {  	s1 =	rddreg [dreg:$0x1];
	p0 =	sne.s32 s2, $0x0  }
0x82: {  	s3 =	rddreg [dreg:$0x2];
	[bflag:$0x3] =	sbarrier.arrive $0xFFFF;
	s2 =	simm.s32 @!p0 $0x1C02  }
0x83: {  	[timem:s3], [sflag:s2] =	dma.local @!p0 [hbm:s0], s1  }
0x84: {  	s0 =	simm.s32 @!p0 $0x2  }
0x85: {  	_ =	swait.ge @!p0 [sflag:s0], s1  }
0x86: {  	s1 =	ssub.s32 @!p0 $0x0, s1;
	[sflag:s0] =	ssyncset.done @!p0 $0x0  }
0x87: {  	[sflag:s0] =	ssyncadd.s32 @!p0 s1  }
0x88: {  	[bflag:$0x3] =	sbarrier.arrive $0xFFFF  }
0x89: {  	_ =	shalt  }

// kernel: kernel.25.cloned.1.call-start
scs
__scs_entry_jumppad:
0x0: {  	(pc) =	sbr.rel $0x88, $3  }
0x1: {  	(tag) =	ssettag $0x0;
	lr =	simm.s32 $0x1  }
0x2: {  	[smem:$0x3F6D] =	sst lr;
	_ =	strace $0xD0000000  }
0x3: {  	_ = 	snop  }
0x4: {  	_ = 	snop  }
0x5: {  	_ = 	snop  }
0x6: {  	_ = 	snop  }
0x7: {  	_ = 	snop  }
__scs_overlays_trampoline_lowered:
0x8: {  	[smem:$0x3F7C] =	sst s0  }
0x9: {  	[smem:$0x3F7D] =	sst s1  }
0xa: {  	[smem:$0x3F7E] =	sst s2  }
0xb: {  	[smem:$0x3F7F] =	sst s3  }
0xc: {  	[smem:$0x3F80] =	sst s4  }
0xd: {  	[smem:$0x3F81] =	sst s5  }
0xe: {  	[smem:$0x3F82] =	sst s6  }
0xf: {  	[smem:$0x3F83] =	sst s7  }
0x10: {  	[smem:$0x3F84] =	sst s8  }
0x11: {  	[smem:$0x3F85] =	sst s9;
	s0 =	simm.s32 @!p0 $0x0  }
0x12: {  	s1 =	sld [smem:$0x3F6B];
	s0 =	simm.s32 @p0 $0x1  }
0x13: {  	[smem:$0x3F86] =	sst s0;
	s0 =	simm.s32 @!p1 $0x0  }
0x14: {  	s2 =	sld [smem:$0x3F6A];
	s0 =	simm.s32 @p1 $0x1  }
0x15: {  	[smem:$0x3F87] =	sst s0;
	s0 =	simm.s32 @!p2 $0x0  }
0x16: {  	s3 =	sld [smem:$0x3FDB];
	s0 =	simm.s32 @p2 $0x1  }
0x17: {  	s4 =	simm.s32 $0x1BF5;
	[smem:$0x3F89] =	sst s0  }
0x18: {  	s0 =	sld [smem:$0x3F6C];
	_ =	swait.ge [sflag:s4], $0x0  }
0x19: {  	s7 =	sld [smem:$0x3F6D]  }
0x1a: {  	s8 =	sadd.s32 $0xFFFFE003, lr  }
0x1b: {  	s9 =	sadd.s32 $0xFFFFFEF7, lr;
	s5 =	simm.s32 $0xFFFFFFFF;
	p2 =	slt.u32 s8, $0xFFFFF086  }
0x1c: {  	p1 =	slt.u32 s9, $0xF7A;
	s5 =	simm.s32 @!p2 $0x0  }
0x1d: {  	s5 =	simm.s32 @p1 $0x1;
	p0 =	seq.s32 s7, s2  }
0x1e: {  	s7 =	smul.u32 @!p0 $0xF7A, s2;
	p2 =	seq.s32 @!p0 s5, $0x0  }
0x1f: {  	s9 =	smul.u32 $0xF7A, s1;
	s8 =	simm.s32 @!p0 $0x1BF5;
	p2 =	por !p2, p0  }
0x20: {  	[sflag:s8] =	ssyncset.s32 @!p0 $0xFFFFF086;
	s6 =	sadd.s32 @!p0 s3, s7;
	s7 =	simm.s32 @!p0 $0x108  }
0x21: {  	s3 =	sadd.s32 s3, s9;
	s6 =	sadd.s32 @!p0 $0x88, s6;
	s7 =	simm.s32 @p2 $0x1082  }
0x22: {  	[simem:s7], [sflag:s8] =	dma.local @!p0 [hbm:s6], $0xF7A  }
0x23: {  	s9 =	sor.u32 $0xD0000000, s2;
	s6 =	simm.s32 $0x108;
	_ =	swait.ge @!p0 [sflag:s8], $0x0  }
0x24: {  	s3 =	sadd.s32 $0x88, s3;
	s6 =	simm.s32 @!p1 $0x1082;
	[sflag:s4] =	ssyncset.s32 $0xFFFFF086  }
0x25: {  	[simem:s6], [sflag:s4] =	dma.local [hbm:s3], $0xF7A  }
0x26: {  	[smem:$0x3F6D] =	sst s1;
	(tag) =	ssettag s2;
	_ =	strace s9  }
0x27: {  	s1 =	sld [smem:$0x3F7D]  }
0x28: {  	s2 =	sld [smem:$0x3F7E]  }
0x29: {  	s4 =	sld [smem:$0x3F80]  }
0x2a: {  	p0 =	seq.s32 s5, $0x0;
	s5 =	sld [smem:$0x3F81]  }
0x2b: {  	s6 =	sld [smem:$0x3F82]  }
0x2c: {  	s7 =	sld [smem:$0x3F83]  }
0x2d: {  	s3 =	simm.s32 $0x108;
	s8 =	sld [smem:$0x3F84]  }
0x2e: {  	s3 =	simm.s32 @!p0 $0x1082;
	s9 =	sld [smem:$0x3F85]  }
0x2f: {  	lr =	sadd.s32 s0, s3;
	s0 =	sld [smem:$0x3F7C]  }
0x30: {  	s3 =	sld [smem:$0x3F7F]  }
0x31: {  	[smem:$0x3F88] =	sst s10  }
0x32: {  	s10 =	sld [smem:$0x3F86];
	_ =	sdelay $0x3  }
0x33: {  	p0 =	seq.s32 s10, $0x1;
	s10 =	sld [smem:$0x3F88];
	_ =	sdelay $0x3  }
0x34: {  	[smem:$0x3F88] =	sst s10  }
0x35: {  	s10 =	sld [smem:$0x3F87];
	_ =	sdelay $0x3  }
0x36: {  	p1 =	seq.s32 s10, $0x1;
	s10 =	sld [smem:$0x3F88];
	_ =	sdelay $0x3  }
0x37: {  	[smem:$0x3F88] =	sst s10  }
0x38: {  	s10 =	sld [smem:$0x3F89]  }
0x39: {  	_ = 	snop;
	(pc) =	sbr.ind lr, $3  }
0x3a: {  	_ = 	snop  }
0x3b: {  	_ = 	snop  }
0x3c: {  	p2 =	seq.s32 s10, $0x1;
	s10 =	sld [smem:$0x3F88]  }
0x3d: {  	_ =	shalt  }
0x3e: {  	_ =	shalt  }
0x3f: {  	_ =	shalt  }
0x40: {  	_ =	shalt  }
0x41: {  	_ =	shalt  }
0x42: {  	_ =	shalt  }
0x43: {  	_ =	shalt  }
0x44: {  	_ =	shalt  }
0x45: {  	_ =	shalt  }
0x46: {  	_ =	shalt  }
0x47: {  	_ =	shalt  }
0x48: {  	_ =	shalt  }
0x49: {  	_ =	shalt  }
0x4a: {  	_ =	shalt  }
0x4b: {  	_ =	shalt  }
0x4c: {  	_ =	shalt  }
0x4d: {  	_ =	shalt  }
0x4e: {  	_ =	shalt  }
0x4f: {  	_ =	shalt  }
0x50: {  	_ =	shalt  }
0x51: {  	_ =	shalt  }
0x52: {  	_ =	shalt  }
0x53: {  	_ =	shalt  }
0x54: {  	_ =	shalt  }
0x55: {  	_ =	shalt  }
0x56: {  	_ =	shalt  }
0x57: {  	_ =	shalt  }
0x58: {  	_ =	shalt  }
0x59: {  	_ =	shalt  }
0x5a: {  	_ =	shalt  }
0x5b: {  	_ =	shalt  }
0x5c: {  	_ =	shalt  }
0x5d: {  	_ =	shalt  }
0x5e: {  	_ =	shalt  }
0x5f: {  	_ =	shalt  }
0x60: {  	_ =	shalt  }
0x61: {  	_ =	shalt  }
0x62: {  	_ =	shalt  }
0x63: {  	_ =	shalt  }
0x64: {  	_ =	shalt  }
0x65: {  	_ =	shalt  }
0x66: {  	_ =	shalt  }
0x67: {  	_ =	shalt  }
0x68: {  	_ =	shalt  }
0x69: {  	_ =	shalt  }
0x6a: {  	_ =	shalt  }
0x6b: {  	_ =	shalt  }
0x6c: {  	_ =	shalt  }
0x6d: {  	_ =	shalt  }
0x6e: {  	_ =	shalt  }
0x6f: {  	_ =	shalt  }
0x70: {  	_ =	shalt  }
0x71: {  	_ =	shalt  }
0x72: {  	_ =	shalt  }
0x73: {  	_ =	shalt  }
0x74: {  	_ =	shalt  }
0x75: {  	_ =	shalt  }
0x76: {  	_ =	shalt  }
0x77: {  	_ =	shalt  }
0x78: {  	_ =	shalt  }
0x79: {  	_ =	shalt  }
0x7a: {  	_ =	shalt  }
0x7b: {  	_ =	shalt  }
0x7c: {  	_ =	shalt  }
0x7d: {  	_ =	shalt  }
0x7e: {  	_ =	shalt  }
0x7f: {  	_ =	shalt  }
0x80: {  	_ =	shalt  }
0x81: {  	_ =	shalt  }
0x82: {  	_ =	shalt  }
0x83: {  	_ =	shalt  }
0x84: {  	_ =	shalt  }
0x85: {  	_ =	shalt  }
0x86: {  	_ =	shalt  }
0x87: {  	_ =	shalt  }
.Lfunc_end0:
.L_simem_size_0:
called_computation.5_lowered:
.L_overlay_start_0:
0x88: {  	s2 =	sld [smem:$0x3FD9]  }
0x89: {  	s3 =	sld [smem:$0x3FFE];
	_ =	sdelay $0x1  }
0x8a: {  	s1 =	srdreg.scid  }
0x8b: {  	s0 =	sand.u32 $0x1, s1  }
0x8c: {  	s16 =	sshll.u32 s0, $0xA;
	s2 =	sadd.s32 s3, s2  }
0x8d: {  	s2 =	sadd.s32 s2, s16  }
0x8e: {  	[smem:$0x3F94] =	sst s2  }
0x8f: {  	_ = 	snop  }
0x90: {  	(tm) =	ssettm $0x1  }
0x91: {  	s17 =	sld [smem:$0x3FFB];
	_ =	sdelay $0x3  }
0x92: {  	_ =	strace s17  }
0x93: {  	s2 =	sld [smem:$0x3FFC];
	_ =	sdelay $0x3  }
0x94: {  	_ =	strace s2  }
0x95: {  	s2 =	sld [smem:$0x3FFD];
	_ =	sdelay $0x3  }
0x96: {  	_ =	strace s2  }
0x97: {  	_ =	strace $0x8FFFFFFF  }
0x98: {  	s18 =	sld [smem:$0x3FDB];
	_ =	sdelay $0x1  }
0x99: {  	s19 =	simm.s32 $_scs_section_size  }
0x9a: {  	s4 =	simm.s32 $_size__tile_overlayer_lowered;
	s5 =	simm.s32 $_tile_overlayer_lowered  }
0x9b: {  	s22 =	simm.s32 $0x1BFF;
	s21 =	sshll.u32 s5, $0x1;
	s2 =	sadd.s32 s19, s18  }
0x9c: {  	s6 =	simm.s32 $0x0;
	s20 =	sshll.u32 s4, $0x1;
	s4 =	sadd.s32 s21, s2  }
0x9d: {  	[timem:s6], [sflag:s22] =	dma.local [hbm:s4], s20  }
0x9e: {  	_ =	swait.ge [sflag:s22], s20  }
0x9f: {  	s3 =	ssub.s32 $0x0, s20;
	[sflag:s22] =	ssyncset.done $0x0  }
0xa0: {  	[sflag:s22] =	ssyncadd.s32 s3;
	_ =	sdelay $0x1  }
0xa1: {  	s23 =	simm.s32 $0x1B8B  }
0xa2: {  	_ =	swait.ge [sflag:s23], $0x1  }
0xa3: {  	[sflag:s23] =	ssyncset.done $0x0  }
0xa4: {  	s25 =	simm.s32 $0x1B8E;
	s24 =	sld [smem:$0x3FFE];
	[sflag:s23] =	ssyncadd.s32 $0xFFFFFFFF  }
0xa5: {  	s26 =	simm.s32 $execute0_lowered;
	[smem:$0x3FD2] =	sst s25  }
0xa6: {  	s4 =	sshll.u32 s26, $0x1;
	_ =	strace $0x8000004F;
	[dreg:$0x1] =	wrdreg $0xFFFFFFFF  }
0xa7: {  	s28 =	simm.s32 $_size_execute0_lowered;
	s2 =	sadd.s32 s2, s4;
	[dreg:$0x0] =	wrdreg $0x0  }
0xa8: {  	s4 =	sshll.u32 s28, $0x1;
	[dreg:$0x2] =	wrdreg s2  }
0xa9: {  	[dreg:$0x3] =	wrdreg s4  }
0xaa: {  	[dreg:$0x4] =	wrdreg $0xC0  }
0xab: {  	_ =	task [dreg:s6], $0x5FFFF  }
0xac: {  	[dreg:$0x1] =	wrdreg $0xFFFFFFFF  }
0xad: {  	[dreg:$0x0] =	wrdreg $0x60  }
0xae: {  	[dreg:$0x2] =	wrdreg s24  }
0xaf: {  	[dreg:$0x3] =	wrdreg $0x9  }
0xb0: {  	_ =	task.clear_ibuf [dreg:s6], $0x4FFFF;
	_ =	strace $0x9000004F  }
0xb1: {  	s29 =	simm.s32 $0x9;
	_ =	strace $0x80000051  }
0xb2: {  	_ =	swait.ge [sflag:s29], $0x1  }
0xb3: {  	[sflag:s29] =	ssyncadd.s32 $0xFFFFFFFF  }
0xb4: {  	_ =	strace $0x90000051  }
0xb5: {  	_ =	sfence  }
0xb6: {  	s30 =	sld [smem:$0x0];
	_ =	sdelay $0x2  }
0xb7: {  	s31 =	sshll.u32 s1, $0xD;
	s1 =	sshrl.u32 s1, $0x2  }
0xb8: {  	s3 =	sand.u32 $0x4000, s31;
	s1 =	sadd.s32 s1, s30  }
0xb9: {  	s0 =	sor.u32 s3, s0;
	s1 =	sshll.u32 s1, $0x11  }
0xba: {  	s0 =	sor.u32 s1, s0  }
0xbb: {  	s0 =	sadd.s32 $0x8F2B, s0  }
0xbc: {  	[sflag:s0] =	ssyncadd.remote.s32 $0x1  }
0xbd: {  	_ =	sfence.sel $0xFFFF  }
0xbe: {  	[dreg:$0x0] =	wrdreg $0xFFFFFFFF;
	(pc) =	sbr.abs _section_cstart, $3  }
0xbf: {  	[dreg:$0x1] =	wrdreg $0xFFFFFFFF  }
0xc0: {  	_ =	task.clear_ibuf [dreg:s6], $0x2FFFF;
	_ =	strace $0x9FFFFFFF  }
0xc1: {  	(tm) =	ssettm $0x7FFFFFFF  }
tec
execute0_lowered:
.L_overlay_start_1:
0x0: {  	(tag) =	ssettag $0x1  }
0x1: {  	s4 =	rddreg [dreg:$0x0]  }
0x2: {  	s0 =	rddreg [dreg:$0x1]  }
0x3: {  	s3 =	srdreg.scid;
	s1 =	stileid.u32;
	s2 =	simm.s32 $0x0  }
0x4: {  	s11 =	simm.s32 $0x5500;
	s12 =	simm.s32 $0x7D00;
	s13 =	simm.s32 $0x1  }
0x5: {  	s14 =	simm.s32 $0x0;
	s5 =	sand.u32 $0x1, s3;
	s28 =	sshll.u32 s1, $0x1  }
0x6: {  	[smem:$0x7FF] =	sst s2;
	s7 =	smul.u32 $0xA000, s1;
	s3 =	sor.u32 s5, s28  }
0x7: {  	_ =	strace $0x80000050;
	s8 =	ssub.s32 $0x2, s5;
	s10 =	smul.u32 $0x5000, s5  }
0x8: {  	s6 =	smul.u32 $0x500, s3;
	s3 =	sadd.s32 $0x4000, s4;
	s9 =	sshrl.u32 s8, $0x1  }
0x9: {  	s30 =	sadd.s32 s7, s4;
	s7 =	simm.s32 $0x2;
	s31 =	ssub.s32 s8, s9  }
0xa: {  	s8 =	simm.s32 $0x50;
	s9 =	simm.s32 $0x500;
	s6 =	sshrl.u32 s6, $0x3  }
0xb: {  	s5 =	smax.u32 s31, $0x1;
	s29 =	sadd.s32 s6, s4;
	s6 =	sadd.s32 s10, s30  }
0xc: {  	s10 =	simm.s32 $0x2D00;
	s4 =	sadd.s32 $0x2C00, s29;
	s6 =	sadd.s32 $0xC000, s6  }
.LBB2_1:
0xd: {  	[tilespmem:s2], [sflag:$0x2] =	stream.linear.gather [hbm4b:s4+s2], $0x500, $0x38;
	[tilespmem:$0xA500] =	vst v63  }
0xe: {  	_ =	swait.ge [sflag:s7], $0x500  }
0xf: {  	[sflag:s7] =	ssyncset.done $0x0  }
0x10: {  	s15 =	simm.s32 $0x0;
	[sflag:s7] =	ssyncadd.s32 $0xFFFFFB00  }
0x11: {  	[tilespmem:s9], [sflag:$0x1] =	stream.indirect.gather [hbm4b:s3+s8], $0x80, s15, s8, $0xb8;
	[tilespmem:$0xA500] =	vst v63  }
0x12: {  	s26 =	simm.s32 $0x50  }
0x13: {  	[tilespmem:s10], [sflag:$0x1] =	stream.indirect.gather [hbm4b:s3+s8], $0x80, s26, s8, $0xb8;
	[tilespmem:$0xA500] =	vst v63  }
0x14: {  	s28 =	simm.s32 $0xA0  }
0x15: {  	[tilespmem:s11], [sflag:$0x1] =	stream.indirect.gather [hbm4b:s3+s8], $0x80, s28, s8, $0xb8;
	[tilespmem:$0xA500] =	vst v63  }
0x16: {  	s29 =	simm.s32 $0xF0  }
0x17: {  	[tilespmem:s12], [sflag:$0x1] =	stream.indirect.gather [hbm4b:s3+s8], $0x80, s29, s8, $0xb8;
	[tilespmem:$0xA500] =	vst v63  }
0x18: {  	_ =	swait.ge [sflag:s13], $0x2800  }
0x19: {  	[sflag:s13] =	ssyncset.done $0x0  }
0x1a: {  	[sflag:s13] =	ssyncadd.s32 $0xFFFFD800  }
0x1b: {  	_ =	swait.ge [sflag:s13], $0x2800  }
0x1c: {  	[sflag:s13] =	ssyncset.done $0x0  }
0x1d: {  	[sflag:s13] =	ssyncadd.s32 $0xFFFFD800  }
0x1e: {  	_ =	swait.ge [sflag:s13], $0x2800  }
0x1f: {  	[sflag:s13] =	ssyncset.done $0x0  }
0x20: {  	[sflag:s13] =	ssyncadd.s32 $0xFFFFD800  }
0x21: {  	_ =	swait.ge [sflag:s13], $0x2800  }
0x22: {  	[sflag:s13] =	ssyncset.done $0x0  }
0x23: {  	s30 =	sadd.s32 $0x0, s6;
	[sflag:s13] =	ssyncadd.s32 $0xFFFFD800  }
0x24: {  	[hbm4b:s30+s2] =	stream.linear.scatter [tilespmem:s9], [sflag:$0x2], $0x2800, $0x38;
	[tilespmem:$0xA500] =	vst v63  }
0x25: {  	_ =	swait.ge [sflag:s7], $0x2800  }
0x26: {  	[sflag:s7] =	ssyncset.done $0x0  }
0x27: {  	s16 =	sadd.s32 $0x500, s30;
	[sflag:s7] =	ssyncadd.s32 $0xFFFFD800  }
0x28: {  	[hbm4b:s16+s2] =	stream.linear.scatter [tilespmem:s10], [sflag:$0x2], $0x2800, $0x38;
	[tilespmem:$0xA500] =	vst v63  }
0x29: {  	_ =	swait.ge [sflag:s7], $0x2800  }
0x2a: {  	[sflag:s7] =	ssyncset.done $0x0  }
0x2b: {  	s31 =	sadd.s32 $0xA00, s30;
	[sflag:s7] =	ssyncadd.s32 $0xFFFFD800  }
0x2c: {  	[hbm4b:s31+s2] =	stream.linear.scatter [tilespmem:s11], [sflag:$0x2], $0x2800, $0x38;
	[tilespmem:$0xA500] =	vst v63  }
0x2d: {  	_ =	swait.ge [sflag:s7], $0x2800  }
0x2e: {  	[sflag:s7] =	ssyncset.done $0x0  }
0x2f: {  	s15 =	sadd.s32 $0xF00, s30;
	[sflag:s7] =	ssyncadd.s32 $0xFFFFD800  }
0x30: {  	[hbm4b:s15+s2] =	stream.linear.scatter [tilespmem:s12], [sflag:$0x2], $0x2800, $0x38;
	[tilespmem:$0xA500] =	vst v63  }
0x31: {  	s17 =	simm.s32 $0x2800;
	_ =	swait.ge [sflag:s7], $0x2800  }
0x32: {  	s16 =	simm.s32 $0x230;
	s15 =	simm.s32 $0x1400;
	[sflag:s7] =	ssyncset.done $0x0  }
.LBB2_2:
0x33: {  	p0 =	sne.s32 s17, $0x3C00;
	s18 =	sadd.s32 $0xFFFFFF10, s16;
	[sflag:s7] =	ssyncadd.s32 $0xFFFFD800  }
0x34: {  	[tilespmem:s9], [sflag:$0x1] =	stream.indirect.gather [hbm4b:s3+s8], $0x80, s18, s8, $0xb8;
	[tilespmem:$0xA500] =	vst v63  }
0x35: {  	s19 =	smov.u32 s17;
	s17 =	sadd.s32 $0x1400, s17;
	s18 =	sadd.s32 $0xFFFFFF60, s16  }
0x36: {  	[tilespmem:s10], [sflag:$0x1] =	stream.indirect.gather [hbm4b:s3+s8], $0x80, s18, s8, $0xb8;
	[tilespmem:$0xA500] =	vst v63  }
0x37: {  	s18 =	sadd.s32 $0xFFFFFFB0, s16  }
0x38: {  	[tilespmem:s11], [sflag:$0x1] =	stream.indirect.gather [hbm4b:s3+s8], $0x80, s18, s8, $0xb8;
	[tilespmem:$0xA500] =	vst v63  }
0x39: {  	_ = 	snop  }
0x3a: {  	[tilespmem:s12], [sflag:$0x1] =	stream.indirect.gather [hbm4b:s3+s8], $0x80, s16, s8, $0xb8;
	[tilespmem:$0xA500] =	vst v63  }
0x3b: {  	_ =	swait.ge [sflag:s13], $0x2800  }
0x3c: {  	[sflag:s13] =	ssyncset.done $0x0  }
0x3d: {  	[sflag:s13] =	ssyncadd.s32 $0xFFFFD800  }
0x3e: {  	_ =	swait.ge [sflag:s13], $0x2800  }
0x3f: {  	[sflag:s13] =	ssyncset.done $0x0  }
0x40: {  	[sflag:s13] =	ssyncadd.s32 $0xFFFFD800  }
0x41: {  	_ =	swait.ge [sflag:s13], $0x2800  }
0x42: {  	[sflag:s13] =	ssyncset.done $0x0  }
0x43: {  	[sflag:s13] =	ssyncadd.s32 $0xFFFFD800  }
0x44: {  	_ =	swait.ge [sflag:s13], $0x2800  }
0x45: {  	[sflag:s13] =	ssyncset.done $0x0  }
0x46: {  	s18 =	sadd.s32 s15, s6;
	s15 =	smov.u32 s19;
	[sflag:s13] =	ssyncadd.s32 $0xFFFFD800  }
0x47: {  	[hbm4b:s18+s2] =	stream.linear.scatter [tilespmem:s9], [sflag:$0x2], $0x2800, $0x38;
	[tilespmem:$0xA500] =	vst v63  }
0x48: {  	_ =	swait.ge [sflag:s7], $0x2800  }
0x49: {  	[sflag:s7] =	ssyncset.done $0x0  }
0x4a: {  	s19 =	sadd.s32 $0x500, s18;
	[sflag:s7] =	ssyncadd.s32 $0xFFFFD800  }
0x4b: {  	[hbm4b:s19+s2] =	stream.linear.scatter [tilespmem:s10], [sflag:$0x2], $0x2800, $0x38;
	[tilespmem:$0xA500] =	vst v63  }
0x4c: {  	_ =	swait.ge [sflag:s7], $0x2800  }
0x4d: {  	[sflag:s7] =	ssyncset.done $0x0  }
0x4e: {  	s19 =	sadd.s32 $0xA00, s18;
	[sflag:s7] =	ssyncadd.s32 $0xFFFFD800  }
0x4f: {  	[hbm4b:s19+s2] =	stream.linear.scatter [tilespmem:s11], [sflag:$0x2], $0x2800, $0x38;
	[tilespmem:$0xA500] =	vst v63  }
0x50: {  	_ =	swait.ge [sflag:s7], $0x2800  }
.Ltmp0:
0x51: {  	[sflag:s7] =	ssyncset.done $0x0;
	(pc) =	sbr.rel @p0 .LBB2_2-.Ltmp0, $4  }
0x52: {  	s18 =	sadd.s32 $0xF00, s18;
	[sflag:s7] =	ssyncadd.s32 $0xFFFFD800  }
0x53: {  	[hbm4b:s18+s2] =	stream.linear.scatter [tilespmem:s12], [sflag:$0x2], $0x2800, $0x38;
	[tilespmem:$0xA500] =	vst v63  }
0x54: {  	_ =	swait.ge [sflag:s7], $0x2800  }
0x55: {  	s16 =	sadd.s32 $0x140, s16;
	[sflag:s7] =	ssyncset.done $0x0  }
0x56: {  	s17 =	sadd.s32 $0xFFFFFF10, s16;
	[sflag:s7] =	ssyncadd.s32 $0xFFFFD800  }
0x57: {  	[tilespmem:s9], [sflag:$0x1] =	stream.indirect.gather [hbm4b:s3+s8], $0x80, s17, s8, $0xb8;
	[tilespmem:$0xA500] =	vst v63  }
0x58: {  	s28 =	sadd.s32 $0xFFFFFF60, s16  }
0x59: {  	[tilespmem:s10], [sflag:$0x1] =	stream.indirect.gather [hbm4b:s3+s8], $0x80, s28, s8, $0xb8;
	[tilespmem:$0xA500] =	vst v63  }
0x5a: {  	s29 =	sadd.s32 $0xFFFFFFB0, s16  }
0x5b: {  	[tilespmem:s11], [sflag:$0x1] =	stream.indirect.gather [hbm4b:s3+s8], $0x80, s29, s8, $0xb8;
	[tilespmem:$0xA500] =	vst v63  }
0x5c: {  	_ = 	snop  }
0x5d: {  	[tilespmem:s12], [sflag:$0x1] =	stream.indirect.gather [hbm4b:s3+s8], $0x80, s16, s8, $0xb8;
	[tilespmem:$0xA500] =	vst v63  }
0x5e: {  	_ =	swait.ge [sflag:s13], $0x2800  }
0x5f: {  	[sflag:s13] =	ssyncset.done $0x0  }
0x60: {  	[sflag:s13] =	ssyncadd.s32 $0xFFFFD800  }
0x61: {  	_ =	swait.ge [sflag:s13], $0x2800  }
0x62: {  	[sflag:s13] =	ssyncset.done $0x0  }
0x63: {  	[sflag:s13] =	ssyncadd.s32 $0xFFFFD800  }
0x64: {  	_ =	swait.ge [sflag:s13], $0x2800  }
0x65: {  	[sflag:s13] =	ssyncset.done $0x0  }
0x66: {  	[sflag:s13] =	ssyncadd.s32 $0xFFFFD800  }
0x67: {  	_ =	swait.ge [sflag:s13], $0x2800  }
0x68: {  	[sflag:s13] =	ssyncset.done $0x0  }
0x69: {  	s15 =	sadd.s32 s15, s6;
	[sflag:s13] =	ssyncadd.s32 $0xFFFFD800  }
0x6a: {  	[hbm4b:s15+s2] =	stream.linear.scatter [tilespmem:s9], [sflag:$0x2], $0x2800, $0x38;
	[tilespmem:$0xA500] =	vst v63  }
0x6b: {  	_ =	swait.ge [sflag:s7], $0x2800  }
0x6c: {  	[sflag:s7] =	ssyncset.done $0x0  }
0x6d: {  	s30 =	sadd.s32 $0x500, s15;
	[sflag:s7] =	ssyncadd.s32 $0xFFFFD800  }
0x6e: {  	[hbm4b:s30+s2] =	stream.linear.scatter [tilespmem:s10], [sflag:$0x2], $0x2800, $0x38;
	[tilespmem:$0xA500] =	vst v63  }
0x6f: {  	_ =	swait.ge [sflag:s7], $0x2800  }
0x70: {  	[sflag:s7] =	ssyncset.done $0x0  }
0x71: {  	s31 =	sadd.s32 $0xA00, s15;
	[sflag:s7] =	ssyncadd.s32 $0xFFFFD800  }
0x72: {  	[hbm4b:s31+s2] =	stream.linear.scatter [tilespmem:s11], [sflag:$0x2], $0x2800, $0x38;
	[tilespmem:$0xA500] =	vst v63  }
0x73: {  	s14 =	sadd.s32 $0x1, s14;
	_ =	swait.ge [sflag:s7], $0x2800  }
0x74: {  	p0 =	sne.s32 s14, s5;
	[sflag:s7] =	ssyncset.done $0x0  }
.Ltmp1:
0x75: {  	s15 =	sadd.s32 $0xF00, s15;
	[sflag:s7] =	ssyncadd.s32 $0xFFFFD800;
	(pc) =	sbr.rel @p0 .LBB2_1-.Ltmp1, $4  }
0x76: {  	[hbm4b:s15+s2] =	stream.linear.scatter [tilespmem:s12], [sflag:$0x2], $0x2800, $0x38;
	[tilespmem:$0xA500] =	vst v63  }
0x77: {  	_ =	swait.ge [sflag:s7], $0x2800  }
0x78: {  	[sflag:s7] =	ssyncset.done $0x0  }
0x79: {  	[sflag:s7] =	ssyncadd.s32 $0xFFFFD800  }
0x7a: {  	_ =	sfence.sel $0x180000  }
0x7b: {  	[bflag:$0x0] =	sbarrier.arrive $0xFFFF  }
0x7c: {  	p0 =	sne.s32 s1, $0x0;
	_ =	strace $0x90000050  }
0x7d: {  	s0 =	sadd.s32 @!p0 $0x100000, s0;
	[bflag:$0x2] =	sbarrier.arrive $0xFFFF  }
0x7e: {  	[sflag:s0] =	ssyncadd.tile.s32 @!p0 $0x1;
	_ =	shalt  }
.Lfunc_end2:
_tile_overlayer_lowered:
.L_overlay_start_2:
0x7f: {  	(tag) =	ssettag $0x2  }
0x80: {  	s0 =	rddreg [dreg:$0x0];
	s2 =	stileid.u32  }
0x81: {  	s1 =	rddreg [dreg:$0x1];
	p0 =	sne.s32 s2, $0x0  }
0x82: {  	s3 =	rddreg [dreg:$0x2];
	[bflag:$0x3] =	sbarrier.arrive $0xFFFF;
	s2 =	simm.s32 @!p0 $0x1C02  }
0x83: {  	[timem:s3], [sflag:s2] =	dma.local @!p0 [hbm:s0], s1  }
0x84: {  	s0 =	simm.s32 @!p0 $0x2  }
0x85: {  	_ =	swait.ge @!p0 [sflag:s0], s1  }
0x86: {  	s1 =	ssub.s32 @!p0 $0x0, s1;
	[sflag:s0] =	ssyncset.done @!p0 $0x0  }
0x87: {  	[sflag:s0] =	ssyncadd.s32 @!p0 s1  }
0x88: {  	[bflag:$0x3] =	sbarrier.arrive $0xFFFF  }
0x89: {  	_ =	shalt  }

// kernel: kernel.28.cloned.1.call-start
scs
__scs_entry_jumppad:
0x0: {  	(pc) =	sbr.rel $0x88, $3  }
0x1: {  	(tag) =	ssettag $0x0;
	lr =	simm.s32 $0x1  }
0x2: {  	[smem:$0x3F6D] =	sst lr;
	_ =	strace $0xD0000000  }
0x3: {  	_ = 	snop  }
0x4: {  	_ = 	snop  }
0x5: {  	_ = 	snop  }
0x6: {  	_ = 	snop  }
0x7: {  	_ = 	snop  }
__scs_overlays_trampoline_lowered:
0x8: {  	[smem:$0x3F7C] =	sst s0  }
0x9: {  	[smem:$0x3F7D] =	sst s1  }
0xa: {  	[smem:$0x3F7E] =	sst s2  }
0xb: {  	[smem:$0x3F7F] =	sst s3  }
0xc: {  	[smem:$0x3F80] =	sst s4  }
0xd: {  	[smem:$0x3F81] =	sst s5  }
0xe: {  	[smem:$0x3F82] =	sst s6  }
0xf: {  	[smem:$0x3F83] =	sst s7  }
0x10: {  	[smem:$0x3F84] =	sst s8  }
0x11: {  	[smem:$0x3F85] =	sst s9;
	s0 =	simm.s32 @!p0 $0x0  }
0x12: {  	s1 =	sld [smem:$0x3F6B];
	s0 =	simm.s32 @p0 $0x1  }
0x13: {  	[smem:$0x3F86] =	sst s0;
	s0 =	simm.s32 @!p1 $0x0  }
0x14: {  	s2 =	sld [smem:$0x3F6A];
	s0 =	simm.s32 @p1 $0x1  }
0x15: {  	[smem:$0x3F87] =	sst s0;
	s0 =	simm.s32 @!p2 $0x0  }
0x16: {  	s3 =	sld [smem:$0x3FDB];
	s0 =	simm.s32 @p2 $0x1  }
0x17: {  	s4 =	simm.s32 $0x1BF5;
	[smem:$0x3F89] =	sst s0  }
0x18: {  	s0 =	sld [smem:$0x3F6C];
	_ =	swait.ge [sflag:s4], $0x0  }
0x19: {  	s7 =	sld [smem:$0x3F6D]  }
0x1a: {  	s8 =	sadd.s32 $0xFFFFE003, lr  }
0x1b: {  	s9 =	sadd.s32 $0xFFFFFEF7, lr;
	s5 =	simm.s32 $0xFFFFFFFF;
	p2 =	slt.u32 s8, $0xFFFFF086  }
0x1c: {  	p1 =	slt.u32 s9, $0xF7A;
	s5 =	simm.s32 @!p2 $0x0  }
0x1d: {  	s5 =	simm.s32 @p1 $0x1;
	p0 =	seq.s32 s7, s2  }
0x1e: {  	s7 =	smul.u32 @!p0 $0xF7A, s2;
	p2 =	seq.s32 @!p0 s5, $0x0  }
0x1f: {  	s9 =	smul.u32 $0xF7A, s1;
	s8 =	simm.s32 @!p0 $0x1BF5;
	p2 =	por !p2, p0  }
0x20: {  	[sflag:s8] =	ssyncset.s32 @!p0 $0xFFFFF086;
	s6 =	sadd.s32 @!p0 s3, s7;
	s7 =	simm.s32 @!p0 $0x108  }
0x21: {  	s3 =	sadd.s32 s3, s9;
	s6 =	sadd.s32 @!p0 $0x88, s6;
	s7 =	simm.s32 @p2 $0x1082  }
0x22: {  	[simem:s7], [sflag:s8] =	dma.local @!p0 [hbm:s6], $0xF7A  }
0x23: {  	s9 =	sor.u32 $0xD0000000, s2;
	s6 =	simm.s32 $0x108;
	_ =	swait.ge @!p0 [sflag:s8], $0x0  }
0x24: {  	s3 =	sadd.s32 $0x88, s3;
	s6 =	simm.s32 @!p1 $0x1082;
	[sflag:s4] =	ssyncset.s32 $0xFFFFF086  }
0x25: {  	[simem:s6], [sflag:s4] =	dma.local [hbm:s3], $0xF7A  }
0x26: {  	[smem:$0x3F6D] =	sst s1;
	(tag) =	ssettag s2;
	_ =	strace s9  }
0x27: {  	s1 =	sld [smem:$0x3F7D]  }
0x28: {  	s2 =	sld [smem:$0x3F7E]  }
0x29: {  	s4 =	sld [smem:$0x3F80]  }
0x2a: {  	p0 =	seq.s32 s5, $0x0;
	s5 =	sld [smem:$0x3F81]  }
0x2b: {  	s6 =	sld [smem:$0x3F82]  }
0x2c: {  	s7 =	sld [smem:$0x3F83]  }
0x2d: {  	s3 =	simm.s32 $0x108;
	s8 =	sld [smem:$0x3F84]  }
0x2e: {  	s3 =	simm.s32 @!p0 $0x1082;
	s9 =	sld [smem:$0x3F85]  }
0x2f: {  	lr =	sadd.s32 s0, s3;
	s0 =	sld [smem:$0x3F7C]  }
0x30: {  	s3 =	sld [smem:$0x3F7F]  }
0x31: {  	[smem:$0x3F88] =	sst s10  }
0x32: {  	s10 =	sld [smem:$0x3F86];
	_ =	sdelay $0x3  }
0x33: {  	p0 =	seq.s32 s10, $0x1;
	s10 =	sld [smem:$0x3F88];
	_ =	sdelay $0x3  }
0x34: {  	[smem:$0x3F88] =	sst s10  }
0x35: {  	s10 =	sld [smem:$0x3F87];
	_ =	sdelay $0x3  }
0x36: {  	p1 =	seq.s32 s10, $0x1;
	s10 =	sld [smem:$0x3F88];
	_ =	sdelay $0x3  }
0x37: {  	[smem:$0x3F88] =	sst s10  }
0x38: {  	s10 =	sld [smem:$0x3F89]  }
0x39: {  	_ = 	snop;
	(pc) =	sbr.ind lr, $3  }
0x3a: {  	_ = 	snop  }
0x3b: {  	_ = 	snop  }
0x3c: {  	p2 =	seq.s32 s10, $0x1;
	s10 =	sld [smem:$0x3F88]  }
0x3d: {  	_ =	shalt  }
0x3e: {  	_ =	shalt  }
0x3f: {  	_ =	shalt  }
0x40: {  	_ =	shalt  }
0x41: {  	_ =	shalt  }
0x42: {  	_ =	shalt  }
0x43: {  	_ =	shalt  }
0x44: {  	_ =	shalt  }
0x45: {  	_ =	shalt  }
0x46: {  	_ =	shalt  }
0x47: {  	_ =	shalt  }
0x48: {  	_ =	shalt  }
0x49: {  	_ =	shalt  }
0x4a: {  	_ =	shalt  }
0x4b: {  	_ =	shalt  }
0x4c: {  	_ =	shalt  }
0x4d: {  	_ =	shalt  }
0x4e: {  	_ =	shalt  }
0x4f: {  	_ =	shalt  }
0x50: {  	_ =	shalt  }
0x51: {  	_ =	shalt  }
0x52: {  	_ =	shalt  }
0x53: {  	_ =	shalt  }
0x54: {  	_ =	shalt  }
0x55: {  	_ =	shalt  }
0x56: {  	_ =	shalt  }
0x57: {  	_ =	shalt  }
0x58: {  	_ =	shalt  }
0x59: {  	_ =	shalt  }
0x5a: {  	_ =	shalt  }
0x5b: {  	_ =	shalt  }
0x5c: {  	_ =	shalt  }
0x5d: {  	_ =	shalt  }
0x5e: {  	_ =	shalt  }
0x5f: {  	_ =	shalt  }
0x60: {  	_ =	shalt  }
0x61: {  	_ =	shalt  }
0x62: {  	_ =	shalt  }
0x63: {  	_ =	shalt  }
0x64: {  	_ =	shalt  }
0x65: {  	_ =	shalt  }
0x66: {  	_ =	shalt  }
0x67: {  	_ =	shalt  }
0x68: {  	_ =	shalt  }
0x69: {  	_ =	shalt  }
0x6a: {  	_ =	shalt  }
0x6b: {  	_ =	shalt  }
0x6c: {  	_ =	shalt  }
0x6d: {  	_ =	shalt  }
0x6e: {  	_ =	shalt  }
0x6f: {  	_ =	shalt  }
0x70: {  	_ =	shalt  }
0x71: {  	_ =	shalt  }
0x72: {  	_ =	shalt  }
0x73: {  	_ =	shalt  }
0x74: {  	_ =	shalt  }
0x75: {  	_ =	shalt  }
0x76: {  	_ =	shalt  }
0x77: {  	_ =	shalt  }
0x78: {  	_ =	shalt  }
0x79: {  	_ =	shalt  }
0x7a: {  	_ =	shalt  }
0x7b: {  	_ =	shalt  }
0x7c: {  	_ =	shalt  }
0x7d: {  	_ =	shalt  }
0x7e: {  	_ =	shalt  }
0x7f: {  	_ =	shalt  }
0x80: {  	_ =	shalt  }
0x81: {  	_ =	shalt  }
0x82: {  	_ =	shalt  }
0x83: {  	_ =	shalt  }
0x84: {  	_ =	shalt  }
0x85: {  	_ =	shalt  }
0x86: {  	_ =	shalt  }
0x87: {  	_ =	shalt  }
.Lfunc_end0:
.L_simem_size_0:
called_computation.6_lowered:
.L_overlay_start_0:
0x88: {  	s2 =	sld [smem:$0x3FD9]  }
0x89: {  	s3 =	sld [smem:$0x3FFE];
	_ =	sdelay $0x1  }
0x8a: {  	s1 =	srdreg.scid  }
0x8b: {  	s0 =	sand.u32 $0x1, s1  }
0x8c: {  	s16 =	sshll.u32 s0, $0xA;
	s2 =	sadd.s32 s3, s2  }
0x8d: {  	s2 =	sadd.s32 s2, s16  }
0x8e: {  	[smem:$0x3F94] =	sst s2  }
0x8f: {  	_ = 	snop  }
0x90: {  	(tm) =	ssettm $0x1  }
0x91: {  	s17 =	sld [smem:$0x3FFB];
	_ =	sdelay $0x3  }
0x92: {  	_ =	strace s17  }
0x93: {  	s2 =	sld [smem:$0x3FFC];
	_ =	sdelay $0x3  }
0x94: {  	_ =	strace s2  }
0x95: {  	s2 =	sld [smem:$0x3FFD];
	_ =	sdelay $0x3  }
0x96: {  	_ =	strace s2  }
0x97: {  	_ =	strace $0x8FFFFFFF  }
0x98: {  	s18 =	sld [smem:$0x3FDB];
	_ =	sdelay $0x1  }
0x99: {  	s19 =	simm.s32 $_scs_section_size  }
0x9a: {  	s4 =	simm.s32 $_size__tile_overlayer_lowered;
	s5 =	simm.s32 $_tile_overlayer_lowered  }
0x9b: {  	s22 =	simm.s32 $0x1BFF;
	s21 =	sshll.u32 s5, $0x1;
	s2 =	sadd.s32 s19, s18  }
0x9c: {  	s6 =	simm.s32 $0x0;
	s20 =	sshll.u32 s4, $0x1;
	s4 =	sadd.s32 s21, s2  }
0x9d: {  	[timem:s6], [sflag:s22] =	dma.local [hbm:s4], s20  }
0x9e: {  	_ =	swait.ge [sflag:s22], s20  }
0x9f: {  	s3 =	ssub.s32 $0x0, s20;
	[sflag:s22] =	ssyncset.done $0x0  }
0xa0: {  	[sflag:s22] =	ssyncadd.s32 s3;
	_ =	sdelay $0x1  }
0xa1: {  	s23 =	simm.s32 $0x1B8B  }
0xa2: {  	_ =	swait.ge [sflag:s23], $0x1  }
0xa3: {  	[sflag:s23] =	ssyncset.done $0x0  }
0xa4: {  	s25 =	simm.s32 $0x1B8E;
	s24 =	sld [smem:$0x3FFE];
	[sflag:s23] =	ssyncadd.s32 $0xFFFFFFFF  }
0xa5: {  	s26 =	simm.s32 $execute0_lowered;
	[smem:$0x3FD2] =	sst s25  }
0xa6: {  	s4 =	sshll.u32 s26, $0x1;
	_ =	strace $0x80000052;
	[dreg:$0x1] =	wrdreg $0xFFFFFFFF  }
0xa7: {  	s28 =	simm.s32 $_size_execute0_lowered;
	s2 =	sadd.s32 s2, s4;
	[dreg:$0x0] =	wrdreg $0x0  }
0xa8: {  	s4 =	sshll.u32 s28, $0x1;
	[dreg:$0x2] =	wrdreg s2  }
0xa9: {  	[dreg:$0x3] =	wrdreg s4  }
0xaa: {  	[dreg:$0x4] =	wrdreg $0xC0  }
0xab: {  	_ =	task [dreg:s6], $0x5FFFF  }
0xac: {  	[dreg:$0x1] =	wrdreg $0xFFFFFFFF  }
0xad: {  	[dreg:$0x0] =	wrdreg $0x60  }
0xae: {  	[dreg:$0x2] =	wrdreg s24  }
0xaf: {  	[dreg:$0x3] =	wrdreg $0x9  }
0xb0: {  	_ =	task.clear_ibuf [dreg:s6], $0x4FFFF;
	_ =	strace $0x90000052  }
0xb1: {  	s29 =	simm.s32 $0x9;
	_ =	strace $0x80000054  }
0xb2: {  	_ =	swait.ge [sflag:s29], $0x1  }
0xb3: {  	[sflag:s29] =	ssyncadd.s32 $0xFFFFFFFF  }
0xb4: {  	_ =	strace $0x90000054  }
0xb5: {  	_ =	sfence  }
0xb6: {  	s30 =	sld [smem:$0x0];
	_ =	sdelay $0x2  }
0xb7: {  	s31 =	sshll.u32 s1, $0xD;
	s1 =	sshrl.u32 s1, $0x2  }
0xb8: {  	s3 =	sand.u32 $0x4000, s31;
	s1 =	sadd.s32 s1, s30  }
0xb9: {  	s0 =	sor.u32 s3, s0;
	s1 =	sshll.u32 s1, $0x11  }
0xba: {  	s0 =	sor.u32 s1, s0  }
0xbb: {  	s0 =	sadd.s32 $0x8F2B, s0  }
0xbc: {  	[sflag:s0] =	ssyncadd.remote.s32 $0x1  }
0xbd: {  	_ =	sfence.sel $0xFFFF  }
0xbe: {  	[dreg:$0x0] =	wrdreg $0xFFFFFFFF;
	(pc) =	sbr.abs _section_cstart, $3  }
0xbf: {  	[dreg:$0x1] =	wrdreg $0xFFFFFFFF  }
0xc0: {  	_ =	task.clear_ibuf [dreg:s6], $0x2FFFF;
	_ =	strace $0x9FFFFFFF  }
0xc1: {  	(tm) =	ssettm $0x7FFFFFFF  }
tec
execute0_lowered:
.L_overlay_start_1:
0x0: {  	(tag) =	ssettag $0x1  }
0x1: {  	s4 =	rddreg [dreg:$0x0]  }
0x2: {  	s0 =	rddreg [dreg:$0x1]  }
0x3: {  	s3 =	srdreg.scid;
	s1 =	stileid.u32;
	s2 =	simm.s32 $0x0  }
0x4: {  	s11 =	simm.s32 $0x5500;
	s12 =	simm.s32 $0x7D00;
	s13 =	simm.s32 $0x1  }
0x5: {  	s14 =	simm.s32 $0x0;
	s5 =	sand.u32 $0x1, s3;
	s28 =	sshll.u32 s1, $0x1  }
0x6: {  	[smem:$0x7FF] =	sst s2;
	s7 =	smul.u32 $0xA000, s1;
	s3 =	sor.u32 s5, s28  }
0x7: {  	_ =	strace $0x80000053;
	s8 =	ssub.s32 $0x2, s5;
	s10 =	smul.u32 $0x5000, s5  }
0x8: {  	s6 =	smul.u32 $0x500, s3;
	s3 =	sadd.s32 $0x4000, s4;
	s9 =	sshrl.u32 s8, $0x1  }
0x9: {  	s30 =	sadd.s32 s7, s4;
	s7 =	simm.s32 $0x2;
	s31 =	ssub.s32 s8, s9  }
0xa: {  	s8 =	simm.s32 $0x50;
	s9 =	simm.s32 $0x500;
	s6 =	sshrl.u32 s6, $0x3  }
0xb: {  	s5 =	smax.u32 s31, $0x1;
	s29 =	sadd.s32 s6, s4;
	s6 =	sadd.s32 s10, s30  }
0xc: {  	s10 =	simm.s32 $0x2D00;
	s4 =	sadd.s32 $0x2C00, s29;
	s6 =	sadd.s32 $0xC000, s6  }
.LBB2_1:
0xd: {  	[tilespmem:s2], [sflag:$0x2] =	stream.linear.gather [hbm4b:s4+s2], $0x500, $0x38;
	[tilespmem:$0xA500] =	vst v63  }
0xe: {  	_ =	swait.ge [sflag:s7], $0x500  }
0xf: {  	[sflag:s7] =	ssyncset.done $0x0  }
0x10: {  	s15 =	simm.s32 $0x0;
	[sflag:s7] =	ssyncadd.s32 $0xFFFFFB00  }
0x11: {  	[tilespmem:s9], [sflag:$0x1] =	stream.indirect.gather [hbm4b:s3+s8], $0x80, s15, s8, $0xb8;
	[tilespmem:$0xA500] =	vst v63  }
0x12: {  	s26 =	simm.s32 $0x50  }
0x13: {  	[tilespmem:s10], [sflag:$0x1] =	stream.indirect.gather [hbm4b:s3+s8], $0x80, s26, s8, $0xb8;
	[tilespmem:$0xA500] =	vst v63  }
0x14: {  	s28 =	simm.s32 $0xA0  }
0x15: {  	[tilespmem:s11], [sflag:$0x1] =	stream.indirect.gather [hbm4b:s3+s8], $0x80, s28, s8, $0xb8;
	[tilespmem:$0xA500] =	vst v63  }
0x16: {  	s29 =	simm.s32 $0xF0  }
0x17: {  	[tilespmem:s12], [sflag:$0x1] =	stream.indirect.gather [hbm4b:s3+s8], $0x80, s29, s8, $0xb8;
	[tilespmem:$0xA500] =	vst v63  }
0x18: {  	_ =	swait.ge [sflag:s13], $0x2800  }
0x19: {  	[sflag:s13] =	ssyncset.done $0x0  }
0x1a: {  	[sflag:s13] =	ssyncadd.s32 $0xFFFFD800  }
0x1b: {  	_ =	swait.ge [sflag:s13], $0x2800  }
0x1c: {  	[sflag:s13] =	ssyncset.done $0x0  }
0x1d: {  	[sflag:s13] =	ssyncadd.s32 $0xFFFFD800  }
0x1e: {  	_ =	swait.ge [sflag:s13], $0x2800  }
0x1f: {  	[sflag:s13] =	ssyncset.done $0x0  }
0x20: {  	[sflag:s13] =	ssyncadd.s32 $0xFFFFD800  }
0x21: {  	_ =	swait.ge [sflag:s13], $0x2800  }
0x22: {  	[sflag:s13] =	ssyncset.done $0x0  }
0x23: {  	s30 =	sadd.s32 $0x0, s6;
	[sflag:s13] =	ssyncadd.s32 $0xFFFFD800  }
0x24: {  	[hbm4b:s30+s2] =	stream.linear.scatter [tilespmem:s9], [sflag:$0x2], $0x2800, $0x38;
	[tilespmem:$0xA500] =	vst v63  }
0x25: {  	_ =	swait.ge [sflag:s7], $0x2800  }
0x26: {  	[sflag:s7] =	ssyncset.done $0x0  }
0x27: {  	s16 =	sadd.s32 $0x500, s30;
	[sflag:s7] =	ssyncadd.s32 $0xFFFFD800  }
0x28: {  	[hbm4b:s16+s2] =	stream.linear.scatter [tilespmem:s10], [sflag:$0x2], $0x2800, $0x38;
	[tilespmem:$0xA500] =	vst v63  }
0x29: {  	_ =	swait.ge [sflag:s7], $0x2800  }
0x2a: {  	[sflag:s7] =	ssyncset.done $0x0  }
0x2b: {  	s31 =	sadd.s32 $0xA00, s30;
	[sflag:s7] =	ssyncadd.s32 $0xFFFFD800  }
0x2c: {  	[hbm4b:s31+s2] =	stream.linear.scatter [tilespmem:s11], [sflag:$0x2], $0x2800, $0x38;
	[tilespmem:$0xA500] =	vst v63  }
0x2d: {  	_ =	swait.ge [sflag:s7], $0x2800  }
0x2e: {  	[sflag:s7] =	ssyncset.done $0x0  }
0x2f: {  	s15 =	sadd.s32 $0xF00, s30;
	[sflag:s7] =	ssyncadd.s32 $0xFFFFD800  }
0x30: {  	[hbm4b:s15+s2] =	stream.linear.scatter [tilespmem:s12], [sflag:$0x2], $0x2800, $0x38;
	[tilespmem:$0xA500] =	vst v63  }
0x31: {  	s17 =	simm.s32 $0x2800;
	_ =	swait.ge [sflag:s7], $0x2800  }
0x32: {  	s16 =	simm.s32 $0x230;
	s15 =	simm.s32 $0x1400;
	[sflag:s7] =	ssyncset.done $0x0  }
.LBB2_2:
0x33: {  	p0 =	sne.s32 s17, $0x3C00;
	s18 =	sadd.s32 $0xFFFFFF10, s16;
	[sflag:s7] =	ssyncadd.s32 $0xFFFFD800  }
0x34: {  	[tilespmem:s9], [sflag:$0x1] =	stream.indirect.gather [hbm4b:s3+s8], $0x80, s18, s8, $0xb8;
	[tilespmem:$0xA500] =	vst v63  }
0x35: {  	s19 =	smov.u32 s17;
	s17 =	sadd.s32 $0x1400, s17;
	s18 =	sadd.s32 $0xFFFFFF60, s16  }
0x36: {  	[tilespmem:s10], [sflag:$0x1] =	stream.indirect.gather [hbm4b:s3+s8], $0x80, s18, s8, $0xb8;
	[tilespmem:$0xA500] =	vst v63  }
0x37: {  	s18 =	sadd.s32 $0xFFFFFFB0, s16  }
0x38: {  	[tilespmem:s11], [sflag:$0x1] =	stream.indirect.gather [hbm4b:s3+s8], $0x80, s18, s8, $0xb8;
	[tilespmem:$0xA500] =	vst v63  }
0x39: {  	_ = 	snop  }
0x3a: {  	[tilespmem:s12], [sflag:$0x1] =	stream.indirect.gather [hbm4b:s3+s8], $0x80, s16, s8, $0xb8;
	[tilespmem:$0xA500] =	vst v63  }
0x3b: {  	_ =	swait.ge [sflag:s13], $0x2800  }
0x3c: {  	[sflag:s13] =	ssyncset.done $0x0  }
0x3d: {  	[sflag:s13] =	ssyncadd.s32 $0xFFFFD800  }
0x3e: {  	_ =	swait.ge [sflag:s13], $0x2800  }
0x3f: {  	[sflag:s13] =	ssyncset.done $0x0  }
0x40: {  	[sflag:s13] =	ssyncadd.s32 $0xFFFFD800  }
0x41: {  	_ =	swait.ge [sflag:s13], $0x2800  }
0x42: {  	[sflag:s13] =	ssyncset.done $0x0  }
0x43: {  	[sflag:s13] =	ssyncadd.s32 $0xFFFFD800  }
0x44: {  	_ =	swait.ge [sflag:s13], $0x2800  }
0x45: {  	[sflag:s13] =	ssyncset.done $0x0  }
0x46: {  	s18 =	sadd.s32 s15, s6;
	s15 =	smov.u32 s19;
	[sflag:s13] =	ssyncadd.s32 $0xFFFFD800  }
0x47: {  	[hbm4b:s18+s2] =	stream.linear.scatter [tilespmem:s9], [sflag:$0x2], $0x2800, $0x38;
	[tilespmem:$0xA500] =	vst v63  }
0x48: {  	_ =	swait.ge [sflag:s7], $0x2800  }
0x49: {  	[sflag:s7] =	ssyncset.done $0x0  }
0x4a: {  	s19 =	sadd.s32 $0x500, s18;
	[sflag:s7] =	ssyncadd.s32 $0xFFFFD800  }
0x4b: {  	[hbm4b:s19+s2] =	stream.linear.scatter [tilespmem:s10], [sflag:$0x2], $0x2800, $0x38;
	[tilespmem:$0xA500] =	vst v63  }
0x4c: {  	_ =	swait.ge [sflag:s7], $0x2800  }
0x4d: {  	[sflag:s7] =	ssyncset.done $0x0  }
0x4e: {  	s19 =	sadd.s32 $0xA00, s18;
	[sflag:s7] =	ssyncadd.s32 $0xFFFFD800  }
0x4f: {  	[hbm4b:s19+s2] =	stream.linear.scatter [tilespmem:s11], [sflag:$0x2], $0x2800, $0x38;
	[tilespmem:$0xA500] =	vst v63  }
0x50: {  	_ =	swait.ge [sflag:s7], $0x2800  }
.Ltmp0:
0x51: {  	[sflag:s7] =	ssyncset.done $0x0;
	(pc) =	sbr.rel @p0 .LBB2_2-.Ltmp0, $4  }
0x52: {  	s18 =	sadd.s32 $0xF00, s18;
	[sflag:s7] =	ssyncadd.s32 $0xFFFFD800  }
0x53: {  	[hbm4b:s18+s2] =	stream.linear.scatter [tilespmem:s12], [sflag:$0x2], $0x2800, $0x38;
	[tilespmem:$0xA500] =	vst v63  }
0x54: {  	_ =	swait.ge [sflag:s7], $0x2800  }
0x55: {  	s16 =	sadd.s32 $0x140, s16;
	[sflag:s7] =	ssyncset.done $0x0  }
0x56: {  	s17 =	sadd.s32 $0xFFFFFF10, s16;
	[sflag:s7] =	ssyncadd.s32 $0xFFFFD800  }
0x57: {  	[tilespmem:s9], [sflag:$0x1] =	stream.indirect.gather [hbm4b:s3+s8], $0x80, s17, s8, $0xb8;
	[tilespmem:$0xA500] =	vst v63  }
0x58: {  	s28 =	sadd.s32 $0xFFFFFF60, s16  }
0x59: {  	[tilespmem:s10], [sflag:$0x1] =	stream.indirect.gather [hbm4b:s3+s8], $0x80, s28, s8, $0xb8;
	[tilespmem:$0xA500] =	vst v63  }
0x5a: {  	s29 =	sadd.s32 $0xFFFFFFB0, s16  }
0x5b: {  	[tilespmem:s11], [sflag:$0x1] =	stream.indirect.gather [hbm4b:s3+s8], $0x80, s29, s8, $0xb8;
	[tilespmem:$0xA500] =	vst v63  }
0x5c: {  	_ = 	snop  }
0x5d: {  	[tilespmem:s12], [sflag:$0x1] =	stream.indirect.gather [hbm4b:s3+s8], $0x80, s16, s8, $0xb8;
	[tilespmem:$0xA500] =	vst v63  }
0x5e: {  	_ =	swait.ge [sflag:s13], $0x2800  }
0x5f: {  	[sflag:s13] =	ssyncset.done $0x0  }
0x60: {  	[sflag:s13] =	ssyncadd.s32 $0xFFFFD800  }
0x61: {  	_ =	swait.ge [sflag:s13], $0x2800  }
0x62: {  	[sflag:s13] =	ssyncset.done $0x0  }
0x63: {  	[sflag:s13] =	ssyncadd.s32 $0xFFFFD800  }
0x64: {  	_ =	swait.ge [sflag:s13], $0x2800  }
0x65: {  	[sflag:s13] =	ssyncset.done $0x0  }
0x66: {  	[sflag:s13] =	ssyncadd.s32 $0xFFFFD800  }
0x67: {  	_ =	swait.ge [sflag:s13], $0x2800  }
0x68: {  	[sflag:s13] =	ssyncset.done $0x0  }
0x69: {  	s15 =	sadd.s32 s15, s6;
	[sflag:s13] =	ssyncadd.s32 $0xFFFFD800  }
0x6a: {  	[hbm4b:s15+s2] =	stream.linear.scatter [tilespmem:s9], [sflag:$0x2], $0x2800, $0x38;
	[tilespmem:$0xA500] =	vst v63  }
0x6b: {  	_ =	swait.ge [sflag:s7], $0x2800  }
0x6c: {  	[sflag:s7] =	ssyncset.done $0x0  }
0x6d: {  	s30 =	sadd.s32 $0x500, s15;
	[sflag:s7] =	ssyncadd.s32 $0xFFFFD800  }
0x6e: {  	[hbm4b:s30+s2] =	stream.linear.scatter [tilespmem:s10], [sflag:$0x2], $0x2800, $0x38;
	[tilespmem:$0xA500] =	vst v63  }
0x6f: {  	_ =	swait.ge [sflag:s7], $0x2800  }
0x70: {  	[sflag:s7] =	ssyncset.done $0x0  }
0x71: {  	s31 =	sadd.s32 $0xA00, s15;
	[sflag:s7] =	ssyncadd.s32 $0xFFFFD800  }
0x72: {  	[hbm4b:s31+s2] =	stream.linear.scatter [tilespmem:s11], [sflag:$0x2], $0x2800, $0x38;
	[tilespmem:$0xA500] =	vst v63  }
0x73: {  	s14 =	sadd.s32 $0x1, s14;
	_ =	swait.ge [sflag:s7], $0x2800  }
0x74: {  	p0 =	sne.s32 s14, s5;
	[sflag:s7] =	ssyncset.done $0x0  }
.Ltmp1:
0x75: {  	s15 =	sadd.s32 $0xF00, s15;
	[sflag:s7] =	ssyncadd.s32 $0xFFFFD800;
	(pc) =	sbr.rel @p0 .LBB2_1-.Ltmp1, $4  }
0x76: {  	[hbm4b:s15+s2] =	stream.linear.scatter [tilespmem:s12], [sflag:$0x2], $0x2800, $0x38;
	[tilespmem:$0xA500] =	vst v63  }
0x77: {  	_ =	swait.ge [sflag:s7], $0x2800  }
0x78: {  	[sflag:s7] =	ssyncset.done $0x0  }
0x79: {  	[sflag:s7] =	ssyncadd.s32 $0xFFFFD800  }
0x7a: {  	_ =	sfence.sel $0x180000  }
0x7b: {  	[bflag:$0x0] =	sbarrier.arrive $0xFFFF  }
0x7c: {  	p0 =	sne.s32 s1, $0x0;
	_ =	strace $0x90000053  }
0x7d: {  	s0 =	sadd.s32 @!p0 $0x100000, s0;
	[bflag:$0x2] =	sbarrier.arrive $0xFFFF  }
0x7e: {  	[sflag:s0] =	ssyncadd.tile.s32 @!p0 $0x1;
	_ =	shalt  }
.Lfunc_end2:
_tile_overlayer_lowered:
.L_overlay_start_2:
0x7f: {  	(tag) =	ssettag $0x2  }
0x80: {  	s0 =	rddreg [dreg:$0x0];
	s2 =	stileid.u32  }
0x81: {  	s1 =	rddreg [dreg:$0x1];
	p0 =	sne.s32 s2, $0x0  }
0x82: {  	s3 =	rddreg [dreg:$0x2];
	[bflag:$0x3] =	sbarrier.arrive $0xFFFF;
	s2 =	simm.s32 @!p0 $0x1C02  }
0x83: {  	[timem:s3], [sflag:s2] =	dma.local @!p0 [hbm:s0], s1  }
0x84: {  	s0 =	simm.s32 @!p0 $0x2  }
0x85: {  	_ =	swait.ge @!p0 [sflag:s0], s1  }
0x86: {  	s1 =	ssub.s32 @!p0 $0x0, s1;
	[sflag:s0] =	ssyncset.done @!p0 $0x0  }
0x87: {  	[sflag:s0] =	ssyncadd.s32 @!p0 s1  }
0x88: {  	[bflag:$0x3] =	sbarrier.arrive $0xFFFF  }
0x89: {  	_ =	shalt  }

// kernel: kernel.31.cloned.1.call-start
scs
__scs_entry_jumppad:
0x0: {  	(pc) =	sbr.rel $0x88, $3  }
0x1: {  	(tag) =	ssettag $0x0;
	lr =	simm.s32 $0x1  }
0x2: {  	[smem:$0x3F6D] =	sst lr;
	_ =	strace $0xD0000000  }
0x3: {  	_ = 	snop  }
0x4: {  	_ = 	snop  }
0x5: {  	_ = 	snop  }
0x6: {  	_ = 	snop  }
0x7: {  	_ = 	snop  }
__scs_overlays_trampoline_lowered:
0x8: {  	[smem:$0x3F7C] =	sst s0  }
0x9: {  	[smem:$0x3F7D] =	sst s1  }
0xa: {  	[smem:$0x3F7E] =	sst s2  }
0xb: {  	[smem:$0x3F7F] =	sst s3  }
0xc: {  	[smem:$0x3F80] =	sst s4  }
0xd: {  	[smem:$0x3F81] =	sst s5  }
0xe: {  	[smem:$0x3F82] =	sst s6  }
0xf: {  	[smem:$0x3F83] =	sst s7  }
0x10: {  	[smem:$0x3F84] =	sst s8  }
0x11: {  	[smem:$0x3F85] =	sst s9;
	s0 =	simm.s32 @!p0 $0x0  }
0x12: {  	s1 =	sld [smem:$0x3F6B];
	s0 =	simm.s32 @p0 $0x1  }
0x13: {  	[smem:$0x3F86] =	sst s0;
	s0 =	simm.s32 @!p1 $0x0  }
0x14: {  	s2 =	sld [smem:$0x3F6A];
	s0 =	simm.s32 @p1 $0x1  }
0x15: {  	[smem:$0x3F87] =	sst s0;
	s0 =	simm.s32 @!p2 $0x0  }
0x16: {  	s3 =	sld [smem:$0x3FDB];
	s0 =	simm.s32 @p2 $0x1  }
0x17: {  	s4 =	simm.s32 $0x1BF5;
	[smem:$0x3F89] =	sst s0  }
0x18: {  	s0 =	sld [smem:$0x3F6C];
	_ =	swait.ge [sflag:s4], $0x0  }
0x19: {  	s7 =	sld [smem:$0x3F6D]  }
0x1a: {  	s8 =	sadd.s32 $0xFFFFE003, lr  }
0x1b: {  	s9 =	sadd.s32 $0xFFFFFEF7, lr;
	s5 =	simm.s32 $0xFFFFFFFF;
	p2 =	slt.u32 s8, $0xFFFFF086  }
0x1c: {  	p1 =	slt.u32 s9, $0xF7A;
	s5 =	simm.s32 @!p2 $0x0  }
0x1d: {  	s5 =	simm.s32 @p1 $0x1;
	p0 =	seq.s32 s7, s2  }
0x1e: {  	s7 =	smul.u32 @!p0 $0xF7A, s2;
	p2 =	seq.s32 @!p0 s5, $0x0  }
0x1f: {  	s9 =	smul.u32 $0xF7A, s1;
	s8 =	simm.s32 @!p0 $0x1BF5;
	p2 =	por !p2, p0  }
0x20: {  	[sflag:s8] =	ssyncset.s32 @!p0 $0xFFFFF086;
	s6 =	sadd.s32 @!p0 s3, s7;
	s7 =	simm.s32 @!p0 $0x108  }
0x21: {  	s3 =	sadd.s32 s3, s9;
	s6 =	sadd.s32 @!p0 $0x88, s6;
	s7 =	simm.s32 @p2 $0x1082  }
0x22: {  	[simem:s7], [sflag:s8] =	dma.local @!p0 [hbm:s6], $0xF7A  }
0x23: {  	s9 =	sor.u32 $0xD0000000, s2;
	s6 =	simm.s32 $0x108;
	_ =	swait.ge @!p0 [sflag:s8], $0x0  }
0x24: {  	s3 =	sadd.s32 $0x88, s3;
	s6 =	simm.s32 @!p1 $0x1082;
	[sflag:s4] =	ssyncset.s32 $0xFFFFF086  }
0x25: {  	[simem:s6], [sflag:s4] =	dma.local [hbm:s3], $0xF7A  }
0x26: {  	[smem:$0x3F6D] =	sst s1;
	(tag) =	ssettag s2;
	_ =	strace s9  }
0x27: {  	s1 =	sld [smem:$0x3F7D]  }
0x28: {  	s2 =	sld [smem:$0x3F7E]  }
0x29: {  	s4 =	sld [smem:$0x3F80]  }
0x2a: {  	p0 =	seq.s32 s5, $0x0;
	s5 =	sld [smem:$0x3F81]  }
0x2b: {  	s6 =	sld [smem:$0x3F82]  }
0x2c: {  	s7 =	sld [smem:$0x3F83]  }
0x2d: {  	s3 =	simm.s32 $0x108;
	s8 =	sld [smem:$0x3F84]  }
0x2e: {  	s3 =	simm.s32 @!p0 $0x1082;
	s9 =	sld [smem:$0x3F85]  }
0x2f: {  	lr =	sadd.s32 s0, s3;
	s0 =	sld [smem:$0x3F7C]  }
0x30: {  	s3 =	sld [smem:$0x3F7F]  }
0x31: {  	[smem:$0x3F88] =	sst s10  }
0x32: {  	s10 =	sld [smem:$0x3F86];
	_ =	sdelay $0x3  }
0x33: {  	p0 =	seq.s32 s10, $0x1;
	s10 =	sld [smem:$0x3F88];
	_ =	sdelay $0x3  }
0x34: {  	[smem:$0x3F88] =	sst s10  }
0x35: {  	s10 =	sld [smem:$0x3F87];
	_ =	sdelay $0x3  }
0x36: {  	p1 =	seq.s32 s10, $0x1;
	s10 =	sld [smem:$0x3F88];
	_ =	sdelay $0x3  }
0x37: {  	[smem:$0x3F88] =	sst s10  }
0x38: {  	s10 =	sld [smem:$0x3F89]  }
0x39: {  	_ = 	snop;
	(pc) =	sbr.ind lr, $3  }
0x3a: {  	_ = 	snop  }
0x3b: {  	_ = 	snop  }
0x3c: {  	p2 =	seq.s32 s10, $0x1;
	s10 =	sld [smem:$0x3F88]  }
0x3d: {  	_ =	shalt  }
0x3e: {  	_ =	shalt  }
0x3f: {  	_ =	shalt  }
0x40: {  	_ =	shalt  }
0x41: {  	_ =	shalt  }
0x42: {  	_ =	shalt  }
0x43: {  	_ =	shalt  }
0x44: {  	_ =	shalt  }
0x45: {  	_ =	shalt  }
0x46: {  	_ =	shalt  }
0x47: {  	_ =	shalt  }
0x48: {  	_ =	shalt  }
0x49: {  	_ =	shalt  }
0x4a: {  	_ =	shalt  }
0x4b: {  	_ =	shalt  }
0x4c: {  	_ =	shalt  }
0x4d: {  	_ =	shalt  }
0x4e: {  	_ =	shalt  }
0x4f: {  	_ =	shalt  }
0x50: {  	_ =	shalt  }
0x51: {  	_ =	shalt  }
0x52: {  	_ =	shalt  }
0x53: {  	_ =	shalt  }
0x54: {  	_ =	shalt  }
0x55: {  	_ =	shalt  }
0x56: {  	_ =	shalt  }
0x57: {  	_ =	shalt  }
0x58: {  	_ =	shalt  }
0x59: {  	_ =	shalt  }
0x5a: {  	_ =	shalt  }
0x5b: {  	_ =	shalt  }
0x5c: {  	_ =	shalt  }
0x5d: {  	_ =	shalt  }
0x5e: {  	_ =	shalt  }
0x5f: {  	_ =	shalt  }
0x60: {  	_ =	shalt  }
0x61: {  	_ =	shalt  }
0x62: {  	_ =	shalt  }
0x63: {  	_ =	shalt  }
0x64: {  	_ =	shalt  }
0x65: {  	_ =	shalt  }
0x66: {  	_ =	shalt  }
0x67: {  	_ =	shalt  }
0x68: {  	_ =	shalt  }
0x69: {  	_ =	shalt  }
0x6a: {  	_ =	shalt  }
0x6b: {  	_ =	shalt  }
0x6c: {  	_ =	shalt  }
0x6d: {  	_ =	shalt  }
0x6e: {  	_ =	shalt  }
0x6f: {  	_ =	shalt  }
0x70: {  	_ =	shalt  }
0x71: {  	_ =	shalt  }
0x72: {  	_ =	shalt  }
0x73: {  	_ =	shalt  }
0x74: {  	_ =	shalt  }
0x75: {  	_ =	shalt  }
0x76: {  	_ =	shalt  }
0x77: {  	_ =	shalt  }
0x78: {  	_ =	shalt  }
0x79: {  	_ =	shalt  }
0x7a: {  	_ =	shalt  }
0x7b: {  	_ =	shalt  }
0x7c: {  	_ =	shalt  }
0x7d: {  	_ =	shalt  }
0x7e: {  	_ =	shalt  }
0x7f: {  	_ =	shalt  }
0x80: {  	_ =	shalt  }
0x81: {  	_ =	shalt  }
0x82: {  	_ =	shalt  }
0x83: {  	_ =	shalt  }
0x84: {  	_ =	shalt  }
0x85: {  	_ =	shalt  }
0x86: {  	_ =	shalt  }
0x87: {  	_ =	shalt  }
.Lfunc_end0:
.L_simem_size_0:
called_computation.7_lowered:
.L_overlay_start_0:
0x88: {  	s2 =	sld [smem:$0x3FD9]  }
0x89: {  	s3 =	sld [smem:$0x3FFE];
	_ =	sdelay $0x1  }
0x8a: {  	s1 =	srdreg.scid  }
0x8b: {  	s0 =	sand.u32 $0x1, s1  }
0x8c: {  	s16 =	sshll.u32 s0, $0xA;
	s2 =	sadd.s32 s3, s2  }
0x8d: {  	s2 =	sadd.s32 s2, s16  }
0x8e: {  	[smem:$0x3F94] =	sst s2  }
0x8f: {  	_ = 	snop  }
0x90: {  	(tm) =	ssettm $0x1  }
0x91: {  	s17 =	sld [smem:$0x3FFB];
	_ =	sdelay $0x3  }
0x92: {  	_ =	strace s17  }
0x93: {  	s2 =	sld [smem:$0x3FFC];
	_ =	sdelay $0x3  }
0x94: {  	_ =	strace s2  }
0x95: {  	s2 =	sld [smem:$0x3FFD];
	_ =	sdelay $0x3  }
0x96: {  	_ =	strace s2  }
0x97: {  	_ =	strace $0x8FFFFFFF  }
0x98: {  	s18 =	sld [smem:$0x3FDB];
	_ =	sdelay $0x1  }
0x99: {  	s19 =	simm.s32 $_scs_section_size  }
0x9a: {  	s4 =	simm.s32 $_size__tile_overlayer_lowered;
	s5 =	simm.s32 $_tile_overlayer_lowered  }
0x9b: {  	s22 =	simm.s32 $0x1BFF;
	s21 =	sshll.u32 s5, $0x1;
	s2 =	sadd.s32 s19, s18  }
0x9c: {  	s6 =	simm.s32 $0x0;
	s20 =	sshll.u32 s4, $0x1;
	s4 =	sadd.s32 s21, s2  }
0x9d: {  	[timem:s6], [sflag:s22] =	dma.local [hbm:s4], s20  }
0x9e: {  	_ =	swait.ge [sflag:s22], s20  }
0x9f: {  	s3 =	ssub.s32 $0x0, s20;
	[sflag:s22] =	ssyncset.done $0x0  }
0xa0: {  	[sflag:s22] =	ssyncadd.s32 s3;
	_ =	sdelay $0x1  }
0xa1: {  	s23 =	simm.s32 $0x1B8B  }
0xa2: {  	_ =	swait.ge [sflag:s23], $0x1  }
0xa3: {  	[sflag:s23] =	ssyncset.done $0x0  }
0xa4: {  	s25 =	simm.s32 $0x1B8E;
	s24 =	sld [smem:$0x3FFE];
	[sflag:s23] =	ssyncadd.s32 $0xFFFFFFFF  }
0xa5: {  	s26 =	simm.s32 $execute0_lowered;
	[smem:$0x3FD2] =	sst s25  }
0xa6: {  	s4 =	sshll.u32 s26, $0x1;
	_ =	strace $0x80000055;
	[dreg:$0x1] =	wrdreg $0xFFFFFFFF  }
0xa7: {  	s28 =	simm.s32 $_size_execute0_lowered;
	s2 =	sadd.s32 s2, s4;
	[dreg:$0x0] =	wrdreg $0x0  }
0xa8: {  	s4 =	sshll.u32 s28, $0x1;
	[dreg:$0x2] =	wrdreg s2  }
0xa9: {  	[dreg:$0x3] =	wrdreg s4  }
0xaa: {  	[dreg:$0x4] =	wrdreg $0xC0  }
0xab: {  	_ =	task [dreg:s6], $0x5FFFF  }
0xac: {  	[dreg:$0x1] =	wrdreg $0xFFFFFFFF  }
0xad: {  	[dreg:$0x0] =	wrdreg $0x60  }
0xae: {  	[dreg:$0x2] =	wrdreg s24  }
0xaf: {  	[dreg:$0x3] =	wrdreg $0x9  }
0xb0: {  	_ =	task.clear_ibuf [dreg:s6], $0x4FFFF;
	_ =	strace $0x90000055  }
0xb1: {  	s29 =	simm.s32 $0x9;
	_ =	strace $0x80000057  }
0xb2: {  	_ =	swait.ge [sflag:s29], $0x1  }
0xb3: {  	[sflag:s29] =	ssyncadd.s32 $0xFFFFFFFF  }
0xb4: {  	_ =	strace $0x90000057  }
0xb5: {  	_ =	sfence  }
0xb6: {  	s30 =	sld [smem:$0x0];
	_ =	sdelay $0x2  }
0xb7: {  	s31 =	sshll.u32 s1, $0xD;
	s1 =	sshrl.u32 s1, $0x2  }
0xb8: {  	s3 =	sand.u32 $0x4000, s31;
	s1 =	sadd.s32 s1, s30  }
0xb9: {  	s0 =	sor.u32 s3, s0;
	s1 =	sshll.u32 s1, $0x11  }
0xba: {  	s0 =	sor.u32 s1, s0  }
0xbb: {  	s0 =	sadd.s32 $0x8F2B, s0  }
0xbc: {  	[sflag:s0] =	ssyncadd.remote.s32 $0x1  }
0xbd: {  	_ =	sfence.sel $0xFFFF  }
0xbe: {  	[dreg:$0x0] =	wrdreg $0xFFFFFFFF;
	(pc) =	sbr.abs _section_cstart, $3  }
0xbf: {  	[dreg:$0x1] =	wrdreg $0xFFFFFFFF  }
0xc0: {  	_ =	task.clear_ibuf [dreg:s6], $0x2FFFF;
	_ =	strace $0x9FFFFFFF  }
0xc1: {  	(tm) =	ssettm $0x7FFFFFFF  }
tec
execute0_lowered:
.L_overlay_start_1:
0x0: {  	(tag) =	ssettag $0x1  }
0x1: {  	s4 =	rddreg [dreg:$0x0]  }
0x2: {  	s0 =	rddreg [dreg:$0x1]  }
0x3: {  	s3 =	srdreg.scid;
	s1 =	stileid.u32;
	s2 =	simm.s32 $0x0  }
0x4: {  	s11 =	simm.s32 $0x5500;
	s12 =	simm.s32 $0x7D00;
	s13 =	simm.s32 $0x1  }
0x5: {  	s14 =	simm.s32 $0x0;
	s5 =	sand.u32 $0x1, s3;
	s28 =	sshll.u32 s1, $0x1  }
0x6: {  	[smem:$0x7FF] =	sst s2;
	s7 =	smul.u32 $0xA000, s1;
	s3 =	sor.u32 s5, s28  }
0x7: {  	_ =	strace $0x80000056;
	s8 =	ssub.s32 $0x2, s5;
	s10 =	smul.u32 $0x5000, s5  }
0x8: {  	s6 =	smul.u32 $0x500, s3;
	s3 =	sadd.s32 $0x4000, s4;
	s9 =	sshrl.u32 s8, $0x1  }
0x9: {  	s30 =	sadd.s32 s7, s4;
	s7 =	simm.s32 $0x2;
	s31 =	ssub.s32 s8, s9  }
0xa: {  	s8 =	simm.s32 $0x50;
	s9 =	simm.s32 $0x500;
	s6 =	sshrl.u32 s6, $0x3  }
0xb: {  	s5 =	smax.u32 s31, $0x1;
	s29 =	sadd.s32 s6, s4;
	s6 =	sadd.s32 s10, s30  }
0xc: {  	s10 =	simm.s32 $0x2D00;
	s4 =	sadd.s32 $0x2C00, s29;
	s6 =	sadd.s32 $0xC000, s6  }
.LBB2_1:
0xd: {  	[tilespmem:s2], [sflag:$0x2] =	stream.linear.gather [hbm4b:s4+s2], $0x500, $0x38;
	[tilespmem:$0xA500] =	vst v63  }
0xe: {  	_ =	swait.ge [sflag:s7], $0x500  }
0xf: {  	[sflag:s7] =	ssyncset.done $0x0  }
0x10: {  	s15 =	simm.s32 $0x0;
	[sflag:s7] =	ssyncadd.s32 $0xFFFFFB00  }
0x11: {  	[tilespmem:s9], [sflag:$0x1] =	stream.indirect.gather [hbm4b:s3+s8], $0x80, s15, s8, $0xb8;
	[tilespmem:$0xA500] =	vst v63  }
0x12: {  	s26 =	simm.s32 $0x50  }
0x13: {  	[tilespmem:s10], [sflag:$0x1] =	stream.indirect.gather [hbm4b:s3+s8], $0x80, s26, s8, $0xb8;
	[tilespmem:$0xA500] =	vst v63  }
0x14: {  	s28 =	simm.s32 $0xA0  }
0x15: {  	[tilespmem:s11], [sflag:$0x1] =	stream.indirect.gather [hbm4b:s3+s8], $0x80, s28, s8, $0xb8;
	[tilespmem:$0xA500] =	vst v63  }
0x16: {  	s29 =	simm.s32 $0xF0  }
0x17: {  	[tilespmem:s12], [sflag:$0x1] =	stream.indirect.gather [hbm4b:s3+s8], $0x80, s29, s8, $0xb8;
	[tilespmem:$0xA500] =	vst v63  }
0x18: {  	_ =	swait.ge [sflag:s13], $0x2800  }
0x19: {  	[sflag:s13] =	ssyncset.done $0x0  }
0x1a: {  	[sflag:s13] =	ssyncadd.s32 $0xFFFFD800  }
0x1b: {  	_ =	swait.ge [sflag:s13], $0x2800  }
0x1c: {  	[sflag:s13] =	ssyncset.done $0x0  }
0x1d: {  	[sflag:s13] =	ssyncadd.s32 $0xFFFFD800  }
0x1e: {  	_ =	swait.ge [sflag:s13], $0x2800  }
0x1f: {  	[sflag:s13] =	ssyncset.done $0x0  }
0x20: {  	[sflag:s13] =	ssyncadd.s32 $0xFFFFD800  }
0x21: {  	_ =	swait.ge [sflag:s13], $0x2800  }
0x22: {  	[sflag:s13] =	ssyncset.done $0x0  }
0x23: {  	s30 =	sadd.s32 $0x0, s6;
	[sflag:s13] =	ssyncadd.s32 $0xFFFFD800  }
0x24: {  	[hbm4b:s30+s2] =	stream.linear.scatter [tilespmem:s9], [sflag:$0x2], $0x2800, $0x38;
	[tilespmem:$0xA500] =	vst v63  }
0x25: {  	_ =	swait.ge [sflag:s7], $0x2800  }
0x26: {  	[sflag:s7] =	ssyncset.done $0x0  }
0x27: {  	s16 =	sadd.s32 $0x500, s30;
	[sflag:s7] =	ssyncadd.s32 $0xFFFFD800  }
0x28: {  	[hbm4b:s16+s2] =	stream.linear.scatter [tilespmem:s10], [sflag:$0x2], $0x2800, $0x38;
	[tilespmem:$0xA500] =	vst v63  }
0x29: {  	_ =	swait.ge [sflag:s7], $0x2800  }
0x2a: {  	[sflag:s7] =	ssyncset.done $0x0  }
0x2b: {  	s31 =	sadd.s32 $0xA00, s30;
	[sflag:s7] =	ssyncadd.s32 $0xFFFFD800  }
0x2c: {  	[hbm4b:s31+s2] =	stream.linear.scatter [tilespmem:s11], [sflag:$0x2], $0x2800, $0x38;
	[tilespmem:$0xA500] =	vst v63  }
0x2d: {  	_ =	swait.ge [sflag:s7], $0x2800  }
0x2e: {  	[sflag:s7] =	ssyncset.done $0x0  }
0x2f: {  	s15 =	sadd.s32 $0xF00, s30;
	[sflag:s7] =	ssyncadd.s32 $0xFFFFD800  }
0x30: {  	[hbm4b:s15+s2] =	stream.linear.scatter [tilespmem:s12], [sflag:$0x2], $0x2800, $0x38;
	[tilespmem:$0xA500] =	vst v63  }
0x31: {  	s17 =	simm.s32 $0x2800;
	_ =	swait.ge [sflag:s7], $0x2800  }
0x32: {  	s16 =	simm.s32 $0x230;
	s15 =	simm.s32 $0x1400;
	[sflag:s7] =	ssyncset.done $0x0  }
.LBB2_2:
0x33: {  	p0 =	sne.s32 s17, $0x3C00;
	s18 =	sadd.s32 $0xFFFFFF10, s16;
	[sflag:s7] =	ssyncadd.s32 $0xFFFFD800  }
0x34: {  	[tilespmem:s9], [sflag:$0x1] =	stream.indirect.gather [hbm4b:s3+s8], $0x80, s18, s8, $0xb8;
	[tilespmem:$0xA500] =	vst v63  }
0x35: {  	s19 =	smov.u32 s17;
	s17 =	sadd.s32 $0x1400, s17;
	s18 =	sadd.s32 $0xFFFFFF60, s16  }
0x36: {  	[tilespmem:s10], [sflag:$0x1] =	stream.indirect.gather [hbm4b:s3+s8], $0x80, s18, s8, $0xb8;
	[tilespmem:$0xA500] =	vst v63  }
0x37: {  	s18 =	sadd.s32 $0xFFFFFFB0, s16  }
0x38: {  	[tilespmem:s11], [sflag:$0x1] =	stream.indirect.gather [hbm4b:s3+s8], $0x80, s18, s8, $0xb8;
	[tilespmem:$0xA500] =	vst v63  }
0x39: {  	_ = 	snop  }
0x3a: {  	[tilespmem:s12], [sflag:$0x1] =	stream.indirect.gather [hbm4b:s3+s8], $0x80, s16, s8, $0xb8;
	[tilespmem:$0xA500] =	vst v63  }
0x3b: {  	_ =	swait.ge [sflag:s13], $0x2800  }
0x3c: {  	[sflag:s13] =	ssyncset.done $0x0  }
0x3d: {  	[sflag:s13] =	ssyncadd.s32 $0xFFFFD800  }
0x3e: {  	_ =	swait.ge [sflag:s13], $0x2800  }
0x3f: {  	[sflag:s13] =	ssyncset.done $0x0  }
0x40: {  	[sflag:s13] =	ssyncadd.s32 $0xFFFFD800  }
0x41: {  	_ =	swait.ge [sflag:s13], $0x2800  }
0x42: {  	[sflag:s13] =	ssyncset.done $0x0  }
0x43: {  	[sflag:s13] =	ssyncadd.s32 $0xFFFFD800  }
0x44: {  	_ =	swait.ge [sflag:s13], $0x2800  }
0x45: {  	[sflag:s13] =	ssyncset.done $0x0  }
0x46: {  	s18 =	sadd.s32 s15, s6;
	s15 =	smov.u32 s19;
	[sflag:s13] =	ssyncadd.s32 $0xFFFFD800  }
0x47: {  	[hbm4b:s18+s2] =	stream.linear.scatter [tilespmem:s9], [sflag:$0x2], $0x2800, $0x38;
	[tilespmem:$0xA500] =	vst v63  }
0x48: {  	_ =	swait.ge [sflag:s7], $0x2800  }
0x49: {  	[sflag:s7] =	ssyncset.done $0x0  }
0x4a: {  	s19 =	sadd.s32 $0x500, s18;
	[sflag:s7] =	ssyncadd.s32 $0xFFFFD800  }
0x4b: {  	[hbm4b:s19+s2] =	stream.linear.scatter [tilespmem:s10], [sflag:$0x2], $0x2800, $0x38;
	[tilespmem:$0xA500] =	vst v63  }
0x4c: {  	_ =	swait.ge [sflag:s7], $0x2800  }
0x4d: {  	[sflag:s7] =	ssyncset.done $0x0  }
0x4e: {  	s19 =	sadd.s32 $0xA00, s18;
	[sflag:s7] =	ssyncadd.s32 $0xFFFFD800  }
0x4f: {  	[hbm4b:s19+s2] =	stream.linear.scatter [tilespmem:s11], [sflag:$0x2], $0x2800, $0x38;
	[tilespmem:$0xA500] =	vst v63  }
0x50: {  	_ =	swait.ge [sflag:s7], $0x2800  }
.Ltmp0:
0x51: {  	[sflag:s7] =	ssyncset.done $0x0;
	(pc) =	sbr.rel @p0 .LBB2_2-.Ltmp0, $4  }
0x52: {  	s18 =	sadd.s32 $0xF00, s18;
	[sflag:s7] =	ssyncadd.s32 $0xFFFFD800  }
0x53: {  	[hbm4b:s18+s2] =	stream.linear.scatter [tilespmem:s12], [sflag:$0x2], $0x2800, $0x38;
	[tilespmem:$0xA500] =	vst v63  }
0x54: {  	_ =	swait.ge [sflag:s7], $0x2800  }
0x55: {  	s16 =	sadd.s32 $0x140, s16;
	[sflag:s7] =	ssyncset.done $0x0  }
0x56: {  	s17 =	sadd.s32 $0xFFFFFF10, s16;
	[sflag:s7] =	ssyncadd.s32 $0xFFFFD800  }
0x57: {  	[tilespmem:s9], [sflag:$0x1] =	stream.indirect.gather [hbm4b:s3+s8], $0x80, s17, s8, $0xb8;
	[tilespmem:$0xA500] =	vst v63  }
0x58: {  	s28 =	sadd.s32 $0xFFFFFF60, s16  }
0x59: {  	[tilespmem:s10], [sflag:$0x1] =	stream.indirect.gather [hbm4b:s3+s8], $0x80, s28, s8, $0xb8;
	[tilespmem:$0xA500] =	vst v63  }
0x5a: {  	s29 =	sadd.s32 $0xFFFFFFB0, s16  }
0x5b: {  	[tilespmem:s11], [sflag:$0x1] =	stream.indirect.gather [hbm4b:s3+s8], $0x80, s29, s8, $0xb8;
	[tilespmem:$0xA500] =	vst v63  }
0x5c: {  	_ = 	snop  }
0x5d: {  	[tilespmem:s12], [sflag:$0x1] =	stream.indirect.gather [hbm4b:s3+s8], $0x80, s16, s8, $0xb8;
	[tilespmem:$0xA500] =	vst v63  }
0x5e: {  	_ =	swait.ge [sflag:s13], $0x2800  }
0x5f: {  	[sflag:s13] =	ssyncset.done $0x0  }
0x60: {  	[sflag:s13] =	ssyncadd.s32 $0xFFFFD800  }
0x61: {  	_ =	swait.ge [sflag:s13], $0x2800  }
0x62: {  	[sflag:s13] =	ssyncset.done $0x0  }
0x63: {  	[sflag:s13] =	ssyncadd.s32 $0xFFFFD800  }
0x64: {  	_ =	swait.ge [sflag:s13], $0x2800  }
0x65: {  	[sflag:s13] =	ssyncset.done $0x0  }
0x66: {  	[sflag:s13] =	ssyncadd.s32 $0xFFFFD800  }
0x67: {  	_ =	swait.ge [sflag:s13], $0x2800  }
0x68: {  	[sflag:s13] =	ssyncset.done $0x0  }
0x69: {  	s15 =	sadd.s32 s15, s6;
	[sflag:s13] =	ssyncadd.s32 $0xFFFFD800  }
0x6a: {  	[hbm4b:s15+s2] =	stream.linear.scatter [tilespmem:s9], [sflag:$0x2], $0x2800, $0x38;
	[tilespmem:$0xA500] =	vst v63  }
0x6b: {  	_ =	swait.ge [sflag:s7], $0x2800  }
0x6c: {  	[sflag:s7] =	ssyncset.done $0x0  }
0x6d: {  	s30 =	sadd.s32 $0x500, s15;
	[sflag:s7] =	ssyncadd.s32 $0xFFFFD800  }
0x6e: {  	[hbm4b:s30+s2] =	stream.linear.scatter [tilespmem:s10], [sflag:$0x2], $0x2800, $0x38;
	[tilespmem:$0xA500] =	vst v63  }
0x6f: {  	_ =	swait.ge [sflag:s7], $0x2800  }
0x70: {  	[sflag:s7] =	ssyncset.done $0x0  }
0x71: {  	s31 =	sadd.s32 $0xA00, s15;
	[sflag:s7] =	ssyncadd.s32 $0xFFFFD800  }
0x72: {  	[hbm4b:s31+s2] =	stream.linear.scatter [tilespmem:s11], [sflag:$0x2], $0x2800, $0x38;
	[tilespmem:$0xA500] =	vst v63  }
0x73: {  	s14 =	sadd.s32 $0x1, s14;
	_ =	swait.ge [sflag:s7], $0x2800  }
0x74: {  	p0 =	sne.s32 s14, s5;
	[sflag:s7] =	ssyncset.done $0x0  }
.Ltmp1:
0x75: {  	s15 =	sadd.s32 $0xF00, s15;
	[sflag:s7] =	ssyncadd.s32 $0xFFFFD800;
	(pc) =	sbr.rel @p0 .LBB2_1-.Ltmp1, $4  }
0x76: {  	[hbm4b:s15+s2] =	stream.linear.scatter [tilespmem:s12], [sflag:$0x2], $0x2800, $0x38;
	[tilespmem:$0xA500] =	vst v63  }
0x77: {  	_ =	swait.ge [sflag:s7], $0x2800  }
0x78: {  	[sflag:s7] =	ssyncset.done $0x0  }
0x79: {  	[sflag:s7] =	ssyncadd.s32 $0xFFFFD800  }
0x7a: {  	_ =	sfence.sel $0x180000  }
0x7b: {  	[bflag:$0x0] =	sbarrier.arrive $0xFFFF  }
0x7c: {  	p0 =	sne.s32 s1, $0x0;
	_ =	strace $0x90000056  }
0x7d: {  	s0 =	sadd.s32 @!p0 $0x100000, s0;
	[bflag:$0x2] =	sbarrier.arrive $0xFFFF  }
0x7e: {  	[sflag:s0] =	ssyncadd.tile.s32 @!p0 $0x1;
	_ =	shalt  }
.Lfunc_end2:
_tile_overlayer_lowered:
.L_overlay_start_2:
0x7f: {  	(tag) =	ssettag $0x2  }
0x80: {  	s0 =	rddreg [dreg:$0x0];
	s2 =	stileid.u32  }
0x81: {  	s1 =	rddreg [dreg:$0x1];
	p0 =	sne.s32 s2, $0x0  }
0x82: {  	s3 =	rddreg [dreg:$0x2];
	[bflag:$0x3] =	sbarrier.arrive $0xFFFF;
	s2 =	simm.s32 @!p0 $0x1C02  }
0x83: {  	[timem:s3], [sflag:s2] =	dma.local @!p0 [hbm:s0], s1  }
0x84: {  	s0 =	simm.s32 @!p0 $0x2  }
0x85: {  	_ =	swait.ge @!p0 [sflag:s0], s1  }
0x86: {  	s1 =	ssub.s32 @!p0 $0x0, s1;
	[sflag:s0] =	ssyncset.done @!p0 $0x0  }
0x87: {  	[sflag:s0] =	ssyncadd.s32 @!p0 s1  }
0x88: {  	[bflag:$0x3] =	sbarrier.arrive $0xFFFF  }
0x89: {  	_ =	shalt  }

// kernel: kernel.34.cloned.1.call-start
scs
__scs_entry_jumppad:
0x0: {  	(pc) =	sbr.rel $0x88, $3  }
0x1: {  	(tag) =	ssettag $0x0;
	lr =	simm.s32 $0x1  }
0x2: {  	[smem:$0x3F6D] =	sst lr;
	_ =	strace $0xD0000000  }
0x3: {  	_ = 	snop  }
0x4: {  	_ = 	snop  }
0x5: {  	_ = 	snop  }
0x6: {  	_ = 	snop  }
0x7: {  	_ = 	snop  }
__scs_overlays_trampoline_lowered:
0x8: {  	[smem:$0x3F7C] =	sst s0  }
0x9: {  	[smem:$0x3F7D] =	sst s1  }
0xa: {  	[smem:$0x3F7E] =	sst s2  }
0xb: {  	[smem:$0x3F7F] =	sst s3  }
0xc: {  	[smem:$0x3F80] =	sst s4  }
0xd: {  	[smem:$0x3F81] =	sst s5  }
0xe: {  	[smem:$0x3F82] =	sst s6  }
0xf: {  	[smem:$0x3F83] =	sst s7  }
0x10: {  	[smem:$0x3F84] =	sst s8  }
0x11: {  	[smem:$0x3F85] =	sst s9;
	s0 =	simm.s32 @!p0 $0x0  }
0x12: {  	s1 =	sld [smem:$0x3F6B];
	s0 =	simm.s32 @p0 $0x1  }
0x13: {  	[smem:$0x3F86] =	sst s0;
	s0 =	simm.s32 @!p1 $0x0  }
0x14: {  	s2 =	sld [smem:$0x3F6A];
	s0 =	simm.s32 @p1 $0x1  }
0x15: {  	[smem:$0x3F87] =	sst s0;
	s0 =	simm.s32 @!p2 $0x0  }
0x16: {  	s3 =	sld [smem:$0x3FDB];
	s0 =	simm.s32 @p2 $0x1  }
0x17: {  	s4 =	simm.s32 $0x1BF5;
	[smem:$0x3F89] =	sst s0  }
0x18: {  	s0 =	sld [smem:$0x3F6C];
	_ =	swait.ge [sflag:s4], $0x0  }
0x19: {  	s7 =	sld [smem:$0x3F6D]  }
0x1a: {  	s8 =	sadd.s32 $0xFFFFE003, lr  }
0x1b: {  	s9 =	sadd.s32 $0xFFFFFEF7, lr;
	s5 =	simm.s32 $0xFFFFFFFF;
	p2 =	slt.u32 s8, $0xFFFFF086  }
0x1c: {  	p1 =	slt.u32 s9, $0xF7A;
	s5 =	simm.s32 @!p2 $0x0  }
0x1d: {  	s5 =	simm.s32 @p1 $0x1;
	p0 =	seq.s32 s7, s2  }
0x1e: {  	s7 =	smul.u32 @!p0 $0xF7A, s2;
	p2 =	seq.s32 @!p0 s5, $0x0  }
0x1f: {  	s9 =	smul.u32 $0xF7A, s1;
	s8 =	simm.s32 @!p0 $0x1BF5;
	p2 =	por !p2, p0  }
0x20: {  	[sflag:s8] =	ssyncset.s32 @!p0 $0xFFFFF086;
	s6 =	sadd.s32 @!p0 s3, s7;
	s7 =	simm.s32 @!p0 $0x108  }
0x21: {  	s3 =	sadd.s32 s3, s9;
	s6 =	sadd.s32 @!p0 $0x88, s6;
	s7 =	simm.s32 @p2 $0x1082  }
0x22: {  	[simem:s7], [sflag:s8] =	dma.local @!p0 [hbm:s6], $0xF7A  }
0x23: {  	s9 =	sor.u32 $0xD0000000, s2;
	s6 =	simm.s32 $0x108;
	_ =	swait.ge @!p0 [sflag:s8], $0x0  }
0x24: {  	s3 =	sadd.s32 $0x88, s3;
	s6 =	simm.s32 @!p1 $0x1082;
	[sflag:s4] =	ssyncset.s32 $0xFFFFF086  }
0x25: {  	[simem:s6], [sflag:s4] =	dma.local [hbm:s3], $0xF7A  }
0x26: {  	[smem:$0x3F6D] =	sst s1;
	(tag) =	ssettag s2;
	_ =	strace s9  }
0x27: {  	s1 =	sld [smem:$0x3F7D]  }
0x28: {  	s2 =	sld [smem:$0x3F7E]  }
0x29: {  	s4 =	sld [smem:$0x3F80]  }
0x2a: {  	p0 =	seq.s32 s5, $0x0;
	s5 =	sld [smem:$0x3F81]  }
0x2b: {  	s6 =	sld [smem:$0x3F82]  }
0x2c: {  	s7 =	sld [smem:$0x3F83]  }
0x2d: {  	s3 =	simm.s32 $0x108;
	s8 =	sld [smem:$0x3F84]  }
0x2e: {  	s3 =	simm.s32 @!p0 $0x1082;
	s9 =	sld [smem:$0x3F85]  }
0x2f: {  	lr =	sadd.s32 s0, s3;
	s0 =	sld [smem:$0x3F7C]  }
0x30: {  	s3 =	sld [smem:$0x3F7F]  }
0x31: {  	[smem:$0x3F88] =	sst s10  }
0x32: {  	s10 =	sld [smem:$0x3F86];
	_ =	sdelay $0x3  }
0x33: {  	p0 =	seq.s32 s10, $0x1;
	s10 =	sld [smem:$0x3F88];
	_ =	sdelay $0x3  }
0x34: {  	[smem:$0x3F88] =	sst s10  }
0x35: {  	s10 =	sld [smem:$0x3F87];
	_ =	sdelay $0x3  }
0x36: {  	p1 =	seq.s32 s10, $0x1;
	s10 =	sld [smem:$0x3F88];
	_ =	sdelay $0x3  }
0x37: {  	[smem:$0x3F88] =	sst s10  }
0x38: {  	s10 =	sld [smem:$0x3F89]  }
0x39: {  	_ = 	snop;
	(pc) =	sbr.ind lr, $3  }
0x3a: {  	_ = 	snop  }
0x3b: {  	_ = 	snop  }
0x3c: {  	p2 =	seq.s32 s10, $0x1;
	s10 =	sld [smem:$0x3F88]  }
0x3d: {  	_ =	shalt  }
0x3e: {  	_ =	shalt  }
0x3f: {  	_ =	shalt  }
0x40: {  	_ =	shalt  }
0x41: {  	_ =	shalt  }
0x42: {  	_ =	shalt  }
0x43: {  	_ =	shalt  }
0x44: {  	_ =	shalt  }
0x45: {  	_ =	shalt  }
0x46: {  	_ =	shalt  }
0x47: {  	_ =	shalt  }
0x48: {  	_ =	shalt  }
0x49: {  	_ =	shalt  }
0x4a: {  	_ =	shalt  }
0x4b: {  	_ =	shalt  }
0x4c: {  	_ =	shalt  }
0x4d: {  	_ =	shalt  }
0x4e: {  	_ =	shalt  }
0x4f: {  	_ =	shalt  }
0x50: {  	_ =	shalt  }
0x51: {  	_ =	shalt  }
0x52: {  	_ =	shalt  }
0x53: {  	_ =	shalt  }
0x54: {  	_ =	shalt  }
0x55: {  	_ =	shalt  }
0x56: {  	_ =	shalt  }
0x57: {  	_ =	shalt  }
0x58: {  	_ =	shalt  }
0x59: {  	_ =	shalt  }
0x5a: {  	_ =	shalt  }
0x5b: {  	_ =	shalt  }
0x5c: {  	_ =	shalt  }
0x5d: {  	_ =	shalt  }
0x5e: {  	_ =	shalt  }
0x5f: {  	_ =	shalt  }
0x60: {  	_ =	shalt  }
0x61: {  	_ =	shalt  }
0x62: {  	_ =	shalt  }
0x63: {  	_ =	shalt  }
0x64: {  	_ =	shalt  }
0x65: {  	_ =	shalt  }
0x66: {  	_ =	shalt  }
0x67: {  	_ =	shalt  }
0x68: {  	_ =	shalt  }
0x69: {  	_ =	shalt  }
0x6a: {  	_ =	shalt  }
0x6b: {  	_ =	shalt  }
0x6c: {  	_ =	shalt  }
0x6d: {  	_ =	shalt  }
0x6e: {  	_ =	shalt  }
0x6f: {  	_ =	shalt  }
0x70: {  	_ =	shalt  }
0x71: {  	_ =	shalt  }
0x72: {  	_ =	shalt  }
0x73: {  	_ =	shalt  }
0x74: {  	_ =	shalt  }
0x75: {  	_ =	shalt  }
0x76: {  	_ =	shalt  }
0x77: {  	_ =	shalt  }
0x78: {  	_ =	shalt  }
0x79: {  	_ =	shalt  }
0x7a: {  	_ =	shalt  }
0x7b: {  	_ =	shalt  }
0x7c: {  	_ =	shalt  }
0x7d: {  	_ =	shalt  }
0x7e: {  	_ =	shalt  }
0x7f: {  	_ =	shalt  }
0x80: {  	_ =	shalt  }
0x81: {  	_ =	shalt  }
0x82: {  	_ =	shalt  }
0x83: {  	_ =	shalt  }
0x84: {  	_ =	shalt  }
0x85: {  	_ =	shalt  }
0x86: {  	_ =	shalt  }
0x87: {  	_ =	shalt  }
.Lfunc_end0:
.L_simem_size_0:
called_computation.8_lowered:
.L_overlay_start_0:
0x88: {  	s2 =	sld [smem:$0x3FD9]  }
0x89: {  	s3 =	sld [smem:$0x3FFE];
	_ =	sdelay $0x1  }
0x8a: {  	s1 =	srdreg.scid  }
0x8b: {  	s0 =	sand.u32 $0x1, s1  }
0x8c: {  	s16 =	sshll.u32 s0, $0xA;
	s2 =	sadd.s32 s3, s2  }
0x8d: {  	s2 =	sadd.s32 s2, s16  }
0x8e: {  	[smem:$0x3F94] =	sst s2  }
0x8f: {  	_ = 	snop  }
0x90: {  	(tm) =	ssettm $0x1  }
0x91: {  	s17 =	sld [smem:$0x3FFB];
	_ =	sdelay $0x3  }
0x92: {  	_ =	strace s17  }
0x93: {  	s2 =	sld [smem:$0x3FFC];
	_ =	sdelay $0x3  }
0x94: {  	_ =	strace s2  }
0x95: {  	s2 =	sld [smem:$0x3FFD];
	_ =	sdelay $0x3  }
0x96: {  	_ =	strace s2  }
0x97: {  	_ =	strace $0x8FFFFFFF  }
0x98: {  	s18 =	sld [smem:$0x3FDB];
	_ =	sdelay $0x1  }
0x99: {  	s19 =	simm.s32 $_scs_section_size  }
0x9a: {  	s4 =	simm.s32 $_size__tile_overlayer_lowered;
	s5 =	simm.s32 $_tile_overlayer_lowered  }
0x9b: {  	s22 =	simm.s32 $0x1BFF;
	s21 =	sshll.u32 s5, $0x1;
	s2 =	sadd.s32 s19, s18  }
0x9c: {  	s6 =	simm.s32 $0x0;
	s20 =	sshll.u32 s4, $0x1;
	s4 =	sadd.s32 s21, s2  }
0x9d: {  	[timem:s6], [sflag:s22] =	dma.local [hbm:s4], s20  }
0x9e: {  	_ =	swait.ge [sflag:s22], s20  }
0x9f: {  	s3 =	ssub.s32 $0x0, s20;
	[sflag:s22] =	ssyncset.done $0x0  }
0xa0: {  	[sflag:s22] =	ssyncadd.s32 s3;
	_ =	sdelay $0x1  }
0xa1: {  	s23 =	simm.s32 $0x1B8B  }
0xa2: {  	_ =	swait.ge [sflag:s23], $0x1  }
0xa3: {  	[sflag:s23] =	ssyncset.done $0x0  }
0xa4: {  	s25 =	simm.s32 $0x1B8E;
	s24 =	sld [smem:$0x3FFE];
	[sflag:s23] =	ssyncadd.s32 $0xFFFFFFFF  }
0xa5: {  	s26 =	simm.s32 $execute0_lowered;
	[smem:$0x3FD2] =	sst s25  }
0xa6: {  	s4 =	sshll.u32 s26, $0x1;
	_ =	strace $0x8000005B;
	[dreg:$0x1] =	wrdreg $0xFFFFFFFF  }
0xa7: {  	s28 =	simm.s32 $_size_execute0_lowered;
	s2 =	sadd.s32 s2, s4;
	[dreg:$0x0] =	wrdreg $0x0  }
0xa8: {  	s4 =	sshll.u32 s28, $0x1;
	[dreg:$0x2] =	wrdreg s2  }
0xa9: {  	[dreg:$0x3] =	wrdreg s4  }
0xaa: {  	[dreg:$0x4] =	wrdreg $0xC0  }
0xab: {  	_ =	task [dreg:s6], $0x5FFFF  }
0xac: {  	[dreg:$0x1] =	wrdreg $0xFFFFFFFF  }
0xad: {  	[dreg:$0x0] =	wrdreg $0x60  }
0xae: {  	[dreg:$0x2] =	wrdreg s24  }
0xaf: {  	[dreg:$0x3] =	wrdreg $0x9  }
0xb0: {  	_ =	task.clear_ibuf [dreg:s6], $0x4FFFF;
	_ =	strace $0x9000005B  }
0xb1: {  	s29 =	simm.s32 $0x9;
	_ =	strace $0x8000005D  }
0xb2: {  	_ =	swait.ge [sflag:s29], $0x1  }
0xb3: {  	[sflag:s29] =	ssyncadd.s32 $0xFFFFFFFF  }
0xb4: {  	_ =	strace $0x9000005D  }
0xb5: {  	_ =	sfence  }
0xb6: {  	s30 =	sld [smem:$0x0];
	_ =	sdelay $0x2  }
0xb7: {  	s31 =	sshll.u32 s1, $0xD;
	s1 =	sshrl.u32 s1, $0x2  }
0xb8: {  	s3 =	sand.u32 $0x4000, s31;
	s1 =	sadd.s32 s1, s30  }
0xb9: {  	s0 =	sor.u32 s3, s0;
	s1 =	sshll.u32 s1, $0x11  }
0xba: {  	s0 =	sor.u32 s1, s0  }
0xbb: {  	s0 =	sadd.s32 $0x8F2B, s0  }
0xbc: {  	[sflag:s0] =	ssyncadd.remote.s32 $0x1  }
0xbd: {  	_ =	sfence.sel $0xFFFF  }
0xbe: {  	[dreg:$0x0] =	wrdreg $0xFFFFFFFF;
	(pc) =	sbr.abs _section_cstart, $3  }
0xbf: {  	[dreg:$0x1] =	wrdreg $0xFFFFFFFF  }
0xc0: {  	_ =	task.clear_ibuf [dreg:s6], $0x2FFFF;
	_ =	strace $0x9FFFFFFF  }
0xc1: {  	(tm) =	ssettm $0x7FFFFFFF  }
tec
execute0_lowered:
.L_overlay_start_1:
0x0: {  	(tag) =	ssettag $0x1  }
0x1: {  	s5 =	rddreg [dreg:$0x0];
	s2 =	simm.s32 $0x0  }
0x2: {  	s11 =	simm.s32 $0xD00;
	[smem:$0x7FF] =	sst s2  }
0x3: {  	s12 =	simm.s32 $0x1500;
	_ =	strace $0x8000005C;
	[dreg:$0x3] =	wrdreg s11  }
0x4: {  	s13 =	simm.s32 $0x1D00;
	[dreg:$0x4] =	wrdreg s12  }
0x5: {  	s14 =	simm.s32 $0x2500;
	[dreg:$0x5] =	wrdreg s13  }
0x6: {  	s15 =	simm.s32 $0x2D00;
	[dreg:$0x6] =	wrdreg s14  }
0x7: {  	s16 =	simm.s32 $0x3500;
	[dreg:$0x7] =	wrdreg s15  }
0x8: {  	s18 =	simm.s32 $0x3D00;
	[dreg:$0x8] =	wrdreg s16  }
0x9: {  	s19 =	simm.s32 $0x4500;
	[dreg:$0x9] =	wrdreg s18  }
0xa: {  	s7 =	simm.s32 $0x4D00;
	[dreg:$0xa] =	wrdreg s19  }
0xb: {  	s20 =	simm.s32 $0x5D00;
	[dreg:$0xb] =	wrdreg s7  }
0xc: {  	s21 =	simm.s32 $0x6500;
	[dreg:$0xc] =	wrdreg s20  }
0xd: {  	s22 =	simm.s32 $0x6D00;
	[dreg:$0xd] =	wrdreg s21  }
0xe: {  	s1 =	srdreg.scid;
	s23 =	simm.s32 $0x7500;
	[dreg:$0xe] =	wrdreg s22  }
0xf: {  	s0 =	stileid.u32;
	s25 =	simm.s32 $0x7D00;
	[dreg:$0xf] =	wrdreg s23  }
0x10: {  	s26 =	simm.s32 $0x8500;
	s30 =	simm.s32 $0x8D00;
	[dreg:$0x10] =	wrdreg s25  }
0x11: {  	s31 =	simm.s32 $0x9500;
	s8 =	simm.s32 $0x9D00;
	[dreg:$0x11] =	wrdreg s26  }
0x12: {  	s9 =	simm.s32 $0xAD00;
	s10 =	simm.s32 $0xB500;
	[dreg:$0x12] =	wrdreg s30  }
0x13: {  	s28 =	simm.s32 $0x1;
	s29 =	simm.s32 $0x0;
	[dreg:$0x13] =	wrdreg s31  }
0x14: {  	s4 =	sand.u32 $0x1, s1;
	s3 =	smul.u32 $0x14000, s0;
	[dreg:$0x14] =	wrdreg s8  }
0x15: {  	s17 =	sshll.u32 s0, $0x1;
	s6 =	smul.u32 $0xA000, s4;
	[dreg:$0x15] =	wrdreg s9  }
0x16: {  	s8 =	simm.s32 $0x5500;
	s9 =	simm.s32 $0xA500;
	[dreg:$0x16] =	wrdreg s10  }
0x17: {  	s10 =	simm.s32 $0xBD00;
	s11 =	simm.s32 $0xC500;
	s12 =	simm.s32 $0xCD00  }
0x18: {  	s13 =	simm.s32 $0xD500;
	s14 =	simm.s32 $0xDD00;
	s15 =	simm.s32 $0xE500  }
0x19: {  	s16 =	simm.s32 $0xED00;
	s18 =	simm.s32 $0xFD00;
	s19 =	simm.s32 $0x10500  }
0x1a: {  	s20 =	simm.s32 $0x10D00;
	s21 =	simm.s32 $0x11500;
	s22 =	simm.s32 $0x11D00  }
0x1b: {  	s23 =	simm.s32 $0x12500;
	s25 =	simm.s32 $0x13500;
	s3 =	sadd.s32 s3, s5  }
0x1c: {  	s26 =	simm.s32 $0x13D00;
	s3 =	sadd.s32 s6, s3;
	s6 =	sor.u32 s4, s17  }
0x1d: {  	s4 =	ssub.s32 $0x2, s4;
	s3 =	sadd.s32 $0x22C00, s3;
	s6 =	smul.u32 $0x500, s6  }
0x1e: {  	s17 =	simm.s32 $0xF500;
	s24 =	sshrl.u32 s4, $0x1;
	[dreg:$0x2] =	wrdreg s3  }
0x1f: {  	v2 =	vlaneseq.u32;
	s3 =	sadd.s32 $0x12C00, s5;
	s7 =	ssub.s32 s4, s24;
	s6 =	sshrl.u32 s6, $0x3  }
0x20: {  	vm0 =	vmmov $0xffff;
	v1 =	vshrl.u32 v2, $0x3;
	s24 =	simm.s32 $0x12D00;
	s5 =	sadd.s32 s6, s5;
	s6 =	simm.s32 $0x2  }
0x21: {  	v0 =	vand.u32 $0x7, v2;
	v2 =	vor.u32 $0x8, v2;
	v1 =	vmul.u32 $0x8, v1;
	s4 =	sadd.s32 $0x2C00, s5;
	s5 =	smax.u32 s7, $0x1;
	s7 =	simm.s32 $0x500  }
.LBB2_1:
0x22: {  	[tilespmem:s2], [sflag:$0x2] =	stream.linear.gather [hbm4b:s4+s2], $0x500, $0x38;
	[tilespmem:$0x14500] =	vst v63  }
0x23: {  	_ =	swait.ge [sflag:s6], $0x500  }
0x24: {  	[sflag:s6] =	ssyncset.done $0x0  }
0x25: {  	s30 =	simm.s32 $0xA0;
	s31 =	simm.s32 $0x0;
	[sflag:s6] =	ssyncadd.s32 $0xFFFFFB00  }
.LBB2_2:
0x26: {  	v3 =	vld [tilespmem:s30+$0xFFFFFF60];
	_ =	sdelay $0x4  }
0x27: {  	v4 =	vshll.u32 v3, $0x1  }
0x28: {  	v3 =	vand.u32 $0x7, v3;
	v4 =	vand.u32 $0xFFFFFFF0, v4  }
0x29: {  	v3 =	vor.u32 v3, v4  }
0x2a: {  	v4 =	vperm.xlane v3, v0;
	_ =	sdelay $0x1  }
0x2b: {  	v3 =	vperm.xlane v3, v2;
	v4 =	vadd.s32 v1, v4;
	_ =	sdelay $0x1  }
0x2c: {  	v3 =	vadd.s32 v1, v3;
	_ =	sdelay $0x2  }
0x2d: {  	[tilespmem:s7], [sflag:$0x1] =	stream.indirect_vreg.gather [hbm4b:s3+s2], $0x80, v4, vm0, $0xb8;
	[tilespmem:$0x14500] =	vst v63  }
0x2e: {  	s1 =	rddreg [dreg:$0x3]  }
0x2f: {  	[tilespmem:s1], [sflag:$0x1] =	stream.indirect_vreg.gather [hbm4b:s3+s2], $0x80, v3, vm0, $0xb8;
	[tilespmem:$0x14500] =	vst v63  }
0x30: {  	v3 =	vld [tilespmem:s30+$0xFFFFFF70];
	_ =	sdelay $0x4  }
0x31: {  	v45 =	vshll.u32 v3, $0x1  }
0x32: {  	v3 =	vand.u32 $0x7, v3;
	v4 =	vand.u32 $0xFFFFFFF0, v45  }
0x33: {  	v3 =	vor.u32 v3, v4  }
0x34: {  	v4 =	vperm.xlane v3, v0;
	_ =	sdelay $0x1  }
0x35: {  	v3 =	vperm.xlane v3, v2;
	v4 =	vadd.s32 v1, v4;
	_ =	sdelay $0x1  }
0x36: {  	v3 =	vadd.s32 v1, v3;
	_ =	sdelay $0x1  }
0x37: {  	s1 =	rddreg [dreg:$0x4]  }
0x38: {  	[tilespmem:s1], [sflag:$0x1] =	stream.indirect_vreg.gather [hbm4b:s3+s2], $0x80, v4, vm0, $0xb8;
	[tilespmem:$0x14500] =	vst v63  }
0x39: {  	s0 =	rddreg [dreg:$0x5]  }
0x3a: {  	[tilespmem:s0], [sflag:$0x1] =	stream.indirect_vreg.gather [hbm4b:s3+s2], $0x80, v3, vm0, $0xb8;
	[tilespmem:$0x14500] =	vst v63  }
0x3b: {  	v3 =	vld [tilespmem:s30+$0xFFFFFF80];
	_ =	sdelay $0x4  }
0x3c: {  	v46 =	vshll.u32 v3, $0x1  }
0x3d: {  	v3 =	vand.u32 $0x7, v3;
	v4 =	vand.u32 $0xFFFFFFF0, v46  }
0x3e: {  	v3 =	vor.u32 v3, v4  }
0x3f: {  	v4 =	vperm.xlane v3, v0;
	_ =	sdelay $0x1  }
0x40: {  	v3 =	vperm.xlane v3, v2;
	v4 =	vadd.s32 v1, v4;
	_ =	sdelay $0x1  }
0x41: {  	v3 =	vadd.s32 v1, v3;
	_ =	sdelay $0x1  }
0x42: {  	s0 =	rddreg [dreg:$0x6]  }
0x43: {  	[tilespmem:s0], [sflag:$0x1] =	stream.indirect_vreg.gather [hbm4b:s3+s2], $0x80, v4, vm0, $0xb8;
	[tilespmem:$0x14500] =	vst v63  }
0x44: {  	s1 =	rddreg [dreg:$0x7]  }
0x45: {  	[tilespmem:s1], [sflag:$0x1] =	stream.indirect_vreg.gather [hbm4b:s3+s2], $0x80, v3, vm0, $0xb8;
	[tilespmem:$0x14500] =	vst v63  }
0x46: {  	v3 =	vld [tilespmem:s30+$0xFFFFFF90];
	_ =	sdelay $0x4  }
0x47: {  	v47 =	vshll.u32 v3, $0x1  }
0x48: {  	v3 =	vand.u32 $0x7, v3;
	v4 =	vand.u32 $0xFFFFFFF0, v47  }
0x49: {  	v3 =	vor.u32 v3, v4  }
0x4a: {  	v4 =	vperm.xlane v3, v0;
	_ =	sdelay $0x1  }
0x4b: {  	v3 =	vperm.xlane v3, v2;
	v4 =	vadd.s32 v1, v4;
	_ =	sdelay $0x1  }
0x4c: {  	v3 =	vadd.s32 v1, v3;
	_ =	sdelay $0x1  }
0x4d: {  	s0 =	rddreg [dreg:$0x8]  }
0x4e: {  	[tilespmem:s0], [sflag:$0x1] =	stream.indirect_vreg.gather [hbm4b:s3+s2], $0x80, v4, vm0, $0xb8;
	[tilespmem:$0x14500] =	vst v63  }
0x4f: {  	s1 =	rddreg [dreg:$0x9]  }
0x50: {  	[tilespmem:s1], [sflag:$0x1] =	stream.indirect_vreg.gather [hbm4b:s3+s2], $0x80, v3, vm0, $0xb8;
	[tilespmem:$0x14500] =	vst v63  }
0x51: {  	v3 =	vld [tilespmem:s30+$0xFFFFFFA0];
	_ =	sdelay $0x4  }
0x52: {  	v48 =	vshll.u32 v3, $0x1  }
0x53: {  	v3 =	vand.u32 $0x7, v3;
	v4 =	vand.u32 $0xFFFFFFF0, v48  }
0x54: {  	v3 =	vor.u32 v3, v4  }
0x55: {  	v4 =	vperm.xlane v3, v0;
	_ =	sdelay $0x1  }
0x56: {  	v3 =	vperm.xlane v3, v2;
	v4 =	vadd.s32 v1, v4;
	_ =	sdelay $0x1  }
0x57: {  	v3 =	vadd.s32 v1, v3;
	_ =	sdelay $0x1  }
0x58: {  	s0 =	rddreg [dreg:$0xa]  }
0x59: {  	[tilespmem:s0], [sflag:$0x1] =	stream.indirect_vreg.gather [hbm4b:s3+s2], $0x80, v4, vm0, $0xb8;
	[tilespmem:$0x14500] =	vst v63  }
0x5a: {  	s1 =	rddreg [dreg:$0xb]  }
0x5b: {  	[tilespmem:s1], [sflag:$0x1] =	stream.indirect_vreg.gather [hbm4b:s3+s2], $0x80, v3, vm0, $0xb8;
	[tilespmem:$0x14500] =	vst v63  }
0x5c: {  	v3 =	vld [tilespmem:s30+$0xFFFFFFB0];
	_ =	sdelay $0x4  }
0x5d: {  	v49 =	vshll.u32 v3, $0x1  }
0x5e: {  	v3 =	vand.u32 $0x7, v3;
	v4 =	vand.u32 $0xFFFFFFF0, v49  }
0x5f: {  	v3 =	vor.u32 v3, v4  }
0x60: {  	v4 =	vperm.xlane v3, v0;
	_ =	sdelay $0x1  }
0x61: {  	v3 =	vperm.xlane v3, v2;
	v4 =	vadd.s32 v1, v4;
	_ =	sdelay $0x1  }
0x62: {  	v3 =	vadd.s32 v1, v3;
	_ =	sdelay $0x2  }
0x63: {  	[tilespmem:s8], [sflag:$0x1] =	stream.indirect_vreg.gather [hbm4b:s3+s2], $0x80, v4, vm0, $0xb8;
	[tilespmem:$0x14500] =	vst v63  }
0x64: {  	s1 =	rddreg [dreg:$0xc]  }
0x65: {  	[tilespmem:s1], [sflag:$0x1] =	stream.indirect_vreg.gather [hbm4b:s3+s2], $0x80, v3, vm0, $0xb8;
	[tilespmem:$0x14500] =	vst v63  }
0x66: {  	v3 =	vld [tilespmem:s30+$0xFFFFFFC0];
	_ =	sdelay $0x4  }
0x67: {  	v50 =	vshll.u32 v3, $0x1  }
0x68: {  	v3 =	vand.u32 $0x7, v3;
	v4 =	vand.u32 $0xFFFFFFF0, v50  }
0x69: {  	v3 =	vor.u32 v3, v4  }
0x6a: {  	v4 =	vperm.xlane v3, v0;
	_ =	sdelay $0x1  }
0x6b: {  	v3 =	vperm.xlane v3, v2;
	v4 =	vadd.s32 v1, v4;
	_ =	sdelay $0x1  }
0x6c: {  	v3 =	vadd.s32 v1, v3;
	_ =	sdelay $0x1  }
0x6d: {  	s0 =	rddreg [dreg:$0xd]  }
0x6e: {  	[tilespmem:s0], [sflag:$0x1] =	stream.indirect_vreg.gather [hbm4b:s3+s2], $0x80, v4, vm0, $0xb8;
	[tilespmem:$0x14500] =	vst v63  }
0x6f: {  	s1 =	rddreg [dreg:$0xe]  }
0x70: {  	[tilespmem:s1], [sflag:$0x1] =	stream.indirect_vreg.gather [hbm4b:s3+s2], $0x80, v3, vm0, $0xb8;
	[tilespmem:$0x14500] =	vst v63  }
0x71: {  	v3 =	vld [tilespmem:s30+$0xFFFFFFD0];
	_ =	sdelay $0x4  }
0x72: {  	v51 =	vshll.u32 v3, $0x1  }
0x73: {  	v3 =	vand.u32 $0x7, v3;
	v4 =	vand.u32 $0xFFFFFFF0, v51  }
0x74: {  	v3 =	vor.u32 v3, v4  }
0x75: {  	v4 =	vperm.xlane v3, v0;
	_ =	sdelay $0x1  }
0x76: {  	v3 =	vperm.xlane v3, v2;
	v4 =	vadd.s32 v1, v4;
	_ =	sdelay $0x1  }
0x77: {  	v3 =	vadd.s32 v1, v3;
	_ =	sdelay $0x1  }
0x78: {  	s0 =	rddreg [dreg:$0xf]  }
0x79: {  	[tilespmem:s0], [sflag:$0x1] =	stream.indirect_vreg.gather [hbm4b:s3+s2], $0x80, v4, vm0, $0xb8;
	[tilespmem:$0x14500] =	vst v63  }
0x7a: {  	s1 =	rddreg [dreg:$0x10]  }
0x7b: {  	[tilespmem:s1], [sflag:$0x1] =	stream.indirect_vreg.gather [hbm4b:s3+s2], $0x80, v3, vm0, $0xb8;
	[tilespmem:$0x14500] =	vst v63  }
0x7c: {  	v3 =	vld [tilespmem:s30+$0xFFFFFFE0];
	_ =	sdelay $0x4  }
0x7d: {  	v52 =	vshll.u32 v3, $0x1  }
0x7e: {  	v3 =	vand.u32 $0x7, v3;
	v4 =	vand.u32 $0xFFFFFFF0, v52  }
0x7f: {  	v3 =	vor.u32 v3, v4  }
0x80: {  	v4 =	vperm.xlane v3, v0;
	_ =	sdelay $0x1  }
0x81: {  	v3 =	vperm.xlane v3, v2;
	v4 =	vadd.s32 v1, v4;
	_ =	sdelay $0x1  }
0x82: {  	v3 =	vadd.s32 v1, v3;
	_ =	sdelay $0x1  }
0x83: {  	s0 =	rddreg [dreg:$0x11]  }
0x84: {  	[tilespmem:s0], [sflag:$0x1] =	stream.indirect_vreg.gather [hbm4b:s3+s2], $0x80, v4, vm0, $0xb8;
	[tilespmem:$0x14500] =	vst v63  }
0x85: {  	s1 =	rddreg [dreg:$0x12]  }
0x86: {  	[tilespmem:s1], [sflag:$0x1] =	stream.indirect_vreg.gather [hbm4b:s3+s2], $0x80, v3, vm0, $0xb8;
	[tilespmem:$0x14500] =	vst v63  }
0x87: {  	v3 =	vld [tilespmem:s30+$0xFFFFFFF0];
	_ =	sdelay $0x4  }
0x88: {  	v53 =	vshll.u32 v3, $0x1  }
0x89: {  	v3 =	vand.u32 $0x7, v3;
	v4 =	vand.u32 $0xFFFFFFF0, v53  }
0x8a: {  	v3 =	vor.u32 v3, v4  }
0x8b: {  	v4 =	vperm.xlane v3, v0;
	_ =	sdelay $0x1  }
0x8c: {  	v3 =	vperm.xlane v3, v2;
	v4 =	vadd.s32 v1, v4;
	_ =	sdelay $0x1  }
0x8d: {  	v3 =	vadd.s32 v1, v3;
	_ =	sdelay $0x1  }
0x8e: {  	s0 =	rddreg [dreg:$0x13]  }
0x8f: {  	[tilespmem:s0], [sflag:$0x1] =	stream.indirect_vreg.gather [hbm4b:s3+s2], $0x80, v4, vm0, $0xb8;
	[tilespmem:$0x14500] =	vst v63  }
0x90: {  	s1 =	rddreg [dreg:$0x14]  }
0x91: {  	[tilespmem:s1], [sflag:$0x1] =	stream.indirect_vreg.gather [hbm4b:s3+s2], $0x80, v3, vm0, $0xb8;
	[tilespmem:$0x14500] =	vst v63  }
0x92: {  	v3 =	vld [tilespmem:s30+$0x0];
	_ =	sdelay $0x4  }
0x93: {  	v54 =	vshll.u32 v3, $0x1  }
0x94: {  	v3 =	vand.u32 $0x7, v3;
	v4 =	vand.u32 $0xFFFFFFF0, v54  }
0x95: {  	v3 =	vor.u32 v3, v4  }
0x96: {  	v4 =	vperm.xlane v3, v0;
	_ =	sdelay $0x1  }
0x97: {  	v3 =	vperm.xlane v3, v2;
	v4 =	vadd.s32 v1, v4;
	_ =	sdelay $0x1  }
0x98: {  	v3 =	vadd.s32 v1, v3;
	_ =	sdelay $0x2  }
0x99: {  	[tilespmem:s9], [sflag:$0x1] =	stream.indirect_vreg.gather [hbm4b:s3+s2], $0x80, v4, vm0, $0xb8;
	[tilespmem:$0x14500] =	vst v63  }
0x9a: {  	s1 =	rddreg [dreg:$0x15]  }
0x9b: {  	[tilespmem:s1], [sflag:$0x1] =	stream.indirect_vreg.gather [hbm4b:s3+s2], $0x80, v3, vm0, $0xb8;
	[tilespmem:$0x14500] =	vst v63  }
0x9c: {  	v3 =	vld [tilespmem:s30+$0x10];
	_ =	sdelay $0x4  }
0x9d: {  	v55 =	vshll.u32 v3, $0x1  }
0x9e: {  	v3 =	vand.u32 $0x7, v3;
	v4 =	vand.u32 $0xFFFFFFF0, v55  }
0x9f: {  	v3 =	vor.u32 v3, v4  }
0xa0: {  	v4 =	vperm.xlane v3, v0;
	_ =	sdelay $0x1  }
0xa1: {  	v3 =	vperm.xlane v3, v2;
	v4 =	vadd.s32 v1, v4;
	_ =	sdelay $0x1  }
0xa2: {  	v3 =	vadd.s32 v1, v3;
	_ =	sdelay $0x1  }
0xa3: {  	s1 =	rddreg [dreg:$0x16]  }
0xa4: {  	[tilespmem:s1], [sflag:$0x1] =	stream.indirect_vreg.gather [hbm4b:s3+s2], $0x80, v4, vm0, $0xb8;
	[tilespmem:$0x14500] =	vst v63  }
0xa5: {  	_ = 	snop  }
0xa6: {  	[tilespmem:s10], [sflag:$0x1] =	stream.indirect_vreg.gather [hbm4b:s3+s2], $0x80, v3, vm0, $0xb8;
	[tilespmem:$0x14500] =	vst v63  }
0xa7: {  	v3 =	vld [tilespmem:s30+$0x20];
	_ =	sdelay $0x4  }
0xa8: {  	v56 =	vshll.u32 v3, $0x1  }
0xa9: {  	v3 =	vand.u32 $0x7, v3;
	v4 =	vand.u32 $0xFFFFFFF0, v56  }
0xaa: {  	v3 =	vor.u32 v3, v4  }
0xab: {  	v4 =	vperm.xlane v3, v0;
	_ =	sdelay $0x1  }
0xac: {  	v3 =	vperm.xlane v3, v2;
	v4 =	vadd.s32 v1, v4;
	_ =	sdelay $0x1  }
0xad: {  	v3 =	vadd.s32 v1, v3;
	_ =	sdelay $0x2  }
0xae: {  	[tilespmem:s11], [sflag:$0x1] =	stream.indirect_vreg.gather [hbm4b:s3+s2], $0x80, v4, vm0, $0xb8;
	[tilespmem:$0x14500] =	vst v63  }
0xaf: {  	_ = 	snop  }
0xb0: {  	[tilespmem:s12], [sflag:$0x1] =	stream.indirect_vreg.gather [hbm4b:s3+s2], $0x80, v3, vm0, $0xb8;
	[tilespmem:$0x14500] =	vst v63  }
0xb1: {  	v3 =	vld [tilespmem:s30+$0x30];
	_ =	sdelay $0x4  }
0xb2: {  	v57 =	vshll.u32 v3, $0x1  }
0xb3: {  	v3 =	vand.u32 $0x7, v3;
	v4 =	vand.u32 $0xFFFFFFF0, v57  }
0xb4: {  	v3 =	vor.u32 v3, v4  }
0xb5: {  	v4 =	vperm.xlane v3, v0;
	_ =	sdelay $0x1  }
0xb6: {  	v3 =	vperm.xlane v3, v2;
	v4 =	vadd.s32 v1, v4;
	_ =	sdelay $0x1  }
0xb7: {  	v3 =	vadd.s32 v1, v3;
	_ =	sdelay $0x2  }
0xb8: {  	[tilespmem:s13], [sflag:$0x1] =	stream.indirect_vreg.gather [hbm4b:s3+s2], $0x80, v4, vm0, $0xb8;
	[tilespmem:$0x14500] =	vst v63  }
0xb9: {  	_ = 	snop  }
0xba: {  	[tilespmem:s14], [sflag:$0x1] =	stream.indirect_vreg.gather [hbm4b:s3+s2], $0x80, v3, vm0, $0xb8;
	[tilespmem:$0x14500] =	vst v63  }
0xbb: {  	v3 =	vld [tilespmem:s30+$0x40];
	_ =	sdelay $0x4  }
0xbc: {  	v58 =	vshll.u32 v3, $0x1  }
0xbd: {  	v3 =	vand.u32 $0x7, v3;
	v4 =	vand.u32 $0xFFFFFFF0, v58  }
0xbe: {  	v3 =	vor.u32 v3, v4  }
0xbf: {  	v4 =	vperm.xlane v3, v0;
	_ =	sdelay $0x1  }
0xc0: {  	v3 =	vperm.xlane v3, v2;
	v4 =	vadd.s32 v1, v4;
	_ =	sdelay $0x1  }
0xc1: {  	v3 =	vadd.s32 v1, v3;
	_ =	sdelay $0x2  }
0xc2: {  	[tilespmem:s15], [sflag:$0x1] =	stream.indirect_vreg.gather [hbm4b:s3+s2], $0x80, v4, vm0, $0xb8;
	[tilespmem:$0x14500] =	vst v63  }
0xc3: {  	_ = 	snop  }
0xc4: {  	[tilespmem:s16], [sflag:$0x1] =	stream.indirect_vreg.gather [hbm4b:s3+s2], $0x80, v3, vm0, $0xb8;
	[tilespmem:$0x14500] =	vst v63  }
0xc5: {  	v3 =	vld [tilespmem:s30+$0x50];
	_ =	sdelay $0x4  }
0xc6: {  	v59 =	vshll.u32 v3, $0x1  }
0xc7: {  	v3 =	vand.u32 $0x7, v3;
	v4 =	vand.u32 $0xFFFFFFF0, v59  }
0xc8: {  	v3 =	vor.u32 v3, v4  }
0xc9: {  	v4 =	vperm.xlane v3, v0;
	_ =	sdelay $0x1  }
0xca: {  	v3 =	vperm.xlane v3, v2;
	v4 =	vadd.s32 v1, v4;
	_ =	sdelay $0x1  }
0xcb: {  	v3 =	vadd.s32 v1, v3;
	_ =	sdelay $0x2  }
0xcc: {  	[tilespmem:s17], [sflag:$0x1] =	stream.indirect_vreg.gather [hbm4b:s3+s2], $0x80, v4, vm0, $0xb8;
	[tilespmem:$0x14500] =	vst v63  }
0xcd: {  	_ = 	snop  }
0xce: {  	[tilespmem:s18], [sflag:$0x1] =	stream.indirect_vreg.gather [hbm4b:s3+s2], $0x80, v3, vm0, $0xb8;
	[tilespmem:$0x14500] =	vst v63  }
0xcf: {  	v3 =	vld [tilespmem:s30+$0x60];
	_ =	sdelay $0x4  }
0xd0: {  	v60 =	vshll.u32 v3, $0x1  }
0xd1: {  	v3 =	vand.u32 $0x7, v3;
	v4 =	vand.u32 $0xFFFFFFF0, v60  }
0xd2: {  	v3 =	vor.u32 v3, v4  }
0xd3: {  	v4 =	vperm.xlane v3, v0;
	_ =	sdelay $0x1  }
0xd4: {  	v3 =	vperm.xlane v3, v2;
	v4 =	vadd.s32 v1, v4;
	_ =	sdelay $0x1  }
0xd5: {  	v3 =	vadd.s32 v1, v3;
	_ =	sdelay $0x2  }
0xd6: {  	[tilespmem:s19], [sflag:$0x1] =	stream.indirect_vreg.gather [hbm4b:s3+s2], $0x80, v4, vm0, $0xb8;
	[tilespmem:$0x14500] =	vst v63  }
0xd7: {  	_ = 	snop  }
0xd8: {  	[tilespmem:s20], [sflag:$0x1] =	stream.indirect_vreg.gather [hbm4b:s3+s2], $0x80, v3, vm0, $0xb8;
	[tilespmem:$0x14500] =	vst v63  }
0xd9: {  	v3 =	vld [tilespmem:s30+$0x70];
	_ =	sdelay $0x4  }
0xda: {  	v61 =	vshll.u32 v3, $0x1  }
0xdb: {  	v3 =	vand.u32 $0x7, v3;
	v4 =	vand.u32 $0xFFFFFFF0, v61  }
0xdc: {  	v3 =	vor.u32 v3, v4  }
0xdd: {  	v4 =	vperm.xlane v3, v0;
	_ =	sdelay $0x1  }
0xde: {  	v3 =	vperm.xlane v3, v2;
	v4 =	vadd.s32 v1, v4;
	_ =	sdelay $0x1  }
0xdf: {  	v3 =	vadd.s32 v1, v3;
	_ =	sdelay $0x2  }
0xe0: {  	[tilespmem:s21], [sflag:$0x1] =	stream.indirect_vreg.gather [hbm4b:s3+s2], $0x80, v4, vm0, $0xb8;
	[tilespmem:$0x14500] =	vst v63  }
0xe1: {  	_ = 	snop  }
0xe2: {  	[tilespmem:s22], [sflag:$0x1] =	stream.indirect_vreg.gather [hbm4b:s3+s2], $0x80, v3, vm0, $0xb8;
	[tilespmem:$0x14500] =	vst v63  }
0xe3: {  	v3 =	vld [tilespmem:s30+$0x80];
	_ =	sdelay $0x4  }
0xe4: {  	v62 =	vshll.u32 v3, $0x1  }
0xe5: {  	v3 =	vand.u32 $0x7, v3;
	v4 =	vand.u32 $0xFFFFFFF0, v62  }
0xe6: {  	v3 =	vor.u32 v3, v4  }
0xe7: {  	v4 =	vperm.xlane v3, v0;
	_ =	sdelay $0x1  }
0xe8: {  	v3 =	vperm.xlane v3, v2;
	v4 =	vadd.s32 v1, v4;
	_ =	sdelay $0x1  }
0xe9: {  	v3 =	vadd.s32 v1, v3;
	_ =	sdelay $0x2  }
0xea: {  	[tilespmem:s23], [sflag:$0x1] =	stream.indirect_vreg.gather [hbm4b:s3+s2], $0x80, v4, vm0, $0xb8;
	[tilespmem:$0x14500] =	vst v63  }
0xeb: {  	_ = 	snop  }
0xec: {  	[tilespmem:s24], [sflag:$0x1] =	stream.indirect_vreg.gather [hbm4b:s3+s2], $0x80, v3, vm0, $0xb8;
	[tilespmem:$0x14500] =	vst v63  }
0xed: {  	v3 =	vld [tilespmem:s30+$0x90];
	_ =	sdelay $0x4  }
0xee: {  	v63 =	vshll.u32 v3, $0x1  }
0xef: {  	v3 =	vand.u32 $0x7, v3;
	v4 =	vand.u32 $0xFFFFFFF0, v63  }
0xf0: {  	v3 =	vor.u32 v3, v4  }
0xf1: {  	v4 =	vperm.xlane v3, v0;
	_ =	sdelay $0x1  }
0xf2: {  	v3 =	vperm.xlane v3, v2;
	v4 =	vadd.s32 v1, v4;
	_ =	sdelay $0x1  }
0xf3: {  	v3 =	vadd.s32 v1, v3;
	_ =	sdelay $0x2  }
0xf4: {  	[tilespmem:s25], [sflag:$0x1] =	stream.indirect_vreg.gather [hbm4b:s3+s2], $0x80, v4, vm0, $0xb8;
	[tilespmem:$0x14500] =	vst v63  }
0xf5: {  	_ = 	snop  }
0xf6: {  	[tilespmem:s26], [sflag:$0x1] =	stream.indirect_vreg.gather [hbm4b:s3+s2], $0x80, v3, vm0, $0xb8;
	[tilespmem:$0x14500] =	vst v63  }
0xf7: {  	_ =	swait.ge [sflag:s28], $0x5000  }
0xf8: {  	[sflag:s28] =	ssyncset.done $0x0  }
0xf9: {  	[sflag:s28] =	ssyncadd.s32 $0xFFFFB000  }
0xfa: {  	_ =	swait.ge [sflag:s28], $0x5000  }
0xfb: {  	[sflag:s28] =	ssyncset.done $0x0  }
0xfc: {  	[sflag:s28] =	ssyncadd.s32 $0xFFFFB000  }
0xfd: {  	_ =	swait.ge [sflag:s28], $0x5000  }
0xfe: {  	[sflag:s28] =	ssyncset.done $0x0  }
0xff: {  	[sflag:s28] =	ssyncadd.s32 $0xFFFFB000  }
0x100: {  	_ =	swait.ge [sflag:s28], $0x5000  }
0x101: {  	s1 =	rddreg [dreg:$0x2];
	[sflag:s28] =	ssyncset.done $0x0  }
0x102: {  	[sflag:s28] =	ssyncadd.s32 $0xFFFFB000;
	s0 =	sadd.s32 s31, s1  }
0x103: {  	[hbm4b:s0+s2] =	stream.linear.scatter [tilespmem:s7], [sflag:$0x2], $0x5000, $0x38;
	[tilespmem:$0x14500] =	vst v63  }
0x104: {  	_ =	swait.ge [sflag:s6], $0x5000  }
0x105: {  	[sflag:s6] =	ssyncset.done $0x0  }
0x106: {  	s1 =	sadd.s32 $0xA00, s0;
	[sflag:s6] =	ssyncadd.s32 $0xFFFFB000  }
0x107: {  	[hbm4b:s1+s2] =	stream.linear.scatter [tilespmem:s8], [sflag:$0x2], $0x5000, $0x38;
	[tilespmem:$0x14500] =	vst v63  }
0x108: {  	_ =	swait.ge [sflag:s6], $0x5000  }
0x109: {  	[sflag:s6] =	ssyncset.done $0x0  }
0x10a: {  	s1 =	sadd.s32 $0x1400, s0;
	[sflag:s6] =	ssyncadd.s32 $0xFFFFB000  }
0x10b: {  	[hbm4b:s1+s2] =	stream.linear.scatter [tilespmem:s9], [sflag:$0x2], $0x5000, $0x38;
	[tilespmem:$0x14500] =	vst v63  }
0x10c: {  	_ =	swait.ge [sflag:s6], $0x5000  }
0x10d: {  	p0 =	sne.s32 s31, $0x7800;
	[sflag:s6] =	ssyncset.done $0x0  }
.Ltmp0:
0x10e: {  	s0 =	sadd.s32 $0x1E00, s0;
	[sflag:s6] =	ssyncadd.s32 $0xFFFFB000;
	(pc) =	sbr.rel @p0 .LBB2_2-.Ltmp0, $4  }
0x10f: {  	[hbm4b:s0+s2] =	stream.linear.scatter [tilespmem:s17], [sflag:$0x2], $0x5000, $0x38;
	[tilespmem:$0x14500] =	vst v63  }
0x110: {  	_ =	swait.ge [sflag:s6], $0x5000  }
0x111: {  	[sflag:s6] =	ssyncset.done $0x0  }
0x112: {  	s30 =	sadd.s32 $0x140, s30;
	s31 =	sadd.s32 $0x2800, s31;
	[sflag:s6] =	ssyncadd.s32 $0xFFFFB000  }
0x113: {  	s29 =	sadd.s32 $0x1, s29  }
0x114: {  	p0 =	sne.s32 s29, s5  }
.Ltmp1:
0x115: {  	_ = 	snop;
	(pc) =	sbr.rel @p0 .LBB2_1-.Ltmp1, $1  }
0x116: {  	_ =	sdelay $0x3  }
0x117: {  	_ =	sfence.sel $0x180000  }
0x118: {  	[bflag:$0x0] =	sbarrier.arrive $0xFFFF  }
0x119: {  	_ =	strace $0x9000005C  }
0x11a: {  	s0 =	stileid.u32;
	[bflag:$0x2] =	sbarrier.arrive $0xFFFF  }
0x11b: {  	p0 =	sne.s32 s0, $0x0;
	s0 =	rddreg [dreg:$0x1]  }
0x11c: {  	s0 =	sadd.s32 @!p0 $0x100000, s0  }
0x11d: {  	[sflag:s0] =	ssyncadd.tile.s32 @!p0 $0x1;
	_ =	shalt  }
.Lfunc_end2:
_tile_overlayer_lowered:
.L_overlay_start_2:
0x11e: {  	(tag) =	ssettag $0x2  }
0x11f: {  	s0 =	rddreg [dreg:$0x0];
	s2 =	stileid.u32  }
0x120: {  	s1 =	rddreg [dreg:$0x1];
	p0 =	sne.s32 s2, $0x0  }
0x121: {  	s3 =	rddreg [dreg:$0x2];
	[bflag:$0x3] =	sbarrier.arrive $0xFFFF;
	s2 =	simm.s32 @!p0 $0x1C02  }
0x122: {  	[timem:s3], [sflag:s2] =	dma.local @!p0 [hbm:s0], s1  }
0x123: {  	s0 =	simm.s32 @!p0 $0x2  }
0x124: {  	_ =	swait.ge @!p0 [sflag:s0], s1  }
0x125: {  	s1 =	ssub.s32 @!p0 $0x0, s1;
	[sflag:s0] =	ssyncset.done @!p0 $0x0  }
0x126: {  	[sflag:s0] =	ssyncadd.s32 @!p0 s1  }
0x127: {  	[bflag:$0x3] =	sbarrier.arrive $0xFFFF  }
0x128: {  	_ =	shalt  }

// kernel: kernel.37.cloned.1.call-start
scs
__scs_entry_jumppad:
0x0: {  	(pc) =	sbr.rel $0x88, $3  }
0x1: {  	(tag) =	ssettag $0x0;
	lr =	simm.s32 $0x1  }
0x2: {  	[smem:$0x3F6D] =	sst lr;
	_ =	strace $0xD0000000  }
0x3: {  	_ = 	snop  }
0x4: {  	_ = 	snop  }
0x5: {  	_ = 	snop  }
0x6: {  	_ = 	snop  }
0x7: {  	_ = 	snop  }
__scs_overlays_trampoline_lowered:
0x8: {  	[smem:$0x3F7C] =	sst s0  }
0x9: {  	[smem:$0x3F7D] =	sst s1  }
0xa: {  	[smem:$0x3F7E] =	sst s2  }
0xb: {  	[smem:$0x3F7F] =	sst s3  }
0xc: {  	[smem:$0x3F80] =	sst s4  }
0xd: {  	[smem:$0x3F81] =	sst s5  }
0xe: {  	[smem:$0x3F82] =	sst s6  }
0xf: {  	[smem:$0x3F83] =	sst s7  }
0x10: {  	[smem:$0x3F84] =	sst s8  }
0x11: {  	[smem:$0x3F85] =	sst s9;
	s0 =	simm.s32 @!p0 $0x0  }
0x12: {  	s1 =	sld [smem:$0x3F6B];
	s0 =	simm.s32 @p0 $0x1  }
0x13: {  	[smem:$0x3F86] =	sst s0;
	s0 =	simm.s32 @!p1 $0x0  }
0x14: {  	s2 =	sld [smem:$0x3F6A];
	s0 =	simm.s32 @p1 $0x1  }
0x15: {  	[smem:$0x3F87] =	sst s0;
	s0 =	simm.s32 @!p2 $0x0  }
0x16: {  	s3 =	sld [smem:$0x3FDB];
	s0 =	simm.s32 @p2 $0x1  }
0x17: {  	s4 =	simm.s32 $0x1BF5;
	[smem:$0x3F89] =	sst s0  }
0x18: {  	s0 =	sld [smem:$0x3F6C];
	_ =	swait.ge [sflag:s4], $0x0  }
0x19: {  	s7 =	sld [smem:$0x3F6D]  }
0x1a: {  	s8 =	sadd.s32 $0xFFFFE003, lr  }
0x1b: {  	s9 =	sadd.s32 $0xFFFFFEF7, lr;
	s5 =	simm.s32 $0xFFFFFFFF;
	p2 =	slt.u32 s8, $0xFFFFF086  }
0x1c: {  	p1 =	slt.u32 s9, $0xF7A;
	s5 =	simm.s32 @!p2 $0x0  }
0x1d: {  	s5 =	simm.s32 @p1 $0x1;
	p0 =	seq.s32 s7, s2  }
0x1e: {  	s7 =	smul.u32 @!p0 $0xF7A, s2;
	p2 =	seq.s32 @!p0 s5, $0x0  }
0x1f: {  	s9 =	smul.u32 $0xF7A, s1;
	s8 =	simm.s32 @!p0 $0x1BF5;
	p2 =	por !p2, p0  }
0x20: {  	[sflag:s8] =	ssyncset.s32 @!p0 $0xFFFFF086;
	s6 =	sadd.s32 @!p0 s3, s7;
	s7 =	simm.s32 @!p0 $0x108  }
0x21: {  	s3 =	sadd.s32 s3, s9;
	s6 =	sadd.s32 @!p0 $0x88, s6;
	s7 =	simm.s32 @p2 $0x1082  }
0x22: {  	[simem:s7], [sflag:s8] =	dma.local @!p0 [hbm:s6], $0xF7A  }
0x23: {  	s9 =	sor.u32 $0xD0000000, s2;
	s6 =	simm.s32 $0x108;
	_ =	swait.ge @!p0 [sflag:s8], $0x0  }
0x24: {  	s3 =	sadd.s32 $0x88, s3;
	s6 =	simm.s32 @!p1 $0x1082;
	[sflag:s4] =	ssyncset.s32 $0xFFFFF086  }
0x25: {  	[simem:s6], [sflag:s4] =	dma.local [hbm:s3], $0xF7A  }
0x26: {  	[smem:$0x3F6D] =	sst s1;
	(tag) =	ssettag s2;
	_ =	strace s9  }
0x27: {  	s1 =	sld [smem:$0x3F7D]  }
0x28: {  	s2 =	sld [smem:$0x3F7E]  }
0x29: {  	s4 =	sld [smem:$0x3F80]  }
0x2a: {  	p0 =	seq.s32 s5, $0x0;
	s5 =	sld [smem:$0x3F81]  }
0x2b: {  	s6 =	sld [smem:$0x3F82]  }
0x2c: {  	s7 =	sld [smem:$0x3F83]  }
0x2d: {  	s3 =	simm.s32 $0x108;
	s8 =	sld [smem:$0x3F84]  }
0x2e: {  	s3 =	simm.s32 @!p0 $0x1082;
	s9 =	sld [smem:$0x3F85]  }
0x2f: {  	lr =	sadd.s32 s0, s3;
	s0 =	sld [smem:$0x3F7C]  }
0x30: {  	s3 =	sld [smem:$0x3F7F]  }
0x31: {  	[smem:$0x3F88] =	sst s10  }
0x32: {  	s10 =	sld [smem:$0x3F86];
	_ =	sdelay $0x3  }
0x33: {  	p0 =	seq.s32 s10, $0x1;
	s10 =	sld [smem:$0x3F88];
	_ =	sdelay $0x3  }
0x34: {  	[smem:$0x3F88] =	sst s10  }
0x35: {  	s10 =	sld [smem:$0x3F87];
	_ =	sdelay $0x3  }
0x36: {  	p1 =	seq.s32 s10, $0x1;
	s10 =	sld [smem:$0x3F88];
	_ =	sdelay $0x3  }
0x37: {  	[smem:$0x3F88] =	sst s10  }
0x38: {  	s10 =	sld [smem:$0x3F89]  }
0x39: {  	_ = 	snop;
	(pc) =	sbr.ind lr, $3  }
0x3a: {  	_ = 	snop  }
0x3b: {  	_ = 	snop  }
0x3c: {  	p2 =	seq.s32 s10, $0x1;
	s10 =	sld [smem:$0x3F88]  }
0x3d: {  	_ =	shalt  }
0x3e: {  	_ =	shalt  }
0x3f: {  	_ =	shalt  }
0x40: {  	_ =	shalt  }
0x41: {  	_ =	shalt  }
0x42: {  	_ =	shalt  }
0x43: {  	_ =	shalt  }
0x44: {  	_ =	shalt  }
0x45: {  	_ =	shalt  }
0x46: {  	_ =	shalt  }
0x47: {  	_ =	shalt  }
0x48: {  	_ =	shalt  }
0x49: {  	_ =	shalt  }
0x4a: {  	_ =	shalt  }
0x4b: {  	_ =	shalt  }
0x4c: {  	_ =	shalt  }
0x4d: {  	_ =	shalt  }
0x4e: {  	_ =	shalt  }
0x4f: {  	_ =	shalt  }
0x50: {  	_ =	shalt  }
0x51: {  	_ =	shalt  }
0x52: {  	_ =	shalt  }
0x53: {  	_ =	shalt  }
0x54: {  	_ =	shalt  }
0x55: {  	_ =	shalt  }
0x56: {  	_ =	shalt  }
0x57: {  	_ =	shalt  }
0x58: {  	_ =	shalt  }
0x59: {  	_ =	shalt  }
0x5a: {  	_ =	shalt  }
0x5b: {  	_ =	shalt  }
0x5c: {  	_ =	shalt  }
0x5d: {  	_ =	shalt  }
0x5e: {  	_ =	shalt  }
0x5f: {  	_ =	shalt  }
0x60: {  	_ =	shalt  }
0x61: {  	_ =	shalt  }
0x62: {  	_ =	shalt  }
0x63: {  	_ =	shalt  }
0x64: {  	_ =	shalt  }
0x65: {  	_ =	shalt  }
0x66: {  	_ =	shalt  }
0x67: {  	_ =	shalt  }
0x68: {  	_ =	shalt  }
0x69: {  	_ =	shalt  }
0x6a: {  	_ =	shalt  }
0x6b: {  	_ =	shalt  }
0x6c: {  	_ =	shalt  }
0x6d: {  	_ =	shalt  }
0x6e: {  	_ =	shalt  }
0x6f: {  	_ =	shalt  }
0x70: {  	_ =	shalt  }
0x71: {  	_ =	shalt  }
0x72: {  	_ =	shalt  }
0x73: {  	_ =	shalt  }
0x74: {  	_ =	shalt  }
0x75: {  	_ =	shalt  }
0x76: {  	_ =	shalt  }
0x77: {  	_ =	shalt  }
0x78: {  	_ =	shalt  }
0x79: {  	_ =	shalt  }
0x7a: {  	_ =	shalt  }
0x7b: {  	_ =	shalt  }
0x7c: {  	_ =	shalt  }
0x7d: {  	_ =	shalt  }
0x7e: {  	_ =	shalt  }
0x7f: {  	_ =	shalt  }
0x80: {  	_ =	shalt  }
0x81: {  	_ =	shalt  }
0x82: {  	_ =	shalt  }
0x83: {  	_ =	shalt  }
0x84: {  	_ =	shalt  }
0x85: {  	_ =	shalt  }
0x86: {  	_ =	shalt  }
0x87: {  	_ =	shalt  }
.Lfunc_end0:
.L_simem_size_0:
called_computation.9_lowered:
.L_overlay_start_0:
0x88: {  	s2 =	sld [smem:$0x3FD9]  }
0x89: {  	s3 =	sld [smem:$0x3FFE];
	_ =	sdelay $0x1  }
0x8a: {  	s1 =	srdreg.scid  }
0x8b: {  	s0 =	sand.u32 $0x1, s1  }
0x8c: {  	s16 =	sshll.u32 s0, $0xA;
	s2 =	sadd.s32 s3, s2  }
0x8d: {  	s2 =	sadd.s32 s2, s16  }
0x8e: {  	[smem:$0x3F94] =	sst s2  }
0x8f: {  	_ = 	snop  }
0x90: {  	(tm) =	ssettm $0x1  }
0x91: {  	s17 =	sld [smem:$0x3FFB];
	_ =	sdelay $0x3  }
0x92: {  	_ =	strace s17  }
0x93: {  	s2 =	sld [smem:$0x3FFC];
	_ =	sdelay $0x3  }
0x94: {  	_ =	strace s2  }
0x95: {  	s2 =	sld [smem:$0x3FFD];
	_ =	sdelay $0x3  }
0x96: {  	_ =	strace s2  }
0x97: {  	_ =	strace $0x8FFFFFFF  }
0x98: {  	s18 =	sld [smem:$0x3FDB];
	_ =	sdelay $0x1  }
0x99: {  	s19 =	simm.s32 $_scs_section_size  }
0x9a: {  	s4 =	simm.s32 $_size__tile_overlayer_lowered;
	s5 =	simm.s32 $_tile_overlayer_lowered  }
0x9b: {  	s22 =	simm.s32 $0x1BFF;
	s21 =	sshll.u32 s5, $0x1;
	s2 =	sadd.s32 s19, s18  }
0x9c: {  	s6 =	simm.s32 $0x0;
	s20 =	sshll.u32 s4, $0x1;
	s4 =	sadd.s32 s21, s2  }
0x9d: {  	[timem:s6], [sflag:s22] =	dma.local [hbm:s4], s20  }
0x9e: {  	_ =	swait.ge [sflag:s22], s20  }
0x9f: {  	s3 =	ssub.s32 $0x0, s20;
	[sflag:s22] =	ssyncset.done $0x0  }
0xa0: {  	[sflag:s22] =	ssyncadd.s32 s3;
	_ =	sdelay $0x1  }
0xa1: {  	s23 =	simm.s32 $0x1B8B  }
0xa2: {  	_ =	swait.ge [sflag:s23], $0x1  }
0xa3: {  	[sflag:s23] =	ssyncset.done $0x0  }
0xa4: {  	s25 =	simm.s32 $0x1B8E;
	s24 =	sld [smem:$0x3FFE];
	[sflag:s23] =	ssyncadd.s32 $0xFFFFFFFF  }
0xa5: {  	s26 =	simm.s32 $execute0_lowered;
	[smem:$0x3FD2] =	sst s25  }
0xa6: {  	s4 =	sshll.u32 s26, $0x1;
	_ =	strace $0x8000005E;
	[dreg:$0x1] =	wrdreg $0xFFFFFFFF  }
0xa7: {  	s28 =	simm.s32 $_size_execute0_lowered;
	s2 =	sadd.s32 s2, s4;
	[dreg:$0x0] =	wrdreg $0x0  }
0xa8: {  	s4 =	sshll.u32 s28, $0x1;
	[dreg:$0x2] =	wrdreg s2  }
0xa9: {  	[dreg:$0x3] =	wrdreg s4  }
0xaa: {  	[dreg:$0x4] =	wrdreg $0xC0  }
0xab: {  	_ =	task [dreg:s6], $0x5FFFF  }
0xac: {  	[dreg:$0x1] =	wrdreg $0xFFFFFFFF  }
0xad: {  	[dreg:$0x0] =	wrdreg $0x60  }
0xae: {  	[dreg:$0x2] =	wrdreg s24  }
0xaf: {  	[dreg:$0x3] =	wrdreg $0x9  }
0xb0: {  	_ =	task.clear_ibuf [dreg:s6], $0x4FFFF;
	_ =	strace $0x9000005E  }
0xb1: {  	s29 =	simm.s32 $0x9;
	_ =	strace $0x80000060  }
0xb2: {  	_ =	swait.ge [sflag:s29], $0x1  }
0xb3: {  	[sflag:s29] =	ssyncadd.s32 $0xFFFFFFFF  }
0xb4: {  	_ =	strace $0x90000060  }
0xb5: {  	_ =	sfence  }
0xb6: {  	s30 =	sld [smem:$0x0];
	_ =	sdelay $0x2  }
0xb7: {  	s31 =	sshll.u32 s1, $0xD;
	s1 =	sshrl.u32 s1, $0x2  }
0xb8: {  	s3 =	sand.u32 $0x4000, s31;
	s1 =	sadd.s32 s1, s30  }
0xb9: {  	s0 =	sor.u32 s3, s0;
	s1 =	sshll.u32 s1, $0x11  }
0xba: {  	s0 =	sor.u32 s1, s0  }
0xbb: {  	s0 =	sadd.s32 $0x8F2B, s0  }
0xbc: {  	[sflag:s0] =	ssyncadd.remote.s32 $0x1  }
0xbd: {  	_ =	sfence.sel $0xFFFF  }
0xbe: {  	[dreg:$0x0] =	wrdreg $0xFFFFFFFF;
	(pc) =	sbr.abs _section_cstart, $3  }
0xbf: {  	[dreg:$0x1] =	wrdreg $0xFFFFFFFF  }
0xc0: {  	_ =	task.clear_ibuf [dreg:s6], $0x2FFFF;
	_ =	strace $0x9FFFFFFF  }
0xc1: {  	(tm) =	ssettm $0x7FFFFFFF  }
tec
execute0_lowered:
.L_overlay_start_1:
0x0: {  	(tag) =	ssettag $0x1  }
0x1: {  	s5 =	rddreg [dreg:$0x0];
	s2 =	simm.s32 $0x0  }
0x2: {  	s7 =	simm.s32 $0xD00;
	[smem:$0x7FF] =	sst s2  }
0x3: {  	s8 =	simm.s32 $0x1500;
	_ =	strace $0x8000005F;
	[dreg:$0x3] =	wrdreg s7  }
0x4: {  	s9 =	simm.s32 $0x1D00;
	[dreg:$0x4] =	wrdreg s8  }
0x5: {  	s10 =	simm.s32 $0x2500;
	[dreg:$0x5] =	wrdreg s9  }
0x6: {  	s11 =	simm.s32 $0x2D00;
	[dreg:$0x6] =	wrdreg s10  }
0x7: {  	s13 =	simm.s32 $0x3500;
	[dreg:$0x7] =	wrdreg s11  }
0x8: {  	s14 =	simm.s32 $0x3D00;
	[dreg:$0x8] =	wrdreg s13  }
0x9: {  	s6 =	simm.s32 $0x4500;
	[dreg:$0x9] =	wrdreg s14  }
0xa: {  	s15 =	simm.s32 $0x4D00;
	[dreg:$0xa] =	wrdreg s6  }
0xb: {  	s16 =	simm.s32 $0x5500;
	[dreg:$0xb] =	wrdreg s15  }
0xc: {  	s1 =	srdreg.scid;
	s17 =	simm.s32 $0x5D00;
	[dreg:$0xc] =	wrdreg s16  }
0xd: {  	s0 =	stileid.u32;
	s18 =	simm.s32 $0x6500;
	[dreg:$0xd] =	wrdreg s17  }
0xe: {  	s19 =	simm.s32 $0x6D00;
	s20 =	simm.s32 $0x7500;
	[dreg:$0xe] =	wrdreg s18  }
0xf: {  	s22 =	simm.s32 $0x7D00;
	s23 =	simm.s32 $0x8500;
	[dreg:$0xf] =	wrdreg s19  }
0x10: {  	s24 =	simm.s32 $0x8D00;
	s25 =	simm.s32 $0x9500;
	[dreg:$0x10] =	wrdreg s20  }
0x11: {  	s26 =	simm.s32 $0x9D00;
	s31 =	simm.s32 $0xAD00;
	[dreg:$0x11] =	wrdreg s22  }
0x12: {  	s28 =	simm.s32 $0x13D00;
	s29 =	simm.s32 $0x1;
	[dreg:$0x12] =	wrdreg s23  }
0x13: {  	s30 =	simm.s32 $0x0;
	s1 =	sand.u32 $0x1, s1;
	[dreg:$0x13] =	wrdreg s24  }
0x14: {  	s3 =	smul.u32 $0x28000, s0;
	s12 =	sshll.u32 s0, $0x1;
	[dreg:$0x14] =	wrdreg s25  }
0x15: {  	s4 =	smul.u32 $0x14000, s1;
	s8 =	simm.s32 $0x500;
	[dreg:$0x15] =	wrdreg s26  }
0x16: {  	s9 =	simm.s32 $0xA500;
	[dreg:$0x16] =	wrdreg s31;
	s10 =	simm.s32 $0xB500  }
0x17: {  	s11 =	simm.s32 $0xBD00;
	s13 =	simm.s32 $0xCD00;
	s14 =	simm.s32 $0xD500  }
0x18: {  	s15 =	simm.s32 $0xDD00;
	s16 =	simm.s32 $0xE500;
	s17 =	simm.s32 $0xED00  }
0x19: {  	s18 =	simm.s32 $0xF500;
	s19 =	simm.s32 $0xFD00;
	s20 =	simm.s32 $0x10500  }
0x1a: {  	s22 =	simm.s32 $0x11500;
	s23 =	simm.s32 $0x11D00;
	s3 =	sadd.s32 s3, s5  }
0x1b: {  	s24 =	simm.s32 $0x12500;
	s3 =	sadd.s32 s4, s3;
	s4 =	sor.u32 s1, s12  }
0x1c: {  	s25 =	simm.s32 $0x12D00;
	s26 =	simm.s32 $0x13500;
	s4 =	smul.u32 $0x500, s4  }
0x1d: {  	s1 =	ssub.s32 $0x2, s1;
	s12 =	simm.s32 $0xC500;
	s3 =	sadd.s32 $0x44000, s3  }
0x1e: {  	s7 =	sshrl.u32 s1, $0x1;
	[dreg:$0x2] =	wrdreg s3;
	s4 =	sshrl.u32 s4, $0x3  }
0x1f: {  	v2 =	vlaneseq.u32;
	s3 =	sadd.s32 $0x24000, s5;
	s1 =	ssub.s32 s1, s7;
	s4 =	sadd.s32 s4, s5  }
0x20: {  	vm0 =	vmmov $0xffff;
	v1 =	vshrl.u32 v2, $0x3;
	s7 =	simm.s32 $0x2;
	s6 =	smax.u32 s1, $0x1;
	s21 =	sadd.s32 $0x22C00, s4  }
0x21: {  	v0 =	vand.u32 $0x7, v2;
	v2 =	vor.u32 $0x8, v2;
	v1 =	vmul.u32 $0x8, v1;
	s5 =	sadd.s32 $0x24100, s5;
	[dreg:$0x17] =	wrdreg s21;
	s21 =	simm.s32 $0x10D00  }
.LBB2_1:
0x22: {  	s0 =	rddreg [dreg:$0x17]  }
0x23: {  	[tilespmem:s2], [sflag:$0x2] =	stream.linear.gather [hbm4b:s0+s2], $0x500, $0x38;
	[tilespmem:$0x14500] =	vst v63  }
0x24: {  	_ =	swait.ge [sflag:s7], $0x500  }
0x25: {  	[sflag:s7] =	ssyncset.done $0x0  }
0x26: {  	s31 =	simm.s32 $0x50;
	s1 =	simm.s32 $0x0;
	[sflag:s7] =	ssyncadd.s32 $0xFFFFFB00  }
.LBB2_2:
0x27: {  	v3 =	vld [tilespmem:s31+$0xFFFFFFB0];
	_ =	sdelay $0x4  }
0x28: {  	v4 =	vshll.u32 v3, $0x2  }
0x29: {  	v3 =	vand.u32 $0x7, v3;
	v4 =	vand.u32 $0xFFFFFFE0, v4  }
0x2a: {  	v3 =	vor.u32 v3, v4  }
0x2b: {  	v4 =	vperm.xlane v3, v0;
	_ =	sdelay $0x1  }
0x2c: {  	v4 =	vadd.s32 v1, v4;
	_ =	sdelay $0x1  }
0x2d: {  	v3 =	vperm.xlane v3, v2;
	_ =	sdelay $0x1  }
0x2e: {  	v3 =	vadd.s32 v1, v3  }
0x2f: {  	[tilespmem:s8], [sflag:$0x1] =	stream.indirect_vreg.gather [hbm4b:s3+s2], $0x80, v4, vm0, $0xb8;
	[tilespmem:$0x14500] =	vst v63  }
0x30: {  	s0 =	rddreg [dreg:$0x3]  }
0x31: {  	[tilespmem:s0], [sflag:$0x1] =	stream.indirect_vreg.gather [hbm4b:s5+s2], $0x80, v4, vm0, $0xb8;
	[tilespmem:$0x14500] =	vst v63  }
0x32: {  	s4 =	rddreg [dreg:$0x4]  }
0x33: {  	[tilespmem:s4], [sflag:$0x1] =	stream.indirect_vreg.gather [hbm4b:s3+s2], $0x80, v3, vm0, $0xb8;
	[tilespmem:$0x14500] =	vst v63  }
0x34: {  	s0 =	rddreg [dreg:$0x5]  }
0x35: {  	[tilespmem:s0], [sflag:$0x1] =	stream.indirect_vreg.gather [hbm4b:s5+s2], $0x80, v3, vm0, $0xb8;
	[tilespmem:$0x14500] =	vst v63  }
0x36: {  	v3 =	vld [tilespmem:s31+$0xFFFFFFC0];
	_ =	sdelay $0x4  }
0x37: {  	v55 =	vshll.u32 v3, $0x2  }
0x38: {  	v3 =	vand.u32 $0x7, v3;
	v4 =	vand.u32 $0xFFFFFFE0, v55  }
0x39: {  	v3 =	vor.u32 v3, v4  }
0x3a: {  	v4 =	vperm.xlane v3, v0;
	_ =	sdelay $0x1  }
0x3b: {  	v4 =	vadd.s32 v1, v4;
	_ =	sdelay $0x1  }
0x3c: {  	v3 =	vperm.xlane v3, v2;
	_ =	sdelay $0x1  }
0x3d: {  	s0 =	rddreg [dreg:$0x6];
	v3 =	vadd.s32 v1, v3  }
0x3e: {  	[tilespmem:s0], [sflag:$0x1] =	stream.indirect_vreg.gather [hbm4b:s3+s2], $0x80, v4, vm0, $0xb8;
	[tilespmem:$0x14500] =	vst v63  }
0x3f: {  	s4 =	rddreg [dreg:$0x7]  }
0x40: {  	[tilespmem:s4], [sflag:$0x1] =	stream.indirect_vreg.gather [hbm4b:s5+s2], $0x80, v4, vm0, $0xb8;
	[tilespmem:$0x14500] =	vst v63  }
0x41: {  	s0 =	rddreg [dreg:$0x8]  }
0x42: {  	[tilespmem:s0], [sflag:$0x1] =	stream.indirect_vreg.gather [hbm4b:s3+s2], $0x80, v3, vm0, $0xb8;
	[tilespmem:$0x14500] =	vst v63  }
0x43: {  	s4 =	rddreg [dreg:$0x9]  }
0x44: {  	[tilespmem:s4], [sflag:$0x1] =	stream.indirect_vreg.gather [hbm4b:s5+s2], $0x80, v3, vm0, $0xb8;
	[tilespmem:$0x14500] =	vst v63  }
0x45: {  	v3 =	vld [tilespmem:s31+$0xFFFFFFD0];
	_ =	sdelay $0x4  }
0x46: {  	v56 =	vshll.u32 v3, $0x2  }
0x47: {  	v3 =	vand.u32 $0x7, v3;
	v4 =	vand.u32 $0xFFFFFFE0, v56  }
0x48: {  	v3 =	vor.u32 v3, v4  }
0x49: {  	v4 =	vperm.xlane v3, v0;
	_ =	sdelay $0x1  }
0x4a: {  	v4 =	vadd.s32 v1, v4;
	_ =	sdelay $0x1  }
0x4b: {  	v3 =	vperm.xlane v3, v2;
	_ =	sdelay $0x1  }
0x4c: {  	s0 =	rddreg [dreg:$0xa];
	v3 =	vadd.s32 v1, v3  }
0x4d: {  	[tilespmem:s0], [sflag:$0x1] =	stream.indirect_vreg.gather [hbm4b:s3+s2], $0x80, v4, vm0, $0xb8;
	[tilespmem:$0x14500] =	vst v63  }
0x4e: {  	s4 =	rddreg [dreg:$0xb]  }
0x4f: {  	[tilespmem:s4], [sflag:$0x1] =	stream.indirect_vreg.gather [hbm4b:s5+s2], $0x80, v4, vm0, $0xb8;
	[tilespmem:$0x14500] =	vst v63  }
0x50: {  	s0 =	rddreg [dreg:$0xc]  }
0x51: {  	[tilespmem:s0], [sflag:$0x1] =	stream.indirect_vreg.gather [hbm4b:s3+s2], $0x80, v3, vm0, $0xb8;
	[tilespmem:$0x14500] =	vst v63  }
0x52: {  	s4 =	rddreg [dreg:$0xd]  }
0x53: {  	[tilespmem:s4], [sflag:$0x1] =	stream.indirect_vreg.gather [hbm4b:s5+s2], $0x80, v3, vm0, $0xb8;
	[tilespmem:$0x14500] =	vst v63  }
0x54: {  	v3 =	vld [tilespmem:s31+$0xFFFFFFE0];
	_ =	sdelay $0x4  }
0x55: {  	v57 =	vshll.u32 v3, $0x2  }
0x56: {  	v3 =	vand.u32 $0x7, v3;
	v4 =	vand.u32 $0xFFFFFFE0, v57  }
0x57: {  	v3 =	vor.u32 v3, v4  }
0x58: {  	v4 =	vperm.xlane v3, v0;
	_ =	sdelay $0x1  }
0x59: {  	v4 =	vadd.s32 v1, v4;
	_ =	sdelay $0x1  }
0x5a: {  	v3 =	vperm.xlane v3, v2;
	_ =	sdelay $0x1  }
0x5b: {  	s0 =	rddreg [dreg:$0xe];
	v3 =	vadd.s32 v1, v3  }
0x5c: {  	[tilespmem:s0], [sflag:$0x1] =	stream.indirect_vreg.gather [hbm4b:s3+s2], $0x80, v4, vm0, $0xb8;
	[tilespmem:$0x14500] =	vst v63  }
0x5d: {  	s4 =	rddreg [dreg:$0xf]  }
0x5e: {  	[tilespmem:s4], [sflag:$0x1] =	stream.indirect_vreg.gather [hbm4b:s5+s2], $0x80, v4, vm0, $0xb8;
	[tilespmem:$0x14500] =	vst v63  }
0x5f: {  	s0 =	rddreg [dreg:$0x10]  }
0x60: {  	[tilespmem:s0], [sflag:$0x1] =	stream.indirect_vreg.gather [hbm4b:s3+s2], $0x80, v3, vm0, $0xb8;
	[tilespmem:$0x14500] =	vst v63  }
0x61: {  	s4 =	rddreg [dreg:$0x11]  }
0x62: {  	[tilespmem:s4], [sflag:$0x1] =	stream.indirect_vreg.gather [hbm4b:s5+s2], $0x80, v3, vm0, $0xb8;
	[tilespmem:$0x14500] =	vst v63  }
0x63: {  	v3 =	vld [tilespmem:s31+$0xFFFFFFF0];
	_ =	sdelay $0x4  }
0x64: {  	v58 =	vshll.u32 v3, $0x2  }
0x65: {  	v3 =	vand.u32 $0x7, v3;
	v4 =	vand.u32 $0xFFFFFFE0, v58  }
0x66: {  	v3 =	vor.u32 v3, v4  }
0x67: {  	v4 =	vperm.xlane v3, v0;
	_ =	sdelay $0x1  }
0x68: {  	v4 =	vadd.s32 v1, v4;
	_ =	sdelay $0x1  }
0x69: {  	v3 =	vperm.xlane v3, v2;
	_ =	sdelay $0x1  }
0x6a: {  	s0 =	rddreg [dreg:$0x12];
	v3 =	vadd.s32 v1, v3  }
0x6b: {  	[tilespmem:s0], [sflag:$0x1] =	stream.indirect_vreg.gather [hbm4b:s3+s2], $0x80, v4, vm0, $0xb8;
	[tilespmem:$0x14500] =	vst v63  }
0x6c: {  	s4 =	rddreg [dreg:$0x13]  }
0x6d: {  	[tilespmem:s4], [sflag:$0x1] =	stream.indirect_vreg.gather [hbm4b:s5+s2], $0x80, v4, vm0, $0xb8;
	[tilespmem:$0x14500] =	vst v63  }
0x6e: {  	s0 =	rddreg [dreg:$0x14]  }
0x6f: {  	[tilespmem:s0], [sflag:$0x1] =	stream.indirect_vreg.gather [hbm4b:s3+s2], $0x80, v3, vm0, $0xb8;
	[tilespmem:$0x14500] =	vst v63  }
0x70: {  	s4 =	rddreg [dreg:$0x15]  }
0x71: {  	[tilespmem:s4], [sflag:$0x1] =	stream.indirect_vreg.gather [hbm4b:s5+s2], $0x80, v3, vm0, $0xb8;
	[tilespmem:$0x14500] =	vst v63  }
0x72: {  	v3 =	vld [tilespmem:s31+$0x0];
	_ =	sdelay $0x4  }
0x73: {  	v59 =	vshll.u32 v3, $0x2  }
0x74: {  	v3 =	vand.u32 $0x7, v3;
	v4 =	vand.u32 $0xFFFFFFE0, v59  }
0x75: {  	v3 =	vor.u32 v3, v4  }
0x76: {  	v4 =	vperm.xlane v3, v0;
	_ =	sdelay $0x1  }
0x77: {  	v4 =	vadd.s32 v1, v4;
	_ =	sdelay $0x1  }
0x78: {  	v3 =	vperm.xlane v3, v2;
	_ =	sdelay $0x1  }
0x79: {  	v3 =	vadd.s32 v1, v3  }
0x7a: {  	[tilespmem:s9], [sflag:$0x1] =	stream.indirect_vreg.gather [hbm4b:s3+s2], $0x80, v4, vm0, $0xb8;
	[tilespmem:$0x14500] =	vst v63  }
0x7b: {  	s4 =	rddreg [dreg:$0x16]  }
0x7c: {  	[tilespmem:s4], [sflag:$0x1] =	stream.indirect_vreg.gather [hbm4b:s5+s2], $0x80, v4, vm0, $0xb8;
	[tilespmem:$0x14500] =	vst v63  }
0x7d: {  	_ = 	snop  }
0x7e: {  	[tilespmem:s10], [sflag:$0x1] =	stream.indirect_vreg.gather [hbm4b:s3+s2], $0x80, v3, vm0, $0xb8;
	[tilespmem:$0x14500] =	vst v63  }
0x7f: {  	_ = 	snop  }
0x80: {  	[tilespmem:s11], [sflag:$0x1] =	stream.indirect_vreg.gather [hbm4b:s5+s2], $0x80, v3, vm0, $0xb8;
	[tilespmem:$0x14500] =	vst v63  }
0x81: {  	v3 =	vld [tilespmem:s31+$0x10];
	_ =	sdelay $0x4  }
0x82: {  	v60 =	vshll.u32 v3, $0x2  }
0x83: {  	v3 =	vand.u32 $0x7, v3;
	v4 =	vand.u32 $0xFFFFFFE0, v60  }
0x84: {  	v3 =	vor.u32 v3, v4  }
0x85: {  	v4 =	vperm.xlane v3, v0;
	_ =	sdelay $0x1  }
0x86: {  	v4 =	vadd.s32 v1, v4;
	_ =	sdelay $0x1  }
0x87: {  	v3 =	vperm.xlane v3, v2;
	_ =	sdelay $0x1  }
0x88: {  	v3 =	vadd.s32 v1, v3  }
0x89: {  	[tilespmem:s12], [sflag:$0x1] =	stream.indirect_vreg.gather [hbm4b:s3+s2], $0x80, v4, vm0, $0xb8;
	[tilespmem:$0x14500] =	vst v63  }
0x8a: {  	_ = 	snop  }
0x8b: {  	[tilespmem:s13], [sflag:$0x1] =	stream.indirect_vreg.gather [hbm4b:s5+s2], $0x80, v4, vm0, $0xb8;
	[tilespmem:$0x14500] =	vst v63  }
0x8c: {  	_ = 	snop  }
0x8d: {  	[tilespmem:s14], [sflag:$0x1] =	stream.indirect_vreg.gather [hbm4b:s3+s2], $0x80, v3, vm0, $0xb8;
	[tilespmem:$0x14500] =	vst v63  }
0x8e: {  	_ = 	snop  }
0x8f: {  	[tilespmem:s15], [sflag:$0x1] =	stream.indirect_vreg.gather [hbm4b:s5+s2], $0x80, v3, vm0, $0xb8;
	[tilespmem:$0x14500] =	vst v63  }
0x90: {  	v3 =	vld [tilespmem:s31+$0x20];
	_ =	sdelay $0x4  }
0x91: {  	v61 =	vshll.u32 v3, $0x2  }
0x92: {  	v3 =	vand.u32 $0x7, v3;
	v4 =	vand.u32 $0xFFFFFFE0, v61  }
0x93: {  	v3 =	vor.u32 v3, v4  }
0x94: {  	v4 =	vperm.xlane v3, v0;
	_ =	sdelay $0x1  }
0x95: {  	v4 =	vadd.s32 v1, v4;
	_ =	sdelay $0x1  }
0x96: {  	v3 =	vperm.xlane v3, v2;
	_ =	sdelay $0x1  }
0x97: {  	v3 =	vadd.s32 v1, v3  }
0x98: {  	[tilespmem:s16], [sflag:$0x1] =	stream.indirect_vreg.gather [hbm4b:s3+s2], $0x80, v4, vm0, $0xb8;
	[tilespmem:$0x14500] =	vst v63  }
0x99: {  	_ = 	snop  }
0x9a: {  	[tilespmem:s17], [sflag:$0x1] =	stream.indirect_vreg.gather [hbm4b:s5+s2], $0x80, v4, vm0, $0xb8;
	[tilespmem:$0x14500] =	vst v63  }
0x9b: {  	_ = 	snop  }
0x9c: {  	[tilespmem:s18], [sflag:$0x1] =	stream.indirect_vreg.gather [hbm4b:s3+s2], $0x80, v3, vm0, $0xb8;
	[tilespmem:$0x14500] =	vst v63  }
0x9d: {  	_ = 	snop  }
0x9e: {  	[tilespmem:s19], [sflag:$0x1] =	stream.indirect_vreg.gather [hbm4b:s5+s2], $0x80, v3, vm0, $0xb8;
	[tilespmem:$0x14500] =	vst v63  }
0x9f: {  	v3 =	vld [tilespmem:s31+$0x30];
	_ =	sdelay $0x4  }
0xa0: {  	v62 =	vshll.u32 v3, $0x2  }
0xa1: {  	v3 =	vand.u32 $0x7, v3;
	v4 =	vand.u32 $0xFFFFFFE0, v62  }
0xa2: {  	v3 =	vor.u32 v3, v4  }
0xa3: {  	v4 =	vperm.xlane v3, v0;
	_ =	sdelay $0x1  }
0xa4: {  	v4 =	vadd.s32 v1, v4;
	_ =	sdelay $0x1  }
0xa5: {  	v3 =	vperm.xlane v3, v2;
	_ =	sdelay $0x1  }
0xa6: {  	v3 =	vadd.s32 v1, v3  }
0xa7: {  	[tilespmem:s20], [sflag:$0x1] =	stream.indirect_vreg.gather [hbm4b:s3+s2], $0x80, v4, vm0, $0xb8;
	[tilespmem:$0x14500] =	vst v63  }
0xa8: {  	_ = 	snop  }
0xa9: {  	[tilespmem:s21], [sflag:$0x1] =	stream.indirect_vreg.gather [hbm4b:s5+s2], $0x80, v4, vm0, $0xb8;
	[tilespmem:$0x14500] =	vst v63  }
0xaa: {  	_ = 	snop  }
0xab: {  	[tilespmem:s22], [sflag:$0x1] =	stream.indirect_vreg.gather [hbm4b:s3+s2], $0x80, v3, vm0, $0xb8;
	[tilespmem:$0x14500] =	vst v63  }
0xac: {  	_ = 	snop  }
0xad: {  	[tilespmem:s23], [sflag:$0x1] =	stream.indirect_vreg.gather [hbm4b:s5+s2], $0x80, v3, vm0, $0xb8;
	[tilespmem:$0x14500] =	vst v63  }
0xae: {  	v3 =	vld [tilespmem:s31+$0x40];
	_ =	sdelay $0x4  }
0xaf: {  	v63 =	vshll.u32 v3, $0x2  }
0xb0: {  	v3 =	vand.u32 $0x7, v3;
	v4 =	vand.u32 $0xFFFFFFE0, v63  }
0xb1: {  	v3 =	vor.u32 v3, v4  }
0xb2: {  	v4 =	vperm.xlane v3, v0;
	_ =	sdelay $0x1  }
0xb3: {  	v4 =	vadd.s32 v1, v4;
	_ =	sdelay $0x1  }
0xb4: {  	v3 =	vperm.xlane v3, v2;
	_ =	sdelay $0x1  }
0xb5: {  	v3 =	vadd.s32 v1, v3  }
0xb6: {  	[tilespmem:s24], [sflag:$0x1] =	stream.indirect_vreg.gather [hbm4b:s3+s2], $0x80, v4, vm0, $0xb8;
	[tilespmem:$0x14500] =	vst v63  }
0xb7: {  	_ = 	snop  }
0xb8: {  	[tilespmem:s25], [sflag:$0x1] =	stream.indirect_vreg.gather [hbm4b:s5+s2], $0x80, v4, vm0, $0xb8;
	[tilespmem:$0x14500] =	vst v63  }
0xb9: {  	_ = 	snop  }
0xba: {  	[tilespmem:s26], [sflag:$0x1] =	stream.indirect_vreg.gather [hbm4b:s3+s2], $0x80, v3, vm0, $0xb8;
	[tilespmem:$0x14500] =	vst v63  }
0xbb: {  	_ = 	snop  }
0xbc: {  	[tilespmem:s28], [sflag:$0x1] =	stream.indirect_vreg.gather [hbm4b:s5+s2], $0x80, v3, vm0, $0xb8;
	[tilespmem:$0x14500] =	vst v63  }
0xbd: {  	_ =	swait.ge [sflag:s29], $0xA000  }
0xbe: {  	[sflag:s29] =	ssyncset.done $0x0  }
0xbf: {  	[sflag:s29] =	ssyncadd.s32 $0xFFFF6000  }
0xc0: {  	_ =	swait.ge [sflag:s29], $0xA000  }
0xc1: {  	s4 =	rddreg [dreg:$0x2];
	[sflag:s29] =	ssyncset.done $0x0  }
0xc2: {  	[sflag:s29] =	ssyncadd.s32 $0xFFFF6000;
	s0 =	sadd.s32 s1, s4  }
0xc3: {  	[hbm4b:s0+s2] =	stream.linear.scatter [tilespmem:s8], [sflag:$0x2], $0xA000, $0x38;
	[tilespmem:$0x14500] =	vst v63  }
0xc4: {  	_ =	swait.ge [sflag:s7], $0xA000  }
0xc5: {  	p0 =	sne.s32 s1, $0x11800;
	[sflag:s7] =	ssyncset.done $0x0  }
.Ltmp0:
0xc6: {  	s0 =	sadd.s32 $0x1400, s0;
	[sflag:s7] =	ssyncadd.s32 $0xFFFF6000;
	(pc) =	sbr.rel @p0 .LBB2_2-.Ltmp0, $4  }
0xc7: {  	[hbm4b:s0+s2] =	stream.linear.scatter [tilespmem:s9], [sflag:$0x2], $0xA000, $0x38;
	[tilespmem:$0x14500] =	vst v63  }
0xc8: {  	_ =	swait.ge [sflag:s7], $0xA000  }
0xc9: {  	[sflag:s7] =	ssyncset.done $0x0  }
0xca: {  	s31 =	sadd.s32 $0xA0, s31;
	s1 =	sadd.s32 $0x2800, s1;
	[sflag:s7] =	ssyncadd.s32 $0xFFFF6000  }
0xcb: {  	s30 =	sadd.s32 $0x1, s30  }
0xcc: {  	p0 =	sne.s32 s30, s6  }
.Ltmp1:
0xcd: {  	_ = 	snop;
	(pc) =	sbr.rel @p0 .LBB2_1-.Ltmp1, $1  }
0xce: {  	_ =	sdelay $0x3  }
0xcf: {  	_ =	sfence.sel $0x180000  }
0xd0: {  	[bflag:$0x0] =	sbarrier.arrive $0xFFFF  }
0xd1: {  	_ =	strace $0x9000005F  }
0xd2: {  	s0 =	stileid.u32;
	[bflag:$0x2] =	sbarrier.arrive $0xFFFF  }
0xd3: {  	p0 =	sne.s32 s0, $0x0;
	s0 =	rddreg [dreg:$0x1]  }
0xd4: {  	s0 =	sadd.s32 @!p0 $0x100000, s0  }
0xd5: {  	[sflag:s0] =	ssyncadd.tile.s32 @!p0 $0x1;
	_ =	shalt  }
.Lfunc_end2:
_tile_overlayer_lowered:
.L_overlay_start_2:
0xd6: {  	(tag) =	ssettag $0x2  }
0xd7: {  	s0 =	rddreg [dreg:$0x0];
	s2 =	stileid.u32  }
0xd8: {  	s1 =	rddreg [dreg:$0x1];
	p0 =	sne.s32 s2, $0x0  }
0xd9: {  	s3 =	rddreg [dreg:$0x2];
	[bflag:$0x3] =	sbarrier.arrive $0xFFFF;
	s2 =	simm.s32 @!p0 $0x1C02  }
0xda: {  	[timem:s3], [sflag:s2] =	dma.local @!p0 [hbm:s0], s1  }
0xdb: {  	s0 =	simm.s32 @!p0 $0x2  }
0xdc: {  	_ =	swait.ge @!p0 [sflag:s0], s1  }
0xdd: {  	s1 =	ssub.s32 @!p0 $0x0, s1;
	[sflag:s0] =	ssyncset.done @!p0 $0x0  }
0xde: {  	[sflag:s0] =	ssyncadd.s32 @!p0 s1  }
0xdf: {  	[bflag:$0x3] =	sbarrier.arrive $0xFFFF  }
0xe0: {  	_ =	shalt  }

// kernel: kernel.40.cloned.1.call-start
scs
__scs_entry_jumppad:
0x0: {  	(pc) =	sbr.rel $0x88, $3  }
0x1: {  	(tag) =	ssettag $0x0;
	lr =	simm.s32 $0x1  }
0x2: {  	[smem:$0x3F6D] =	sst lr;
	_ =	strace $0xD0000000  }
0x3: {  	_ = 	snop  }
0x4: {  	_ = 	snop  }
0x5: {  	_ = 	snop  }
0x6: {  	_ = 	snop  }
0x7: {  	_ = 	snop  }
__scs_overlays_trampoline_lowered:
0x8: {  	[smem:$0x3F7C] =	sst s0  }
0x9: {  	[smem:$0x3F7D] =	sst s1  }
0xa: {  	[smem:$0x3F7E] =	sst s2  }
0xb: {  	[smem:$0x3F7F] =	sst s3  }
0xc: {  	[smem:$0x3F80] =	sst s4  }
0xd: {  	[smem:$0x3F81] =	sst s5  }
0xe: {  	[smem:$0x3F82] =	sst s6  }
0xf: {  	[smem:$0x3F83] =	sst s7  }
0x10: {  	[smem:$0x3F84] =	sst s8  }
0x11: {  	[smem:$0x3F85] =	sst s9;
	s0 =	simm.s32 @!p0 $0x0  }
0x12: {  	s1 =	sld [smem:$0x3F6B];
	s0 =	simm.s32 @p0 $0x1  }
0x13: {  	[smem:$0x3F86] =	sst s0;
	s0 =	simm.s32 @!p1 $0x0  }
0x14: {  	s2 =	sld [smem:$0x3F6A];
	s0 =	simm.s32 @p1 $0x1  }
0x15: {  	[smem:$0x3F87] =	sst s0;
	s0 =	simm.s32 @!p2 $0x0  }
0x16: {  	s3 =	sld [smem:$0x3FDB];
	s0 =	simm.s32 @p2 $0x1  }
0x17: {  	s4 =	simm.s32 $0x1BF5;
	[smem:$0x3F89] =	sst s0  }
0x18: {  	s0 =	sld [smem:$0x3F6C];
	_ =	swait.ge [sflag:s4], $0x0  }
0x19: {  	s7 =	sld [smem:$0x3F6D]  }
0x1a: {  	s8 =	sadd.s32 $0xFFFFE003, lr  }
0x1b: {  	s9 =	sadd.s32 $0xFFFFFEF7, lr;
	s5 =	simm.s32 $0xFFFFFFFF;
	p2 =	slt.u32 s8, $0xFFFFF086  }
0x1c: {  	p1 =	slt.u32 s9, $0xF7A;
	s5 =	simm.s32 @!p2 $0x0  }
0x1d: {  	s5 =	simm.s32 @p1 $0x1;
	p0 =	seq.s32 s7, s2  }
0x1e: {  	s7 =	smul.u32 @!p0 $0xF7A, s2;
	p2 =	seq.s32 @!p0 s5, $0x0  }
0x1f: {  	s9 =	smul.u32 $0xF7A, s1;
	s8 =	simm.s32 @!p0 $0x1BF5;
	p2 =	por !p2, p0  }
0x20: {  	[sflag:s8] =	ssyncset.s32 @!p0 $0xFFFFF086;
	s6 =	sadd.s32 @!p0 s3, s7;
	s7 =	simm.s32 @!p0 $0x108  }
0x21: {  	s3 =	sadd.s32 s3, s9;
	s6 =	sadd.s32 @!p0 $0x88, s6;
	s7 =	simm.s32 @p2 $0x1082  }
0x22: {  	[simem:s7], [sflag:s8] =	dma.local @!p0 [hbm:s6], $0xF7A  }
0x23: {  	s9 =	sor.u32 $0xD0000000, s2;
	s6 =	simm.s32 $0x108;
	_ =	swait.ge @!p0 [sflag:s8], $0x0  }
0x24: {  	s3 =	sadd.s32 $0x88, s3;
	s6 =	simm.s32 @!p1 $0x1082;
	[sflag:s4] =	ssyncset.s32 $0xFFFFF086  }
0x25: {  	[simem:s6], [sflag:s4] =	dma.local [hbm:s3], $0xF7A  }
0x26: {  	[smem:$0x3F6D] =	sst s1;
	(tag) =	ssettag s2;
	_ =	strace s9  }
0x27: {  	s1 =	sld [smem:$0x3F7D]  }
0x28: {  	s2 =	sld [smem:$0x3F7E]  }
0x29: {  	s4 =	sld [smem:$0x3F80]  }
0x2a: {  	p0 =	seq.s32 s5, $0x0;
	s5 =	sld [smem:$0x3F81]  }
0x2b: {  	s6 =	sld [smem:$0x3F82]  }
0x2c: {  	s7 =	sld [smem:$0x3F83]  }
0x2d: {  	s3 =	simm.s32 $0x108;
	s8 =	sld [smem:$0x3F84]  }
0x2e: {  	s3 =	simm.s32 @!p0 $0x1082;
	s9 =	sld [smem:$0x3F85]  }
0x2f: {  	lr =	sadd.s32 s0, s3;
	s0 =	sld [smem:$0x3F7C]  }
0x30: {  	s3 =	sld [smem:$0x3F7F]  }
0x31: {  	[smem:$0x3F88] =	sst s10  }
0x32: {  	s10 =	sld [smem:$0x3F86];
	_ =	sdelay $0x3  }
0x33: {  	p0 =	seq.s32 s10, $0x1;
	s10 =	sld [smem:$0x3F88];
	_ =	sdelay $0x3  }
0x34: {  	[smem:$0x3F88] =	sst s10  }
0x35: {  	s10 =	sld [smem:$0x3F87];
	_ =	sdelay $0x3  }
0x36: {  	p1 =	seq.s32 s10, $0x1;
	s10 =	sld [smem:$0x3F88];
	_ =	sdelay $0x3  }
0x37: {  	[smem:$0x3F88] =	sst s10  }
0x38: {  	s10 =	sld [smem:$0x3F89]  }
0x39: {  	_ = 	snop;
	(pc) =	sbr.ind lr, $3  }
0x3a: {  	_ = 	snop  }
0x3b: {  	_ = 	snop  }
0x3c: {  	p2 =	seq.s32 s10, $0x1;
	s10 =	sld [smem:$0x3F88]  }
0x3d: {  	_ =	shalt  }
0x3e: {  	_ =	shalt  }
0x3f: {  	_ =	shalt  }
0x40: {  	_ =	shalt  }
0x41: {  	_ =	shalt  }
0x42: {  	_ =	shalt  }
0x43: {  	_ =	shalt  }
0x44: {  	_ =	shalt  }
0x45: {  	_ =	shalt  }
0x46: {  	_ =	shalt  }
0x47: {  	_ =	shalt  }
0x48: {  	_ =	shalt  }
0x49: {  	_ =	shalt  }
0x4a: {  	_ =	shalt  }
0x4b: {  	_ =	shalt  }
0x4c: {  	_ =	shalt  }
0x4d: {  	_ =	shalt  }
0x4e: {  	_ =	shalt  }
0x4f: {  	_ =	shalt  }
0x50: {  	_ =	shalt  }
0x51: {  	_ =	shalt  }
0x52: {  	_ =	shalt  }
0x53: {  	_ =	shalt  }
0x54: {  	_ =	shalt  }
0x55: {  	_ =	shalt  }
0x56: {  	_ =	shalt  }
0x57: {  	_ =	shalt  }
0x58: {  	_ =	shalt  }
0x59: {  	_ =	shalt  }
0x5a: {  	_ =	shalt  }
0x5b: {  	_ =	shalt  }
0x5c: {  	_ =	shalt  }
0x5d: {  	_ =	shalt  }
0x5e: {  	_ =	shalt  }
0x5f: {  	_ =	shalt  }
0x60: {  	_ =	shalt  }
0x61: {  	_ =	shalt  }
0x62: {  	_ =	shalt  }
0x63: {  	_ =	shalt  }
0x64: {  	_ =	shalt  }
0x65: {  	_ =	shalt  }
0x66: {  	_ =	shalt  }
0x67: {  	_ =	shalt  }
0x68: {  	_ =	shalt  }
0x69: {  	_ =	shalt  }
0x6a: {  	_ =	shalt  }
0x6b: {  	_ =	shalt  }
0x6c: {  	_ =	shalt  }
0x6d: {  	_ =	shalt  }
0x6e: {  	_ =	shalt  }
0x6f: {  	_ =	shalt  }
0x70: {  	_ =	shalt  }
0x71: {  	_ =	shalt  }
0x72: {  	_ =	shalt  }
0x73: {  	_ =	shalt  }
0x74: {  	_ =	shalt  }
0x75: {  	_ =	shalt  }
0x76: {  	_ =	shalt  }
0x77: {  	_ =	shalt  }
0x78: {  	_ =	shalt  }
0x79: {  	_ =	shalt  }
0x7a: {  	_ =	shalt  }
0x7b: {  	_ =	shalt  }
0x7c: {  	_ =	shalt  }
0x7d: {  	_ =	shalt  }
0x7e: {  	_ =	shalt  }
0x7f: {  	_ =	shalt  }
0x80: {  	_ =	shalt  }
0x81: {  	_ =	shalt  }
0x82: {  	_ =	shalt  }
0x83: {  	_ =	shalt  }
0x84: {  	_ =	shalt  }
0x85: {  	_ =	shalt  }
0x86: {  	_ =	shalt  }
0x87: {  	_ =	shalt  }
.Lfunc_end0:
.L_simem_size_0:
called_computation.10_lowered:
.L_overlay_start_0:
0x88: {  	s2 =	sld [smem:$0x3FD9]  }
0x89: {  	s3 =	sld [smem:$0x3FFE];
	_ =	sdelay $0x1  }
0x8a: {  	s1 =	srdreg.scid  }
0x8b: {  	s0 =	sand.u32 $0x1, s1  }
0x8c: {  	s16 =	sshll.u32 s0, $0xA;
	s2 =	sadd.s32 s3, s2  }
0x8d: {  	s2 =	sadd.s32 s2, s16  }
0x8e: {  	[smem:$0x3F94] =	sst s2  }
0x8f: {  	_ = 	snop  }
0x90: {  	(tm) =	ssettm $0x1  }
0x91: {  	s17 =	sld [smem:$0x3FFB];
	_ =	sdelay $0x3  }
0x92: {  	_ =	strace s17  }
0x93: {  	s2 =	sld [smem:$0x3FFC];
	_ =	sdelay $0x3  }
0x94: {  	_ =	strace s2  }
0x95: {  	s2 =	sld [smem:$0x3FFD];
	_ =	sdelay $0x3  }
0x96: {  	_ =	strace s2  }
0x97: {  	_ =	strace $0x8FFFFFFF  }
0x98: {  	s18 =	sld [smem:$0x3FDB];
	_ =	sdelay $0x1  }
0x99: {  	s19 =	simm.s32 $_scs_section_size  }
0x9a: {  	s4 =	simm.s32 $_size__tile_overlayer_lowered;
	s5 =	simm.s32 $_tile_overlayer_lowered  }
0x9b: {  	s22 =	simm.s32 $0x1BFF;
	s21 =	sshll.u32 s5, $0x1;
	s2 =	sadd.s32 s19, s18  }
0x9c: {  	s6 =	simm.s32 $0x0;
	s20 =	sshll.u32 s4, $0x1;
	s4 =	sadd.s32 s21, s2  }
0x9d: {  	[timem:s6], [sflag:s22] =	dma.local [hbm:s4], s20  }
0x9e: {  	_ =	swait.ge [sflag:s22], s20  }
0x9f: {  	s3 =	ssub.s32 $0x0, s20;
	[sflag:s22] =	ssyncset.done $0x0  }
0xa0: {  	[sflag:s22] =	ssyncadd.s32 s3;
	_ =	sdelay $0x1  }
0xa1: {  	s23 =	simm.s32 $0x1B8B  }
0xa2: {  	_ =	swait.ge [sflag:s23], $0x1  }
0xa3: {  	[sflag:s23] =	ssyncset.done $0x0  }
0xa4: {  	s25 =	simm.s32 $0x1B8E;
	s24 =	sld [smem:$0x3FFE];
	[sflag:s23] =	ssyncadd.s32 $0xFFFFFFFF  }
0xa5: {  	s26 =	simm.s32 $execute0_lowered;
	[smem:$0x3FD2] =	sst s25  }
0xa6: {  	s4 =	sshll.u32 s26, $0x1;
	_ =	strace $0x80000061;
	[dreg:$0x1] =	wrdreg $0xFFFFFFFF  }
0xa7: {  	s28 =	simm.s32 $_size_execute0_lowered;
	s2 =	sadd.s32 s2, s4;
	[dreg:$0x0] =	wrdreg $0x0  }
0xa8: {  	s4 =	sshll.u32 s28, $0x1;
	[dreg:$0x2] =	wrdreg s2  }
0xa9: {  	[dreg:$0x3] =	wrdreg s4  }
0xaa: {  	[dreg:$0x4] =	wrdreg $0xC0  }
0xab: {  	_ =	task [dreg:s6], $0x5FFFF  }
0xac: {  	[dreg:$0x1] =	wrdreg $0xFFFFFFFF  }
0xad: {  	[dreg:$0x0] =	wrdreg $0x60  }
0xae: {  	[dreg:$0x2] =	wrdreg s24  }
0xaf: {  	[dreg:$0x3] =	wrdreg $0x9  }
0xb0: {  	_ =	task.clear_ibuf [dreg:s6], $0x4FFFF;
	_ =	strace $0x90000061  }
0xb1: {  	s29 =	simm.s32 $0x9;
	_ =	strace $0x80000063  }
0xb2: {  	_ =	swait.ge [sflag:s29], $0x1  }
0xb3: {  	[sflag:s29] =	ssyncadd.s32 $0xFFFFFFFF  }
0xb4: {  	_ =	strace $0x90000063  }
0xb5: {  	_ =	sfence  }
0xb6: {  	s30 =	sld [smem:$0x0];
	_ =	sdelay $0x2  }
0xb7: {  	s31 =	sshll.u32 s1, $0xD;
	s1 =	sshrl.u32 s1, $0x2  }
0xb8: {  	s3 =	sand.u32 $0x4000, s31;
	s1 =	sadd.s32 s1, s30  }
0xb9: {  	s0 =	sor.u32 s3, s0;
	s1 =	sshll.u32 s1, $0x11  }
0xba: {  	s0 =	sor.u32 s1, s0  }
0xbb: {  	s0 =	sadd.s32 $0x8F2B, s0  }
0xbc: {  	[sflag:s0] =	ssyncadd.remote.s32 $0x1  }
0xbd: {  	_ =	sfence.sel $0xFFFF  }
0xbe: {  	[dreg:$0x0] =	wrdreg $0xFFFFFFFF;
	(pc) =	sbr.abs _section_cstart, $3  }
0xbf: {  	[dreg:$0x1] =	wrdreg $0xFFFFFFFF  }
0xc0: {  	_ =	task.clear_ibuf [dreg:s6], $0x2FFFF;
	_ =	strace $0x9FFFFFFF  }
0xc1: {  	(tm) =	ssettm $0x7FFFFFFF  }
tec
execute0_lowered:
.L_overlay_start_1:
0x0: {  	(tag) =	ssettag $0x1  }
0x1: {  	s5 =	rddreg [dreg:$0x0];
	s2 =	simm.s32 $0x0  }
0x2: {  	s7 =	simm.s32 $0xD00;
	[smem:$0x7FF] =	sst s2  }
0x3: {  	s8 =	simm.s32 $0x1500;
	_ =	strace $0x80000062;
	[dreg:$0x3] =	wrdreg s7  }
0x4: {  	s9 =	simm.s32 $0x1D00;
	[dreg:$0x4] =	wrdreg s8  }
0x5: {  	s10 =	simm.s32 $0x2500;
	[dreg:$0x5] =	wrdreg s9  }
0x6: {  	s11 =	simm.s32 $0x2D00;
	[dreg:$0x6] =	wrdreg s10  }
0x7: {  	s13 =	simm.s32 $0x3500;
	[dreg:$0x7] =	wrdreg s11  }
0x8: {  	s14 =	simm.s32 $0x3D00;
	[dreg:$0x8] =	wrdreg s13  }
0x9: {  	s6 =	simm.s32 $0x4500;
	[dreg:$0x9] =	wrdreg s14  }
0xa: {  	s15 =	simm.s32 $0x4D00;
	[dreg:$0xa] =	wrdreg s6  }
0xb: {  	s16 =	simm.s32 $0x5500;
	[dreg:$0xb] =	wrdreg s15  }
0xc: {  	s1 =	srdreg.scid;
	s17 =	simm.s32 $0x5D00;
	[dreg:$0xc] =	wrdreg s16  }
0xd: {  	s0 =	stileid.u32;
	s18 =	simm.s32 $0x6500;
	[dreg:$0xd] =	wrdreg s17  }
0xe: {  	s19 =	simm.s32 $0x6D00;
	s20 =	simm.s32 $0x7500;
	[dreg:$0xe] =	wrdreg s18  }
0xf: {  	s22 =	simm.s32 $0x7D00;
	s23 =	simm.s32 $0x8500;
	[dreg:$0xf] =	wrdreg s19  }
0x10: {  	s24 =	simm.s32 $0x8D00;
	s25 =	simm.s32 $0x9500;
	[dreg:$0x10] =	wrdreg s20  }
0x11: {  	s26 =	simm.s32 $0x9D00;
	s31 =	simm.s32 $0xAD00;
	[dreg:$0x11] =	wrdreg s22  }
0x12: {  	s28 =	simm.s32 $0x13D00;
	s29 =	simm.s32 $0x1;
	[dreg:$0x12] =	wrdreg s23  }
0x13: {  	s30 =	simm.s32 $0x0;
	s1 =	sand.u32 $0x1, s1;
	[dreg:$0x13] =	wrdreg s24  }
0x14: {  	s3 =	smul.u32 $0x28000, s0;
	s12 =	sshll.u32 s0, $0x1;
	[dreg:$0x14] =	wrdreg s25  }
0x15: {  	s4 =	smul.u32 $0x14000, s1;
	s8 =	simm.s32 $0x500;
	[dreg:$0x15] =	wrdreg s26  }
0x16: {  	s9 =	simm.s32 $0xA500;
	[dreg:$0x16] =	wrdreg s31;
	s10 =	simm.s32 $0xB500  }
0x17: {  	s11 =	simm.s32 $0xBD00;
	s13 =	simm.s32 $0xCD00;
	s14 =	simm.s32 $0xD500  }
0x18: {  	s15 =	simm.s32 $0xDD00;
	s16 =	simm.s32 $0xE500;
	s17 =	simm.s32 $0xED00  }
0x19: {  	s18 =	simm.s32 $0xF500;
	s19 =	simm.s32 $0xFD00;
	s20 =	simm.s32 $0x10500  }
0x1a: {  	s22 =	simm.s32 $0x11500;
	s23 =	simm.s32 $0x11D00;
	s3 =	sadd.s32 s3, s5  }
0x1b: {  	s24 =	simm.s32 $0x12500;
	s3 =	sadd.s32 s4, s3;
	s4 =	sor.u32 s1, s12  }
0x1c: {  	s25 =	simm.s32 $0x12D00;
	s26 =	simm.s32 $0x13500;
	s4 =	smul.u32 $0x500, s4  }
0x1d: {  	s1 =	ssub.s32 $0x2, s1;
	s12 =	simm.s32 $0xC500;
	s3 =	sadd.s32 $0x44000, s3  }
0x1e: {  	s7 =	sshrl.u32 s1, $0x1;
	[dreg:$0x2] =	wrdreg s3;
	s4 =	sshrl.u32 s4, $0x3  }
0x1f: {  	v2 =	vlaneseq.u32;
	s3 =	sadd.s32 $0x24000, s5;
	s1 =	ssub.s32 s1, s7;
	s4 =	sadd.s32 s4, s5  }
0x20: {  	vm0 =	vmmov $0xffff;
	v1 =	vshrl.u32 v2, $0x3;
	s7 =	simm.s32 $0x2;
	s6 =	smax.u32 s1, $0x1;
	s21 =	sadd.s32 $0x22C00, s4  }
0x21: {  	v0 =	vand.u32 $0x7, v2;
	v2 =	vor.u32 $0x8, v2;
	v1 =	vmul.u32 $0x8, v1;
	s5 =	sadd.s32 $0x24100, s5;
	[dreg:$0x17] =	wrdreg s21;
	s21 =	simm.s32 $0x10D00  }
.LBB2_1:
0x22: {  	s0 =	rddreg [dreg:$0x17]  }
0x23: {  	[tilespmem:s2], [sflag:$0x2] =	stream.linear.gather [hbm4b:s0+s2], $0x500, $0x38;
	[tilespmem:$0x14500] =	vst v63  }
0x24: {  	_ =	swait.ge [sflag:s7], $0x500  }
0x25: {  	[sflag:s7] =	ssyncset.done $0x0  }
0x26: {  	s31 =	simm.s32 $0x50;
	s1 =	simm.s32 $0x0;
	[sflag:s7] =	ssyncadd.s32 $0xFFFFFB00  }
.LBB2_2:
0x27: {  	v3 =	vld [tilespmem:s31+$0xFFFFFFB0];
	_ =	sdelay $0x4  }
0x28: {  	v4 =	vshll.u32 v3, $0x2  }
0x29: {  	v3 =	vand.u32 $0x7, v3;
	v4 =	vand.u32 $0xFFFFFFE0, v4  }
0x2a: {  	v3 =	vor.u32 v3, v4  }
0x2b: {  	v4 =	vperm.xlane v3, v0;
	_ =	sdelay $0x1  }
0x2c: {  	v4 =	vadd.s32 v1, v4;
	_ =	sdelay $0x1  }
0x2d: {  	v3 =	vperm.xlane v3, v2;
	_ =	sdelay $0x1  }
0x2e: {  	v3 =	vadd.s32 v1, v3  }
0x2f: {  	[tilespmem:s8], [sflag:$0x1] =	stream.indirect_vreg.gather [hbm4b:s3+s2], $0x80, v4, vm0, $0xb8;
	[tilespmem:$0x14500] =	vst v63  }
0x30: {  	s0 =	rddreg [dreg:$0x3]  }
0x31: {  	[tilespmem:s0], [sflag:$0x1] =	stream.indirect_vreg.gather [hbm4b:s5+s2], $0x80, v4, vm0, $0xb8;
	[tilespmem:$0x14500] =	vst v63  }
0x32: {  	s4 =	rddreg [dreg:$0x4]  }
0x33: {  	[tilespmem:s4], [sflag:$0x1] =	stream.indirect_vreg.gather [hbm4b:s3+s2], $0x80, v3, vm0, $0xb8;
	[tilespmem:$0x14500] =	vst v63  }
0x34: {  	s0 =	rddreg [dreg:$0x5]  }
0x35: {  	[tilespmem:s0], [sflag:$0x1] =	stream.indirect_vreg.gather [hbm4b:s5+s2], $0x80, v3, vm0, $0xb8;
	[tilespmem:$0x14500] =	vst v63  }
0x36: {  	v3 =	vld [tilespmem:s31+$0xFFFFFFC0];
	_ =	sdelay $0x4  }
0x37: {  	v55 =	vshll.u32 v3, $0x2  }
0x38: {  	v3 =	vand.u32 $0x7, v3;
	v4 =	vand.u32 $0xFFFFFFE0, v55  }
0x39: {  	v3 =	vor.u32 v3, v4  }
0x3a: {  	v4 =	vperm.xlane v3, v0;
	_ =	sdelay $0x1  }
0x3b: {  	v4 =	vadd.s32 v1, v4;
	_ =	sdelay $0x1  }
0x3c: {  	v3 =	vperm.xlane v3, v2;
	_ =	sdelay $0x1  }
0x3d: {  	s0 =	rddreg [dreg:$0x6];
	v3 =	vadd.s32 v1, v3  }
0x3e: {  	[tilespmem:s0], [sflag:$0x1] =	stream.indirect_vreg.gather [hbm4b:s3+s2], $0x80, v4, vm0, $0xb8;
	[tilespmem:$0x14500] =	vst v63  }
0x3f: {  	s4 =	rddreg [dreg:$0x7]  }
0x40: {  	[tilespmem:s4], [sflag:$0x1] =	stream.indirect_vreg.gather [hbm4b:s5+s2], $0x80, v4, vm0, $0xb8;
	[tilespmem:$0x14500] =	vst v63  }
0x41: {  	s0 =	rddreg [dreg:$0x8]  }
0x42: {  	[tilespmem:s0], [sflag:$0x1] =	stream.indirect_vreg.gather [hbm4b:s3+s2], $0x80, v3, vm0, $0xb8;
	[tilespmem:$0x14500] =	vst v63  }
0x43: {  	s4 =	rddreg [dreg:$0x9]  }
0x44: {  	[tilespmem:s4], [sflag:$0x1] =	stream.indirect_vreg.gather [hbm4b:s5+s2], $0x80, v3, vm0, $0xb8;
	[tilespmem:$0x14500] =	vst v63  }
0x45: {  	v3 =	vld [tilespmem:s31+$0xFFFFFFD0];
	_ =	sdelay $0x4  }
0x46: {  	v56 =	vshll.u32 v3, $0x2  }
0x47: {  	v3 =	vand.u32 $0x7, v3;
	v4 =	vand.u32 $0xFFFFFFE0, v56  }
0x48: {  	v3 =	vor.u32 v3, v4  }
0x49: {  	v4 =	vperm.xlane v3, v0;
	_ =	sdelay $0x1  }
0x4a: {  	v4 =	vadd.s32 v1, v4;
	_ =	sdelay $0x1  }
0x4b: {  	v3 =	vperm.xlane v3, v2;
	_ =	sdelay $0x1  }
0x4c: {  	s0 =	rddreg [dreg:$0xa];
	v3 =	vadd.s32 v1, v3  }
0x4d: {  	[tilespmem:s0], [sflag:$0x1] =	stream.indirect_vreg.gather [hbm4b:s3+s2], $0x80, v4, vm0, $0xb8;
	[tilespmem:$0x14500] =	vst v63  }
0x4e: {  	s4 =	rddreg [dreg:$0xb]  }
0x4f: {  	[tilespmem:s4], [sflag:$0x1] =	stream.indirect_vreg.gather [hbm4b:s5+s2], $0x80, v4, vm0, $0xb8;
	[tilespmem:$0x14500] =	vst v63  }
0x50: {  	s0 =	rddreg [dreg:$0xc]  }
0x51: {  	[tilespmem:s0], [sflag:$0x1] =	stream.indirect_vreg.gather [hbm4b:s3+s2], $0x80, v3, vm0, $0xb8;
	[tilespmem:$0x14500] =	vst v63  }
0x52: {  	s4 =	rddreg [dreg:$0xd]  }
0x53: {  	[tilespmem:s4], [sflag:$0x1] =	stream.indirect_vreg.gather [hbm4b:s5+s2], $0x80, v3, vm0, $0xb8;
	[tilespmem:$0x14500] =	vst v63  }
0x54: {  	v3 =	vld [tilespmem:s31+$0xFFFFFFE0];
	_ =	sdelay $0x4  }
0x55: {  	v57 =	vshll.u32 v3, $0x2  }
0x56: {  	v3 =	vand.u32 $0x7, v3;
	v4 =	vand.u32 $0xFFFFFFE0, v57  }
0x57: {  	v3 =	vor.u32 v3, v4  }
0x58: {  	v4 =	vperm.xlane v3, v0;
	_ =	sdelay $0x1  }
0x59: {  	v4 =	vadd.s32 v1, v4;
	_ =	sdelay $0x1  }
0x5a: {  	v3 =	vperm.xlane v3, v2;
	_ =	sdelay $0x1  }
0x5b: {  	s0 =	rddreg [dreg:$0xe];
	v3 =	vadd.s32 v1, v3  }
0x5c: {  	[tilespmem:s0], [sflag:$0x1] =	stream.indirect_vreg.gather [hbm4b:s3+s2], $0x80, v4, vm0, $0xb8;
	[tilespmem:$0x14500] =	vst v63  }
0x5d: {  	s4 =	rddreg [dreg:$0xf]  }
0x5e: {  	[tilespmem:s4], [sflag:$0x1] =	stream.indirect_vreg.gather [hbm4b:s5+s2], $0x80, v4, vm0, $0xb8;
	[tilespmem:$0x14500] =	vst v63  }
0x5f: {  	s0 =	rddreg [dreg:$0x10]  }
0x60: {  	[tilespmem:s0], [sflag:$0x1] =	stream.indirect_vreg.gather [hbm4b:s3+s2], $0x80, v3, vm0, $0xb8;
	[tilespmem:$0x14500] =	vst v63  }
0x61: {  	s4 =	rddreg [dreg:$0x11]  }
0x62: {  	[tilespmem:s4], [sflag:$0x1] =	stream.indirect_vreg.gather [hbm4b:s5+s2], $0x80, v3, vm0, $0xb8;
	[tilespmem:$0x14500] =	vst v63  }
0x63: {  	v3 =	vld [tilespmem:s31+$0xFFFFFFF0];
	_ =	sdelay $0x4  }
0x64: {  	v58 =	vshll.u32 v3, $0x2  }
0x65: {  	v3 =	vand.u32 $0x7, v3;
	v4 =	vand.u32 $0xFFFFFFE0, v58  }
0x66: {  	v3 =	vor.u32 v3, v4  }
0x67: {  	v4 =	vperm.xlane v3, v0;
	_ =	sdelay $0x1  }
0x68: {  	v4 =	vadd.s32 v1, v4;
	_ =	sdelay $0x1  }
0x69: {  	v3 =	vperm.xlane v3, v2;
	_ =	sdelay $0x1  }
0x6a: {  	s0 =	rddreg [dreg:$0x12];
	v3 =	vadd.s32 v1, v3  }
0x6b: {  	[tilespmem:s0], [sflag:$0x1] =	stream.indirect_vreg.gather [hbm4b:s3+s2], $0x80, v4, vm0, $0xb8;
	[tilespmem:$0x14500] =	vst v63  }
0x6c: {  	s4 =	rddreg [dreg:$0x13]  }
0x6d: {  	[tilespmem:s4], [sflag:$0x1] =	stream.indirect_vreg.gather [hbm4b:s5+s2], $0x80, v4, vm0, $0xb8;
	[tilespmem:$0x14500] =	vst v63  }
0x6e: {  	s0 =	rddreg [dreg:$0x14]  }
0x6f: {  	[tilespmem:s0], [sflag:$0x1] =	stream.indirect_vreg.gather [hbm4b:s3+s2], $0x80, v3, vm0, $0xb8;
	[tilespmem:$0x14500] =	vst v63  }
0x70: {  	s4 =	rddreg [dreg:$0x15]  }
0x71: {  	[tilespmem:s4], [sflag:$0x1] =	stream.indirect_vreg.gather [hbm4b:s5+s2], $0x80, v3, vm0, $0xb8;
	[tilespmem:$0x14500] =	vst v63  }
0x72: {  	v3 =	vld [tilespmem:s31+$0x0];
	_ =	sdelay $0x4  }
0x73: {  	v59 =	vshll.u32 v3, $0x2  }
0x74: {  	v3 =	vand.u32 $0x7, v3;
	v4 =	vand.u32 $0xFFFFFFE0, v59  }
0x75: {  	v3 =	vor.u32 v3, v4  }
0x76: {  	v4 =	vperm.xlane v3, v0;
	_ =	sdelay $0x1  }
0x77: {  	v4 =	vadd.s32 v1, v4;
	_ =	sdelay $0x1  }
0x78: {  	v3 =	vperm.xlane v3, v2;
	_ =	sdelay $0x1  }
0x79: {  	v3 =	vadd.s32 v1, v3  }
0x7a: {  	[tilespmem:s9], [sflag:$0x1] =	stream.indirect_vreg.gather [hbm4b:s3+s2], $0x80, v4, vm0, $0xb8;
	[tilespmem:$0x14500] =	vst v63  }
0x7b: {  	s4 =	rddreg [dreg:$0x16]  }
0x7c: {  	[tilespmem:s4], [sflag:$0x1] =	stream.indirect_vreg.gather [hbm4b:s5+s2], $0x80, v4, vm0, $0xb8;
	[tilespmem:$0x14500] =	vst v63  }
0x7d: {  	_ = 	snop  }
0x7e: {  	[tilespmem:s10], [sflag:$0x1] =	stream.indirect_vreg.gather [hbm4b:s3+s2], $0x80, v3, vm0, $0xb8;
	[tilespmem:$0x14500] =	vst v63  }
0x7f: {  	_ = 	snop  }
0x80: {  	[tilespmem:s11], [sflag:$0x1] =	stream.indirect_vreg.gather [hbm4b:s5+s2], $0x80, v3, vm0, $0xb8;
	[tilespmem:$0x14500] =	vst v63  }
0x81: {  	v3 =	vld [tilespmem:s31+$0x10];
	_ =	sdelay $0x4  }
0x82: {  	v60 =	vshll.u32 v3, $0x2  }
0x83: {  	v3 =	vand.u32 $0x7, v3;
	v4 =	vand.u32 $0xFFFFFFE0, v60  }
0x84: {  	v3 =	vor.u32 v3, v4  }
0x85: {  	v4 =	vperm.xlane v3, v0;
	_ =	sdelay $0x1  }
0x86: {  	v4 =	vadd.s32 v1, v4;
	_ =	sdelay $0x1  }
0x87: {  	v3 =	vperm.xlane v3, v2;
	_ =	sdelay $0x1  }
0x88: {  	v3 =	vadd.s32 v1, v3  }
0x89: {  	[tilespmem:s12], [sflag:$0x1] =	stream.indirect_vreg.gather [hbm4b:s3+s2], $0x80, v4, vm0, $0xb8;
	[tilespmem:$0x14500] =	vst v63  }
0x8a: {  	_ = 	snop  }
0x8b: {  	[tilespmem:s13], [sflag:$0x1] =	stream.indirect_vreg.gather [hbm4b:s5+s2], $0x80, v4, vm0, $0xb8;
	[tilespmem:$0x14500] =	vst v63  }
0x8c: {  	_ = 	snop  }
0x8d: {  	[tilespmem:s14], [sflag:$0x1] =	stream.indirect_vreg.gather [hbm4b:s3+s2], $0x80, v3, vm0, $0xb8;
	[tilespmem:$0x14500] =	vst v63  }
0x8e: {  	_ = 	snop  }
0x8f: {  	[tilespmem:s15], [sflag:$0x1] =	stream.indirect_vreg.gather [hbm4b:s5+s2], $0x80, v3, vm0, $0xb8;
	[tilespmem:$0x14500] =	vst v63  }
0x90: {  	v3 =	vld [tilespmem:s31+$0x20];
	_ =	sdelay $0x4  }
0x91: {  	v61 =	vshll.u32 v3, $0x2  }
0x92: {  	v3 =	vand.u32 $0x7, v3;
	v4 =	vand.u32 $0xFFFFFFE0, v61  }
0x93: {  	v3 =	vor.u32 v3, v4  }
0x94: {  	v4 =	vperm.xlane v3, v0;
	_ =	sdelay $0x1  }
0x95: {  	v4 =	vadd.s32 v1, v4;
	_ =	sdelay $0x1  }
0x96: {  	v3 =	vperm.xlane v3, v2;
	_ =	sdelay $0x1  }
0x97: {  	v3 =	vadd.s32 v1, v3  }
0x98: {  	[tilespmem:s16], [sflag:$0x1] =	stream.indirect_vreg.gather [hbm4b:s3+s2], $0x80, v4, vm0, $0xb8;
	[tilespmem:$0x14500] =	vst v63  }
0x99: {  	_ = 	snop  }
0x9a: {  	[tilespmem:s17], [sflag:$0x1] =	stream.indirect_vreg.gather [hbm4b:s5+s2], $0x80, v4, vm0, $0xb8;
	[tilespmem:$0x14500] =	vst v63  }
0x9b: {  	_ = 	snop  }
0x9c: {  	[tilespmem:s18], [sflag:$0x1] =	stream.indirect_vreg.gather [hbm4b:s3+s2], $0x80, v3, vm0, $0xb8;
	[tilespmem:$0x14500] =	vst v63  }
0x9d: {  	_ = 	snop  }
0x9e: {  	[tilespmem:s19], [sflag:$0x1] =	stream.indirect_vreg.gather [hbm4b:s5+s2], $0x80, v3, vm0, $0xb8;
	[tilespmem:$0x14500] =	vst v63  }
0x9f: {  	v3 =	vld [tilespmem:s31+$0x30];
	_ =	sdelay $0x4  }
0xa0: {  	v62 =	vshll.u32 v3, $0x2  }
0xa1: {  	v3 =	vand.u32 $0x7, v3;
	v4 =	vand.u32 $0xFFFFFFE0, v62  }
0xa2: {  	v3 =	vor.u32 v3, v4  }
0xa3: {  	v4 =	vperm.xlane v3, v0;
	_ =	sdelay $0x1  }
0xa4: {  	v4 =	vadd.s32 v1, v4;
	_ =	sdelay $0x1  }
0xa5: {  	v3 =	vperm.xlane v3, v2;
	_ =	sdelay $0x1  }
0xa6: {  	v3 =	vadd.s32 v1, v3  }
0xa7: {  	[tilespmem:s20], [sflag:$0x1] =	stream.indirect_vreg.gather [hbm4b:s3+s2], $0x80, v4, vm0, $0xb8;
	[tilespmem:$0x14500] =	vst v63  }
0xa8: {  	_ = 	snop  }
0xa9: {  	[tilespmem:s21], [sflag:$0x1] =	stream.indirect_vreg.gather [hbm4b:s5+s2], $0x80, v4, vm0, $0xb8;
	[tilespmem:$0x14500] =	vst v63  }
0xaa: {  	_ = 	snop  }
0xab: {  	[tilespmem:s22], [sflag:$0x1] =	stream.indirect_vreg.gather [hbm4b:s3+s2], $0x80, v3, vm0, $0xb8;
	[tilespmem:$0x14500] =	vst v63  }
0xac: {  	_ = 	snop  }
0xad: {  	[tilespmem:s23], [sflag:$0x1] =	stream.indirect_vreg.gather [hbm4b:s5+s2], $0x80, v3, vm0, $0xb8;
	[tilespmem:$0x14500] =	vst v63  }
0xae: {  	v3 =	vld [tilespmem:s31+$0x40];
	_ =	sdelay $0x4  }
0xaf: {  	v63 =	vshll.u32 v3, $0x2  }
0xb0: {  	v3 =	vand.u32 $0x7, v3;
	v4 =	vand.u32 $0xFFFFFFE0, v63  }
0xb1: {  	v3 =	vor.u32 v3, v4  }
0xb2: {  	v4 =	vperm.xlane v3, v0;
	_ =	sdelay $0x1  }
0xb3: {  	v4 =	vadd.s32 v1, v4;
	_ =	sdelay $0x1  }
0xb4: {  	v3 =	vperm.xlane v3, v2;
	_ =	sdelay $0x1  }
0xb5: {  	v3 =	vadd.s32 v1, v3  }
0xb6: {  	[tilespmem:s24], [sflag:$0x1] =	stream.indirect_vreg.gather [hbm4b:s3+s2], $0x80, v4, vm0, $0xb8;
	[tilespmem:$0x14500] =	vst v63  }
0xb7: {  	_ = 	snop  }
0xb8: {  	[tilespmem:s25], [sflag:$0x1] =	stream.indirect_vreg.gather [hbm4b:s5+s2], $0x80, v4, vm0, $0xb8;
	[tilespmem:$0x14500] =	vst v63  }
0xb9: {  	_ = 	snop  }
0xba: {  	[tilespmem:s26], [sflag:$0x1] =	stream.indirect_vreg.gather [hbm4b:s3+s2], $0x80, v3, vm0, $0xb8;
	[tilespmem:$0x14500] =	vst v63  }
0xbb: {  	_ = 	snop  }
0xbc: {  	[tilespmem:s28], [sflag:$0x1] =	stream.indirect_vreg.gather [hbm4b:s5+s2], $0x80, v3, vm0, $0xb8;
	[tilespmem:$0x14500] =	vst v63  }
0xbd: {  	_ =	swait.ge [sflag:s29], $0xA000  }
0xbe: {  	[sflag:s29] =	ssyncset.done $0x0  }
0xbf: {  	[sflag:s29] =	ssyncadd.s32 $0xFFFF6000  }
0xc0: {  	_ =	swait.ge [sflag:s29], $0xA000  }
0xc1: {  	s4 =	rddreg [dreg:$0x2];
	[sflag:s29] =	ssyncset.done $0x0  }
0xc2: {  	[sflag:s29] =	ssyncadd.s32 $0xFFFF6000;
	s0 =	sadd.s32 s1, s4  }
0xc3: {  	[hbm4b:s0+s2] =	stream.linear.scatter [tilespmem:s8], [sflag:$0x2], $0xA000, $0x38;
	[tilespmem:$0x14500] =	vst v63  }
0xc4: {  	_ =	swait.ge [sflag:s7], $0xA000  }
0xc5: {  	p0 =	sne.s32 s1, $0x11800;
	[sflag:s7] =	ssyncset.done $0x0  }
.Ltmp0:
0xc6: {  	s0 =	sadd.s32 $0x1400, s0;
	[sflag:s7] =	ssyncadd.s32 $0xFFFF6000;
	(pc) =	sbr.rel @p0 .LBB2_2-.Ltmp0, $4  }
0xc7: {  	[hbm4b:s0+s2] =	stream.linear.scatter [tilespmem:s9], [sflag:$0x2], $0xA000, $0x38;
	[tilespmem:$0x14500] =	vst v63  }
0xc8: {  	_ =	swait.ge [sflag:s7], $0xA000  }
0xc9: {  	[sflag:s7] =	ssyncset.done $0x0  }
0xca: {  	s31 =	sadd.s32 $0xA0, s31;
	s1 =	sadd.s32 $0x2800, s1;
	[sflag:s7] =	ssyncadd.s32 $0xFFFF6000  }
0xcb: {  	s30 =	sadd.s32 $0x1, s30  }
0xcc: {  	p0 =	sne.s32 s30, s6  }
.Ltmp1:
0xcd: {  	_ = 	snop;
	(pc) =	sbr.rel @p0 .LBB2_1-.Ltmp1, $1  }
0xce: {  	_ =	sdelay $0x3  }
0xcf: {  	_ =	sfence.sel $0x180000  }
0xd0: {  	[bflag:$0x0] =	sbarrier.arrive $0xFFFF  }
0xd1: {  	_ =	strace $0x90000062  }
0xd2: {  	s0 =	stileid.u32;
	[bflag:$0x2] =	sbarrier.arrive $0xFFFF  }
0xd3: {  	p0 =	sne.s32 s0, $0x0;
	s0 =	rddreg [dreg:$0x1]  }
0xd4: {  	s0 =	sadd.s32 @!p0 $0x100000, s0  }
0xd5: {  	[sflag:s0] =	ssyncadd.tile.s32 @!p0 $0x1;
	_ =	shalt  }
.Lfunc_end2:
_tile_overlayer_lowered:
.L_overlay_start_2:
0xd6: {  	(tag) =	ssettag $0x2  }
0xd7: {  	s0 =	rddreg [dreg:$0x0];
	s2 =	stileid.u32  }
0xd8: {  	s1 =	rddreg [dreg:$0x1];
	p0 =	sne.s32 s2, $0x0  }
0xd9: {  	s3 =	rddreg [dreg:$0x2];
	[bflag:$0x3] =	sbarrier.arrive $0xFFFF;
	s2 =	simm.s32 @!p0 $0x1C02  }
0xda: {  	[timem:s3], [sflag:s2] =	dma.local @!p0 [hbm:s0], s1  }
0xdb: {  	s0 =	simm.s32 @!p0 $0x2  }
0xdc: {  	_ =	swait.ge @!p0 [sflag:s0], s1  }
0xdd: {  	s1 =	ssub.s32 @!p0 $0x0, s1;
	[sflag:s0] =	ssyncset.done @!p0 $0x0  }
0xde: {  	[sflag:s0] =	ssyncadd.s32 @!p0 s1  }
0xdf: {  	[bflag:$0x3] =	sbarrier.arrive $0xFFFF  }
0xe0: {  	_ =	shalt  }

</sc_bundles>
